<compile_context>
chip_gen: v7x
topology: tpu7x:2x2x1
jax: 0.10.2.dev20260603
libtpu: 0.0.44.dev20260713+nightly
codegen_flags: <defaults>
</compile_context>

<pallas_src>
import jax
import jax.numpy as jnp
from jax import lax
from jax.experimental import pallas as pl
from jax.experimental.pallas import tpu as pltpu
from jax.experimental.pallas import tpu_sc as plsc

_LAMADA = 0.0001
_FACTOR = 32
_BATCH = 16384
_NC = 2
_NS = 16
_NW = _NC * _NS
_BPW = _BATCH // _NW
_CHUNK = 4
_NCHUNK = _BPW // _CHUNK
_IPAD = _BPW + 16


def _wbpr_body(user_hbm, item_hbm, intent_hbm, wtu_hbm, wti_hbm, out_hbm,
               idx_u, idx_i, intent_v, win_u, win_i,
               part_v, red_v, out_v, shared, sem_a, sem_b, sem_c):
    cid = lax.axis_index("c")
    sid = lax.axis_index("s")
    wid = cid * _NS + sid

    pltpu.sync_copy(user_hbm.at[wid], idx_u.at[pl.ds(0, _BPW)])
    pltpu.sync_copy(item_hbm.at[wid], idx_i.at[pl.ds(0, _BPW)])
    pltpu.sync_copy(intent_hbm.at[wid], intent_v.at[pl.ds(0, _BPW)])

    zero = jnp.zeros((16,), jnp.float32)
    half_iota = lax.iota(jnp.int32, 16)

    def fire(c, p, sem):
        base = c * _CHUNK
        bu = idx_u[pl.ds(base, 16)] >> 7
        bi = idx_i[pl.ds(base, 16)] >> 7
        for j in range(_CHUNK):
            cu = pl.multiple_of(bu[j] << 7, 128)
            ci = pl.multiple_of(bi[j] << 7, 128)
            for b in range(4):
                pltpu.async_copy(
                    wtu_hbm.at[pl.ds(8 * b, 8), pl.ds(cu, 128)],
                    win_u.at[p, j, pl.ds(8 * b, 8)], sem)
                pltpu.async_copy(
                    wti_hbm.at[pl.ds(8 * b, 8), pl.ds(ci, 128)],
                    win_i.at[p, j, pl.ds(8 * b, 8)], sem)

    def drain(p, sem):
        for j in range(_CHUNK):
            pltpu.make_async_copy(
                wtu_hbm.at[:, pl.ds(0, 128)], win_u.at[p, j], sem).wait()
            pltpu.make_async_copy(
                wti_hbm.at[:, pl.ds(0, 128)], win_i.at[p, j], sem).wait()

    def process(c, p, carry):
        sse, squ, sqi = carry
        base = c * _CHUNK
        lu = idx_u[pl.ds(base, 16)] & 127
        li = idx_i[pl.ds(base, 16)] & 127
        tv = intent_v[pl.ds(base, 16)]
        pvec = jnp.full((16,), p, jnp.int32)
        for j in range(_CHUNK):
            ju = jnp.full((16,), lu[j], jnp.int32)
            ji = jnp.full((16,), li[j], jnp.int32)
            slot = jnp.full((16,), j, jnp.int32)
            u0 = plsc.load_gather(win_u, [pvec, slot, half_iota, ju])
            u1 = plsc.load_gather(win_u, [pvec, slot, 16 + half_iota, ju])
            i0 = plsc.load_gather(win_i, [pvec, slot, half_iota, ji])
            i1 = plsc.load_gather(win_i, [pvec, slot, 16 + half_iota, ji])
            squ = squ + u0 * u0 + u1 * u1
            sqi = sqi + i0 * i0 + i1 * i1
            pred = jnp.sum(u0 * i0 + u1 * i1)
            err = tv[j] - pred
            sse = sse + err * err
        return sse, squ, sqi

    sems = (sem_a, sem_b, sem_c)
    fire(0, 0, sems[0])
    fire(1, 1, sems[1])

    def step(c, carry):
        nxt = c + 2

        for k in range(3):
            @pl.when((nxt < _NCHUNK) & (nxt % 3 == k))
            def _(k=k):
                fire(nxt, k, sems[k])

        def on_parity(p_static):
            drain(p_static, sems[p_static])
            return process(c, p_static, carry)

        return lax.cond(
            c % 3 == 0,
            lambda: on_parity(0),
            lambda: lax.cond(
                c % 3 == 1,
                lambda: on_parity(1),
                lambda: on_parity(2)))

    sse_s, squ, sqi = lax.fori_loop(
        0, _NCHUNK, step, (jnp.float32(0.0), zero, zero))

    part_v[0] = jnp.full((16,), sse_s * 0.0625, jnp.float32)
    part_v[1] = squ
    part_v[2] = sqi
    for r in range(3, 16):
        part_v[r] = zero

    @pl.when(sid == 0)
    def _():
        pltpu.sync_copy(part_v, shared)

    plsc.subcore_barrier()

    @pl.when(sid != 0)
    def _():
        pltpu.sync_copy(part_v, shared.at[lax.iota(jnp.int32, 16)], add=True)

    plsc.subcore_barrier()

    @pl.when(sid == 0)
    def _():
        pltpu.sync_copy(shared, red_v)
        c_mse = jnp.float32(1.0 / _BATCH)
        c_l2 = jnp.float32(_LAMADA / (_BATCH * _FACTOR))
        vec = red_v[0] * c_mse + (red_v[1] + red_v[2]) * c_l2
        total = jnp.sum(vec)
        out_v[...] = jnp.full((16,), total, jnp.float32)
        pltpu.sync_copy(out_v, out_hbm.at[cid])


_wbpr_sc = pl.kernel(
    _wbpr_body,
    out_type=jax.ShapeDtypeStruct((_NC, 16), jnp.float32),
    mesh=plsc.VectorSubcoreMesh(core_axis_name="c", subcore_axis_name="s",
                                num_cores=_NC, num_subcores=_NS),
    compiler_params=pltpu.CompilerParams(needs_layout_passes=False),
    scratch_types=[
        pltpu.VMEM((_IPAD,), jnp.int32),
        pltpu.VMEM((_IPAD,), jnp.int32),
        pltpu.VMEM((_IPAD,), jnp.float32),
        pltpu.VMEM((3, _CHUNK, _FACTOR, 128), jnp.float32),
        pltpu.VMEM((3, _CHUNK, _FACTOR, 128), jnp.float32),
        pltpu.VMEM((16, 16), jnp.float32),
        pltpu.VMEM((16, 16), jnp.float32),
        pltpu.VMEM((16,), jnp.float32),
        pltpu.VMEM_SHARED((16, 16), jnp.float32),
        pltpu.SemaphoreType.DMA,
        pltpu.SemaphoreType.DMA,
        pltpu.SemaphoreType.DMA,
    ],
    name="wbpr_sc",
)


def kernel(user, item_i, item_j, intention, W_user, W_item):
    del item_j
    user_r = user.astype(jnp.int32).reshape(_NW, _BPW)
    item_r = item_i.astype(jnp.int32).reshape(_NW, _BPW)
    intent_r = intention.astype(jnp.float32).reshape(_NW, _BPW)
    out = _wbpr_sc(user_r, item_r, intent_r, W_user.T, W_item.T)
    return out[0, 0] + out[1, 0]

# --- scband reference (transcript-rebuilt; emitter-appended) ---
"""Pipeline reference for scband-wbpr-73237782331838 (READ-ONLY COPY).

The authoritative reference and input builder live on the scoring server;
editing this copy changes nothing except your own understanding.
"""

import jax, jax.numpy as jnp
import numpy as np

LAMADA = 0.0001
USER_NUM = 1000000
ITEM_NUM = 1000000
FACTOR = 32
BATCH = 16384


def setup_inputs(seed: int = 0) -> dict:
    key = jax.random.key(seed)
    k1, k2, k3, k4, k5, k6 = jax.random.split(key, 6)
    user = jax.random.randint(k1, (BATCH,), 0, USER_NUM, dtype=jnp.int64 if jax.config.jax_enable_x64 else jnp.int32)
    item_i = jax.random.randint(k2, (BATCH,), 0, ITEM_NUM, dtype=user.dtype)
    item_j = jax.random.randint(k3, (BATCH,), 0, ITEM_NUM, dtype=user.dtype)
    intention = jax.random.randint(k4, (BATCH,), 0, 2, dtype=user.dtype)
    W_user = jax.random.normal(k5, (USER_NUM, FACTOR), dtype=jnp.float32) * 0.01
    W_item = jax.random.normal(k6, (ITEM_NUM, FACTOR), dtype=jnp.float32) * 0.01
    return {"user": user, "item_i": item_i, "item_j": item_j, "intention": intention, "W_user": W_user, "W_item": W_item}


def reference(user, item_i, item_j, intention, W_user, W_item):
    u = jnp.take(W_user, user, axis=0)
    ii = jnp.take(W_item, item_i, axis=0)
    intention_f = intention.astype(jnp.float32)
    prediction_i = jnp.sum(u * ii, axis=-1)
    l2_regulization = LAMADA * jnp.mean(u ** 2) + LAMADA * jnp.mean(ii ** 2)
    loss2 = jnp.mean((intention_f - prediction_i) ** 2)
    loss = loss2 + l2_regulization
    return loss

if __name__ == "__main__":
    import jax
    _d = setup_inputs()
    print(jax.jit(kernel)(*tuple(_d.values())))

</pallas_src>

<mosaic_0001>
#map = affine_map<(d0, d1) -> (0, 0)>
module attributes {stable_mosaic.version = 14 : i64} {
  func.func @wbpr_sc(%arg0: i32, %arg1: i32, %arg2: memref<32x512xi32, #tpu.memory_space<hbm>>, %arg3: memref<32x512xi32, #tpu.memory_space<hbm>>, %arg4: memref<32x512xf32, #tpu.memory_space<hbm>>, %arg5: memref<32x1000000xf32, #tpu.memory_space<hbm>>, %arg6: memref<32x1000000xf32, #tpu.memory_space<hbm>>, %arg7: memref<2x16xf32, #tpu.memory_space<hbm>>, %arg8: memref<528xi32, #tpu.memory_space<vmem>>, %arg9: memref<528xi32, #tpu.memory_space<vmem>>, %arg10: memref<528xf32, #tpu.memory_space<vmem>>, %arg11: memref<3x4x32x128xf32, #tpu.memory_space<vmem>>, %arg12: memref<3x4x32x128xf32, #tpu.memory_space<vmem>>, %arg13: memref<16x16xf32, #tpu.memory_space<vmem>>, %arg14: memref<16x16xf32, #tpu.memory_space<vmem>>, %arg15: memref<16xf32, #tpu.memory_space<vmem>>, %arg16: memref<16x16xf32, #tpu.memory_space<vmem_shared>>, %arg17: memref<!tpu.dma_semaphore, #tpu.memory_space<semaphore_mem>>, %arg18: memref<!tpu.dma_semaphore, #tpu.memory_space<semaphore_mem>>, %arg19: memref<!tpu.dma_semaphore, #tpu.memory_space<semaphore_mem>>) attributes {dimension_semantics = [#tpu.dimension_semantics<core_parallel>, #tpu.dimension_semantics<subcore_parallel>], iteration_bounds = array<i64: 2, 16>, scalar_prefetch = 0 : i64, scratch_operands = 12 : i64, tpu.core_type = #tpu.core_type<sc_vector_subcore>, window_params = [{transform_indices = #map}, {transform_indices = #map}, {transform_indices = #map}, {transform_indices = #map}, {transform_indices = #map}, {transform_indices = #map}]} {
    %mul3A = arith.constant 16 : i32
    %mul3A_0 = arith.muli %arg0, %mul3A : i32
    %add3A = arith.addi %mul3A_0, %arg1 : i32
    "tpu.region"() ({
      %run_scoped3A = tpu.sem_alloc : memref<!tpu.dma_semaphore, #tpu.memory_space<semaphore_mem>>
      %dma_start3A_1075 = arith.constant 0 : i32
      %dma_start3A_1076 = tpu.memref_slice %arg8[%dma_start3A_1075] : memref<528xi32, #tpu.memory_space<vmem>> -> memref<512xi32, #tpu.memory_space<vmem>>
      %dma_start3A_1077 = arith.constant 0 : i32
      %dma_start3A_1078 = tpu.memref_slice %arg2[%add3A, %dma_start3A_1077] : memref<32x512xi32, #tpu.memory_space<hbm>> -> memref<1x512xi32, #tpu.memory_space<hbm>>
      %dma_start3A_1079 = tpu.memref_squeeze %dma_start3A_1078 : memref<1x512xi32, #tpu.memory_space<hbm>> -> memref<512xi32, #tpu.memory_space<hbm>>
      %dma_start3A_1080 = arith.constant 0 : i32
      %dma_start3A_1081 = tpu.memref_slice %arg8[%dma_start3A_1080] : memref<528xi32, #tpu.memory_space<vmem>> -> memref<512xi32, #tpu.memory_space<vmem>>
      %dma_start3A_1082 = arith.constant 0 : i32
      %dma_start3A_1083 = tpu.memref_slice %arg2[%add3A, %dma_start3A_1082] : memref<32x512xi32, #tpu.memory_space<hbm>> -> memref<1x512xi32, #tpu.memory_space<hbm>>
      %dma_start3A_1084 = tpu.memref_squeeze %dma_start3A_1083 : memref<1x512xi32, #tpu.memory_space<hbm>> -> memref<512xi32, #tpu.memory_space<hbm>>
      tpu.enqueue_dma source(%dma_start3A_1084 : memref<512xi32, #tpu.memory_space<hbm>>) target(%dma_start3A_1081 : memref<512xi32, #tpu.memory_space<vmem>>) target_semaphore(%run_scoped3A : memref<!tpu.dma_semaphore, #tpu.memory_space<semaphore_mem>>)
      %dma_wait3A = arith.constant 0 : i32
      %dma_wait3A_1085 = tpu.memref_slice %arg8[%dma_wait3A] : memref<528xi32, #tpu.memory_space<vmem>> -> memref<512xi32, #tpu.memory_space<vmem>>
      %dma_wait3A_1086 = arith.constant 0 : i32
      %dma_wait3A_1087 = tpu.memref_slice %arg2[%add3A, %dma_wait3A_1086] : memref<32x512xi32, #tpu.memory_space<hbm>> -> memref<1x512xi32, #tpu.memory_space<hbm>>
      %dma_wait3A_1088 = tpu.memref_squeeze %dma_wait3A_1087 : memref<1x512xi32, #tpu.memory_space<hbm>> -> memref<512xi32, #tpu.memory_space<hbm>>
      %dma_wait3A_1089 = arith.constant 0 : i32
      %dma_wait3A_1090 = tpu.memref_slice %arg8[%dma_wait3A_1089] : memref<528xi32, #tpu.memory_space<vmem>> -> memref<512xi32, #tpu.memory_space<vmem>>
      %dma_wait3A_1091 = arith.constant 0 : i32
      %dma_wait3A_1092 = tpu.memref_slice %arg2[%add3A, %dma_wait3A_1091] : memref<32x512xi32, #tpu.memory_space<hbm>> -> memref<1x512xi32, #tpu.memory_space<hbm>>
      %dma_wait3A_1093 = tpu.memref_squeeze %dma_wait3A_1092 : memref<1x512xi32, #tpu.memory_space<hbm>> -> memref<512xi32, #tpu.memory_space<hbm>>
      tpu.wait_dma2 semaphore(%run_scoped3A : memref<!tpu.dma_semaphore, #tpu.memory_space<semaphore_mem>>) src(%dma_wait3A_1093 : memref<512xi32, #tpu.memory_space<hbm>>) dst(%dma_wait3A_1090 : memref<512xi32, #tpu.memory_space<vmem>>)
      tpu.yield
    }) : () -> ()
    "tpu.region"() ({
      %run_scoped3A = tpu.sem_alloc : memref<!tpu.dma_semaphore, #tpu.memory_space<semaphore_mem>>
      %dma_start3A_1075 = arith.constant 0 : i32
      %dma_start3A_1076 = tpu.memref_slice %arg9[%dma_start3A_1075] : memref<528xi32, #tpu.memory_space<vmem>> -> memref<512xi32, #tpu.memory_space<vmem>>
      %dma_start3A_1077 = arith.constant 0 : i32
      %dma_start3A_1078 = tpu.memref_slice %arg3[%add3A, %dma_start3A_1077] : memref<32x512xi32, #tpu.memory_space<hbm>> -> memref<1x512xi32, #tpu.memory_space<hbm>>
      %dma_start3A_1079 = tpu.memref_squeeze %dma_start3A_1078 : memref<1x512xi32, #tpu.memory_space<hbm>> -> memref<512xi32, #tpu.memory_space<hbm>>
      %dma_start3A_1080 = arith.constant 0 : i32
      %dma_start3A_1081 = tpu.memref_slice %arg9[%dma_start3A_1080] : memref<528xi32, #tpu.memory_space<vmem>> -> memref<512xi32, #tpu.memory_space<vmem>>
      %dma_start3A_1082 = arith.constant 0 : i32
      %dma_start3A_1083 = tpu.memref_slice %arg3[%add3A, %dma_start3A_1082] : memref<32x512xi32, #tpu.memory_space<hbm>> -> memref<1x512xi32, #tpu.memory_space<hbm>>
      %dma_start3A_1084 = tpu.memref_squeeze %dma_start3A_1083 : memref<1x512xi32, #tpu.memory_space<hbm>> -> memref<512xi32, #tpu.memory_space<hbm>>
      tpu.enqueue_dma source(%dma_start3A_1084 : memref<512xi32, #tpu.memory_space<hbm>>) target(%dma_start3A_1081 : memref<512xi32, #tpu.memory_space<vmem>>) target_semaphore(%run_scoped3A : memref<!tpu.dma_semaphore, #tpu.memory_space<semaphore_mem>>)
      %dma_wait3A = arith.constant 0 : i32
      %dma_wait3A_1085 = tpu.memref_slice %arg9[%dma_wait3A] : memref<528xi32, #tpu.memory_space<vmem>> -> memref<512xi32, #tpu.memory_space<vmem>>
      %dma_wait3A_1086 = arith.constant 0 : i32
      %dma_wait3A_1087 = tpu.memref_slice %arg3[%add3A, %dma_wait3A_1086] : memref<32x512xi32, #tpu.memory_space<hbm>> -> memref<1x512xi32, #tpu.memory_space<hbm>>
      %dma_wait3A_1088 = tpu.memref_squeeze %dma_wait3A_1087 : memref<1x512xi32, #tpu.memory_space<hbm>> -> memref<512xi32, #tpu.memory_space<hbm>>
      %dma_wait3A_1089 = arith.constant 0 : i32
      %dma_wait3A_1090 = tpu.memref_slice %arg9[%dma_wait3A_1089] : memref<528xi32, #tpu.memory_space<vmem>> -> memref<512xi32, #tpu.memory_space<vmem>>
      %dma_wait3A_1091 = arith.constant 0 : i32
      %dma_wait3A_1092 = tpu.memref_slice %arg3[%add3A, %dma_wait3A_1091] : memref<32x512xi32, #tpu.memory_space<hbm>> -> memref<1x512xi32, #tpu.memory_space<hbm>>
      %dma_wait3A_1093 = tpu.memref_squeeze %dma_wait3A_1092 : memref<1x512xi32, #tpu.memory_space<hbm>> -> memref<512xi32, #tpu.memory_space<hbm>>
      tpu.wait_dma2 semaphore(%run_scoped3A : memref<!tpu.dma_semaphore, #tpu.memory_space<semaphore_mem>>) src(%dma_wait3A_1093 : memref<512xi32, #tpu.memory_space<hbm>>) dst(%dma_wait3A_1090 : memref<512xi32, #tpu.memory_space<vmem>>)
      tpu.yield
    }) : () -> ()
    "tpu.region"() ({
      %run_scoped3A = tpu.sem_alloc : memref<!tpu.dma_semaphore, #tpu.memory_space<semaphore_mem>>
      %dma_start3A_1075 = arith.constant 0 : i32
      %dma_start3A_1076 = tpu.memref_slice %arg10[%dma_start3A_1075] : memref<528xf32, #tpu.memory_space<vmem>> -> memref<512xf32, #tpu.memory_space<vmem>>
      %dma_start3A_1077 = arith.constant 0 : i32
      %dma_start3A_1078 = tpu.memref_slice %arg4[%add3A, %dma_start3A_1077] : memref<32x512xf32, #tpu.memory_space<hbm>> -> memref<1x512xf32, #tpu.memory_space<hbm>>
      %dma_start3A_1079 = tpu.memref_squeeze %dma_start3A_1078 : memref<1x512xf32, #tpu.memory_space<hbm>> -> memref<512xf32, #tpu.memory_space<hbm>>
      %dma_start3A_1080 = arith.constant 0 : i32
      %dma_start3A_1081 = tpu.memref_slice %arg10[%dma_start3A_1080] : memref<528xf32, #tpu.memory_space<vmem>> -> memref<512xf32, #tpu.memory_space<vmem>>
      %dma_start3A_1082 = arith.constant 0 : i32
      %dma_start3A_1083 = tpu.memref_slice %arg4[%add3A, %dma_start3A_1082] : memref<32x512xf32, #tpu.memory_space<hbm>> -> memref<1x512xf32, #tpu.memory_space<hbm>>
      %dma_start3A_1084 = tpu.memref_squeeze %dma_start3A_1083 : memref<1x512xf32, #tpu.memory_space<hbm>> -> memref<512xf32, #tpu.memory_space<hbm>>
      tpu.enqueue_dma source(%dma_start3A_1084 : memref<512xf32, #tpu.memory_space<hbm>>) target(%dma_start3A_1081 : memref<512xf32, #tpu.memory_space<vmem>>) target_semaphore(%run_scoped3A : memref<!tpu.dma_semaphore, #tpu.memory_space<semaphore_mem>>)
      %dma_wait3A = arith.constant 0 : i32
      %dma_wait3A_1085 = tpu.memref_slice %arg10[%dma_wait3A] : memref<528xf32, #tpu.memory_space<vmem>> -> memref<512xf32, #tpu.memory_space<vmem>>
      %dma_wait3A_1086 = arith.constant 0 : i32
      %dma_wait3A_1087 = tpu.memref_slice %arg4[%add3A, %dma_wait3A_1086] : memref<32x512xf32, #tpu.memory_space<hbm>> -> memref<1x512xf32, #tpu.memory_space<hbm>>
      %dma_wait3A_1088 = tpu.memref_squeeze %dma_wait3A_1087 : memref<1x512xf32, #tpu.memory_space<hbm>> -> memref<512xf32, #tpu.memory_space<hbm>>
      %dma_wait3A_1089 = arith.constant 0 : i32
      %dma_wait3A_1090 = tpu.memref_slice %arg10[%dma_wait3A_1089] : memref<528xf32, #tpu.memory_space<vmem>> -> memref<512xf32, #tpu.memory_space<vmem>>
      %dma_wait3A_1091 = arith.constant 0 : i32
      %dma_wait3A_1092 = tpu.memref_slice %arg4[%add3A, %dma_wait3A_1091] : memref<32x512xf32, #tpu.memory_space<hbm>> -> memref<1x512xf32, #tpu.memory_space<hbm>>
      %dma_wait3A_1093 = tpu.memref_squeeze %dma_wait3A_1092 : memref<1x512xf32, #tpu.memory_space<hbm>> -> memref<512xf32, #tpu.memory_space<hbm>>
      tpu.wait_dma2 semaphore(%run_scoped3A : memref<!tpu.dma_semaphore, #tpu.memory_space<semaphore_mem>>) src(%dma_wait3A_1093 : memref<512xf32, #tpu.memory_space<hbm>>) dst(%dma_wait3A_1090 : memref<512xf32, #tpu.memory_space<vmem>>)
      tpu.yield
    }) : () -> ()
    %broadcast_in_dim3A = arith.constant 0.000000e+00 : f32
    %broadcast_in_dim3A_1 = vector.broadcast %broadcast_in_dim3A : f32 to vector<16xf32>
    %iota3A = tpu.iota {dimensions = array<i32: 0>} : vector<16xi32>
    %get3A = arith.constant 0 : index
    %get3A_2 = tpu.vector_load %arg8[%get3A] {strides = array<i32>} : memref<528xi32, #tpu.memory_space<vmem>>, vector<16xi32>,
    %shift_right_arithmetic3A = arith.constant 7 : i32
    %shift_right_arithmetic3A_3 = vector.broadcast %shift_right_arithmetic3A : i32 to vector<16xi32>
    %shift_right_arithmetic3A_4 = arith.shrsi %get3A_2, %shift_right_arithmetic3A_3 : vector<16xi32>
    %get3A_5 = arith.constant 0 : index
    %get3A_6 = tpu.vector_load %arg9[%get3A_5] {strides = array<i32>} : memref<528xi32, #tpu.memory_space<vmem>>, vector<16xi32>,
    %shift_right_arithmetic3A_7 = arith.constant 7 : i32
    %shift_right_arithmetic3A_8 = vector.broadcast %shift_right_arithmetic3A_7 : i32 to vector<16xi32>
    %shift_right_arithmetic3A_9 = arith.shrsi %get3A_6, %shift_right_arithmetic3A_8 : vector<16xi32>
    %slice3A = vector.extract_strided_slice %shift_right_arithmetic3A_4 {offsets = [0], sizes = [1], strides = [1]} : vector<16xi32> to vector<1xi32>
    %squeeze3A = vector.extract %slice3A[0] : i32 from vector<1xi32>
    %shift_left3A = arith.constant 7 : i32
    %shift_left3A_10 = arith.shli %squeeze3A, %shift_left3A : i32
    %multiple_of3A = tpu.assume_multiple %shift_left3A_10, 128 : i32
    %slice3A_11 = vector.extract_strided_slice %shift_right_arithmetic3A_9 {offsets = [0], sizes = [1], strides = [1]} : vector<16xi32> to vector<1xi32>
    %squeeze3A_12 = vector.extract %slice3A_11[0] : i32 from vector<1xi32>
    %shift_left3A_13 = arith.constant 7 : i32
    %shift_left3A_14 = arith.shli %squeeze3A_12, %shift_left3A_13 : i32
    %multiple_of3A_15 = tpu.assume_multiple %shift_left3A_14, 128 : i32
    %dma_start3A = arith.constant 0 : i32
    %dma_start3A_16 = arith.constant 0 : i32
    %dma_start3A_17 = arith.constant 0 : i32
    %dma_start3A_18 = arith.constant 0 : i32
    %dma_start3A_19 = tpu.memref_slice %arg11[%dma_start3A, %dma_start3A_16, %dma_start3A_17, %dma_start3A_18] : memref<3x4x32x128xf32, #tpu.memory_space<vmem>> -> memref<1x1x8x128xf32, #tpu.memory_space<vmem>>
    %dma_start3A_20 = tpu.memref_squeeze %dma_start3A_19 : memref<1x1x8x128xf32, #tpu.memory_space<vmem>> -> memref<8x128xf32, #tpu.memory_space<vmem>>
    %dma_start3A_21 = arith.constant 0 : i32
    %dma_start3A_22 = tpu.memref_slice %arg5[%dma_start3A_21, %multiple_of3A] : memref<32x1000000xf32, #tpu.memory_space<hbm>> -> memref<8x128xf32, #tpu.memory_space<hbm>>
    %dma_start3A_23 = arith.constant 0 : i32
    %dma_start3A_24 = arith.constant 0 : i32
    %dma_start3A_25 = tpu.memref_slice %arg11[%dma_start3A, %dma_start3A_16, %dma_start3A_23, %dma_start3A_24] : memref<3x4x32x128xf32, #tpu.memory_space<vmem>> -> memref<1x1x8x128xf32, #tpu.memory_space<vmem>>
    %dma_start3A_26 = tpu.memref_squeeze %dma_start3A_25 : memref<1x1x8x128xf32, #tpu.memory_space<vmem>> -> memref<8x128xf32, #tpu.memory_space<vmem>>
    %dma_start3A_27 = arith.constant 0 : i32
    %dma_start3A_28 = tpu.memref_slice %arg5[%dma_start3A_27, %multiple_of3A] : memref<32x1000000xf32, #tpu.memory_space<hbm>> -> memref<8x128xf32, #tpu.memory_space<hbm>>
    tpu.enqueue_dma source(%dma_start3A_28 : memref<8x128xf32, #tpu.memory_space<hbm>>) target(%dma_start3A_26 : memref<8x128xf32, #tpu.memory_space<vmem>>) target_semaphore(%arg17 : memref<!tpu.dma_semaphore, #tpu.memory_space<semaphore_mem>>)
    %dma_start3A_29 = arith.constant 0 : i32
    %dma_start3A_30 = arith.constant 0 : i32
    %dma_start3A_31 = arith.constant 0 : i32
    %dma_start3A_32 = arith.constant 0 : i32
    %dma_start3A_33 = tpu.memref_slice %arg12[%dma_start3A_29, %dma_start3A_30, %dma_start3A_31, %dma_start3A_32] : memref<3x4x32x128xf32, #tpu.memory_space<vmem>> -> memref<1x1x8x128xf32, #tpu.memory_space<vmem>>
    %dma_start3A_34 = tpu.memref_squeeze %dma_start3A_33 : memref<1x1x8x128xf32, #tpu.memory_space<vmem>> -> memref<8x128xf32, #tpu.memory_space<vmem>>
    %dma_start3A_35 = arith.constant 0 : i32
    %dma_start3A_36 = tpu.memref_slice %arg6[%dma_start3A_35, %multiple_of3A_15] : memref<32x1000000xf32, #tpu.memory_space<hbm>> -> memref<8x128xf32, #tpu.memory_space<hbm>>
    %dma_start3A_37 = arith.constant 0 : i32
    %dma_start3A_38 = arith.constant 0 : i32
    %dma_start3A_39 = tpu.memref_slice %arg12[%dma_start3A_29, %dma_start3A_30, %dma_start3A_37, %dma_start3A_38] : memref<3x4x32x128xf32, #tpu.memory_space<vmem>> -> memref<1x1x8x128xf32, #tpu.memory_space<vmem>>
    %dma_start3A_40 = tpu.memref_squeeze %dma_start3A_39 : memref<1x1x8x128xf32, #tpu.memory_space<vmem>> -> memref<8x128xf32, #tpu.memory_space<vmem>>
    %dma_start3A_41 = arith.constant 0 : i32
    %dma_start3A_42 = tpu.memref_slice %arg6[%dma_start3A_41, %multiple_of3A_15] : memref<32x1000000xf32, #tpu.memory_space<hbm>> -> memref<8x128xf32, #tpu.memory_space<hbm>>
    tpu.enqueue_dma source(%dma_start3A_42 : memref<8x128xf32, #tpu.memory_space<hbm>>) target(%dma_start3A_40 : memref<8x128xf32, #tpu.memory_space<vmem>>) target_semaphore(%arg17 : memref<!tpu.dma_semaphore, #tpu.memory_space<semaphore_mem>>)
    %dma_start3A_43 = arith.constant 0 : i32
    %dma_start3A_44 = arith.constant 0 : i32
    %dma_start3A_45 = arith.constant 8 : i32
    %dma_start3A_46 = arith.constant 0 : i32
    %dma_start3A_47 = tpu.memref_slice %arg11[%dma_start3A_43, %dma_start3A_44, %dma_start3A_45, %dma_start3A_46] : memref<3x4x32x128xf32, #tpu.memory_space<vmem>> -> memref<1x1x8x128xf32, #tpu.memory_space<vmem>>
    %dma_start3A_48 = tpu.memref_squeeze %dma_start3A_47 : memref<1x1x8x128xf32, #tpu.memory_space<vmem>> -> memref<8x128xf32, #tpu.memory_space<vmem>>
    %dma_start3A_49 = arith.constant 8 : i32
    %dma_start3A_50 = tpu.memref_slice %arg5[%dma_start3A_49, %multiple_of3A] : memref<32x1000000xf32, #tpu.memory_space<hbm>> -> memref<8x128xf32, #tpu.memory_space<hbm>>
    %dma_start3A_51 = arith.constant 8 : i32
    %dma_start3A_52 = arith.constant 0 : i32
    %dma_start3A_53 = tpu.memref_slice %arg11[%dma_start3A_43, %dma_start3A_44, %dma_start3A_51, %dma_start3A_52] : memref<3x4x32x128xf32, #tpu.memory_space<vmem>> -> memref<1x1x8x128xf32, #tpu.memory_space<vmem>>
    %dma_start3A_54 = tpu.memref_squeeze %dma_start3A_53 : memref<1x1x8x128xf32, #tpu.memory_space<vmem>> -> memref<8x128xf32, #tpu.memory_space<vmem>>
    %dma_start3A_55 = arith.constant 8 : i32
    %dma_start3A_56 = tpu.memref_slice %arg5[%dma_start3A_55, %multiple_of3A] : memref<32x1000000xf32, #tpu.memory_space<hbm>> -> memref<8x128xf32, #tpu.memory_space<hbm>>
    tpu.enqueue_dma source(%dma_start3A_56 : memref<8x128xf32, #tpu.memory_space<hbm>>) target(%dma_start3A_54 : memref<8x128xf32, #tpu.memory_space<vmem>>) target_semaphore(%arg17 : memref<!tpu.dma_semaphore, #tpu.memory_space<semaphore_mem>>)
    %dma_start3A_57 = arith.constant 0 : i32
    %dma_start3A_58 = arith.constant 0 : i32
    %dma_start3A_59 = arith.constant 8 : i32
    %dma_start3A_60 = arith.constant 0 : i32
    %dma_start3A_61 = tpu.memref_slice %arg12[%dma_start3A_57, %dma_start3A_58, %dma_start3A_59, %dma_start3A_60] : memref<3x4x32x128xf32, #tpu.memory_space<vmem>> -> memref<1x1x8x128xf32, #tpu.memory_space<vmem>>
    %dma_start3A_62 = tpu.memref_squeeze %dma_start3A_61 : memref<1x1x8x128xf32, #tpu.memory_space<vmem>> -> memref<8x128xf32, #tpu.memory_space<vmem>>
    %dma_start3A_63 = arith.constant 8 : i32
    %dma_start3A_64 = tpu.memref_slice %arg6[%dma_start3A_63, %multiple_of3A_15] : memref<32x1000000xf32, #tpu.memory_space<hbm>> -> memref<8x128xf32, #tpu.memory_space<hbm>>
    %dma_start3A_65 = arith.constant 8 : i32
    %dma_start3A_66 = arith.constant 0 : i32
    %dma_start3A_67 = tpu.memref_slice %arg12[%dma_start3A_57, %dma_start3A_58, %dma_start3A_65, %dma_start3A_66] : memref<3x4x32x128xf32, #tpu.memory_space<vmem>> -> memref<1x1x8x128xf32, #tpu.memory_space<vmem>>
    %dma_start3A_68 = tpu.memref_squeeze %dma_start3A_67 : memref<1x1x8x128xf32, #tpu.memory_space<vmem>> -> memref<8x128xf32, #tpu.memory_space<vmem>>
    %dma_start3A_69 = arith.constant 8 : i32
    %dma_start3A_70 = tpu.memref_slice %arg6[%dma_start3A_69, %multiple_of3A_15] : memref<32x1000000xf32, #tpu.memory_space<hbm>> -> memref<8x128xf32, #tpu.memory_space<hbm>>
    tpu.enqueue_dma source(%dma_start3A_70 : memref<8x128xf32, #tpu.memory_space<hbm>>) target(%dma_start3A_68 : memref<8x128xf32, #tpu.memory_space<vmem>>) target_semaphore(%arg17 : memref<!tpu.dma_semaphore, #tpu.memory_space<semaphore_mem>>)
    %dma_start3A_71 = arith.constant 0 : i32
    %dma_start3A_72 = arith.constant 0 : i32
    %dma_start3A_73 = arith.constant 16 : i32
    %dma_start3A_74 = arith.constant 0 : i32
    %dma_start3A_75 = tpu.memref_slice %arg11[%dma_start3A_71, %dma_start3A_72, %dma_start3A_73, %dma_start3A_74] : memref<3x4x32x128xf32, #tpu.memory_space<vmem>> -> memref<1x1x8x128xf32, #tpu.memory_space<vmem>>
    %dma_start3A_76 = tpu.memref_squeeze %dma_start3A_75 : memref<1x1x8x128xf32, #tpu.memory_space<vmem>> -> memref<8x128xf32, #tpu.memory_space<vmem>>
    %dma_start3A_77 = arith.constant 16 : i32
    %dma_start3A_78 = tpu.memref_slice %arg5[%dma_start3A_77, %multiple_of3A] : memref<32x1000000xf32, #tpu.memory_space<hbm>> -> memref<8x128xf32, #tpu.memory_space<hbm>>
    %dma_start3A_79 = arith.constant 16 : i32
    %dma_start3A_80 = arith.constant 0 : i32
    %dma_start3A_81 = tpu.memref_slice %arg11[%dma_start3A_71, %dma_start3A_72, %dma_start3A_79, %dma_start3A_80] : memref<3x4x32x128xf32, #tpu.memory_space<vmem>> -> memref<1x1x8x128xf32, #tpu.memory_space<vmem>>
    %dma_start3A_82 = tpu.memref_squeeze %dma_start3A_81 : memref<1x1x8x128xf32, #tpu.memory_space<vmem>> -> memref<8x128xf32, #tpu.memory_space<vmem>>
    %dma_start3A_83 = arith.constant 16 : i32
    %dma_start3A_84 = tpu.memref_slice %arg5[%dma_start3A_83, %multiple_of3A] : memref<32x1000000xf32, #tpu.memory_space<hbm>> -> memref<8x128xf32, #tpu.memory_space<hbm>>
    tpu.enqueue_dma source(%dma_start3A_84 : memref<8x128xf32, #tpu.memory_space<hbm>>) target(%dma_start3A_82 : memref<8x128xf32, #tpu.memory_space<vmem>>) target_semaphore(%arg17 : memref<!tpu.dma_semaphore, #tpu.memory_space<semaphore_mem>>)
    %dma_start3A_85 = arith.constant 0 : i32
    %dma_start3A_86 = arith.constant 0 : i32
    %dma_start3A_87 = arith.constant 16 : i32
    %dma_start3A_88 = arith.constant 0 : i32
    %dma_start3A_89 = tpu.memref_slice %arg12[%dma_start3A_85, %dma_start3A_86, %dma_start3A_87, %dma_start3A_88] : memref<3x4x32x128xf32, #tpu.memory_space<vmem>> -> memref<1x1x8x128xf32, #tpu.memory_space<vmem>>
    %dma_start3A_90 = tpu.memref_squeeze %dma_start3A_89 : memref<1x1x8x128xf32, #tpu.memory_space<vmem>> -> memref<8x128xf32, #tpu.memory_space<vmem>>
    %dma_start3A_91 = arith.constant 16 : i32
    %dma_start3A_92 = tpu.memref_slice %arg6[%dma_start3A_91, %multiple_of3A_15] : memref<32x1000000xf32, #tpu.memory_space<hbm>> -> memref<8x128xf32, #tpu.memory_space<hbm>>
    %dma_start3A_93 = arith.constant 16 : i32
    %dma_start3A_94 = arith.constant 0 : i32
    %dma_start3A_95 = tpu.memref_slice %arg12[%dma_start3A_85, %dma_start3A_86, %dma_start3A_93, %dma_start3A_94] : memref<3x4x32x128xf32, #tpu.memory_space<vmem>> -> memref<1x1x8x128xf32, #tpu.memory_space<vmem>>
    %dma_start3A_96 = tpu.memref_squeeze %dma_start3A_95 : memref<1x1x8x128xf32, #tpu.memory_space<vmem>> -> memref<8x128xf32, #tpu.memory_space<vmem>>
    %dma_start3A_97 = arith.constant 16 : i32
    %dma_start3A_98 = tpu.memref_slice %arg6[%dma_start3A_97, %multiple_of3A_15] : memref<32x1000000xf32, #tpu.memory_space<hbm>> -> memref<8x128xf32, #tpu.memory_space<hbm>>
    tpu.enqueue_dma source(%dma_start3A_98 : memref<8x128xf32, #tpu.memory_space<hbm>>) target(%dma_start3A_96 : memref<8x128xf32, #tpu.memory_space<vmem>>) target_semaphore(%arg17 : memref<!tpu.dma_semaphore, #tpu.memory_space<semaphore_mem>>)
    %dma_start3A_99 = arith.constant 0 : i32
    %dma_start3A_100 = arith.constant 0 : i32
    %dma_start3A_101 = arith.constant 24 : i32
    %dma_start3A_102 = arith.constant 0 : i32
    %dma_start3A_103 = tpu.memref_slice %arg11[%dma_start3A_99, %dma_start3A_100, %dma_start3A_101, %dma_start3A_102] : memref<3x4x32x128xf32, #tpu.memory_space<vmem>> -> memref<1x1x8x128xf32, #tpu.memory_space<vmem>>
    %dma_start3A_104 = tpu.memref_squeeze %dma_start3A_103 : memref<1x1x8x128xf32, #tpu.memory_space<vmem>> -> memref<8x128xf32, #tpu.memory_space<vmem>>
    %dma_start3A_105 = arith.constant 24 : i32
    %dma_start3A_106 = tpu.memref_slice %arg5[%dma_start3A_105, %multiple_of3A] : memref<32x1000000xf32, #tpu.memory_space<hbm>> -> memref<8x128xf32, #tpu.memory_space<hbm>>
    %dma_start3A_107 = arith.constant 24 : i32
    %dma_start3A_108 = arith.constant 0 : i32
    %dma_start3A_109 = tpu.memref_slice %arg11[%dma_start3A_99, %dma_start3A_100, %dma_start3A_107, %dma_start3A_108] : memref<3x4x32x128xf32, #tpu.memory_space<vmem>> -> memref<1x1x8x128xf32, #tpu.memory_space<vmem>>
    %dma_start3A_110 = tpu.memref_squeeze %dma_start3A_109 : memref<1x1x8x128xf32, #tpu.memory_space<vmem>> -> memref<8x128xf32, #tpu.memory_space<vmem>>
    %dma_start3A_111 = arith.constant 24 : i32
    %dma_start3A_112 = tpu.memref_slice %arg5[%dma_start3A_111, %multiple_of3A] : memref<32x1000000xf32, #tpu.memory_space<hbm>> -> memref<8x128xf32, #tpu.memory_space<hbm>>
    tpu.enqueue_dma source(%dma_start3A_112 : memref<8x128xf32, #tpu.memory_space<hbm>>) target(%dma_start3A_110 : memref<8x128xf32, #tpu.memory_space<vmem>>) target_semaphore(%arg17 : memref<!tpu.dma_semaphore, #tpu.memory_space<semaphore_mem>>)
    %dma_start3A_113 = arith.constant 0 : i32
    %dma_start3A_114 = arith.constant 0 : i32
    %dma_start3A_115 = arith.constant 24 : i32
    %dma_start3A_116 = arith.constant 0 : i32
    %dma_start3A_117 = tpu.memref_slice %arg12[%dma_start3A_113, %dma_start3A_114, %dma_start3A_115, %dma_start3A_116] : memref<3x4x32x128xf32, #tpu.memory_space<vmem>> -> memref<1x1x8x128xf32, #tpu.memory_space<vmem>>
    %dma_start3A_118 = tpu.memref_squeeze %dma_start3A_117 : memref<1x1x8x128xf32, #tpu.memory_space<vmem>> -> memref<8x128xf32, #tpu.memory_space<vmem>>
    %dma_start3A_119 = arith.constant 24 : i32
    %dma_start3A_120 = tpu.memref_slice %arg6[%dma_start3A_119, %multiple_of3A_15] : memref<32x1000000xf32, #tpu.memory_space<hbm>> -> memref<8x128xf32, #tpu.memory_space<hbm>>
    %dma_start3A_121 = arith.constant 24 : i32
    %dma_start3A_122 = arith.constant 0 : i32
    %dma_start3A_123 = tpu.memref_slice %arg12[%dma_start3A_113, %dma_start3A_114, %dma_start3A_121, %dma_start3A_122] : memref<3x4x32x128xf32, #tpu.memory_space<vmem>> -> memref<1x1x8x128xf32, #tpu.memory_space<vmem>>
    %dma_start3A_124 = tpu.memref_squeeze %dma_start3A_123 : memref<1x1x8x128xf32, #tpu.memory_space<vmem>> -> memref<8x128xf32, #tpu.memory_space<vmem>>
    %dma_start3A_125 = arith.constant 24 : i32
    %dma_start3A_126 = tpu.memref_slice %arg6[%dma_start3A_125, %multiple_of3A_15] : memref<32x1000000xf32, #tpu.memory_space<hbm>> -> memref<8x128xf32, #tpu.memory_space<hbm>>
    tpu.enqueue_dma source(%dma_start3A_126 : memref<8x128xf32, #tpu.memory_space<hbm>>) target(%dma_start3A_124 : memref<8x128xf32, #tpu.memory_space<vmem>>) target_semaphore(%arg17 : memref<!tpu.dma_semaphore, #tpu.memory_space<semaphore_mem>>)
    %slice3A_127 = vector.extract_strided_slice %shift_right_arithmetic3A_4 {offsets = [1], sizes = [1], strides = [1]} : vector<16xi32> to vector<1xi32>
    %squeeze3A_128 = vector.extract %slice3A_127[0] : i32 from vector<1xi32>
    %shift_left3A_129 = arith.constant 7 : i32
    %shift_left3A_130 = arith.shli %squeeze3A_128, %shift_left3A_129 : i32
    %multiple_of3A_131 = tpu.assume_multiple %shift_left3A_130, 128 : i32
    %slice3A_132 = vector.extract_strided_slice %shift_right_arithmetic3A_9 {offsets = [1], sizes = [1], strides = [1]} : vector<16xi32> to vector<1xi32>
    %squeeze3A_133 = vector.extract %slice3A_132[0] : i32 from vector<1xi32>
    %shift_left3A_134 = arith.constant 7 : i32
    %shift_left3A_135 = arith.shli %squeeze3A_133, %shift_left3A_134 : i32
    %multiple_of3A_136 = tpu.assume_multiple %shift_left3A_135, 128 : i32
    %dma_start3A_137 = arith.constant 0 : i32
    %dma_start3A_138 = arith.constant 1 : i32
    %dma_start3A_139 = arith.constant 0 : i32
    %dma_start3A_140 = arith.constant 0 : i32
    %dma_start3A_141 = tpu.memref_slice %arg11[%dma_start3A_137, %dma_start3A_138, %dma_start3A_139, %dma_start3A_140] : memref<3x4x32x128xf32, #tpu.memory_space<vmem>> -> memref<1x1x8x128xf32, #tpu.memory_space<vmem>>
    %dma_start3A_142 = tpu.memref_squeeze %dma_start3A_141 : memref<1x1x8x128xf32, #tpu.memory_space<vmem>> -> memref<8x128xf32, #tpu.memory_space<vmem>>
    %dma_start3A_143 = arith.constant 0 : i32
    %dma_start3A_144 = tpu.memref_slice %arg5[%dma_start3A_143, %multiple_of3A_131] : memref<32x1000000xf32, #tpu.memory_space<hbm>> -> memref<8x128xf32, #tpu.memory_space<hbm>>
    %dma_start3A_145 = arith.constant 0 : i32
    %dma_start3A_146 = arith.constant 0 : i32
    %dma_start3A_147 = tpu.memref_slice %arg11[%dma_start3A_137, %dma_start3A_138, %dma_start3A_145, %dma_start3A_146] : memref<3x4x32x128xf32, #tpu.memory_space<vmem>> -> memref<1x1x8x128xf32, #tpu.memory_space<vmem>>
    %dma_start3A_148 = tpu.memref_squeeze %dma_start3A_147 : memref<1x1x8x128xf32, #tpu.memory_space<vmem>> -> memref<8x128xf32, #tpu.memory_space<vmem>>
    %dma_start3A_149 = arith.constant 0 : i32
    %dma_start3A_150 = tpu.memref_slice %arg5[%dma_start3A_149, %multiple_of3A_131] : memref<32x1000000xf32, #tpu.memory_space<hbm>> -> memref<8x128xf32, #tpu.memory_space<hbm>>
    tpu.enqueue_dma source(%dma_start3A_150 : memref<8x128xf32, #tpu.memory_space<hbm>>) target(%dma_start3A_148 : memref<8x128xf32, #tpu.memory_space<vmem>>) target_semaphore(%arg17 : memref<!tpu.dma_semaphore, #tpu.memory_space<semaphore_mem>>)
    %dma_start3A_151 = arith.constant 0 : i32
    %dma_start3A_152 = arith.constant 1 : i32
    %dma_start3A_153 = arith.constant 0 : i32
    %dma_start3A_154 = arith.constant 0 : i32
    %dma_start3A_155 = tpu.memref_slice %arg12[%dma_start3A_151, %dma_start3A_152, %dma_start3A_153, %dma_start3A_154] : memref<3x4x32x128xf32, #tpu.memory_space<vmem>> -> memref<1x1x8x128xf32, #tpu.memory_space<vmem>>
    %dma_start3A_156 = tpu.memref_squeeze %dma_start3A_155 : memref<1x1x8x128xf32, #tpu.memory_space<vmem>> -> memref<8x128xf32, #tpu.memory_space<vmem>>
    %dma_start3A_157 = arith.constant 0 : i32
    %dma_start3A_158 = tpu.memref_slice %arg6[%dma_start3A_157, %multiple_of3A_136] : memref<32x1000000xf32, #tpu.memory_space<hbm>> -> memref<8x128xf32, #tpu.memory_space<hbm>>
    %dma_start3A_159 = arith.constant 0 : i32
    %dma_start3A_160 = arith.constant 0 : i32
    %dma_start3A_161 = tpu.memref_slice %arg12[%dma_start3A_151, %dma_start3A_152, %dma_start3A_159, %dma_start3A_160] : memref<3x4x32x128xf32, #tpu.memory_space<vmem>> -> memref<1x1x8x128xf32, #tpu.memory_space<vmem>>
    %dma_start3A_162 = tpu.memref_squeeze %dma_start3A_161 : memref<1x1x8x128xf32, #tpu.memory_space<vmem>> -> memref<8x128xf32, #tpu.memory_space<vmem>>
    %dma_start3A_163 = arith.constant 0 : i32
    %dma_start3A_164 = tpu.memref_slice %arg6[%dma_start3A_163, %multiple_of3A_136] : memref<32x1000000xf32, #tpu.memory_space<hbm>> -> memref<8x128xf32, #tpu.memory_space<hbm>>
    tpu.enqueue_dma source(%dma_start3A_164 : memref<8x128xf32, #tpu.memory_space<hbm>>) target(%dma_start3A_162 : memref<8x128xf32, #tpu.memory_space<vmem>>) target_semaphore(%arg17 : memref<!tpu.dma_semaphore, #tpu.memory_space<semaphore_mem>>)
    %dma_start3A_165 = arith.constant 0 : i32
    %dma_start3A_166 = arith.constant 1 : i32
    %dma_start3A_167 = arith.constant 8 : i32
    %dma_start3A_168 = arith.constant 0 : i32
    %dma_start3A_169 = tpu.memref_slice %arg11[%dma_start3A_165, %dma_start3A_166, %dma_start3A_167, %dma_start3A_168] : memref<3x4x32x128xf32, #tpu.memory_space<vmem>> -> memref<1x1x8x128xf32, #tpu.memory_space<vmem>>
    %dma_start3A_170 = tpu.memref_squeeze %dma_start3A_169 : memref<1x1x8x128xf32, #tpu.memory_space<vmem>> -> memref<8x128xf32, #tpu.memory_space<vmem>>
    %dma_start3A_171 = arith.constant 8 : i32
    %dma_start3A_172 = tpu.memref_slice %arg5[%dma_start3A_171, %multiple_of3A_131] : memref<32x1000000xf32, #tpu.memory_space<hbm>> -> memref<8x128xf32, #tpu.memory_space<hbm>>
    %dma_start3A_173 = arith.constant 8 : i32
    %dma_start3A_174 = arith.constant 0 : i32
    %dma_start3A_175 = tpu.memref_slice %arg11[%dma_start3A_165, %dma_start3A_166, %dma_start3A_173, %dma_start3A_174] : memref<3x4x32x128xf32, #tpu.memory_space<vmem>> -> memref<1x1x8x128xf32, #tpu.memory_space<vmem>>
    %dma_start3A_176 = tpu.memref_squeeze %dma_start3A_175 : memref<1x1x8x128xf32, #tpu.memory_space<vmem>> -> memref<8x128xf32, #tpu.memory_space<vmem>>
    %dma_start3A_177 = arith.constant 8 : i32
    %dma_start3A_178 = tpu.memref_slice %arg5[%dma_start3A_177, %multiple_of3A_131] : memref<32x1000000xf32, #tpu.memory_space<hbm>> -> memref<8x128xf32, #tpu.memory_space<hbm>>
    tpu.enqueue_dma source(%dma_start3A_178 : memref<8x128xf32, #tpu.memory_space<hbm>>) target(%dma_start3A_176 : memref<8x128xf32, #tpu.memory_space<vmem>>) target_semaphore(%arg17 : memref<!tpu.dma_semaphore, #tpu.memory_space<semaphore_mem>>)
    %dma_start3A_179 = arith.constant 0 : i32
    %dma_start3A_180 = arith.constant 1 : i32
    %dma_start3A_181 = arith.constant 8 : i32
    %dma_start3A_182 = arith.constant 0 : i32
    %dma_start3A_183 = tpu.memref_slice %arg12[%dma_start3A_179, %dma_start3A_180, %dma_start3A_181, %dma_start3A_182] : memref<3x4x32x128xf32, #tpu.memory_space<vmem>> -> memref<1x1x8x128xf32, #tpu.memory_space<vmem>>
    %dma_start3A_184 = tpu.memref_squeeze %dma_start3A_183 : memref<1x1x8x128xf32, #tpu.memory_space<vmem>> -> memref<8x128xf32, #tpu.memory_space<vmem>>
    %dma_start3A_185 = arith.constant 8 : i32
    %dma_start3A_186 = tpu.memref_slice %arg6[%dma_start3A_185, %multiple_of3A_136] : memref<32x1000000xf32, #tpu.memory_space<hbm>> -> memref<8x128xf32, #tpu.memory_space<hbm>>
    %dma_start3A_187 = arith.constant 8 : i32
    %dma_start3A_188 = arith.constant 0 : i32
    %dma_start3A_189 = tpu.memref_slice %arg12[%dma_start3A_179, %dma_start3A_180, %dma_start3A_187, %dma_start3A_188] : memref<3x4x32x128xf32, #tpu.memory_space<vmem>> -> memref<1x1x8x128xf32, #tpu.memory_space<vmem>>
    %dma_start3A_190 = tpu.memref_squeeze %dma_start3A_189 : memref<1x1x8x128xf32, #tpu.memory_space<vmem>> -> memref<8x128xf32, #tpu.memory_space<vmem>>
    %dma_start3A_191 = arith.constant 8 : i32
    %dma_start3A_192 = tpu.memref_slice %arg6[%dma_start3A_191, %multiple_of3A_136] : memref<32x1000000xf32, #tpu.memory_space<hbm>> -> memref<8x128xf32, #tpu.memory_space<hbm>>
    tpu.enqueue_dma source(%dma_start3A_192 : memref<8x128xf32, #tpu.memory_space<hbm>>) target(%dma_start3A_190 : memref<8x128xf32, #tpu.memory_space<vmem>>) target_semaphore(%arg17 : memref<!tpu.dma_semaphore, #tpu.memory_space<semaphore_mem>>)
    %dma_start3A_193 = arith.constant 0 : i32
    %dma_start3A_194 = arith.constant 1 : i32
    %dma_start3A_195 = arith.constant 16 : i32
    %dma_start3A_196 = arith.constant 0 : i32
    %dma_start3A_197 = tpu.memref_slice %arg11[%dma_start3A_193, %dma_start3A_194, %dma_start3A_195, %dma_start3A_196] : memref<3x4x32x128xf32, #tpu.memory_space<vmem>> -> memref<1x1x8x128xf32, #tpu.memory_space<vmem>>
    %dma_start3A_198 = tpu.memref_squeeze %dma_start3A_197 : memref<1x1x8x128xf32, #tpu.memory_space<vmem>> -> memref<8x128xf32, #tpu.memory_space<vmem>>
    %dma_start3A_199 = arith.constant 16 : i32
    %dma_start3A_200 = tpu.memref_slice %arg5[%dma_start3A_199, %multiple_of3A_131] : memref<32x1000000xf32, #tpu.memory_space<hbm>> -> memref<8x128xf32, #tpu.memory_space<hbm>>
    %dma_start3A_201 = arith.constant 16 : i32
    %dma_start3A_202 = arith.constant 0 : i32
    %dma_start3A_203 = tpu.memref_slice %arg11[%dma_start3A_193, %dma_start3A_194, %dma_start3A_201, %dma_start3A_202] : memref<3x4x32x128xf32, #tpu.memory_space<vmem>> -> memref<1x1x8x128xf32, #tpu.memory_space<vmem>>
    %dma_start3A_204 = tpu.memref_squeeze %dma_start3A_203 : memref<1x1x8x128xf32, #tpu.memory_space<vmem>> -> memref<8x128xf32, #tpu.memory_space<vmem>>
    %dma_start3A_205 = arith.constant 16 : i32
    %dma_start3A_206 = tpu.memref_slice %arg5[%dma_start3A_205, %multiple_of3A_131] : memref<32x1000000xf32, #tpu.memory_space<hbm>> -> memref<8x128xf32, #tpu.memory_space<hbm>>
    tpu.enqueue_dma source(%dma_start3A_206 : memref<8x128xf32, #tpu.memory_space<hbm>>) target(%dma_start3A_204 : memref<8x128xf32, #tpu.memory_space<vmem>>) target_semaphore(%arg17 : memref<!tpu.dma_semaphore, #tpu.memory_space<semaphore_mem>>)
    %dma_start3A_207 = arith.constant 0 : i32
    %dma_start3A_208 = arith.constant 1 : i32
    %dma_start3A_209 = arith.constant 16 : i32
    %dma_start3A_210 = arith.constant 0 : i32
    %dma_start3A_211 = tpu.memref_slice %arg12[%dma_start3A_207, %dma_start3A_208, %dma_start3A_209, %dma_start3A_210] : memref<3x4x32x128xf32, #tpu.memory_space<vmem>> -> memref<1x1x8x128xf32, #tpu.memory_space<vmem>>
    %dma_start3A_212 = tpu.memref_squeeze %dma_start3A_211 : memref<1x1x8x128xf32, #tpu.memory_space<vmem>> -> memref<8x128xf32, #tpu.memory_space<vmem>>
    %dma_start3A_213 = arith.constant 16 : i32
    %dma_start3A_214 = tpu.memref_slice %arg6[%dma_start3A_213, %multiple_of3A_136] : memref<32x1000000xf32, #tpu.memory_space<hbm>> -> memref<8x128xf32, #tpu.memory_space<hbm>>
    %dma_start3A_215 = arith.constant 16 : i32
    %dma_start3A_216 = arith.constant 0 : i32
    %dma_start3A_217 = tpu.memref_slice %arg12[%dma_start3A_207, %dma_start3A_208, %dma_start3A_215, %dma_start3A_216] : memref<3x4x32x128xf32, #tpu.memory_space<vmem>> -> memref<1x1x8x128xf32, #tpu.memory_space<vmem>>
    %dma_start3A_218 = tpu.memref_squeeze %dma_start3A_217 : memref<1x1x8x128xf32, #tpu.memory_space<vmem>> -> memref<8x128xf32, #tpu.memory_space<vmem>>
    %dma_start3A_219 = arith.constant 16 : i32
    %dma_start3A_220 = tpu.memref_slice %arg6[%dma_start3A_219, %multiple_of3A_136] : memref<32x1000000xf32, #tpu.memory_space<hbm>> -> memref<8x128xf32, #tpu.memory_space<hbm>>
    tpu.enqueue_dma source(%dma_start3A_220 : memref<8x128xf32, #tpu.memory_space<hbm>>) target(%dma_start3A_218 : memref<8x128xf32, #tpu.memory_space<vmem>>) target_semaphore(%arg17 : memref<!tpu.dma_semaphore, #tpu.memory_space<semaphore_mem>>)
    %dma_start3A_221 = arith.constant 0 : i32
    %dma_start3A_222 = arith.constant 1 : i32
    %dma_start3A_223 = arith.constant 24 : i32
    %dma_start3A_224 = arith.constant 0 : i32
    %dma_start3A_225 = tpu.memref_slice %arg11[%dma_start3A_221, %dma_start3A_222, %dma_start3A_223, %dma_start3A_224] : memref<3x4x32x128xf32, #tpu.memory_space<vmem>> -> memref<1x1x8x128xf32, #tpu.memory_space<vmem>>
    %dma_start3A_226 = tpu.memref_squeeze %dma_start3A_225 : memref<1x1x8x128xf32, #tpu.memory_space<vmem>> -> memref<8x128xf32, #tpu.memory_space<vmem>>
    %dma_start3A_227 = arith.constant 24 : i32
    %dma_start3A_228 = tpu.memref_slice %arg5[%dma_start3A_227, %multiple_of3A_131] : memref<32x1000000xf32, #tpu.memory_space<hbm>> -> memref<8x128xf32, #tpu.memory_space<hbm>>
    %dma_start3A_229 = arith.constant 24 : i32
    %dma_start3A_230 = arith.constant 0 : i32
    %dma_start3A_231 = tpu.memref_slice %arg11[%dma_start3A_221, %dma_start3A_222, %dma_start3A_229, %dma_start3A_230] : memref<3x4x32x128xf32, #tpu.memory_space<vmem>> -> memref<1x1x8x128xf32, #tpu.memory_space<vmem>>
    %dma_start3A_232 = tpu.memref_squeeze %dma_start3A_231 : memref<1x1x8x128xf32, #tpu.memory_space<vmem>> -> memref<8x128xf32, #tpu.memory_space<vmem>>
    %dma_start3A_233 = arith.constant 24 : i32
    %dma_start3A_234 = tpu.memref_slice %arg5[%dma_start3A_233, %multiple_of3A_131] : memref<32x1000000xf32, #tpu.memory_space<hbm>> -> memref<8x128xf32, #tpu.memory_space<hbm>>
    tpu.enqueue_dma source(%dma_start3A_234 : memref<8x128xf32, #tpu.memory_space<hbm>>) target(%dma_start3A_232 : memref<8x128xf32, #tpu.memory_space<vmem>>) target_semaphore(%arg17 : memref<!tpu.dma_semaphore, #tpu.memory_space<semaphore_mem>>)
    %dma_start3A_235 = arith.constant 0 : i32
    %dma_start3A_236 = arith.constant 1 : i32
    %dma_start3A_237 = arith.constant 24 : i32
    %dma_start3A_238 = arith.constant 0 : i32
    %dma_start3A_239 = tpu.memref_slice %arg12[%dma_start3A_235, %dma_start3A_236, %dma_start3A_237, %dma_start3A_238] : memref<3x4x32x128xf32, #tpu.memory_space<vmem>> -> memref<1x1x8x128xf32, #tpu.memory_space<vmem>>
    %dma_start3A_240 = tpu.memref_squeeze %dma_start3A_239 : memref<1x1x8x128xf32, #tpu.memory_space<vmem>> -> memref<8x128xf32, #tpu.memory_space<vmem>>
    %dma_start3A_241 = arith.constant 24 : i32
    %dma_start3A_242 = tpu.memref_slice %arg6[%dma_start3A_241, %multiple_of3A_136] : memref<32x1000000xf32, #tpu.memory_space<hbm>> -> memref<8x128xf32, #tpu.memory_space<hbm>>
    %dma_start3A_243 = arith.constant 24 : i32
    %dma_start3A_244 = arith.constant 0 : i32
    %dma_start3A_245 = tpu.memref_slice %arg12[%dma_start3A_235, %dma_start3A_236, %dma_start3A_243, %dma_start3A_244] : memref<3x4x32x128xf32, #tpu.memory_space<vmem>> -> memref<1x1x8x128xf32, #tpu.memory_space<vmem>>
    %dma_start3A_246 = tpu.memref_squeeze %dma_start3A_245 : memref<1x1x8x128xf32, #tpu.memory_space<vmem>> -> memref<8x128xf32, #tpu.memory_space<vmem>>
    %dma_start3A_247 = arith.constant 24 : i32
    %dma_start3A_248 = tpu.memref_slice %arg6[%dma_start3A_247, %multiple_of3A_136] : memref<32x1000000xf32, #tpu.memory_space<hbm>> -> memref<8x128xf32, #tpu.memory_space<hbm>>
    tpu.enqueue_dma source(%dma_start3A_248 : memref<8x128xf32, #tpu.memory_space<hbm>>) target(%dma_start3A_246 : memref<8x128xf32, #tpu.memory_space<vmem>>) target_semaphore(%arg17 : memref<!tpu.dma_semaphore, #tpu.memory_space<semaphore_mem>>)
    %slice3A_249 = vector.extract_strided_slice %shift_right_arithmetic3A_4 {offsets = [2], sizes = [1], strides = [1]} : vector<16xi32> to vector<1xi32>
    %squeeze3A_250 = vector.extract %slice3A_249[0] : i32 from vector<1xi32>
    %shift_left3A_251 = arith.constant 7 : i32
    %shift_left3A_252 = arith.shli %squeeze3A_250, %shift_left3A_251 : i32
    %multiple_of3A_253 = tpu.assume_multiple %shift_left3A_252, 128 : i32
    %slice3A_254 = vector.extract_strided_slice %shift_right_arithmetic3A_9 {offsets = [2], sizes = [1], strides = [1]} : vector<16xi32> to vector<1xi32>
    %squeeze3A_255 = vector.extract %slice3A_254[0] : i32 from vector<1xi32>
    %shift_left3A_256 = arith.constant 7 : i32
    %shift_left3A_257 = arith.shli %squeeze3A_255, %shift_left3A_256 : i32
    %multiple_of3A_258 = tpu.assume_multiple %shift_left3A_257, 128 : i32
    %dma_start3A_259 = arith.constant 0 : i32
    %dma_start3A_260 = arith.constant 2 : i32
    %dma_start3A_261 = arith.constant 0 : i32
    %dma_start3A_262 = arith.constant 0 : i32
    %dma_start3A_263 = tpu.memref_slice %arg11[%dma_start3A_259, %dma_start3A_260, %dma_start3A_261, %dma_start3A_262] : memref<3x4x32x128xf32, #tpu.memory_space<vmem>> -> memref<1x1x8x128xf32, #tpu.memory_space<vmem>>
    %dma_start3A_264 = tpu.memref_squeeze %dma_start3A_263 : memref<1x1x8x128xf32, #tpu.memory_space<vmem>> -> memref<8x128xf32, #tpu.memory_space<vmem>>
    %dma_start3A_265 = arith.constant 0 : i32
    %dma_start3A_266 = tpu.memref_slice %arg5[%dma_start3A_265, %multiple_of3A_253] : memref<32x1000000xf32, #tpu.memory_space<hbm>> -> memref<8x128xf32, #tpu.memory_space<hbm>>
    %dma_start3A_267 = arith.constant 0 : i32
    %dma_start3A_268 = arith.constant 0 : i32
    %dma_start3A_269 = tpu.memref_slice %arg11[%dma_start3A_259, %dma_start3A_260, %dma_start3A_267, %dma_start3A_268] : memref<3x4x32x128xf32, #tpu.memory_space<vmem>> -> memref<1x1x8x128xf32, #tpu.memory_space<vmem>>
    %dma_start3A_270 = tpu.memref_squeeze %dma_start3A_269 : memref<1x1x8x128xf32, #tpu.memory_space<vmem>> -> memref<8x128xf32, #tpu.memory_space<vmem>>
    %dma_start3A_271 = arith.constant 0 : i32
    %dma_start3A_272 = tpu.memref_slice %arg5[%dma_start3A_271, %multiple_of3A_253] : memref<32x1000000xf32, #tpu.memory_space<hbm>> -> memref<8x128xf32, #tpu.memory_space<hbm>>
    tpu.enqueue_dma source(%dma_start3A_272 : memref<8x128xf32, #tpu.memory_space<hbm>>) target(%dma_start3A_270 : memref<8x128xf32, #tpu.memory_space<vmem>>) target_semaphore(%arg17 : memref<!tpu.dma_semaphore, #tpu.memory_space<semaphore_mem>>)
    %dma_start3A_273 = arith.constant 0 : i32
    %dma_start3A_274 = arith.constant 2 : i32
    %dma_start3A_275 = arith.constant 0 : i32
    %dma_start3A_276 = arith.constant 0 : i32
    %dma_start3A_277 = tpu.memref_slice %arg12[%dma_start3A_273, %dma_start3A_274, %dma_start3A_275, %dma_start3A_276] : memref<3x4x32x128xf32, #tpu.memory_space<vmem>> -> memref<1x1x8x128xf32, #tpu.memory_space<vmem>>
    %dma_start3A_278 = tpu.memref_squeeze %dma_start3A_277 : memref<1x1x8x128xf32, #tpu.memory_space<vmem>> -> memref<8x128xf32, #tpu.memory_space<vmem>>
    %dma_start3A_279 = arith.constant 0 : i32
    %dma_start3A_280 = tpu.memref_slice %arg6[%dma_start3A_279, %multiple_of3A_258] : memref<32x1000000xf32, #tpu.memory_space<hbm>> -> memref<8x128xf32, #tpu.memory_space<hbm>>
    %dma_start3A_281 = arith.constant 0 : i32
    %dma_start3A_282 = arith.constant 0 : i32
    %dma_start3A_283 = tpu.memref_slice %arg12[%dma_start3A_273, %dma_start3A_274, %dma_start3A_281, %dma_start3A_282] : memref<3x4x32x128xf32, #tpu.memory_space<vmem>> -> memref<1x1x8x128xf32, #tpu.memory_space<vmem>>
    %dma_start3A_284 = tpu.memref_squeeze %dma_start3A_283 : memref<1x1x8x128xf32, #tpu.memory_space<vmem>> -> memref<8x128xf32, #tpu.memory_space<vmem>>
    %dma_start3A_285 = arith.constant 0 : i32
    %dma_start3A_286 = tpu.memref_slice %arg6[%dma_start3A_285, %multiple_of3A_258] : memref<32x1000000xf32, #tpu.memory_space<hbm>> -> memref<8x128xf32, #tpu.memory_space<hbm>>
    tpu.enqueue_dma source(%dma_start3A_286 : memref<8x128xf32, #tpu.memory_space<hbm>>) target(%dma_start3A_284 : memref<8x128xf32, #tpu.memory_space<vmem>>) target_semaphore(%arg17 : memref<!tpu.dma_semaphore, #tpu.memory_space<semaphore_mem>>)
    %dma_start3A_287 = arith.constant 0 : i32
    %dma_start3A_288 = arith.constant 2 : i32
    %dma_start3A_289 = arith.constant 8 : i32
    %dma_start3A_290 = arith.constant 0 : i32
    %dma_start3A_291 = tpu.memref_slice %arg11[%dma_start3A_287, %dma_start3A_288, %dma_start3A_289, %dma_start3A_290] : memref<3x4x32x128xf32, #tpu.memory_space<vmem>> -> memref<1x1x8x128xf32, #tpu.memory_space<vmem>>
    %dma_start3A_292 = tpu.memref_squeeze %dma_start3A_291 : memref<1x1x8x128xf32, #tpu.memory_space<vmem>> -> memref<8x128xf32, #tpu.memory_space<vmem>>
    %dma_start3A_293 = arith.constant 8 : i32
    %dma_start3A_294 = tpu.memref_slice %arg5[%dma_start3A_293, %multiple_of3A_253] : memref<32x1000000xf32, #tpu.memory_space<hbm>> -> memref<8x128xf32, #tpu.memory_space<hbm>>
    %dma_start3A_295 = arith.constant 8 : i32
    %dma_start3A_296 = arith.constant 0 : i32
    %dma_start3A_297 = tpu.memref_slice %arg11[%dma_start3A_287, %dma_start3A_288, %dma_start3A_295, %dma_start3A_296] : memref<3x4x32x128xf32, #tpu.memory_space<vmem>> -> memref<1x1x8x128xf32, #tpu.memory_space<vmem>>
    %dma_start3A_298 = tpu.memref_squeeze %dma_start3A_297 : memref<1x1x8x128xf32, #tpu.memory_space<vmem>> -> memref<8x128xf32, #tpu.memory_space<vmem>>
    %dma_start3A_299 = arith.constant 8 : i32
    %dma_start3A_300 = tpu.memref_slice %arg5[%dma_start3A_299, %multiple_of3A_253] : memref<32x1000000xf32, #tpu.memory_space<hbm>> -> memref<8x128xf32, #tpu.memory_space<hbm>>
    tpu.enqueue_dma source(%dma_start3A_300 : memref<8x128xf32, #tpu.memory_space<hbm>>) target(%dma_start3A_298 : memref<8x128xf32, #tpu.memory_space<vmem>>) target_semaphore(%arg17 : memref<!tpu.dma_semaphore, #tpu.memory_space<semaphore_mem>>)
    %dma_start3A_301 = arith.constant 0 : i32
    %dma_start3A_302 = arith.constant 2 : i32
    %dma_start3A_303 = arith.constant 8 : i32
    %dma_start3A_304 = arith.constant 0 : i32
    %dma_start3A_305 = tpu.memref_slice %arg12[%dma_start3A_301, %dma_start3A_302, %dma_start3A_303, %dma_start3A_304] : memref<3x4x32x128xf32, #tpu.memory_space<vmem>> -> memref<1x1x8x128xf32, #tpu.memory_space<vmem>>
    %dma_start3A_306 = tpu.memref_squeeze %dma_start3A_305 : memref<1x1x8x128xf32, #tpu.memory_space<vmem>> -> memref<8x128xf32, #tpu.memory_space<vmem>>
    %dma_start3A_307 = arith.constant 8 : i32
    %dma_start3A_308 = tpu.memref_slice %arg6[%dma_start3A_307, %multiple_of3A_258] : memref<32x1000000xf32, #tpu.memory_space<hbm>> -> memref<8x128xf32, #tpu.memory_space<hbm>>
    %dma_start3A_309 = arith.constant 8 : i32
    %dma_start3A_310 = arith.constant 0 : i32
    %dma_start3A_311 = tpu.memref_slice %arg12[%dma_start3A_301, %dma_start3A_302, %dma_start3A_309, %dma_start3A_310] : memref<3x4x32x128xf32, #tpu.memory_space<vmem>> -> memref<1x1x8x128xf32, #tpu.memory_space<vmem>>
    %dma_start3A_312 = tpu.memref_squeeze %dma_start3A_311 : memref<1x1x8x128xf32, #tpu.memory_space<vmem>> -> memref<8x128xf32, #tpu.memory_space<vmem>>
    %dma_start3A_313 = arith.constant 8 : i32
    %dma_start3A_314 = tpu.memref_slice %arg6[%dma_start3A_313, %multiple_of3A_258] : memref<32x1000000xf32, #tpu.memory_space<hbm>> -> memref<8x128xf32, #tpu.memory_space<hbm>>
    tpu.enqueue_dma source(%dma_start3A_314 : memref<8x128xf32, #tpu.memory_space<hbm>>) target(%dma_start3A_312 : memref<8x128xf32, #tpu.memory_space<vmem>>) target_semaphore(%arg17 : memref<!tpu.dma_semaphore, #tpu.memory_space<semaphore_mem>>)
    %dma_start3A_315 = arith.constant 0 : i32
    %dma_start3A_316 = arith.constant 2 : i32
    %dma_start3A_317 = arith.constant 16 : i32
    %dma_start3A_318 = arith.constant 0 : i32
    %dma_start3A_319 = tpu.memref_slice %arg11[%dma_start3A_315, %dma_start3A_316, %dma_start3A_317, %dma_start3A_318] : memref<3x4x32x128xf32, #tpu.memory_space<vmem>> -> memref<1x1x8x128xf32, #tpu.memory_space<vmem>>
    %dma_start3A_320 = tpu.memref_squeeze %dma_start3A_319 : memref<1x1x8x128xf32, #tpu.memory_space<vmem>> -> memref<8x128xf32, #tpu.memory_space<vmem>>
    %dma_start3A_321 = arith.constant 16 : i32
    %dma_start3A_322 = tpu.memref_slice %arg5[%dma_start3A_321, %multiple_of3A_253] : memref<32x1000000xf32, #tpu.memory_space<hbm>> -> memref<8x128xf32, #tpu.memory_space<hbm>>
    %dma_start3A_323 = arith.constant 16 : i32
    %dma_start3A_324 = arith.constant 0 : i32
    %dma_start3A_325 = tpu.memref_slice %arg11[%dma_start3A_315, %dma_start3A_316, %dma_start3A_323, %dma_start3A_324] : memref<3x4x32x128xf32, #tpu.memory_space<vmem>> -> memref<1x1x8x128xf32, #tpu.memory_space<vmem>>
    %dma_start3A_326 = tpu.memref_squeeze %dma_start3A_325 : memref<1x1x8x128xf32, #tpu.memory_space<vmem>> -> memref<8x128xf32, #tpu.memory_space<vmem>>
    %dma_start3A_327 = arith.constant 16 : i32
    %dma_start3A_328 = tpu.memref_slice %arg5[%dma_start3A_327, %multiple_of3A_253] : memref<32x1000000xf32, #tpu.memory_space<hbm>> -> memref<8x128xf32, #tpu.memory_space<hbm>>
    tpu.enqueue_dma source(%dma_start3A_328 : memref<8x128xf32, #tpu.memory_space<hbm>>) target(%dma_start3A_326 : memref<8x128xf32, #tpu.memory_space<vmem>>) target_semaphore(%arg17 : memref<!tpu.dma_semaphore, #tpu.memory_space<semaphore_mem>>)
    %dma_start3A_329 = arith.constant 0 : i32
    %dma_start3A_330 = arith.constant 2 : i32
    %dma_start3A_331 = arith.constant 16 : i32
    %dma_start3A_332 = arith.constant 0 : i32
    %dma_start3A_333 = tpu.memref_slice %arg12[%dma_start3A_329, %dma_start3A_330, %dma_start3A_331, %dma_start3A_332] : memref<3x4x32x128xf32, #tpu.memory_space<vmem>> -> memref<1x1x8x128xf32, #tpu.memory_space<vmem>>
    %dma_start3A_334 = tpu.memref_squeeze %dma_start3A_333 : memref<1x1x8x128xf32, #tpu.memory_space<vmem>> -> memref<8x128xf32, #tpu.memory_space<vmem>>
    %dma_start3A_335 = arith.constant 16 : i32
    %dma_start3A_336 = tpu.memref_slice %arg6[%dma_start3A_335, %multiple_of3A_258] : memref<32x1000000xf32, #tpu.memory_space<hbm>> -> memref<8x128xf32, #tpu.memory_space<hbm>>
    %dma_start3A_337 = arith.constant 16 : i32
    %dma_start3A_338 = arith.constant 0 : i32
    %dma_start3A_339 = tpu.memref_slice %arg12[%dma_start3A_329, %dma_start3A_330, %dma_start3A_337, %dma_start3A_338] : memref<3x4x32x128xf32, #tpu.memory_space<vmem>> -> memref<1x1x8x128xf32, #tpu.memory_space<vmem>>
    %dma_start3A_340 = tpu.memref_squeeze %dma_start3A_339 : memref<1x1x8x128xf32, #tpu.memory_space<vmem>> -> memref<8x128xf32, #tpu.memory_space<vmem>>
    %dma_start3A_341 = arith.constant 16 : i32
    %dma_start3A_342 = tpu.memref_slice %arg6[%dma_start3A_341, %multiple_of3A_258] : memref<32x1000000xf32, #tpu.memory_space<hbm>> -> memref<8x128xf32, #tpu.memory_space<hbm>>
    tpu.enqueue_dma source(%dma_start3A_342 : memref<8x128xf32, #tpu.memory_space<hbm>>) target(%dma_start3A_340 : memref<8x128xf32, #tpu.memory_space<vmem>>) target_semaphore(%arg17 : memref<!tpu.dma_semaphore, #tpu.memory_space<semaphore_mem>>)
    %dma_start3A_343 = arith.constant 0 : i32
    %dma_start3A_344 = arith.constant 2 : i32
    %dma_start3A_345 = arith.constant 24 : i32
    %dma_start3A_346 = arith.constant 0 : i32
    %dma_start3A_347 = tpu.memref_slice %arg11[%dma_start3A_343, %dma_start3A_344, %dma_start3A_345, %dma_start3A_346] : memref<3x4x32x128xf32, #tpu.memory_space<vmem>> -> memref<1x1x8x128xf32, #tpu.memory_space<vmem>>
    %dma_start3A_348 = tpu.memref_squeeze %dma_start3A_347 : memref<1x1x8x128xf32, #tpu.memory_space<vmem>> -> memref<8x128xf32, #tpu.memory_space<vmem>>
    %dma_start3A_349 = arith.constant 24 : i32
    %dma_start3A_350 = tpu.memref_slice %arg5[%dma_start3A_349, %multiple_of3A_253] : memref<32x1000000xf32, #tpu.memory_space<hbm>> -> memref<8x128xf32, #tpu.memory_space<hbm>>
    %dma_start3A_351 = arith.constant 24 : i32
    %dma_start3A_352 = arith.constant 0 : i32
    %dma_start3A_353 = tpu.memref_slice %arg11[%dma_start3A_343, %dma_start3A_344, %dma_start3A_351, %dma_start3A_352] : memref<3x4x32x128xf32, #tpu.memory_space<vmem>> -> memref<1x1x8x128xf32, #tpu.memory_space<vmem>>
    %dma_start3A_354 = tpu.memref_squeeze %dma_start3A_353 : memref<1x1x8x128xf32, #tpu.memory_space<vmem>> -> memref<8x128xf32, #tpu.memory_space<vmem>>
    %dma_start3A_355 = arith.constant 24 : i32
    %dma_start3A_356 = tpu.memref_slice %arg5[%dma_start3A_355, %multiple_of3A_253] : memref<32x1000000xf32, #tpu.memory_space<hbm>> -> memref<8x128xf32, #tpu.memory_space<hbm>>
    tpu.enqueue_dma source(%dma_start3A_356 : memref<8x128xf32, #tpu.memory_space<hbm>>) target(%dma_start3A_354 : memref<8x128xf32, #tpu.memory_space<vmem>>) target_semaphore(%arg17 : memref<!tpu.dma_semaphore, #tpu.memory_space<semaphore_mem>>)
    %dma_start3A_357 = arith.constant 0 : i32
    %dma_start3A_358 = arith.constant 2 : i32
    %dma_start3A_359 = arith.constant 24 : i32
    %dma_start3A_360 = arith.constant 0 : i32
    %dma_start3A_361 = tpu.memref_slice %arg12[%dma_start3A_357, %dma_start3A_358, %dma_start3A_359, %dma_start3A_360] : memref<3x4x32x128xf32, #tpu.memory_space<vmem>> -> memref<1x1x8x128xf32, #tpu.memory_space<vmem>>
    %dma_start3A_362 = tpu.memref_squeeze %dma_start3A_361 : memref<1x1x8x128xf32, #tpu.memory_space<vmem>> -> memref<8x128xf32, #tpu.memory_space<vmem>>
    %dma_start3A_363 = arith.constant 24 : i32
    %dma_start3A_364 = tpu.memref_slice %arg6[%dma_start3A_363, %multiple_of3A_258] : memref<32x1000000xf32, #tpu.memory_space<hbm>> -> memref<8x128xf32, #tpu.memory_space<hbm>>
    %dma_start3A_365 = arith.constant 24 : i32
    %dma_start3A_366 = arith.constant 0 : i32
    %dma_start3A_367 = tpu.memref_slice %arg12[%dma_start3A_357, %dma_start3A_358, %dma_start3A_365, %dma_start3A_366] : memref<3x4x32x128xf32, #tpu.memory_space<vmem>> -> memref<1x1x8x128xf32, #tpu.memory_space<vmem>>
    %dma_start3A_368 = tpu.memref_squeeze %dma_start3A_367 : memref<1x1x8x128xf32, #tpu.memory_space<vmem>> -> memref<8x128xf32, #tpu.memory_space<vmem>>
    %dma_start3A_369 = arith.constant 24 : i32
    %dma_start3A_370 = tpu.memref_slice %arg6[%dma_start3A_369, %multiple_of3A_258] : memref<32x1000000xf32, #tpu.memory_space<hbm>> -> memref<8x128xf32, #tpu.memory_space<hbm>>
    tpu.enqueue_dma source(%dma_start3A_370 : memref<8x128xf32, #tpu.memory_space<hbm>>) target(%dma_start3A_368 : memref<8x128xf32, #tpu.memory_space<vmem>>) target_semaphore(%arg17 : memref<!tpu.dma_semaphore, #tpu.memory_space<semaphore_mem>>)
    %slice3A_371 = vector.extract_strided_slice %shift_right_arithmetic3A_4 {offsets = [3], sizes = [1], strides = [1]} : vector<16xi32> to vector<1xi32>
    %squeeze3A_372 = vector.extract %slice3A_371[0] : i32 from vector<1xi32>
    %shift_left3A_373 = arith.constant 7 : i32
    %shift_left3A_374 = arith.shli %squeeze3A_372, %shift_left3A_373 : i32
    %multiple_of3A_375 = tpu.assume_multiple %shift_left3A_374, 128 : i32
    %slice3A_376 = vector.extract_strided_slice %shift_right_arithmetic3A_9 {offsets = [3], sizes = [1], strides = [1]} : vector<16xi32> to vector<1xi32>
    %squeeze3A_377 = vector.extract %slice3A_376[0] : i32 from vector<1xi32>
    %shift_left3A_378 = arith.constant 7 : i32
    %shift_left3A_379 = arith.shli %squeeze3A_377, %shift_left3A_378 : i32
    %multiple_of3A_380 = tpu.assume_multiple %shift_left3A_379, 128 : i32
    %dma_start3A_381 = arith.constant 0 : i32
    %dma_start3A_382 = arith.constant 3 : i32
    %dma_start3A_383 = arith.constant 0 : i32
    %dma_start3A_384 = arith.constant 0 : i32
    %dma_start3A_385 = tpu.memref_slice %arg11[%dma_start3A_381, %dma_start3A_382, %dma_start3A_383, %dma_start3A_384] : memref<3x4x32x128xf32, #tpu.memory_space<vmem>> -> memref<1x1x8x128xf32, #tpu.memory_space<vmem>>
    %dma_start3A_386 = tpu.memref_squeeze %dma_start3A_385 : memref<1x1x8x128xf32, #tpu.memory_space<vmem>> -> memref<8x128xf32, #tpu.memory_space<vmem>>
    %dma_start3A_387 = arith.constant 0 : i32
    %dma_start3A_388 = tpu.memref_slice %arg5[%dma_start3A_387, %multiple_of3A_375] : memref<32x1000000xf32, #tpu.memory_space<hbm>> -> memref<8x128xf32, #tpu.memory_space<hbm>>
    %dma_start3A_389 = arith.constant 0 : i32
    %dma_start3A_390 = arith.constant 0 : i32
    %dma_start3A_391 = tpu.memref_slice %arg11[%dma_start3A_381, %dma_start3A_382, %dma_start3A_389, %dma_start3A_390] : memref<3x4x32x128xf32, #tpu.memory_space<vmem>> -> memref<1x1x8x128xf32, #tpu.memory_space<vmem>>
    %dma_start3A_392 = tpu.memref_squeeze %dma_start3A_391 : memref<1x1x8x128xf32, #tpu.memory_space<vmem>> -> memref<8x128xf32, #tpu.memory_space<vmem>>
    %dma_start3A_393 = arith.constant 0 : i32
    %dma_start3A_394 = tpu.memref_slice %arg5[%dma_start3A_393, %multiple_of3A_375] : memref<32x1000000xf32, #tpu.memory_space<hbm>> -> memref<8x128xf32, #tpu.memory_space<hbm>>
    tpu.enqueue_dma source(%dma_start3A_394 : memref<8x128xf32, #tpu.memory_space<hbm>>) target(%dma_start3A_392 : memref<8x128xf32, #tpu.memory_space<vmem>>) target_semaphore(%arg17 : memref<!tpu.dma_semaphore, #tpu.memory_space<semaphore_mem>>)
    %dma_start3A_395 = arith.constant 0 : i32
    %dma_start3A_396 = arith.constant 3 : i32
    %dma_start3A_397 = arith.constant 0 : i32
    %dma_start3A_398 = arith.constant 0 : i32
    %dma_start3A_399 = tpu.memref_slice %arg12[%dma_start3A_395, %dma_start3A_396, %dma_start3A_397, %dma_start3A_398] : memref<3x4x32x128xf32, #tpu.memory_space<vmem>> -> memref<1x1x8x128xf32, #tpu.memory_space<vmem>>
    %dma_start3A_400 = tpu.memref_squeeze %dma_start3A_399 : memref<1x1x8x128xf32, #tpu.memory_space<vmem>> -> memref<8x128xf32, #tpu.memory_space<vmem>>
    %dma_start3A_401 = arith.constant 0 : i32
    %dma_start3A_402 = tpu.memref_slice %arg6[%dma_start3A_401, %multiple_of3A_380] : memref<32x1000000xf32, #tpu.memory_space<hbm>> -> memref<8x128xf32, #tpu.memory_space<hbm>>
    %dma_start3A_403 = arith.constant 0 : i32
    %dma_start3A_404 = arith.constant 0 : i32
    %dma_start3A_405 = tpu.memref_slice %arg12[%dma_start3A_395, %dma_start3A_396, %dma_start3A_403, %dma_start3A_404] : memref<3x4x32x128xf32, #tpu.memory_space<vmem>> -> memref<1x1x8x128xf32, #tpu.memory_space<vmem>>
    %dma_start3A_406 = tpu.memref_squeeze %dma_start3A_405 : memref<1x1x8x128xf32, #tpu.memory_space<vmem>> -> memref<8x128xf32, #tpu.memory_space<vmem>>
    %dma_start3A_407 = arith.constant 0 : i32
    %dma_start3A_408 = tpu.memref_slice %arg6[%dma_start3A_407, %multiple_of3A_380] : memref<32x1000000xf32, #tpu.memory_space<hbm>> -> memref<8x128xf32, #tpu.memory_space<hbm>>
    tpu.enqueue_dma source(%dma_start3A_408 : memref<8x128xf32, #tpu.memory_space<hbm>>) target(%dma_start3A_406 : memref<8x128xf32, #tpu.memory_space<vmem>>) target_semaphore(%arg17 : memref<!tpu.dma_semaphore, #tpu.memory_space<semaphore_mem>>)
    %dma_start3A_409 = arith.constant 0 : i32
    %dma_start3A_410 = arith.constant 3 : i32
    %dma_start3A_411 = arith.constant 8 : i32
    %dma_start3A_412 = arith.constant 0 : i32
    %dma_start3A_413 = tpu.memref_slice %arg11[%dma_start3A_409, %dma_start3A_410, %dma_start3A_411, %dma_start3A_412] : memref<3x4x32x128xf32, #tpu.memory_space<vmem>> -> memref<1x1x8x128xf32, #tpu.memory_space<vmem>>
    %dma_start3A_414 = tpu.memref_squeeze %dma_start3A_413 : memref<1x1x8x128xf32, #tpu.memory_space<vmem>> -> memref<8x128xf32, #tpu.memory_space<vmem>>
    %dma_start3A_415 = arith.constant 8 : i32
    %dma_start3A_416 = tpu.memref_slice %arg5[%dma_start3A_415, %multiple_of3A_375] : memref<32x1000000xf32, #tpu.memory_space<hbm>> -> memref<8x128xf32, #tpu.memory_space<hbm>>
    %dma_start3A_417 = arith.constant 8 : i32
    %dma_start3A_418 = arith.constant 0 : i32
    %dma_start3A_419 = tpu.memref_slice %arg11[%dma_start3A_409, %dma_start3A_410, %dma_start3A_417, %dma_start3A_418] : memref<3x4x32x128xf32, #tpu.memory_space<vmem>> -> memref<1x1x8x128xf32, #tpu.memory_space<vmem>>
    %dma_start3A_420 = tpu.memref_squeeze %dma_start3A_419 : memref<1x1x8x128xf32, #tpu.memory_space<vmem>> -> memref<8x128xf32, #tpu.memory_space<vmem>>
    %dma_start3A_421 = arith.constant 8 : i32
    %dma_start3A_422 = tpu.memref_slice %arg5[%dma_start3A_421, %multiple_of3A_375] : memref<32x1000000xf32, #tpu.memory_space<hbm>> -> memref<8x128xf32, #tpu.memory_space<hbm>>
    tpu.enqueue_dma source(%dma_start3A_422 : memref<8x128xf32, #tpu.memory_space<hbm>>) target(%dma_start3A_420 : memref<8x128xf32, #tpu.memory_space<vmem>>) target_semaphore(%arg17 : memref<!tpu.dma_semaphore, #tpu.memory_space<semaphore_mem>>)
    %dma_start3A_423 = arith.constant 0 : i32
    %dma_start3A_424 = arith.constant 3 : i32
    %dma_start3A_425 = arith.constant 8 : i32
    %dma_start3A_426 = arith.constant 0 : i32
    %dma_start3A_427 = tpu.memref_slice %arg12[%dma_start3A_423, %dma_start3A_424, %dma_start3A_425, %dma_start3A_426] : memref<3x4x32x128xf32, #tpu.memory_space<vmem>> -> memref<1x1x8x128xf32, #tpu.memory_space<vmem>>
    %dma_start3A_428 = tpu.memref_squeeze %dma_start3A_427 : memref<1x1x8x128xf32, #tpu.memory_space<vmem>> -> memref<8x128xf32, #tpu.memory_space<vmem>>
    %dma_start3A_429 = arith.constant 8 : i32
    %dma_start3A_430 = tpu.memref_slice %arg6[%dma_start3A_429, %multiple_of3A_380] : memref<32x1000000xf32, #tpu.memory_space<hbm>> -> memref<8x128xf32, #tpu.memory_space<hbm>>
    %dma_start3A_431 = arith.constant 8 : i32
    %dma_start3A_432 = arith.constant 0 : i32
    %dma_start3A_433 = tpu.memref_slice %arg12[%dma_start3A_423, %dma_start3A_424, %dma_start3A_431, %dma_start3A_432] : memref<3x4x32x128xf32, #tpu.memory_space<vmem>> -> memref<1x1x8x128xf32, #tpu.memory_space<vmem>>
    %dma_start3A_434 = tpu.memref_squeeze %dma_start3A_433 : memref<1x1x8x128xf32, #tpu.memory_space<vmem>> -> memref<8x128xf32, #tpu.memory_space<vmem>>
    %dma_start3A_435 = arith.constant 8 : i32
    %dma_start3A_436 = tpu.memref_slice %arg6[%dma_start3A_435, %multiple_of3A_380] : memref<32x1000000xf32, #tpu.memory_space<hbm>> -> memref<8x128xf32, #tpu.memory_space<hbm>>
    tpu.enqueue_dma source(%dma_start3A_436 : memref<8x128xf32, #tpu.memory_space<hbm>>) target(%dma_start3A_434 : memref<8x128xf32, #tpu.memory_space<vmem>>) target_semaphore(%arg17 : memref<!tpu.dma_semaphore, #tpu.memory_space<semaphore_mem>>)
    %dma_start3A_437 = arith.constant 0 : i32
    %dma_start3A_438 = arith.constant 3 : i32
    %dma_start3A_439 = arith.constant 16 : i32
    %dma_start3A_440 = arith.constant 0 : i32
    %dma_start3A_441 = tpu.memref_slice %arg11[%dma_start3A_437, %dma_start3A_438, %dma_start3A_439, %dma_start3A_440] : memref<3x4x32x128xf32, #tpu.memory_space<vmem>> -> memref<1x1x8x128xf32, #tpu.memory_space<vmem>>
    %dma_start3A_442 = tpu.memref_squeeze %dma_start3A_441 : memref<1x1x8x128xf32, #tpu.memory_space<vmem>> -> memref<8x128xf32, #tpu.memory_space<vmem>>
    %dma_start3A_443 = arith.constant 16 : i32
    %dma_start3A_444 = tpu.memref_slice %arg5[%dma_start3A_443, %multiple_of3A_375] : memref<32x1000000xf32, #tpu.memory_space<hbm>> -> memref<8x128xf32, #tpu.memory_space<hbm>>
    %dma_start3A_445 = arith.constant 16 : i32
    %dma_start3A_446 = arith.constant 0 : i32
    %dma_start3A_447 = tpu.memref_slice %arg11[%dma_start3A_437, %dma_start3A_438, %dma_start3A_445, %dma_start3A_446] : memref<3x4x32x128xf32, #tpu.memory_space<vmem>> -> memref<1x1x8x128xf32, #tpu.memory_space<vmem>>
    %dma_start3A_448 = tpu.memref_squeeze %dma_start3A_447 : memref<1x1x8x128xf32, #tpu.memory_space<vmem>> -> memref<8x128xf32, #tpu.memory_space<vmem>>
    %dma_start3A_449 = arith.constant 16 : i32
    %dma_start3A_450 = tpu.memref_slice %arg5[%dma_start3A_449, %multiple_of3A_375] : memref<32x1000000xf32, #tpu.memory_space<hbm>> -> memref<8x128xf32, #tpu.memory_space<hbm>>
    tpu.enqueue_dma source(%dma_start3A_450 : memref<8x128xf32, #tpu.memory_space<hbm>>) target(%dma_start3A_448 : memref<8x128xf32, #tpu.memory_space<vmem>>) target_semaphore(%arg17 : memref<!tpu.dma_semaphore, #tpu.memory_space<semaphore_mem>>)
    %dma_start3A_451 = arith.constant 0 : i32
    %dma_start3A_452 = arith.constant 3 : i32
    %dma_start3A_453 = arith.constant 16 : i32
    %dma_start3A_454 = arith.constant 0 : i32
    %dma_start3A_455 = tpu.memref_slice %arg12[%dma_start3A_451, %dma_start3A_452, %dma_start3A_453, %dma_start3A_454] : memref<3x4x32x128xf32, #tpu.memory_space<vmem>> -> memref<1x1x8x128xf32, #tpu.memory_space<vmem>>
    %dma_start3A_456 = tpu.memref_squeeze %dma_start3A_455 : memref<1x1x8x128xf32, #tpu.memory_space<vmem>> -> memref<8x128xf32, #tpu.memory_space<vmem>>
    %dma_start3A_457 = arith.constant 16 : i32
    %dma_start3A_458 = tpu.memref_slice %arg6[%dma_start3A_457, %multiple_of3A_380] : memref<32x1000000xf32, #tpu.memory_space<hbm>> -> memref<8x128xf32, #tpu.memory_space<hbm>>
    %dma_start3A_459 = arith.constant 16 : i32
    %dma_start3A_460 = arith.constant 0 : i32
    %dma_start3A_461 = tpu.memref_slice %arg12[%dma_start3A_451, %dma_start3A_452, %dma_start3A_459, %dma_start3A_460] : memref<3x4x32x128xf32, #tpu.memory_space<vmem>> -> memref<1x1x8x128xf32, #tpu.memory_space<vmem>>
    %dma_start3A_462 = tpu.memref_squeeze %dma_start3A_461 : memref<1x1x8x128xf32, #tpu.memory_space<vmem>> -> memref<8x128xf32, #tpu.memory_space<vmem>>
    %dma_start3A_463 = arith.constant 16 : i32
    %dma_start3A_464 = tpu.memref_slice %arg6[%dma_start3A_463, %multiple_of3A_380] : memref<32x1000000xf32, #tpu.memory_space<hbm>> -> memref<8x128xf32, #tpu.memory_space<hbm>>
    tpu.enqueue_dma source(%dma_start3A_464 : memref<8x128xf32, #tpu.memory_space<hbm>>) target(%dma_start3A_462 : memref<8x128xf32, #tpu.memory_space<vmem>>) target_semaphore(%arg17 : memref<!tpu.dma_semaphore, #tpu.memory_space<semaphore_mem>>)
    %dma_start3A_465 = arith.constant 0 : i32
    %dma_start3A_466 = arith.constant 3 : i32
    %dma_start3A_467 = arith.constant 24 : i32
    %dma_start3A_468 = arith.constant 0 : i32
    %dma_start3A_469 = tpu.memref_slice %arg11[%dma_start3A_465, %dma_start3A_466, %dma_start3A_467, %dma_start3A_468] : memref<3x4x32x128xf32, #tpu.memory_space<vmem>> -> memref<1x1x8x128xf32, #tpu.memory_space<vmem>>
    %dma_start3A_470 = tpu.memref_squeeze %dma_start3A_469 : memref<1x1x8x128xf32, #tpu.memory_space<vmem>> -> memref<8x128xf32, #tpu.memory_space<vmem>>
    %dma_start3A_471 = arith.constant 24 : i32
    %dma_start3A_472 = tpu.memref_slice %arg5[%dma_start3A_471, %multiple_of3A_375] : memref<32x1000000xf32, #tpu.memory_space<hbm>> -> memref<8x128xf32, #tpu.memory_space<hbm>>
    %dma_start3A_473 = arith.constant 24 : i32
    %dma_start3A_474 = arith.constant 0 : i32
    %dma_start3A_475 = tpu.memref_slice %arg11[%dma_start3A_465, %dma_start3A_466, %dma_start3A_473, %dma_start3A_474] : memref<3x4x32x128xf32, #tpu.memory_space<vmem>> -> memref<1x1x8x128xf32, #tpu.memory_space<vmem>>
    %dma_start3A_476 = tpu.memref_squeeze %dma_start3A_475 : memref<1x1x8x128xf32, #tpu.memory_space<vmem>> -> memref<8x128xf32, #tpu.memory_space<vmem>>
    %dma_start3A_477 = arith.constant 24 : i32
    %dma_start3A_478 = tpu.memref_slice %arg5[%dma_start3A_477, %multiple_of3A_375] : memref<32x1000000xf32, #tpu.memory_space<hbm>> -> memref<8x128xf32, #tpu.memory_space<hbm>>
    tpu.enqueue_dma source(%dma_start3A_478 : memref<8x128xf32, #tpu.memory_space<hbm>>) target(%dma_start3A_476 : memref<8x128xf32, #tpu.memory_space<vmem>>) target_semaphore(%arg17 : memref<!tpu.dma_semaphore, #tpu.memory_space<semaphore_mem>>)
    %dma_start3A_479 = arith.constant 0 : i32
    %dma_start3A_480 = arith.constant 3 : i32
    %dma_start3A_481 = arith.constant 24 : i32
    %dma_start3A_482 = arith.constant 0 : i32
    %dma_start3A_483 = tpu.memref_slice %arg12[%dma_start3A_479, %dma_start3A_480, %dma_start3A_481, %dma_start3A_482] : memref<3x4x32x128xf32, #tpu.memory_space<vmem>> -> memref<1x1x8x128xf32, #tpu.memory_space<vmem>>
    %dma_start3A_484 = tpu.memref_squeeze %dma_start3A_483 : memref<1x1x8x128xf32, #tpu.memory_space<vmem>> -> memref<8x128xf32, #tpu.memory_space<vmem>>
    %dma_start3A_485 = arith.constant 24 : i32
    %dma_start3A_486 = tpu.memref_slice %arg6[%dma_start3A_485, %multiple_of3A_380] : memref<32x1000000xf32, #tpu.memory_space<hbm>> -> memref<8x128xf32, #tpu.memory_space<hbm>>
    %dma_start3A_487 = arith.constant 24 : i32
    %dma_start3A_488 = arith.constant 0 : i32
    %dma_start3A_489 = tpu.memref_slice %arg12[%dma_start3A_479, %dma_start3A_480, %dma_start3A_487, %dma_start3A_488] : memref<3x4x32x128xf32, #tpu.memory_space<vmem>> -> memref<1x1x8x128xf32, #tpu.memory_space<vmem>>
    %dma_start3A_490 = tpu.memref_squeeze %dma_start3A_489 : memref<1x1x8x128xf32, #tpu.memory_space<vmem>> -> memref<8x128xf32, #tpu.memory_space<vmem>>
    %dma_start3A_491 = arith.constant 24 : i32
    %dma_start3A_492 = tpu.memref_slice %arg6[%dma_start3A_491, %multiple_of3A_380] : memref<32x1000000xf32, #tpu.memory_space<hbm>> -> memref<8x128xf32, #tpu.memory_space<hbm>>
    tpu.enqueue_dma source(%dma_start3A_492 : memref<8x128xf32, #tpu.memory_space<hbm>>) target(%dma_start3A_490 : memref<8x128xf32, #tpu.memory_space<vmem>>) target_semaphore(%arg17 : memref<!tpu.dma_semaphore, #tpu.memory_space<semaphore_mem>>)
    %get3A_493 = arith.constant 4 : index
    %get3A_494 = tpu.vector_load %arg8[%get3A_493] {strides = array<i32>} : memref<528xi32, #tpu.memory_space<vmem>>, vector<16xi32>,
    %shift_right_arithmetic3A_495 = arith.constant 7 : i32
    %shift_right_arithmetic3A_496 = vector.broadcast %shift_right_arithmetic3A_495 : i32 to vector<16xi32>
    %shift_right_arithmetic3A_497 = arith.shrsi %get3A_494, %shift_right_arithmetic3A_496 : vector<16xi32>
    %get3A_498 = arith.constant 4 : index
    %get3A_499 = tpu.vector_load %arg9[%get3A_498] {strides = array<i32>} : memref<528xi32, #tpu.memory_space<vmem>>, vector<16xi32>,
    %shift_right_arithmetic3A_500 = arith.constant 7 : i32
    %shift_right_arithmetic3A_501 = vector.broadcast %shift_right_arithmetic3A_500 : i32 to vector<16xi32>
    %shift_right_arithmetic3A_502 = arith.shrsi %get3A_499, %shift_right_arithmetic3A_501 : vector<16xi32>
    %slice3A_503 = vector.extract_strided_slice %shift_right_arithmetic3A_497 {offsets = [0], sizes = [1], strides = [1]} : vector<16xi32> to vector<1xi32>
    %squeeze3A_504 = vector.extract %slice3A_503[0] : i32 from vector<1xi32>
    %shift_left3A_505 = arith.constant 7 : i32
    %shift_left3A_506 = arith.shli %squeeze3A_504, %shift_left3A_505 : i32
    %multiple_of3A_507 = tpu.assume_multiple %shift_left3A_506, 128 : i32
    %slice3A_508 = vector.extract_strided_slice %shift_right_arithmetic3A_502 {offsets = [0], sizes = [1], strides = [1]} : vector<16xi32> to vector<1xi32>
    %squeeze3A_509 = vector.extract %slice3A_508[0] : i32 from vector<1xi32>
    %shift_left3A_510 = arith.constant 7 : i32
    %shift_left3A_511 = arith.shli %squeeze3A_509, %shift_left3A_510 : i32
    %multiple_of3A_512 = tpu.assume_multiple %shift_left3A_511, 128 : i32
    %dma_start3A_513 = arith.constant 1 : i32
    %dma_start3A_514 = arith.constant 0 : i32
    %dma_start3A_515 = arith.constant 0 : i32
    %dma_start3A_516 = arith.constant 0 : i32
    %dma_start3A_517 = tpu.memref_slice %arg11[%dma_start3A_513, %dma_start3A_514, %dma_start3A_515, %dma_start3A_516] : memref<3x4x32x128xf32, #tpu.memory_space<vmem>> -> memref<1x1x8x128xf32, #tpu.memory_space<vmem>>
    %dma_start3A_518 = tpu.memref_squeeze %dma_start3A_517 : memref<1x1x8x128xf32, #tpu.memory_space<vmem>> -> memref<8x128xf32, #tpu.memory_space<vmem>>
    %dma_start3A_519 = arith.constant 0 : i32
    %dma_start3A_520 = tpu.memref_slice %arg5[%dma_start3A_519, %multiple_of3A_507] : memref<32x1000000xf32, #tpu.memory_space<hbm>> -> memref<8x128xf32, #tpu.memory_space<hbm>>
    %dma_start3A_521 = arith.constant 0 : i32
    %dma_start3A_522 = arith.constant 0 : i32
    %dma_start3A_523 = tpu.memref_slice %arg11[%dma_start3A_513, %dma_start3A_514, %dma_start3A_521, %dma_start3A_522] : memref<3x4x32x128xf32, #tpu.memory_space<vmem>> -> memref<1x1x8x128xf32, #tpu.memory_space<vmem>>
    %dma_start3A_524 = tpu.memref_squeeze %dma_start3A_523 : memref<1x1x8x128xf32, #tpu.memory_space<vmem>> -> memref<8x128xf32, #tpu.memory_space<vmem>>
    %dma_start3A_525 = arith.constant 0 : i32
    %dma_start3A_526 = tpu.memref_slice %arg5[%dma_start3A_525, %multiple_of3A_507] : memref<32x1000000xf32, #tpu.memory_space<hbm>> -> memref<8x128xf32, #tpu.memory_space<hbm>>
    tpu.enqueue_dma source(%dma_start3A_526 : memref<8x128xf32, #tpu.memory_space<hbm>>) target(%dma_start3A_524 : memref<8x128xf32, #tpu.memory_space<vmem>>) target_semaphore(%arg18 : memref<!tpu.dma_semaphore, #tpu.memory_space<semaphore_mem>>)
    %dma_start3A_527 = arith.constant 1 : i32
    %dma_start3A_528 = arith.constant 0 : i32
    %dma_start3A_529 = arith.constant 0 : i32
    %dma_start3A_530 = arith.constant 0 : i32
    %dma_start3A_531 = tpu.memref_slice %arg12[%dma_start3A_527, %dma_start3A_528, %dma_start3A_529, %dma_start3A_530] : memref<3x4x32x128xf32, #tpu.memory_space<vmem>> -> memref<1x1x8x128xf32, #tpu.memory_space<vmem>>
    %dma_start3A_532 = tpu.memref_squeeze %dma_start3A_531 : memref<1x1x8x128xf32, #tpu.memory_space<vmem>> -> memref<8x128xf32, #tpu.memory_space<vmem>>
    %dma_start3A_533 = arith.constant 0 : i32
    %dma_start3A_534 = tpu.memref_slice %arg6[%dma_start3A_533, %multiple_of3A_512] : memref<32x1000000xf32, #tpu.memory_space<hbm>> -> memref<8x128xf32, #tpu.memory_space<hbm>>
    %dma_start3A_535 = arith.constant 0 : i32
    %dma_start3A_536 = arith.constant 0 : i32
    %dma_start3A_537 = tpu.memref_slice %arg12[%dma_start3A_527, %dma_start3A_528, %dma_start3A_535, %dma_start3A_536] : memref<3x4x32x128xf32, #tpu.memory_space<vmem>> -> memref<1x1x8x128xf32, #tpu.memory_space<vmem>>
    %dma_start3A_538 = tpu.memref_squeeze %dma_start3A_537 : memref<1x1x8x128xf32, #tpu.memory_space<vmem>> -> memref<8x128xf32, #tpu.memory_space<vmem>>
    %dma_start3A_539 = arith.constant 0 : i32
    %dma_start3A_540 = tpu.memref_slice %arg6[%dma_start3A_539, %multiple_of3A_512] : memref<32x1000000xf32, #tpu.memory_space<hbm>> -> memref<8x128xf32, #tpu.memory_space<hbm>>
    tpu.enqueue_dma source(%dma_start3A_540 : memref<8x128xf32, #tpu.memory_space<hbm>>) target(%dma_start3A_538 : memref<8x128xf32, #tpu.memory_space<vmem>>) target_semaphore(%arg18 : memref<!tpu.dma_semaphore, #tpu.memory_space<semaphore_mem>>)
    %dma_start3A_541 = arith.constant 1 : i32
    %dma_start3A_542 = arith.constant 0 : i32
    %dma_start3A_543 = arith.constant 8 : i32
    %dma_start3A_544 = arith.constant 0 : i32
    %dma_start3A_545 = tpu.memref_slice %arg11[%dma_start3A_541, %dma_start3A_542, %dma_start3A_543, %dma_start3A_544] : memref<3x4x32x128xf32, #tpu.memory_space<vmem>> -> memref<1x1x8x128xf32, #tpu.memory_space<vmem>>
    %dma_start3A_546 = tpu.memref_squeeze %dma_start3A_545 : memref<1x1x8x128xf32, #tpu.memory_space<vmem>> -> memref<8x128xf32, #tpu.memory_space<vmem>>
    %dma_start3A_547 = arith.constant 8 : i32
    %dma_start3A_548 = tpu.memref_slice %arg5[%dma_start3A_547, %multiple_of3A_507] : memref<32x1000000xf32, #tpu.memory_space<hbm>> -> memref<8x128xf32, #tpu.memory_space<hbm>>
    %dma_start3A_549 = arith.constant 8 : i32
    %dma_start3A_550 = arith.constant 0 : i32
    %dma_start3A_551 = tpu.memref_slice %arg11[%dma_start3A_541, %dma_start3A_542, %dma_start3A_549, %dma_start3A_550] : memref<3x4x32x128xf32, #tpu.memory_space<vmem>> -> memref<1x1x8x128xf32, #tpu.memory_space<vmem>>
    %dma_start3A_552 = tpu.memref_squeeze %dma_start3A_551 : memref<1x1x8x128xf32, #tpu.memory_space<vmem>> -> memref<8x128xf32, #tpu.memory_space<vmem>>
    %dma_start3A_553 = arith.constant 8 : i32
    %dma_start3A_554 = tpu.memref_slice %arg5[%dma_start3A_553, %multiple_of3A_507] : memref<32x1000000xf32, #tpu.memory_space<hbm>> -> memref<8x128xf32, #tpu.memory_space<hbm>>
    tpu.enqueue_dma source(%dma_start3A_554 : memref<8x128xf32, #tpu.memory_space<hbm>>) target(%dma_start3A_552 : memref<8x128xf32, #tpu.memory_space<vmem>>) target_semaphore(%arg18 : memref<!tpu.dma_semaphore, #tpu.memory_space<semaphore_mem>>)
    %dma_start3A_555 = arith.constant 1 : i32
    %dma_start3A_556 = arith.constant 0 : i32
    %dma_start3A_557 = arith.constant 8 : i32
    %dma_start3A_558 = arith.constant 0 : i32
    %dma_start3A_559 = tpu.memref_slice %arg12[%dma_start3A_555, %dma_start3A_556, %dma_start3A_557, %dma_start3A_558] : memref<3x4x32x128xf32, #tpu.memory_space<vmem>> -> memref<1x1x8x128xf32, #tpu.memory_space<vmem>>
    %dma_start3A_560 = tpu.memref_squeeze %dma_start3A_559 : memref<1x1x8x128xf32, #tpu.memory_space<vmem>> -> memref<8x128xf32, #tpu.memory_space<vmem>>
    %dma_start3A_561 = arith.constant 8 : i32
    %dma_start3A_562 = tpu.memref_slice %arg6[%dma_start3A_561, %multiple_of3A_512] : memref<32x1000000xf32, #tpu.memory_space<hbm>> -> memref<8x128xf32, #tpu.memory_space<hbm>>
    %dma_start3A_563 = arith.constant 8 : i32
    %dma_start3A_564 = arith.constant 0 : i32
    %dma_start3A_565 = tpu.memref_slice %arg12[%dma_start3A_555, %dma_start3A_556, %dma_start3A_563, %dma_start3A_564] : memref<3x4x32x128xf32, #tpu.memory_space<vmem>> -> memref<1x1x8x128xf32, #tpu.memory_space<vmem>>
    %dma_start3A_566 = tpu.memref_squeeze %dma_start3A_565 : memref<1x1x8x128xf32, #tpu.memory_space<vmem>> -> memref<8x128xf32, #tpu.memory_space<vmem>>
    %dma_start3A_567 = arith.constant 8 : i32
    %dma_start3A_568 = tpu.memref_slice %arg6[%dma_start3A_567, %multiple_of3A_512] : memref<32x1000000xf32, #tpu.memory_space<hbm>> -> memref<8x128xf32, #tpu.memory_space<hbm>>
    tpu.enqueue_dma source(%dma_start3A_568 : memref<8x128xf32, #tpu.memory_space<hbm>>) target(%dma_start3A_566 : memref<8x128xf32, #tpu.memory_space<vmem>>) target_semaphore(%arg18 : memref<!tpu.dma_semaphore, #tpu.memory_space<semaphore_mem>>)
    %dma_start3A_569 = arith.constant 1 : i32
    %dma_start3A_570 = arith.constant 0 : i32
    %dma_start3A_571 = arith.constant 16 : i32
    %dma_start3A_572 = arith.constant 0 : i32
    %dma_start3A_573 = tpu.memref_slice %arg11[%dma_start3A_569, %dma_start3A_570, %dma_start3A_571, %dma_start3A_572] : memref<3x4x32x128xf32, #tpu.memory_space<vmem>> -> memref<1x1x8x128xf32, #tpu.memory_space<vmem>>
    %dma_start3A_574 = tpu.memref_squeeze %dma_start3A_573 : memref<1x1x8x128xf32, #tpu.memory_space<vmem>> -> memref<8x128xf32, #tpu.memory_space<vmem>>
    %dma_start3A_575 = arith.constant 16 : i32
    %dma_start3A_576 = tpu.memref_slice %arg5[%dma_start3A_575, %multiple_of3A_507] : memref<32x1000000xf32, #tpu.memory_space<hbm>> -> memref<8x128xf32, #tpu.memory_space<hbm>>
    %dma_start3A_577 = arith.constant 16 : i32
    %dma_start3A_578 = arith.constant 0 : i32
    %dma_start3A_579 = tpu.memref_slice %arg11[%dma_start3A_569, %dma_start3A_570, %dma_start3A_577, %dma_start3A_578] : memref<3x4x32x128xf32, #tpu.memory_space<vmem>> -> memref<1x1x8x128xf32, #tpu.memory_space<vmem>>
    %dma_start3A_580 = tpu.memref_squeeze %dma_start3A_579 : memref<1x1x8x128xf32, #tpu.memory_space<vmem>> -> memref<8x128xf32, #tpu.memory_space<vmem>>
    %dma_start3A_581 = arith.constant 16 : i32
    %dma_start3A_582 = tpu.memref_slice %arg5[%dma_start3A_581, %multiple_of3A_507] : memref<32x1000000xf32, #tpu.memory_space<hbm>> -> memref<8x128xf32, #tpu.memory_space<hbm>>
    tpu.enqueue_dma source(%dma_start3A_582 : memref<8x128xf32, #tpu.memory_space<hbm>>) target(%dma_start3A_580 : memref<8x128xf32, #tpu.memory_space<vmem>>) target_semaphore(%arg18 : memref<!tpu.dma_semaphore, #tpu.memory_space<semaphore_mem>>)
    %dma_start3A_583 = arith.constant 1 : i32
    %dma_start3A_584 = arith.constant 0 : i32
    %dma_start3A_585 = arith.constant 16 : i32
    %dma_start3A_586 = arith.constant 0 : i32
    %dma_start3A_587 = tpu.memref_slice %arg12[%dma_start3A_583, %dma_start3A_584, %dma_start3A_585, %dma_start3A_586] : memref<3x4x32x128xf32, #tpu.memory_space<vmem>> -> memref<1x1x8x128xf32, #tpu.memory_space<vmem>>
    %dma_start3A_588 = tpu.memref_squeeze %dma_start3A_587 : memref<1x1x8x128xf32, #tpu.memory_space<vmem>> -> memref<8x128xf32, #tpu.memory_space<vmem>>
    %dma_start3A_589 = arith.constant 16 : i32
    %dma_start3A_590 = tpu.memref_slice %arg6[%dma_start3A_589, %multiple_of3A_512] : memref<32x1000000xf32, #tpu.memory_space<hbm>> -> memref<8x128xf32, #tpu.memory_space<hbm>>
    %dma_start3A_591 = arith.constant 16 : i32
    %dma_start3A_592 = arith.constant 0 : i32
    %dma_start3A_593 = tpu.memref_slice %arg12[%dma_start3A_583, %dma_start3A_584, %dma_start3A_591, %dma_start3A_592] : memref<3x4x32x128xf32, #tpu.memory_space<vmem>> -> memref<1x1x8x128xf32, #tpu.memory_space<vmem>>
    %dma_start3A_594 = tpu.memref_squeeze %dma_start3A_593 : memref<1x1x8x128xf32, #tpu.memory_space<vmem>> -> memref<8x128xf32, #tpu.memory_space<vmem>>
    %dma_start3A_595 = arith.constant 16 : i32
    %dma_start3A_596 = tpu.memref_slice %arg6[%dma_start3A_595, %multiple_of3A_512] : memref<32x1000000xf32, #tpu.memory_space<hbm>> -> memref<8x128xf32, #tpu.memory_space<hbm>>
    tpu.enqueue_dma source(%dma_start3A_596 : memref<8x128xf32, #tpu.memory_space<hbm>>) target(%dma_start3A_594 : memref<8x128xf32, #tpu.memory_space<vmem>>) target_semaphore(%arg18 : memref<!tpu.dma_semaphore, #tpu.memory_space<semaphore_mem>>)
    %dma_start3A_597 = arith.constant 1 : i32
    %dma_start3A_598 = arith.constant 0 : i32
    %dma_start3A_599 = arith.constant 24 : i32
    %dma_start3A_600 = arith.constant 0 : i32
    %dma_start3A_601 = tpu.memref_slice %arg11[%dma_start3A_597, %dma_start3A_598, %dma_start3A_599, %dma_start3A_600] : memref<3x4x32x128xf32, #tpu.memory_space<vmem>> -> memref<1x1x8x128xf32, #tpu.memory_space<vmem>>
    %dma_start3A_602 = tpu.memref_squeeze %dma_start3A_601 : memref<1x1x8x128xf32, #tpu.memory_space<vmem>> -> memref<8x128xf32, #tpu.memory_space<vmem>>
    %dma_start3A_603 = arith.constant 24 : i32
    %dma_start3A_604 = tpu.memref_slice %arg5[%dma_start3A_603, %multiple_of3A_507] : memref<32x1000000xf32, #tpu.memory_space<hbm>> -> memref<8x128xf32, #tpu.memory_space<hbm>>
    %dma_start3A_605 = arith.constant 24 : i32
    %dma_start3A_606 = arith.constant 0 : i32
    %dma_start3A_607 = tpu.memref_slice %arg11[%dma_start3A_597, %dma_start3A_598, %dma_start3A_605, %dma_start3A_606] : memref<3x4x32x128xf32, #tpu.memory_space<vmem>> -> memref<1x1x8x128xf32, #tpu.memory_space<vmem>>
    %dma_start3A_608 = tpu.memref_squeeze %dma_start3A_607 : memref<1x1x8x128xf32, #tpu.memory_space<vmem>> -> memref<8x128xf32, #tpu.memory_space<vmem>>
    %dma_start3A_609 = arith.constant 24 : i32
    %dma_start3A_610 = tpu.memref_slice %arg5[%dma_start3A_609, %multiple_of3A_507] : memref<32x1000000xf32, #tpu.memory_space<hbm>> -> memref<8x128xf32, #tpu.memory_space<hbm>>
    tpu.enqueue_dma source(%dma_start3A_610 : memref<8x128xf32, #tpu.memory_space<hbm>>) target(%dma_start3A_608 : memref<8x128xf32, #tpu.memory_space<vmem>>) target_semaphore(%arg18 : memref<!tpu.dma_semaphore, #tpu.memory_space<semaphore_mem>>)
    %dma_start3A_611 = arith.constant 1 : i32
    %dma_start3A_612 = arith.constant 0 : i32
    %dma_start3A_613 = arith.constant 24 : i32
    %dma_start3A_614 = arith.constant 0 : i32
    %dma_start3A_615 = tpu.memref_slice %arg12[%dma_start3A_611, %dma_start3A_612, %dma_start3A_613, %dma_start3A_614] : memref<3x4x32x128xf32, #tpu.memory_space<vmem>> -> memref<1x1x8x128xf32, #tpu.memory_space<vmem>>
    %dma_start3A_616 = tpu.memref_squeeze %dma_start3A_615 : memref<1x1x8x128xf32, #tpu.memory_space<vmem>> -> memref<8x128xf32, #tpu.memory_space<vmem>>
    %dma_start3A_617 = arith.constant 24 : i32
    %dma_start3A_618 = tpu.memref_slice %arg6[%dma_start3A_617, %multiple_of3A_512] : memref<32x1000000xf32, #tpu.memory_space<hbm>> -> memref<8x128xf32, #tpu.memory_space<hbm>>
    %dma_start3A_619 = arith.constant 24 : i32
    %dma_start3A_620 = arith.constant 0 : i32
    %dma_start3A_621 = tpu.memref_slice %arg12[%dma_start3A_611, %dma_start3A_612, %dma_start3A_619, %dma_start3A_620] : memref<3x4x32x128xf32, #tpu.memory_space<vmem>> -> memref<1x1x8x128xf32, #tpu.memory_space<vmem>>
    %dma_start3A_622 = tpu.memref_squeeze %dma_start3A_621 : memref<1x1x8x128xf32, #tpu.memory_space<vmem>> -> memref<8x128xf32, #tpu.memory_space<vmem>>
    %dma_start3A_623 = arith.constant 24 : i32
    %dma_start3A_624 = tpu.memref_slice %arg6[%dma_start3A_623, %multiple_of3A_512] : memref<32x1000000xf32, #tpu.memory_space<hbm>> -> memref<8x128xf32, #tpu.memory_space<hbm>>
    tpu.enqueue_dma source(%dma_start3A_624 : memref<8x128xf32, #tpu.memory_space<hbm>>) target(%dma_start3A_622 : memref<8x128xf32, #tpu.memory_space<vmem>>) target_semaphore(%arg18 : memref<!tpu.dma_semaphore, #tpu.memory_space<semaphore_mem>>)
    %slice3A_625 = vector.extract_strided_slice %shift_right_arithmetic3A_497 {offsets = [1], sizes = [1], strides = [1]} : vector<16xi32> to vector<1xi32>
    %squeeze3A_626 = vector.extract %slice3A_625[0] : i32 from vector<1xi32>
    %shift_left3A_627 = arith.constant 7 : i32
    %shift_left3A_628 = arith.shli %squeeze3A_626, %shift_left3A_627 : i32
    %multiple_of3A_629 = tpu.assume_multiple %shift_left3A_628, 128 : i32
    %slice3A_630 = vector.extract_strided_slice %shift_right_arithmetic3A_502 {offsets = [1], sizes = [1], strides = [1]} : vector<16xi32> to vector<1xi32>
    %squeeze3A_631 = vector.extract %slice3A_630[0] : i32 from vector<1xi32>
    %shift_left3A_632 = arith.constant 7 : i32
    %shift_left3A_633 = arith.shli %squeeze3A_631, %shift_left3A_632 : i32
    %multiple_of3A_634 = tpu.assume_multiple %shift_left3A_633, 128 : i32
    %dma_start3A_635 = arith.constant 1 : i32
    %dma_start3A_636 = arith.constant 1 : i32
    %dma_start3A_637 = arith.constant 0 : i32
    %dma_start3A_638 = arith.constant 0 : i32
    %dma_start3A_639 = tpu.memref_slice %arg11[%dma_start3A_635, %dma_start3A_636, %dma_start3A_637, %dma_start3A_638] : memref<3x4x32x128xf32, #tpu.memory_space<vmem>> -> memref<1x1x8x128xf32, #tpu.memory_space<vmem>>
    %dma_start3A_640 = tpu.memref_squeeze %dma_start3A_639 : memref<1x1x8x128xf32, #tpu.memory_space<vmem>> -> memref<8x128xf32, #tpu.memory_space<vmem>>
    %dma_start3A_641 = arith.constant 0 : i32
    %dma_start3A_642 = tpu.memref_slice %arg5[%dma_start3A_641, %multiple_of3A_629] : memref<32x1000000xf32, #tpu.memory_space<hbm>> -> memref<8x128xf32, #tpu.memory_space<hbm>>
    %dma_start3A_643 = arith.constant 0 : i32
    %dma_start3A_644 = arith.constant 0 : i32
    %dma_start3A_645 = tpu.memref_slice %arg11[%dma_start3A_635, %dma_start3A_636, %dma_start3A_643, %dma_start3A_644] : memref<3x4x32x128xf32, #tpu.memory_space<vmem>> -> memref<1x1x8x128xf32, #tpu.memory_space<vmem>>
    %dma_start3A_646 = tpu.memref_squeeze %dma_start3A_645 : memref<1x1x8x128xf32, #tpu.memory_space<vmem>> -> memref<8x128xf32, #tpu.memory_space<vmem>>
    %dma_start3A_647 = arith.constant 0 : i32
    %dma_start3A_648 = tpu.memref_slice %arg5[%dma_start3A_647, %multiple_of3A_629] : memref<32x1000000xf32, #tpu.memory_space<hbm>> -> memref<8x128xf32, #tpu.memory_space<hbm>>
    tpu.enqueue_dma source(%dma_start3A_648 : memref<8x128xf32, #tpu.memory_space<hbm>>) target(%dma_start3A_646 : memref<8x128xf32, #tpu.memory_space<vmem>>) target_semaphore(%arg18 : memref<!tpu.dma_semaphore, #tpu.memory_space<semaphore_mem>>)
    %dma_start3A_649 = arith.constant 1 : i32
    %dma_start3A_650 = arith.constant 1 : i32
    %dma_start3A_651 = arith.constant 0 : i32
    %dma_start3A_652 = arith.constant 0 : i32
    %dma_start3A_653 = tpu.memref_slice %arg12[%dma_start3A_649, %dma_start3A_650, %dma_start3A_651, %dma_start3A_652] : memref<3x4x32x128xf32, #tpu.memory_space<vmem>> -> memref<1x1x8x128xf32, #tpu.memory_space<vmem>>
    %dma_start3A_654 = tpu.memref_squeeze %dma_start3A_653 : memref<1x1x8x128xf32, #tpu.memory_space<vmem>> -> memref<8x128xf32, #tpu.memory_space<vmem>>
    %dma_start3A_655 = arith.constant 0 : i32
    %dma_start3A_656 = tpu.memref_slice %arg6[%dma_start3A_655, %multiple_of3A_634] : memref<32x1000000xf32, #tpu.memory_space<hbm>> -> memref<8x128xf32, #tpu.memory_space<hbm>>
    %dma_start3A_657 = arith.constant 0 : i32
    %dma_start3A_658 = arith.constant 0 : i32
    %dma_start3A_659 = tpu.memref_slice %arg12[%dma_start3A_649, %dma_start3A_650, %dma_start3A_657, %dma_start3A_658] : memref<3x4x32x128xf32, #tpu.memory_space<vmem>> -> memref<1x1x8x128xf32, #tpu.memory_space<vmem>>
    %dma_start3A_660 = tpu.memref_squeeze %dma_start3A_659 : memref<1x1x8x128xf32, #tpu.memory_space<vmem>> -> memref<8x128xf32, #tpu.memory_space<vmem>>
    %dma_start3A_661 = arith.constant 0 : i32
    %dma_start3A_662 = tpu.memref_slice %arg6[%dma_start3A_661, %multiple_of3A_634] : memref<32x1000000xf32, #tpu.memory_space<hbm>> -> memref<8x128xf32, #tpu.memory_space<hbm>>
    tpu.enqueue_dma source(%dma_start3A_662 : memref<8x128xf32, #tpu.memory_space<hbm>>) target(%dma_start3A_660 : memref<8x128xf32, #tpu.memory_space<vmem>>) target_semaphore(%arg18 : memref<!tpu.dma_semaphore, #tpu.memory_space<semaphore_mem>>)
    %dma_start3A_663 = arith.constant 1 : i32
    %dma_start3A_664 = arith.constant 1 : i32
    %dma_start3A_665 = arith.constant 8 : i32
    %dma_start3A_666 = arith.constant 0 : i32
    %dma_start3A_667 = tpu.memref_slice %arg11[%dma_start3A_663, %dma_start3A_664, %dma_start3A_665, %dma_start3A_666] : memref<3x4x32x128xf32, #tpu.memory_space<vmem>> -> memref<1x1x8x128xf32, #tpu.memory_space<vmem>>
    %dma_start3A_668 = tpu.memref_squeeze %dma_start3A_667 : memref<1x1x8x128xf32, #tpu.memory_space<vmem>> -> memref<8x128xf32, #tpu.memory_space<vmem>>
    %dma_start3A_669 = arith.constant 8 : i32
    %dma_start3A_670 = tpu.memref_slice %arg5[%dma_start3A_669, %multiple_of3A_629] : memref<32x1000000xf32, #tpu.memory_space<hbm>> -> memref<8x128xf32, #tpu.memory_space<hbm>>
    %dma_start3A_671 = arith.constant 8 : i32
    %dma_start3A_672 = arith.constant 0 : i32
    %dma_start3A_673 = tpu.memref_slice %arg11[%dma_start3A_663, %dma_start3A_664, %dma_start3A_671, %dma_start3A_672] : memref<3x4x32x128xf32, #tpu.memory_space<vmem>> -> memref<1x1x8x128xf32, #tpu.memory_space<vmem>>
    %dma_start3A_674 = tpu.memref_squeeze %dma_start3A_673 : memref<1x1x8x128xf32, #tpu.memory_space<vmem>> -> memref<8x128xf32, #tpu.memory_space<vmem>>
    %dma_start3A_675 = arith.constant 8 : i32
    %dma_start3A_676 = tpu.memref_slice %arg5[%dma_start3A_675, %multiple_of3A_629] : memref<32x1000000xf32, #tpu.memory_space<hbm>> -> memref<8x128xf32, #tpu.memory_space<hbm>>
    tpu.enqueue_dma source(%dma_start3A_676 : memref<8x128xf32, #tpu.memory_space<hbm>>) target(%dma_start3A_674 : memref<8x128xf32, #tpu.memory_space<vmem>>) target_semaphore(%arg18 : memref<!tpu.dma_semaphore, #tpu.memory_space<semaphore_mem>>)
    %dma_start3A_677 = arith.constant 1 : i32
    %dma_start3A_678 = arith.constant 1 : i32
    %dma_start3A_679 = arith.constant 8 : i32
    %dma_start3A_680 = arith.constant 0 : i32
    %dma_start3A_681 = tpu.memref_slice %arg12[%dma_start3A_677, %dma_start3A_678, %dma_start3A_679, %dma_start3A_680] : memref<3x4x32x128xf32, #tpu.memory_space<vmem>> -> memref<1x1x8x128xf32, #tpu.memory_space<vmem>>
    %dma_start3A_682 = tpu.memref_squeeze %dma_start3A_681 : memref<1x1x8x128xf32, #tpu.memory_space<vmem>> -> memref<8x128xf32, #tpu.memory_space<vmem>>
    %dma_start3A_683 = arith.constant 8 : i32
    %dma_start3A_684 = tpu.memref_slice %arg6[%dma_start3A_683, %multiple_of3A_634] : memref<32x1000000xf32, #tpu.memory_space<hbm>> -> memref<8x128xf32, #tpu.memory_space<hbm>>
    %dma_start3A_685 = arith.constant 8 : i32
    %dma_start3A_686 = arith.constant 0 : i32
    %dma_start3A_687 = tpu.memref_slice %arg12[%dma_start3A_677, %dma_start3A_678, %dma_start3A_685, %dma_start3A_686] : memref<3x4x32x128xf32, #tpu.memory_space<vmem>> -> memref<1x1x8x128xf32, #tpu.memory_space<vmem>>
    %dma_start3A_688 = tpu.memref_squeeze %dma_start3A_687 : memref<1x1x8x128xf32, #tpu.memory_space<vmem>> -> memref<8x128xf32, #tpu.memory_space<vmem>>
    %dma_start3A_689 = arith.constant 8 : i32
    %dma_start3A_690 = tpu.memref_slice %arg6[%dma_start3A_689, %multiple_of3A_634] : memref<32x1000000xf32, #tpu.memory_space<hbm>> -> memref<8x128xf32, #tpu.memory_space<hbm>>
    tpu.enqueue_dma source(%dma_start3A_690 : memref<8x128xf32, #tpu.memory_space<hbm>>) target(%dma_start3A_688 : memref<8x128xf32, #tpu.memory_space<vmem>>) target_semaphore(%arg18 : memref<!tpu.dma_semaphore, #tpu.memory_space<semaphore_mem>>)
    %dma_start3A_691 = arith.constant 1 : i32
    %dma_start3A_692 = arith.constant 1 : i32
    %dma_start3A_693 = arith.constant 16 : i32
    %dma_start3A_694 = arith.constant 0 : i32
    %dma_start3A_695 = tpu.memref_slice %arg11[%dma_start3A_691, %dma_start3A_692, %dma_start3A_693, %dma_start3A_694] : memref<3x4x32x128xf32, #tpu.memory_space<vmem>> -> memref<1x1x8x128xf32, #tpu.memory_space<vmem>>
    %dma_start3A_696 = tpu.memref_squeeze %dma_start3A_695 : memref<1x1x8x128xf32, #tpu.memory_space<vmem>> -> memref<8x128xf32, #tpu.memory_space<vmem>>
    %dma_start3A_697 = arith.constant 16 : i32
    %dma_start3A_698 = tpu.memref_slice %arg5[%dma_start3A_697, %multiple_of3A_629] : memref<32x1000000xf32, #tpu.memory_space<hbm>> -> memref<8x128xf32, #tpu.memory_space<hbm>>
    %dma_start3A_699 = arith.constant 16 : i32
    %dma_start3A_700 = arith.constant 0 : i32
    %dma_start3A_701 = tpu.memref_slice %arg11[%dma_start3A_691, %dma_start3A_692, %dma_start3A_699, %dma_start3A_700] : memref<3x4x32x128xf32, #tpu.memory_space<vmem>> -> memref<1x1x8x128xf32, #tpu.memory_space<vmem>>
    %dma_start3A_702 = tpu.memref_squeeze %dma_start3A_701 : memref<1x1x8x128xf32, #tpu.memory_space<vmem>> -> memref<8x128xf32, #tpu.memory_space<vmem>>
    %dma_start3A_703 = arith.constant 16 : i32
    %dma_start3A_704 = tpu.memref_slice %arg5[%dma_start3A_703, %multiple_of3A_629] : memref<32x1000000xf32, #tpu.memory_space<hbm>> -> memref<8x128xf32, #tpu.memory_space<hbm>>
    tpu.enqueue_dma source(%dma_start3A_704 : memref<8x128xf32, #tpu.memory_space<hbm>>) target(%dma_start3A_702 : memref<8x128xf32, #tpu.memory_space<vmem>>) target_semaphore(%arg18 : memref<!tpu.dma_semaphore, #tpu.memory_space<semaphore_mem>>)
    %dma_start3A_705 = arith.constant 1 : i32
    %dma_start3A_706 = arith.constant 1 : i32
    %dma_start3A_707 = arith.constant 16 : i32
    %dma_start3A_708 = arith.constant 0 : i32
    %dma_start3A_709 = tpu.memref_slice %arg12[%dma_start3A_705, %dma_start3A_706, %dma_start3A_707, %dma_start3A_708] : memref<3x4x32x128xf32, #tpu.memory_space<vmem>> -> memref<1x1x8x128xf32, #tpu.memory_space<vmem>>
    %dma_start3A_710 = tpu.memref_squeeze %dma_start3A_709 : memref<1x1x8x128xf32, #tpu.memory_space<vmem>> -> memref<8x128xf32, #tpu.memory_space<vmem>>
    %dma_start3A_711 = arith.constant 16 : i32
    %dma_start3A_712 = tpu.memref_slice %arg6[%dma_start3A_711, %multiple_of3A_634] : memref<32x1000000xf32, #tpu.memory_space<hbm>> -> memref<8x128xf32, #tpu.memory_space<hbm>>
    %dma_start3A_713 = arith.constant 16 : i32
    %dma_start3A_714 = arith.constant 0 : i32
    %dma_start3A_715 = tpu.memref_slice %arg12[%dma_start3A_705, %dma_start3A_706, %dma_start3A_713, %dma_start3A_714] : memref<3x4x32x128xf32, #tpu.memory_space<vmem>> -> memref<1x1x8x128xf32, #tpu.memory_space<vmem>>
    %dma_start3A_716 = tpu.memref_squeeze %dma_start3A_715 : memref<1x1x8x128xf32, #tpu.memory_space<vmem>> -> memref<8x128xf32, #tpu.memory_space<vmem>>
    %dma_start3A_717 = arith.constant 16 : i32
    %dma_start3A_718 = tpu.memref_slice %arg6[%dma_start3A_717, %multiple_of3A_634] : memref<32x1000000xf32, #tpu.memory_space<hbm>> -> memref<8x128xf32, #tpu.memory_space<hbm>>
    tpu.enqueue_dma source(%dma_start3A_718 : memref<8x128xf32, #tpu.memory_space<hbm>>) target(%dma_start3A_716 : memref<8x128xf32, #tpu.memory_space<vmem>>) target_semaphore(%arg18 : memref<!tpu.dma_semaphore, #tpu.memory_space<semaphore_mem>>)
    %dma_start3A_719 = arith.constant 1 : i32
    %dma_start3A_720 = arith.constant 1 : i32
    %dma_start3A_721 = arith.constant 24 : i32
    %dma_start3A_722 = arith.constant 0 : i32
    %dma_start3A_723 = tpu.memref_slice %arg11[%dma_start3A_719, %dma_start3A_720, %dma_start3A_721, %dma_start3A_722] : memref<3x4x32x128xf32, #tpu.memory_space<vmem>> -> memref<1x1x8x128xf32, #tpu.memory_space<vmem>>
    %dma_start3A_724 = tpu.memref_squeeze %dma_start3A_723 : memref<1x1x8x128xf32, #tpu.memory_space<vmem>> -> memref<8x128xf32, #tpu.memory_space<vmem>>
    %dma_start3A_725 = arith.constant 24 : i32
    %dma_start3A_726 = tpu.memref_slice %arg5[%dma_start3A_725, %multiple_of3A_629] : memref<32x1000000xf32, #tpu.memory_space<hbm>> -> memref<8x128xf32, #tpu.memory_space<hbm>>
    %dma_start3A_727 = arith.constant 24 : i32
    %dma_start3A_728 = arith.constant 0 : i32
    %dma_start3A_729 = tpu.memref_slice %arg11[%dma_start3A_719, %dma_start3A_720, %dma_start3A_727, %dma_start3A_728] : memref<3x4x32x128xf32, #tpu.memory_space<vmem>> -> memref<1x1x8x128xf32, #tpu.memory_space<vmem>>
    %dma_start3A_730 = tpu.memref_squeeze %dma_start3A_729 : memref<1x1x8x128xf32, #tpu.memory_space<vmem>> -> memref<8x128xf32, #tpu.memory_space<vmem>>
    %dma_start3A_731 = arith.constant 24 : i32
    %dma_start3A_732 = tpu.memref_slice %arg5[%dma_start3A_731, %multiple_of3A_629] : memref<32x1000000xf32, #tpu.memory_space<hbm>> -> memref<8x128xf32, #tpu.memory_space<hbm>>
    tpu.enqueue_dma source(%dma_start3A_732 : memref<8x128xf32, #tpu.memory_space<hbm>>) target(%dma_start3A_730 : memref<8x128xf32, #tpu.memory_space<vmem>>) target_semaphore(%arg18 : memref<!tpu.dma_semaphore, #tpu.memory_space<semaphore_mem>>)
    %dma_start3A_733 = arith.constant 1 : i32
    %dma_start3A_734 = arith.constant 1 : i32
    %dma_start3A_735 = arith.constant 24 : i32
    %dma_start3A_736 = arith.constant 0 : i32
    %dma_start3A_737 = tpu.memref_slice %arg12[%dma_start3A_733, %dma_start3A_734, %dma_start3A_735, %dma_start3A_736] : memref<3x4x32x128xf32, #tpu.memory_space<vmem>> -> memref<1x1x8x128xf32, #tpu.memory_space<vmem>>
    %dma_start3A_738 = tpu.memref_squeeze %dma_start3A_737 : memref<1x1x8x128xf32, #tpu.memory_space<vmem>> -> memref<8x128xf32, #tpu.memory_space<vmem>>
    %dma_start3A_739 = arith.constant 24 : i32
    %dma_start3A_740 = tpu.memref_slice %arg6[%dma_start3A_739, %multiple_of3A_634] : memref<32x1000000xf32, #tpu.memory_space<hbm>> -> memref<8x128xf32, #tpu.memory_space<hbm>>
    %dma_start3A_741 = arith.constant 24 : i32
    %dma_start3A_742 = arith.constant 0 : i32
    %dma_start3A_743 = tpu.memref_slice %arg12[%dma_start3A_733, %dma_start3A_734, %dma_start3A_741, %dma_start3A_742] : memref<3x4x32x128xf32, #tpu.memory_space<vmem>> -> memref<1x1x8x128xf32, #tpu.memory_space<vmem>>
    %dma_start3A_744 = tpu.memref_squeeze %dma_start3A_743 : memref<1x1x8x128xf32, #tpu.memory_space<vmem>> -> memref<8x128xf32, #tpu.memory_space<vmem>>
    %dma_start3A_745 = arith.constant 24 : i32
    %dma_start3A_746 = tpu.memref_slice %arg6[%dma_start3A_745, %multiple_of3A_634] : memref<32x1000000xf32, #tpu.memory_space<hbm>> -> memref<8x128xf32, #tpu.memory_space<hbm>>
    tpu.enqueue_dma source(%dma_start3A_746 : memref<8x128xf32, #tpu.memory_space<hbm>>) target(%dma_start3A_744 : memref<8x128xf32, #tpu.memory_space<vmem>>) target_semaphore(%arg18 : memref<!tpu.dma_semaphore, #tpu.memory_space<semaphore_mem>>)
    %slice3A_747 = vector.extract_strided_slice %shift_right_arithmetic3A_497 {offsets = [2], sizes = [1], strides = [1]} : vector<16xi32> to vector<1xi32>
    %squeeze3A_748 = vector.extract %slice3A_747[0] : i32 from vector<1xi32>
    %shift_left3A_749 = arith.constant 7 : i32
    %shift_left3A_750 = arith.shli %squeeze3A_748, %shift_left3A_749 : i32
    %multiple_of3A_751 = tpu.assume_multiple %shift_left3A_750, 128 : i32
    %slice3A_752 = vector.extract_strided_slice %shift_right_arithmetic3A_502 {offsets = [2], sizes = [1], strides = [1]} : vector<16xi32> to vector<1xi32>
    %squeeze3A_753 = vector.extract %slice3A_752[0] : i32 from vector<1xi32>
    %shift_left3A_754 = arith.constant 7 : i32
    %shift_left3A_755 = arith.shli %squeeze3A_753, %shift_left3A_754 : i32
    %multiple_of3A_756 = tpu.assume_multiple %shift_left3A_755, 128 : i32
    %dma_start3A_757 = arith.constant 1 : i32
    %dma_start3A_758 = arith.constant 2 : i32
    %dma_start3A_759 = arith.constant 0 : i32
    %dma_start3A_760 = arith.constant 0 : i32
    %dma_start3A_761 = tpu.memref_slice %arg11[%dma_start3A_757, %dma_start3A_758, %dma_start3A_759, %dma_start3A_760] : memref<3x4x32x128xf32, #tpu.memory_space<vmem>> -> memref<1x1x8x128xf32, #tpu.memory_space<vmem>>
    %dma_start3A_762 = tpu.memref_squeeze %dma_start3A_761 : memref<1x1x8x128xf32, #tpu.memory_space<vmem>> -> memref<8x128xf32, #tpu.memory_space<vmem>>
    %dma_start3A_763 = arith.constant 0 : i32
    %dma_start3A_764 = tpu.memref_slice %arg5[%dma_start3A_763, %multiple_of3A_751] : memref<32x1000000xf32, #tpu.memory_space<hbm>> -> memref<8x128xf32, #tpu.memory_space<hbm>>
    %dma_start3A_765 = arith.constant 0 : i32
    %dma_start3A_766 = arith.constant 0 : i32
    %dma_start3A_767 = tpu.memref_slice %arg11[%dma_start3A_757, %dma_start3A_758, %dma_start3A_765, %dma_start3A_766] : memref<3x4x32x128xf32, #tpu.memory_space<vmem>> -> memref<1x1x8x128xf32, #tpu.memory_space<vmem>>
    %dma_start3A_768 = tpu.memref_squeeze %dma_start3A_767 : memref<1x1x8x128xf32, #tpu.memory_space<vmem>> -> memref<8x128xf32, #tpu.memory_space<vmem>>
    %dma_start3A_769 = arith.constant 0 : i32
    %dma_start3A_770 = tpu.memref_slice %arg5[%dma_start3A_769, %multiple_of3A_751] : memref<32x1000000xf32, #tpu.memory_space<hbm>> -> memref<8x128xf32, #tpu.memory_space<hbm>>
    tpu.enqueue_dma source(%dma_start3A_770 : memref<8x128xf32, #tpu.memory_space<hbm>>) target(%dma_start3A_768 : memref<8x128xf32, #tpu.memory_space<vmem>>) target_semaphore(%arg18 : memref<!tpu.dma_semaphore, #tpu.memory_space<semaphore_mem>>)
    %dma_start3A_771 = arith.constant 1 : i32
    %dma_start3A_772 = arith.constant 2 : i32
    %dma_start3A_773 = arith.constant 0 : i32
    %dma_start3A_774 = arith.constant 0 : i32
    %dma_start3A_775 = tpu.memref_slice %arg12[%dma_start3A_771, %dma_start3A_772, %dma_start3A_773, %dma_start3A_774] : memref<3x4x32x128xf32, #tpu.memory_space<vmem>> -> memref<1x1x8x128xf32, #tpu.memory_space<vmem>>
    %dma_start3A_776 = tpu.memref_squeeze %dma_start3A_775 : memref<1x1x8x128xf32, #tpu.memory_space<vmem>> -> memref<8x128xf32, #tpu.memory_space<vmem>>
    %dma_start3A_777 = arith.constant 0 : i32
    %dma_start3A_778 = tpu.memref_slice %arg6[%dma_start3A_777, %multiple_of3A_756] : memref<32x1000000xf32, #tpu.memory_space<hbm>> -> memref<8x128xf32, #tpu.memory_space<hbm>>
    %dma_start3A_779 = arith.constant 0 : i32
    %dma_start3A_780 = arith.constant 0 : i32
    %dma_start3A_781 = tpu.memref_slice %arg12[%dma_start3A_771, %dma_start3A_772, %dma_start3A_779, %dma_start3A_780] : memref<3x4x32x128xf32, #tpu.memory_space<vmem>> -> memref<1x1x8x128xf32, #tpu.memory_space<vmem>>
    %dma_start3A_782 = tpu.memref_squeeze %dma_start3A_781 : memref<1x1x8x128xf32, #tpu.memory_space<vmem>> -> memref<8x128xf32, #tpu.memory_space<vmem>>
    %dma_start3A_783 = arith.constant 0 : i32
    %dma_start3A_784 = tpu.memref_slice %arg6[%dma_start3A_783, %multiple_of3A_756] : memref<32x1000000xf32, #tpu.memory_space<hbm>> -> memref<8x128xf32, #tpu.memory_space<hbm>>
    tpu.enqueue_dma source(%dma_start3A_784 : memref<8x128xf32, #tpu.memory_space<hbm>>) target(%dma_start3A_782 : memref<8x128xf32, #tpu.memory_space<vmem>>) target_semaphore(%arg18 : memref<!tpu.dma_semaphore, #tpu.memory_space<semaphore_mem>>)
    %dma_start3A_785 = arith.constant 1 : i32
    %dma_start3A_786 = arith.constant 2 : i32
    %dma_start3A_787 = arith.constant 8 : i32
    %dma_start3A_788 = arith.constant 0 : i32
    %dma_start3A_789 = tpu.memref_slice %arg11[%dma_start3A_785, %dma_start3A_786, %dma_start3A_787, %dma_start3A_788] : memref<3x4x32x128xf32, #tpu.memory_space<vmem>> -> memref<1x1x8x128xf32, #tpu.memory_space<vmem>>
    %dma_start3A_790 = tpu.memref_squeeze %dma_start3A_789 : memref<1x1x8x128xf32, #tpu.memory_space<vmem>> -> memref<8x128xf32, #tpu.memory_space<vmem>>
    %dma_start3A_791 = arith.constant 8 : i32
    %dma_start3A_792 = tpu.memref_slice %arg5[%dma_start3A_791, %multiple_of3A_751] : memref<32x1000000xf32, #tpu.memory_space<hbm>> -> memref<8x128xf32, #tpu.memory_space<hbm>>
    %dma_start3A_793 = arith.constant 8 : i32
    %dma_start3A_794 = arith.constant 0 : i32
    %dma_start3A_795 = tpu.memref_slice %arg11[%dma_start3A_785, %dma_start3A_786, %dma_start3A_793, %dma_start3A_794] : memref<3x4x32x128xf32, #tpu.memory_space<vmem>> -> memref<1x1x8x128xf32, #tpu.memory_space<vmem>>
    %dma_start3A_796 = tpu.memref_squeeze %dma_start3A_795 : memref<1x1x8x128xf32, #tpu.memory_space<vmem>> -> memref<8x128xf32, #tpu.memory_space<vmem>>
    %dma_start3A_797 = arith.constant 8 : i32
    %dma_start3A_798 = tpu.memref_slice %arg5[%dma_start3A_797, %multiple_of3A_751] : memref<32x1000000xf32, #tpu.memory_space<hbm>> -> memref<8x128xf32, #tpu.memory_space<hbm>>
    tpu.enqueue_dma source(%dma_start3A_798 : memref<8x128xf32, #tpu.memory_space<hbm>>) target(%dma_start3A_796 : memref<8x128xf32, #tpu.memory_space<vmem>>) target_semaphore(%arg18 : memref<!tpu.dma_semaphore, #tpu.memory_space<semaphore_mem>>)
    %dma_start3A_799 = arith.constant 1 : i32
    %dma_start3A_800 = arith.constant 2 : i32
    %dma_start3A_801 = arith.constant 8 : i32
    %dma_start3A_802 = arith.constant 0 : i32
    %dma_start3A_803 = tpu.memref_slice %arg12[%dma_start3A_799, %dma_start3A_800, %dma_start3A_801, %dma_start3A_802] : memref<3x4x32x128xf32, #tpu.memory_space<vmem>> -> memref<1x1x8x128xf32, #tpu.memory_space<vmem>>
    %dma_start3A_804 = tpu.memref_squeeze %dma_start3A_803 : memref<1x1x8x128xf32, #tpu.memory_space<vmem>> -> memref<8x128xf32, #tpu.memory_space<vmem>>
    %dma_start3A_805 = arith.constant 8 : i32
    %dma_start3A_806 = tpu.memref_slice %arg6[%dma_start3A_805, %multiple_of3A_756] : memref<32x1000000xf32, #tpu.memory_space<hbm>> -> memref<8x128xf32, #tpu.memory_space<hbm>>
    %dma_start3A_807 = arith.constant 8 : i32
    %dma_start3A_808 = arith.constant 0 : i32
    %dma_start3A_809 = tpu.memref_slice %arg12[%dma_start3A_799, %dma_start3A_800, %dma_start3A_807, %dma_start3A_808] : memref<3x4x32x128xf32, #tpu.memory_space<vmem>> -> memref<1x1x8x128xf32, #tpu.memory_space<vmem>>
    %dma_start3A_810 = tpu.memref_squeeze %dma_start3A_809 : memref<1x1x8x128xf32, #tpu.memory_space<vmem>> -> memref<8x128xf32, #tpu.memory_space<vmem>>
    %dma_start3A_811 = arith.constant 8 : i32
    %dma_start3A_812 = tpu.memref_slice %arg6[%dma_start3A_811, %multiple_of3A_756] : memref<32x1000000xf32, #tpu.memory_space<hbm>> -> memref<8x128xf32, #tpu.memory_space<hbm>>
    tpu.enqueue_dma source(%dma_start3A_812 : memref<8x128xf32, #tpu.memory_space<hbm>>) target(%dma_start3A_810 : memref<8x128xf32, #tpu.memory_space<vmem>>) target_semaphore(%arg18 : memref<!tpu.dma_semaphore, #tpu.memory_space<semaphore_mem>>)
    %dma_start3A_813 = arith.constant 1 : i32
    %dma_start3A_814 = arith.constant 2 : i32
    %dma_start3A_815 = arith.constant 16 : i32
    %dma_start3A_816 = arith.constant 0 : i32
    %dma_start3A_817 = tpu.memref_slice %arg11[%dma_start3A_813, %dma_start3A_814, %dma_start3A_815, %dma_start3A_816] : memref<3x4x32x128xf32, #tpu.memory_space<vmem>> -> memref<1x1x8x128xf32, #tpu.memory_space<vmem>>
    %dma_start3A_818 = tpu.memref_squeeze %dma_start3A_817 : memref<1x1x8x128xf32, #tpu.memory_space<vmem>> -> memref<8x128xf32, #tpu.memory_space<vmem>>
    %dma_start3A_819 = arith.constant 16 : i32
    %dma_start3A_820 = tpu.memref_slice %arg5[%dma_start3A_819, %multiple_of3A_751] : memref<32x1000000xf32, #tpu.memory_space<hbm>> -> memref<8x128xf32, #tpu.memory_space<hbm>>
    %dma_start3A_821 = arith.constant 16 : i32
    %dma_start3A_822 = arith.constant 0 : i32
    %dma_start3A_823 = tpu.memref_slice %arg11[%dma_start3A_813, %dma_start3A_814, %dma_start3A_821, %dma_start3A_822] : memref<3x4x32x128xf32, #tpu.memory_space<vmem>> -> memref<1x1x8x128xf32, #tpu.memory_space<vmem>>
    %dma_start3A_824 = tpu.memref_squeeze %dma_start3A_823 : memref<1x1x8x128xf32, #tpu.memory_space<vmem>> -> memref<8x128xf32, #tpu.memory_space<vmem>>
    %dma_start3A_825 = arith.constant 16 : i32
    %dma_start3A_826 = tpu.memref_slice %arg5[%dma_start3A_825, %multiple_of3A_751] : memref<32x1000000xf32, #tpu.memory_space<hbm>> -> memref<8x128xf32, #tpu.memory_space<hbm>>
    tpu.enqueue_dma source(%dma_start3A_826 : memref<8x128xf32, #tpu.memory_space<hbm>>) target(%dma_start3A_824 : memref<8x128xf32, #tpu.memory_space<vmem>>) target_semaphore(%arg18 : memref<!tpu.dma_semaphore, #tpu.memory_space<semaphore_mem>>)
    %dma_start3A_827 = arith.constant 1 : i32
    %dma_start3A_828 = arith.constant 2 : i32
    %dma_start3A_829 = arith.constant 16 : i32
    %dma_start3A_830 = arith.constant 0 : i32
    %dma_start3A_831 = tpu.memref_slice %arg12[%dma_start3A_827, %dma_start3A_828, %dma_start3A_829, %dma_start3A_830] : memref<3x4x32x128xf32, #tpu.memory_space<vmem>> -> memref<1x1x8x128xf32, #tpu.memory_space<vmem>>
    %dma_start3A_832 = tpu.memref_squeeze %dma_start3A_831 : memref<1x1x8x128xf32, #tpu.memory_space<vmem>> -> memref<8x128xf32, #tpu.memory_space<vmem>>
    %dma_start3A_833 = arith.constant 16 : i32
    %dma_start3A_834 = tpu.memref_slice %arg6[%dma_start3A_833, %multiple_of3A_756] : memref<32x1000000xf32, #tpu.memory_space<hbm>> -> memref<8x128xf32, #tpu.memory_space<hbm>>
    %dma_start3A_835 = arith.constant 16 : i32
    %dma_start3A_836 = arith.constant 0 : i32
    %dma_start3A_837 = tpu.memref_slice %arg12[%dma_start3A_827, %dma_start3A_828, %dma_start3A_835, %dma_start3A_836] : memref<3x4x32x128xf32, #tpu.memory_space<vmem>> -> memref<1x1x8x128xf32, #tpu.memory_space<vmem>>
    %dma_start3A_838 = tpu.memref_squeeze %dma_start3A_837 : memref<1x1x8x128xf32, #tpu.memory_space<vmem>> -> memref<8x128xf32, #tpu.memory_space<vmem>>
    %dma_start3A_839 = arith.constant 16 : i32
    %dma_start3A_840 = tpu.memref_slice %arg6[%dma_start3A_839, %multiple_of3A_756] : memref<32x1000000xf32, #tpu.memory_space<hbm>> -> memref<8x128xf32, #tpu.memory_space<hbm>>
    tpu.enqueue_dma source(%dma_start3A_840 : memref<8x128xf32, #tpu.memory_space<hbm>>) target(%dma_start3A_838 : memref<8x128xf32, #tpu.memory_space<vmem>>) target_semaphore(%arg18 : memref<!tpu.dma_semaphore, #tpu.memory_space<semaphore_mem>>)
    %dma_start3A_841 = arith.constant 1 : i32
    %dma_start3A_842 = arith.constant 2 : i32
    %dma_start3A_843 = arith.constant 24 : i32
    %dma_start3A_844 = arith.constant 0 : i32
    %dma_start3A_845 = tpu.memref_slice %arg11[%dma_start3A_841, %dma_start3A_842, %dma_start3A_843, %dma_start3A_844] : memref<3x4x32x128xf32, #tpu.memory_space<vmem>> -> memref<1x1x8x128xf32, #tpu.memory_space<vmem>>
    %dma_start3A_846 = tpu.memref_squeeze %dma_start3A_845 : memref<1x1x8x128xf32, #tpu.memory_space<vmem>> -> memref<8x128xf32, #tpu.memory_space<vmem>>
    %dma_start3A_847 = arith.constant 24 : i32
    %dma_start3A_848 = tpu.memref_slice %arg5[%dma_start3A_847, %multiple_of3A_751] : memref<32x1000000xf32, #tpu.memory_space<hbm>> -> memref<8x128xf32, #tpu.memory_space<hbm>>
    %dma_start3A_849 = arith.constant 24 : i32
    %dma_start3A_850 = arith.constant 0 : i32
    %dma_start3A_851 = tpu.memref_slice %arg11[%dma_start3A_841, %dma_start3A_842, %dma_start3A_849, %dma_start3A_850] : memref<3x4x32x128xf32, #tpu.memory_space<vmem>> -> memref<1x1x8x128xf32, #tpu.memory_space<vmem>>
    %dma_start3A_852 = tpu.memref_squeeze %dma_start3A_851 : memref<1x1x8x128xf32, #tpu.memory_space<vmem>> -> memref<8x128xf32, #tpu.memory_space<vmem>>
    %dma_start3A_853 = arith.constant 24 : i32
    %dma_start3A_854 = tpu.memref_slice %arg5[%dma_start3A_853, %multiple_of3A_751] : memref<32x1000000xf32, #tpu.memory_space<hbm>> -> memref<8x128xf32, #tpu.memory_space<hbm>>
    tpu.enqueue_dma source(%dma_start3A_854 : memref<8x128xf32, #tpu.memory_space<hbm>>) target(%dma_start3A_852 : memref<8x128xf32, #tpu.memory_space<vmem>>) target_semaphore(%arg18 : memref<!tpu.dma_semaphore, #tpu.memory_space<semaphore_mem>>)
    %dma_start3A_855 = arith.constant 1 : i32
    %dma_start3A_856 = arith.constant 2 : i32
    %dma_start3A_857 = arith.constant 24 : i32
    %dma_start3A_858 = arith.constant 0 : i32
    %dma_start3A_859 = tpu.memref_slice %arg12[%dma_start3A_855, %dma_start3A_856, %dma_start3A_857, %dma_start3A_858] : memref<3x4x32x128xf32, #tpu.memory_space<vmem>> -> memref<1x1x8x128xf32, #tpu.memory_space<vmem>>
    %dma_start3A_860 = tpu.memref_squeeze %dma_start3A_859 : memref<1x1x8x128xf32, #tpu.memory_space<vmem>> -> memref<8x128xf32, #tpu.memory_space<vmem>>
    %dma_start3A_861 = arith.constant 24 : i32
    %dma_start3A_862 = tpu.memref_slice %arg6[%dma_start3A_861, %multiple_of3A_756] : memref<32x1000000xf32, #tpu.memory_space<hbm>> -> memref<8x128xf32, #tpu.memory_space<hbm>>
    %dma_start3A_863 = arith.constant 24 : i32
    %dma_start3A_864 = arith.constant 0 : i32
    %dma_start3A_865 = tpu.memref_slice %arg12[%dma_start3A_855, %dma_start3A_856, %dma_start3A_863, %dma_start3A_864] : memref<3x4x32x128xf32, #tpu.memory_space<vmem>> -> memref<1x1x8x128xf32, #tpu.memory_space<vmem>>
    %dma_start3A_866 = tpu.memref_squeeze %dma_start3A_865 : memref<1x1x8x128xf32, #tpu.memory_space<vmem>> -> memref<8x128xf32, #tpu.memory_space<vmem>>
    %dma_start3A_867 = arith.constant 24 : i32
    %dma_start3A_868 = tpu.memref_slice %arg6[%dma_start3A_867, %multiple_of3A_756] : memref<32x1000000xf32, #tpu.memory_space<hbm>> -> memref<8x128xf32, #tpu.memory_space<hbm>>
    tpu.enqueue_dma source(%dma_start3A_868 : memref<8x128xf32, #tpu.memory_space<hbm>>) target(%dma_start3A_866 : memref<8x128xf32, #tpu.memory_space<vmem>>) target_semaphore(%arg18 : memref<!tpu.dma_semaphore, #tpu.memory_space<semaphore_mem>>)
    %slice3A_869 = vector.extract_strided_slice %shift_right_arithmetic3A_497 {offsets = [3], sizes = [1], strides = [1]} : vector<16xi32> to vector<1xi32>
    %squeeze3A_870 = vector.extract %slice3A_869[0] : i32 from vector<1xi32>
    %shift_left3A_871 = arith.constant 7 : i32
    %shift_left3A_872 = arith.shli %squeeze3A_870, %shift_left3A_871 : i32
    %multiple_of3A_873 = tpu.assume_multiple %shift_left3A_872, 128 : i32
    %slice3A_874 = vector.extract_strided_slice %shift_right_arithmetic3A_502 {offsets = [3], sizes = [1], strides = [1]} : vector<16xi32> to vector<1xi32>
    %squeeze3A_875 = vector.extract %slice3A_874[0] : i32 from vector<1xi32>
    %shift_left3A_876 = arith.constant 7 : i32
    %shift_left3A_877 = arith.shli %squeeze3A_875, %shift_left3A_876 : i32
    %multiple_of3A_878 = tpu.assume_multiple %shift_left3A_877, 128 : i32
    %dma_start3A_879 = arith.constant 1 : i32
    %dma_start3A_880 = arith.constant 3 : i32
    %dma_start3A_881 = arith.constant 0 : i32
    %dma_start3A_882 = arith.constant 0 : i32
    %dma_start3A_883 = tpu.memref_slice %arg11[%dma_start3A_879, %dma_start3A_880, %dma_start3A_881, %dma_start3A_882] : memref<3x4x32x128xf32, #tpu.memory_space<vmem>> -> memref<1x1x8x128xf32, #tpu.memory_space<vmem>>
    %dma_start3A_884 = tpu.memref_squeeze %dma_start3A_883 : memref<1x1x8x128xf32, #tpu.memory_space<vmem>> -> memref<8x128xf32, #tpu.memory_space<vmem>>
    %dma_start3A_885 = arith.constant 0 : i32
    %dma_start3A_886 = tpu.memref_slice %arg5[%dma_start3A_885, %multiple_of3A_873] : memref<32x1000000xf32, #tpu.memory_space<hbm>> -> memref<8x128xf32, #tpu.memory_space<hbm>>
    %dma_start3A_887 = arith.constant 0 : i32
    %dma_start3A_888 = arith.constant 0 : i32
    %dma_start3A_889 = tpu.memref_slice %arg11[%dma_start3A_879, %dma_start3A_880, %dma_start3A_887, %dma_start3A_888] : memref<3x4x32x128xf32, #tpu.memory_space<vmem>> -> memref<1x1x8x128xf32, #tpu.memory_space<vmem>>
    %dma_start3A_890 = tpu.memref_squeeze %dma_start3A_889 : memref<1x1x8x128xf32, #tpu.memory_space<vmem>> -> memref<8x128xf32, #tpu.memory_space<vmem>>
    %dma_start3A_891 = arith.constant 0 : i32
    %dma_start3A_892 = tpu.memref_slice %arg5[%dma_start3A_891, %multiple_of3A_873] : memref<32x1000000xf32, #tpu.memory_space<hbm>> -> memref<8x128xf32, #tpu.memory_space<hbm>>
    tpu.enqueue_dma source(%dma_start3A_892 : memref<8x128xf32, #tpu.memory_space<hbm>>) target(%dma_start3A_890 : memref<8x128xf32, #tpu.memory_space<vmem>>) target_semaphore(%arg18 : memref<!tpu.dma_semaphore, #tpu.memory_space<semaphore_mem>>)
    %dma_start3A_893 = arith.constant 1 : i32
    %dma_start3A_894 = arith.constant 3 : i32
    %dma_start3A_895 = arith.constant 0 : i32
    %dma_start3A_896 = arith.constant 0 : i32
    %dma_start3A_897 = tpu.memref_slice %arg12[%dma_start3A_893, %dma_start3A_894, %dma_start3A_895, %dma_start3A_896] : memref<3x4x32x128xf32, #tpu.memory_space<vmem>> -> memref<1x1x8x128xf32, #tpu.memory_space<vmem>>
    %dma_start3A_898 = tpu.memref_squeeze %dma_start3A_897 : memref<1x1x8x128xf32, #tpu.memory_space<vmem>> -> memref<8x128xf32, #tpu.memory_space<vmem>>
    %dma_start3A_899 = arith.constant 0 : i32
    %dma_start3A_900 = tpu.memref_slice %arg6[%dma_start3A_899, %multiple_of3A_878] : memref<32x1000000xf32, #tpu.memory_space<hbm>> -> memref<8x128xf32, #tpu.memory_space<hbm>>
    %dma_start3A_901 = arith.constant 0 : i32
    %dma_start3A_902 = arith.constant 0 : i32
    %dma_start3A_903 = tpu.memref_slice %arg12[%dma_start3A_893, %dma_start3A_894, %dma_start3A_901, %dma_start3A_902] : memref<3x4x32x128xf32, #tpu.memory_space<vmem>> -> memref<1x1x8x128xf32, #tpu.memory_space<vmem>>
    %dma_start3A_904 = tpu.memref_squeeze %dma_start3A_903 : memref<1x1x8x128xf32, #tpu.memory_space<vmem>> -> memref<8x128xf32, #tpu.memory_space<vmem>>
    %dma_start3A_905 = arith.constant 0 : i32
    %dma_start3A_906 = tpu.memref_slice %arg6[%dma_start3A_905, %multiple_of3A_878] : memref<32x1000000xf32, #tpu.memory_space<hbm>> -> memref<8x128xf32, #tpu.memory_space<hbm>>
    tpu.enqueue_dma source(%dma_start3A_906 : memref<8x128xf32, #tpu.memory_space<hbm>>) target(%dma_start3A_904 : memref<8x128xf32, #tpu.memory_space<vmem>>) target_semaphore(%arg18 : memref<!tpu.dma_semaphore, #tpu.memory_space<semaphore_mem>>)
    %dma_start3A_907 = arith.constant 1 : i32
    %dma_start3A_908 = arith.constant 3 : i32
    %dma_start3A_909 = arith.constant 8 : i32
    %dma_start3A_910 = arith.constant 0 : i32
    %dma_start3A_911 = tpu.memref_slice %arg11[%dma_start3A_907, %dma_start3A_908, %dma_start3A_909, %dma_start3A_910] : memref<3x4x32x128xf32, #tpu.memory_space<vmem>> -> memref<1x1x8x128xf32, #tpu.memory_space<vmem>>
    %dma_start3A_912 = tpu.memref_squeeze %dma_start3A_911 : memref<1x1x8x128xf32, #tpu.memory_space<vmem>> -> memref<8x128xf32, #tpu.memory_space<vmem>>
    %dma_start3A_913 = arith.constant 8 : i32
    %dma_start3A_914 = tpu.memref_slice %arg5[%dma_start3A_913, %multiple_of3A_873] : memref<32x1000000xf32, #tpu.memory_space<hbm>> -> memref<8x128xf32, #tpu.memory_space<hbm>>
    %dma_start3A_915 = arith.constant 8 : i32
    %dma_start3A_916 = arith.constant 0 : i32
    %dma_start3A_917 = tpu.memref_slice %arg11[%dma_start3A_907, %dma_start3A_908, %dma_start3A_915, %dma_start3A_916] : memref<3x4x32x128xf32, #tpu.memory_space<vmem>> -> memref<1x1x8x128xf32, #tpu.memory_space<vmem>>
    %dma_start3A_918 = tpu.memref_squeeze %dma_start3A_917 : memref<1x1x8x128xf32, #tpu.memory_space<vmem>> -> memref<8x128xf32, #tpu.memory_space<vmem>>
    %dma_start3A_919 = arith.constant 8 : i32
    %dma_start3A_920 = tpu.memref_slice %arg5[%dma_start3A_919, %multiple_of3A_873] : memref<32x1000000xf32, #tpu.memory_space<hbm>> -> memref<8x128xf32, #tpu.memory_space<hbm>>
    tpu.enqueue_dma source(%dma_start3A_920 : memref<8x128xf32, #tpu.memory_space<hbm>>) target(%dma_start3A_918 : memref<8x128xf32, #tpu.memory_space<vmem>>) target_semaphore(%arg18 : memref<!tpu.dma_semaphore, #tpu.memory_space<semaphore_mem>>)
    %dma_start3A_921 = arith.constant 1 : i32
    %dma_start3A_922 = arith.constant 3 : i32
    %dma_start3A_923 = arith.constant 8 : i32
    %dma_start3A_924 = arith.constant 0 : i32
    %dma_start3A_925 = tpu.memref_slice %arg12[%dma_start3A_921, %dma_start3A_922, %dma_start3A_923, %dma_start3A_924] : memref<3x4x32x128xf32, #tpu.memory_space<vmem>> -> memref<1x1x8x128xf32, #tpu.memory_space<vmem>>
    %dma_start3A_926 = tpu.memref_squeeze %dma_start3A_925 : memref<1x1x8x128xf32, #tpu.memory_space<vmem>> -> memref<8x128xf32, #tpu.memory_space<vmem>>
    %dma_start3A_927 = arith.constant 8 : i32
    %dma_start3A_928 = tpu.memref_slice %arg6[%dma_start3A_927, %multiple_of3A_878] : memref<32x1000000xf32, #tpu.memory_space<hbm>> -> memref<8x128xf32, #tpu.memory_space<hbm>>
    %dma_start3A_929 = arith.constant 8 : i32
    %dma_start3A_930 = arith.constant 0 : i32
    %dma_start3A_931 = tpu.memref_slice %arg12[%dma_start3A_921, %dma_start3A_922, %dma_start3A_929, %dma_start3A_930] : memref<3x4x32x128xf32, #tpu.memory_space<vmem>> -> memref<1x1x8x128xf32, #tpu.memory_space<vmem>>
    %dma_start3A_932 = tpu.memref_squeeze %dma_start3A_931 : memref<1x1x8x128xf32, #tpu.memory_space<vmem>> -> memref<8x128xf32, #tpu.memory_space<vmem>>
    %dma_start3A_933 = arith.constant 8 : i32
    %dma_start3A_934 = tpu.memref_slice %arg6[%dma_start3A_933, %multiple_of3A_878] : memref<32x1000000xf32, #tpu.memory_space<hbm>> -> memref<8x128xf32, #tpu.memory_space<hbm>>
    tpu.enqueue_dma source(%dma_start3A_934 : memref<8x128xf32, #tpu.memory_space<hbm>>) target(%dma_start3A_932 : memref<8x128xf32, #tpu.memory_space<vmem>>) target_semaphore(%arg18 : memref<!tpu.dma_semaphore, #tpu.memory_space<semaphore_mem>>)
    %dma_start3A_935 = arith.constant 1 : i32
    %dma_start3A_936 = arith.constant 3 : i32
    %dma_start3A_937 = arith.constant 16 : i32
    %dma_start3A_938 = arith.constant 0 : i32
    %dma_start3A_939 = tpu.memref_slice %arg11[%dma_start3A_935, %dma_start3A_936, %dma_start3A_937, %dma_start3A_938] : memref<3x4x32x128xf32, #tpu.memory_space<vmem>> -> memref<1x1x8x128xf32, #tpu.memory_space<vmem>>
    %dma_start3A_940 = tpu.memref_squeeze %dma_start3A_939 : memref<1x1x8x128xf32, #tpu.memory_space<vmem>> -> memref<8x128xf32, #tpu.memory_space<vmem>>
    %dma_start3A_941 = arith.constant 16 : i32
    %dma_start3A_942 = tpu.memref_slice %arg5[%dma_start3A_941, %multiple_of3A_873] : memref<32x1000000xf32, #tpu.memory_space<hbm>> -> memref<8x128xf32, #tpu.memory_space<hbm>>
    %dma_start3A_943 = arith.constant 16 : i32
    %dma_start3A_944 = arith.constant 0 : i32
    %dma_start3A_945 = tpu.memref_slice %arg11[%dma_start3A_935, %dma_start3A_936, %dma_start3A_943, %dma_start3A_944] : memref<3x4x32x128xf32, #tpu.memory_space<vmem>> -> memref<1x1x8x128xf32, #tpu.memory_space<vmem>>
    %dma_start3A_946 = tpu.memref_squeeze %dma_start3A_945 : memref<1x1x8x128xf32, #tpu.memory_space<vmem>> -> memref<8x128xf32, #tpu.memory_space<vmem>>
    %dma_start3A_947 = arith.constant 16 : i32
    %dma_start3A_948 = tpu.memref_slice %arg5[%dma_start3A_947, %multiple_of3A_873] : memref<32x1000000xf32, #tpu.memory_space<hbm>> -> memref<8x128xf32, #tpu.memory_space<hbm>>
    tpu.enqueue_dma source(%dma_start3A_948 : memref<8x128xf32, #tpu.memory_space<hbm>>) target(%dma_start3A_946 : memref<8x128xf32, #tpu.memory_space<vmem>>) target_semaphore(%arg18 : memref<!tpu.dma_semaphore, #tpu.memory_space<semaphore_mem>>)
    %dma_start3A_949 = arith.constant 1 : i32
    %dma_start3A_950 = arith.constant 3 : i32
    %dma_start3A_951 = arith.constant 16 : i32
    %dma_start3A_952 = arith.constant 0 : i32
    %dma_start3A_953 = tpu.memref_slice %arg12[%dma_start3A_949, %dma_start3A_950, %dma_start3A_951, %dma_start3A_952] : memref<3x4x32x128xf32, #tpu.memory_space<vmem>> -> memref<1x1x8x128xf32, #tpu.memory_space<vmem>>
    %dma_start3A_954 = tpu.memref_squeeze %dma_start3A_953 : memref<1x1x8x128xf32, #tpu.memory_space<vmem>> -> memref<8x128xf32, #tpu.memory_space<vmem>>
    %dma_start3A_955 = arith.constant 16 : i32
    %dma_start3A_956 = tpu.memref_slice %arg6[%dma_start3A_955, %multiple_of3A_878] : memref<32x1000000xf32, #tpu.memory_space<hbm>> -> memref<8x128xf32, #tpu.memory_space<hbm>>
    %dma_start3A_957 = arith.constant 16 : i32
    %dma_start3A_958 = arith.constant 0 : i32
    %dma_start3A_959 = tpu.memref_slice %arg12[%dma_start3A_949, %dma_start3A_950, %dma_start3A_957, %dma_start3A_958] : memref<3x4x32x128xf32, #tpu.memory_space<vmem>> -> memref<1x1x8x128xf32, #tpu.memory_space<vmem>>
    %dma_start3A_960 = tpu.memref_squeeze %dma_start3A_959 : memref<1x1x8x128xf32, #tpu.memory_space<vmem>> -> memref<8x128xf32, #tpu.memory_space<vmem>>
    %dma_start3A_961 = arith.constant 16 : i32
    %dma_start3A_962 = tpu.memref_slice %arg6[%dma_start3A_961, %multiple_of3A_878] : memref<32x1000000xf32, #tpu.memory_space<hbm>> -> memref<8x128xf32, #tpu.memory_space<hbm>>
    tpu.enqueue_dma source(%dma_start3A_962 : memref<8x128xf32, #tpu.memory_space<hbm>>) target(%dma_start3A_960 : memref<8x128xf32, #tpu.memory_space<vmem>>) target_semaphore(%arg18 : memref<!tpu.dma_semaphore, #tpu.memory_space<semaphore_mem>>)
    %dma_start3A_963 = arith.constant 1 : i32
    %dma_start3A_964 = arith.constant 3 : i32
    %dma_start3A_965 = arith.constant 24 : i32
    %dma_start3A_966 = arith.constant 0 : i32
    %dma_start3A_967 = tpu.memref_slice %arg11[%dma_start3A_963, %dma_start3A_964, %dma_start3A_965, %dma_start3A_966] : memref<3x4x32x128xf32, #tpu.memory_space<vmem>> -> memref<1x1x8x128xf32, #tpu.memory_space<vmem>>
    %dma_start3A_968 = tpu.memref_squeeze %dma_start3A_967 : memref<1x1x8x128xf32, #tpu.memory_space<vmem>> -> memref<8x128xf32, #tpu.memory_space<vmem>>
    %dma_start3A_969 = arith.constant 24 : i32
    %dma_start3A_970 = tpu.memref_slice %arg5[%dma_start3A_969, %multiple_of3A_873] : memref<32x1000000xf32, #tpu.memory_space<hbm>> -> memref<8x128xf32, #tpu.memory_space<hbm>>
    %dma_start3A_971 = arith.constant 24 : i32
    %dma_start3A_972 = arith.constant 0 : i32
    %dma_start3A_973 = tpu.memref_slice %arg11[%dma_start3A_963, %dma_start3A_964, %dma_start3A_971, %dma_start3A_972] : memref<3x4x32x128xf32, #tpu.memory_space<vmem>> -> memref<1x1x8x128xf32, #tpu.memory_space<vmem>>
    %dma_start3A_974 = tpu.memref_squeeze %dma_start3A_973 : memref<1x1x8x128xf32, #tpu.memory_space<vmem>> -> memref<8x128xf32, #tpu.memory_space<vmem>>
    %dma_start3A_975 = arith.constant 24 : i32
    %dma_start3A_976 = tpu.memref_slice %arg5[%dma_start3A_975, %multiple_of3A_873] : memref<32x1000000xf32, #tpu.memory_space<hbm>> -> memref<8x128xf32, #tpu.memory_space<hbm>>
    tpu.enqueue_dma source(%dma_start3A_976 : memref<8x128xf32, #tpu.memory_space<hbm>>) target(%dma_start3A_974 : memref<8x128xf32, #tpu.memory_space<vmem>>) target_semaphore(%arg18 : memref<!tpu.dma_semaphore, #tpu.memory_space<semaphore_mem>>)
    %dma_start3A_977 = arith.constant 1 : i32
    %dma_start3A_978 = arith.constant 3 : i32
    %dma_start3A_979 = arith.constant 24 : i32
    %dma_start3A_980 = arith.constant 0 : i32
    %dma_start3A_981 = tpu.memref_slice %arg12[%dma_start3A_977, %dma_start3A_978, %dma_start3A_979, %dma_start3A_980] : memref<3x4x32x128xf32, #tpu.memory_space<vmem>> -> memref<1x1x8x128xf32, #tpu.memory_space<vmem>>
    %dma_start3A_982 = tpu.memref_squeeze %dma_start3A_981 : memref<1x1x8x128xf32, #tpu.memory_space<vmem>> -> memref<8x128xf32, #tpu.memory_space<vmem>>
    %dma_start3A_983 = arith.constant 24 : i32
    %dma_start3A_984 = tpu.memref_slice %arg6[%dma_start3A_983, %multiple_of3A_878] : memref<32x1000000xf32, #tpu.memory_space<hbm>> -> memref<8x128xf32, #tpu.memory_space<hbm>>
    %dma_start3A_985 = arith.constant 24 : i32
    %dma_start3A_986 = arith.constant 0 : i32
    %dma_start3A_987 = tpu.memref_slice %arg12[%dma_start3A_977, %dma_start3A_978, %dma_start3A_985, %dma_start3A_986] : memref<3x4x32x128xf32, #tpu.memory_space<vmem>> -> memref<1x1x8x128xf32, #tpu.memory_space<vmem>>
    %dma_start3A_988 = tpu.memref_squeeze %dma_start3A_987 : memref<1x1x8x128xf32, #tpu.memory_space<vmem>> -> memref<8x128xf32, #tpu.memory_space<vmem>>
    %dma_start3A_989 = arith.constant 24 : i32
    %dma_start3A_990 = tpu.memref_slice %arg6[%dma_start3A_989, %multiple_of3A_878] : memref<32x1000000xf32, #tpu.memory_space<hbm>> -> memref<8x128xf32, #tpu.memory_space<hbm>>
    tpu.enqueue_dma source(%dma_start3A_990 : memref<8x128xf32, #tpu.memory_space<hbm>>) target(%dma_start3A_988 : memref<8x128xf32, #tpu.memory_space<vmem>>) target_semaphore(%arg18 : memref<!tpu.dma_semaphore, #tpu.memory_space<semaphore_mem>>)
    %scan3A = arith.constant 0.000000e+00 : f32
    %scan3A_991 = arith.constant 0 : i32
    %scan3A_992 = arith.constant 128 : i32
    %scan3A_993 = arith.addi %scan3A_991, %scan3A_992 : i32
    %scan3A_994 = arith.constant 1 : i32
    %scan3A_995:3 = scf.for %scan3A_1075 = %scan3A_991 to %scan3A_993 step %scan3A_994 iter_args(%scan3A_1076 = %scan3A, %scan3A_1077 = %broadcast_in_dim3A_1, %scan3A_1078 = %broadcast_in_dim3A_1) -> (f32, vector<16xf32>, vector<16xf32>)  : i32 {
      %add3A_1079 = arith.constant 2 : i32
      %add3A_1080 = arith.addi %scan3A_1075, %add3A_1079 : i32
      %lt3A = arith.constant 128 : i32
      %lt3A_1081 = arith.cmpi slt, %add3A_1080, %lt3A : i32
      %jit3A = arith.constant 3 : i32
      %eq3A_1082 = arith.constant 0 : i32
      %eq3A_1083 = arith.cmpi eq, %jit3A, %eq3A_1082 : i32
      %jit3A_1084 = arith.constant 1 : i32
      %select_n3A = arith.select %eq3A_1083, %jit3A_1084, %jit3A : i32
      %rem3A = arith.remsi %add3A_1080, %select_n3A : i32
      %ne3A_1085 = arith.constant 0 : i32
      %ne3A_1086 = arith.cmpi ne, %rem3A, %ne3A_1085 : i32
      %lt3A_1087 = arith.constant 0 : i32
      %lt3A_1088 = arith.cmpi slt, %rem3A, %lt3A_1087 : i32
      %lt3A_1089 = arith.constant 0 : i32
      %lt3A_1090 = arith.cmpi slt, %select_n3A, %lt3A_1089 : i32
      %ne3A_1091 = arith.xori %lt3A_1088, %lt3A_1090 : i1
      %and3A = arith.andi %ne3A_1091, %ne3A_1086 : i1
      %add3A_1092 = arith.addi %rem3A, %select_n3A : i32
      %select_n3A_1093 = arith.select %and3A, %add3A_1092, %rem3A : i32
      %eq3A_1094 = arith.constant 0 : i32
      %eq3A_1095 = arith.cmpi eq, %select_n3A_1093, %eq3A_1094 : i32
      %and3A_1096 = arith.andi %lt3A_1081, %eq3A_1095 : i1
      %convert_element_type3A_1097 = arith.extui %and3A_1096 : i1 to i32
      %cond3A_1098 = arith.constant 0 : i32
      %cond3A_1099 = arith.cmpi ne, %convert_element_type3A_1097, %cond3A_1098 : i32
      scf.if %cond3A_1099 {
        %mul3A_1170 = arith.constant 4 : i32
        %mul3A_1171 = arith.muli %add3A_1080, %mul3A_1170 : i32
        %get3A_1172 = arith.index_cast %mul3A_1171 : i32 to index
        %get3A_1173 = tpu.vector_load %arg8[%get3A_1172] {strides = array<i32>} : memref<528xi32, #tpu.memory_space<vmem>>, vector<16xi32>,
        %shift_right_arithmetic3A_1174 = arith.constant 7 : i32
        %shift_right_arithmetic3A_1175 = vector.broadcast %shift_right_arithmetic3A_1174 : i32 to vector<16xi32>
        %shift_right_arithmetic3A_1176 = arith.shrsi %get3A_1173, %shift_right_arithmetic3A_1175 : vector<16xi32>
        %get3A_1177 = arith.index_cast %mul3A_1171 : i32 to index
        %get3A_1178 = tpu.vector_load %arg9[%get3A_1177] {strides = array<i32>} : memref<528xi32, #tpu.memory_space<vmem>>, vector<16xi32>,
        %shift_right_arithmetic3A_1179 = arith.constant 7 : i32
        %shift_right_arithmetic3A_1180 = vector.broadcast %shift_right_arithmetic3A_1179 : i32 to vector<16xi32>
        %shift_right_arithmetic3A_1181 = arith.shrsi %get3A_1178, %shift_right_arithmetic3A_1180 : vector<16xi32>
        %slice3A_1182 = vector.extract_strided_slice %shift_right_arithmetic3A_1176 {offsets = [0], sizes = [1], strides = [1]} : vector<16xi32> to vector<1xi32>
        %squeeze3A_1183 = vector.extract %slice3A_1182[0] : i32 from vector<1xi32>
        %shift_left3A_1184 = arith.constant 7 : i32
        %shift_left3A_1185 = arith.shli %squeeze3A_1183, %shift_left3A_1184 : i32
        %multiple_of3A_1186 = tpu.assume_multiple %shift_left3A_1185, 128 : i32
        %slice3A_1187 = vector.extract_strided_slice %shift_right_arithmetic3A_1181 {offsets = [0], sizes = [1], strides = [1]} : vector<16xi32> to vector<1xi32>
        %squeeze3A_1188 = vector.extract %slice3A_1187[0] : i32 from vector<1xi32>
        %shift_left3A_1189 = arith.constant 7 : i32
        %shift_left3A_1190 = arith.shli %squeeze3A_1188, %shift_left3A_1189 : i32
        %multiple_of3A_1191 = tpu.assume_multiple %shift_left3A_1190, 128 : i32
        %dma_start3A_1192 = arith.constant 0 : i32
        %dma_start3A_1193 = arith.constant 0 : i32
        %dma_start3A_1194 = arith.constant 0 : i32
        %dma_start3A_1195 = arith.constant 0 : i32
        %dma_start3A_1196 = tpu.memref_slice %arg11[%dma_start3A_1192, %dma_start3A_1193, %dma_start3A_1194, %dma_start3A_1195] : memref<3x4x32x128xf32, #tpu.memory_space<vmem>> -> memref<1x1x8x128xf32, #tpu.memory_space<vmem>>
        %dma_start3A_1197 = tpu.memref_squeeze %dma_start3A_1196 : memref<1x1x8x128xf32, #tpu.memory_space<vmem>> -> memref<8x128xf32, #tpu.memory_space<vmem>>
        %dma_start3A_1198 = arith.constant 0 : i32
        %dma_start3A_1199 = tpu.memref_slice %arg5[%dma_start3A_1198, %multiple_of3A_1186] : memref<32x1000000xf32, #tpu.memory_space<hbm>> -> memref<8x128xf32, #tpu.memory_space<hbm>>
        %dma_start3A_1200 = arith.constant 0 : i32
        %dma_start3A_1201 = arith.constant 0 : i32
        %dma_start3A_1202 = tpu.memref_slice %arg11[%dma_start3A_1192, %dma_start3A_1193, %dma_start3A_1200, %dma_start3A_1201] : memref<3x4x32x128xf32, #tpu.memory_space<vmem>> -> memref<1x1x8x128xf32, #tpu.memory_space<vmem>>
        %dma_start3A_1203 = tpu.memref_squeeze %dma_start3A_1202 : memref<1x1x8x128xf32, #tpu.memory_space<vmem>> -> memref<8x128xf32, #tpu.memory_space<vmem>>
        %dma_start3A_1204 = arith.constant 0 : i32
        %dma_start3A_1205 = tpu.memref_slice %arg5[%dma_start3A_1204, %multiple_of3A_1186] : memref<32x1000000xf32, #tpu.memory_space<hbm>> -> memref<8x128xf32, #tpu.memory_space<hbm>>
        tpu.enqueue_dma source(%dma_start3A_1205 : memref<8x128xf32, #tpu.memory_space<hbm>>) target(%dma_start3A_1203 : memref<8x128xf32, #tpu.memory_space<vmem>>) target_semaphore(%arg17 : memref<!tpu.dma_semaphore, #tpu.memory_space<semaphore_mem>>)
        %dma_start3A_1206 = arith.constant 0 : i32
        %dma_start3A_1207 = arith.constant 0 : i32
        %dma_start3A_1208 = arith.constant 0 : i32
        %dma_start3A_1209 = arith.constant 0 : i32
        %dma_start3A_1210 = tpu.memref_slice %arg12[%dma_start3A_1206, %dma_start3A_1207, %dma_start3A_1208, %dma_start3A_1209] : memref<3x4x32x128xf32, #tpu.memory_space<vmem>> -> memref<1x1x8x128xf32, #tpu.memory_space<vmem>>
        %dma_start3A_1211 = tpu.memref_squeeze %dma_start3A_1210 : memref<1x1x8x128xf32, #tpu.memory_space<vmem>> -> memref<8x128xf32, #tpu.memory_space<vmem>>
        %dma_start3A_1212 = arith.constant 0 : i32
        %dma_start3A_1213 = tpu.memref_slice %arg6[%dma_start3A_1212, %multiple_of3A_1191] : memref<32x1000000xf32, #tpu.memory_space<hbm>> -> memref<8x128xf32, #tpu.memory_space<hbm>>
        %dma_start3A_1214 = arith.constant 0 : i32
        %dma_start3A_1215 = arith.constant 0 : i32
        %dma_start3A_1216 = tpu.memref_slice %arg12[%dma_start3A_1206, %dma_start3A_1207, %dma_start3A_1214, %dma_start3A_1215] : memref<3x4x32x128xf32, #tpu.memory_space<vmem>> -> memref<1x1x8x128xf32, #tpu.memory_space<vmem>>
        %dma_start3A_1217 = tpu.memref_squeeze %dma_start3A_1216 : memref<1x1x8x128xf32, #tpu.memory_space<vmem>> -> memref<8x128xf32, #tpu.memory_space<vmem>>
        %dma_start3A_1218 = arith.constant 0 : i32
        %dma_start3A_1219 = tpu.memref_slice %arg6[%dma_start3A_1218, %multiple_of3A_1191] : memref<32x1000000xf32, #tpu.memory_space<hbm>> -> memref<8x128xf32, #tpu.memory_space<hbm>>
        tpu.enqueue_dma source(%dma_start3A_1219 : memref<8x128xf32, #tpu.memory_space<hbm>>) target(%dma_start3A_1217 : memref<8x128xf32, #tpu.memory_space<vmem>>) target_semaphore(%arg17 : memref<!tpu.dma_semaphore, #tpu.memory_space<semaphore_mem>>)
        %dma_start3A_1220 = arith.constant 0 : i32
        %dma_start3A_1221 = arith.constant 0 : i32
        %dma_start3A_1222 = arith.constant 8 : i32
        %dma_start3A_1223 = arith.constant 0 : i32
        %dma_start3A_1224 = tpu.memref_slice %arg11[%dma_start3A_1220, %dma_start3A_1221, %dma_start3A_1222, %dma_start3A_1223] : memref<3x4x32x128xf32, #tpu.memory_space<vmem>> -> memref<1x1x8x128xf32, #tpu.memory_space<vmem>>
        %dma_start3A_1225 = tpu.memref_squeeze %dma_start3A_1224 : memref<1x1x8x128xf32, #tpu.memory_space<vmem>> -> memref<8x128xf32, #tpu.memory_space<vmem>>
        %dma_start3A_1226 = arith.constant 8 : i32
        %dma_start3A_1227 = tpu.memref_slice %arg5[%dma_start3A_1226, %multiple_of3A_1186] : memref<32x1000000xf32, #tpu.memory_space<hbm>> -> memref<8x128xf32, #tpu.memory_space<hbm>>
        %dma_start3A_1228 = arith.constant 8 : i32
        %dma_start3A_1229 = arith.constant 0 : i32
        %dma_start3A_1230 = tpu.memref_slice %arg11[%dma_start3A_1220, %dma_start3A_1221, %dma_start3A_1228, %dma_start3A_1229] : memref<3x4x32x128xf32, #tpu.memory_space<vmem>> -> memref<1x1x8x128xf32, #tpu.memory_space<vmem>>
        %dma_start3A_1231 = tpu.memref_squeeze %dma_start3A_1230 : memref<1x1x8x128xf32, #tpu.memory_space<vmem>> -> memref<8x128xf32, #tpu.memory_space<vmem>>
        %dma_start3A_1232 = arith.constant 8 : i32
        %dma_start3A_1233 = tpu.memref_slice %arg5[%dma_start3A_1232, %multiple_of3A_1186] : memref<32x1000000xf32, #tpu.memory_space<hbm>> -> memref<8x128xf32, #tpu.memory_space<hbm>>
        tpu.enqueue_dma source(%dma_start3A_1233 : memref<8x128xf32, #tpu.memory_space<hbm>>) target(%dma_start3A_1231 : memref<8x128xf32, #tpu.memory_space<vmem>>) target_semaphore(%arg17 : memref<!tpu.dma_semaphore, #tpu.memory_space<semaphore_mem>>)
        %dma_start3A_1234 = arith.constant 0 : i32
        %dma_start3A_1235 = arith.constant 0 : i32
        %dma_start3A_1236 = arith.constant 8 : i32
        %dma_start3A_1237 = arith.constant 0 : i32
        %dma_start3A_1238 = tpu.memref_slice %arg12[%dma_start3A_1234, %dma_start3A_1235, %dma_start3A_1236, %dma_start3A_1237] : memref<3x4x32x128xf32, #tpu.memory_space<vmem>> -> memref<1x1x8x128xf32, #tpu.memory_space<vmem>>
        %dma_start3A_1239 = tpu.memref_squeeze %dma_start3A_1238 : memref<1x1x8x128xf32, #tpu.memory_space<vmem>> -> memref<8x128xf32, #tpu.memory_space<vmem>>
        %dma_start3A_1240 = arith.constant 8 : i32
        %dma_start3A_1241 = tpu.memref_slice %arg6[%dma_start3A_1240, %multiple_of3A_1191] : memref<32x1000000xf32, #tpu.memory_space<hbm>> -> memref<8x128xf32, #tpu.memory_space<hbm>>
        %dma_start3A_1242 = arith.constant 8 : i32
        %dma_start3A_1243 = arith.constant 0 : i32
        %dma_start3A_1244 = tpu.memref_slice %arg12[%dma_start3A_1234, %dma_start3A_1235, %dma_start3A_1242, %dma_start3A_1243] : memref<3x4x32x128xf32, #tpu.memory_space<vmem>> -> memref<1x1x8x128xf32, #tpu.memory_space<vmem>>
        %dma_start3A_1245 = tpu.memref_squeeze %dma_start3A_1244 : memref<1x1x8x128xf32, #tpu.memory_space<vmem>> -> memref<8x128xf32, #tpu.memory_space<vmem>>
        %dma_start3A_1246 = arith.constant 8 : i32
        %dma_start3A_1247 = tpu.memref_slice %arg6[%dma_start3A_1246, %multiple_of3A_1191] : memref<32x1000000xf32, #tpu.memory_space<hbm>> -> memref<8x128xf32, #tpu.memory_space<hbm>>
        tpu.enqueue_dma source(%dma_start3A_1247 : memref<8x128xf32, #tpu.memory_space<hbm>>) target(%dma_start3A_1245 : memref<8x128xf32, #tpu.memory_space<vmem>>) target_semaphore(%arg17 : memref<!tpu.dma_semaphore, #tpu.memory_space<semaphore_mem>>)
        %dma_start3A_1248 = arith.constant 0 : i32
        %dma_start3A_1249 = arith.constant 0 : i32
        %dma_start3A_1250 = arith.constant 16 : i32
        %dma_start3A_1251 = arith.constant 0 : i32
        %dma_start3A_1252 = tpu.memref_slice %arg11[%dma_start3A_1248, %dma_start3A_1249, %dma_start3A_1250, %dma_start3A_1251] : memref<3x4x32x128xf32, #tpu.memory_space<vmem>> -> memref<1x1x8x128xf32, #tpu.memory_space<vmem>>
        %dma_start3A_1253 = tpu.memref_squeeze %dma_start3A_1252 : memref<1x1x8x128xf32, #tpu.memory_space<vmem>> -> memref<8x128xf32, #tpu.memory_space<vmem>>
        %dma_start3A_1254 = arith.constant 16 : i32
        %dma_start3A_1255 = tpu.memref_slice %arg5[%dma_start3A_1254, %multiple_of3A_1186] : memref<32x1000000xf32, #tpu.memory_space<hbm>> -> memref<8x128xf32, #tpu.memory_space<hbm>>
        %dma_start3A_1256 = arith.constant 16 : i32
        %dma_start3A_1257 = arith.constant 0 : i32
        %dma_start3A_1258 = tpu.memref_slice %arg11[%dma_start3A_1248, %dma_start3A_1249, %dma_start3A_1256, %dma_start3A_1257] : memref<3x4x32x128xf32, #tpu.memory_space<vmem>> -> memref<1x1x8x128xf32, #tpu.memory_space<vmem>>
        %dma_start3A_1259 = tpu.memref_squeeze %dma_start3A_1258 : memref<1x1x8x128xf32, #tpu.memory_space<vmem>> -> memref<8x128xf32, #tpu.memory_space<vmem>>
        %dma_start3A_1260 = arith.constant 16 : i32
        %dma_start3A_1261 = tpu.memref_slice %arg5[%dma_start3A_1260, %multiple_of3A_1186] : memref<32x1000000xf32, #tpu.memory_space<hbm>> -> memref<8x128xf32, #tpu.memory_space<hbm>>
        tpu.enqueue_dma source(%dma_start3A_1261 : memref<8x128xf32, #tpu.memory_space<hbm>>) target(%dma_start3A_1259 : memref<8x128xf32, #tpu.memory_space<vmem>>) target_semaphore(%arg17 : memref<!tpu.dma_semaphore, #tpu.memory_space<semaphore_mem>>)
        %dma_start3A_1262 = arith.constant 0 : i32
        %dma_start3A_1263 = arith.constant 0 : i32
        %dma_start3A_1264 = arith.constant 16 : i32
        %dma_start3A_1265 = arith.constant 0 : i32
        %dma_start3A_1266 = tpu.memref_slice %arg12[%dma_start3A_1262, %dma_start3A_1263, %dma_start3A_1264, %dma_start3A_1265] : memref<3x4x32x128xf32, #tpu.memory_space<vmem>> -> memref<1x1x8x128xf32, #tpu.memory_space<vmem>>
        %dma_start3A_1267 = tpu.memref_squeeze %dma_start3A_1266 : memref<1x1x8x128xf32, #tpu.memory_space<vmem>> -> memref<8x128xf32, #tpu.memory_space<vmem>>
        %dma_start3A_1268 = arith.constant 16 : i32
        %dma_start3A_1269 = tpu.memref_slice %arg6[%dma_start3A_1268, %multiple_of3A_1191] : memref<32x1000000xf32, #tpu.memory_space<hbm>> -> memref<8x128xf32, #tpu.memory_space<hbm>>
        %dma_start3A_1270 = arith.constant 16 : i32
        %dma_start3A_1271 = arith.constant 0 : i32
        %dma_start3A_1272 = tpu.memref_slice %arg12[%dma_start3A_1262, %dma_start3A_1263, %dma_start3A_1270, %dma_start3A_1271] : memref<3x4x32x128xf32, #tpu.memory_space<vmem>> -> memref<1x1x8x128xf32, #tpu.memory_space<vmem>>
        %dma_start3A_1273 = tpu.memref_squeeze %dma_start3A_1272 : memref<1x1x8x128xf32, #tpu.memory_space<vmem>> -> memref<8x128xf32, #tpu.memory_space<vmem>>
        %dma_start3A_1274 = arith.constant 16 : i32
        %dma_start3A_1275 = tpu.memref_slice %arg6[%dma_start3A_1274, %multiple_of3A_1191] : memref<32x1000000xf32, #tpu.memory_space<hbm>> -> memref<8x128xf32, #tpu.memory_space<hbm>>
        tpu.enqueue_dma source(%dma_start3A_1275 : memref<8x128xf32, #tpu.memory_space<hbm>>) target(%dma_start3A_1273 : memref<8x128xf32, #tpu.memory_space<vmem>>) target_semaphore(%arg17 : memref<!tpu.dma_semaphore, #tpu.memory_space<semaphore_mem>>)
        %dma_start3A_1276 = arith.constant 0 : i32
        %dma_start3A_1277 = arith.constant 0 : i32
        %dma_start3A_1278 = arith.constant 24 : i32
        %dma_start3A_1279 = arith.constant 0 : i32
        %dma_start3A_1280 = tpu.memref_slice %arg11[%dma_start3A_1276, %dma_start3A_1277, %dma_start3A_1278, %dma_start3A_1279] : memref<3x4x32x128xf32, #tpu.memory_space<vmem>> -> memref<1x1x8x128xf32, #tpu.memory_space<vmem>>
        %dma_start3A_1281 = tpu.memref_squeeze %dma_start3A_1280 : memref<1x1x8x128xf32, #tpu.memory_space<vmem>> -> memref<8x128xf32, #tpu.memory_space<vmem>>
        %dma_start3A_1282 = arith.constant 24 : i32
        %dma_start3A_1283 = tpu.memref_slice %arg5[%dma_start3A_1282, %multiple_of3A_1186] : memref<32x1000000xf32, #tpu.memory_space<hbm>> -> memref<8x128xf32, #tpu.memory_space<hbm>>
        %dma_start3A_1284 = arith.constant 24 : i32
        %dma_start3A_1285 = arith.constant 0 : i32
        %dma_start3A_1286 = tpu.memref_slice %arg11[%dma_start3A_1276, %dma_start3A_1277, %dma_start3A_1284, %dma_start3A_1285] : memref<3x4x32x128xf32, #tpu.memory_space<vmem>> -> memref<1x1x8x128xf32, #tpu.memory_space<vmem>>
        %dma_start3A_1287 = tpu.memref_squeeze %dma_start3A_1286 : memref<1x1x8x128xf32, #tpu.memory_space<vmem>> -> memref<8x128xf32, #tpu.memory_space<vmem>>
        %dma_start3A_1288 = arith.constant 24 : i32
        %dma_start3A_1289 = tpu.memref_slice %arg5[%dma_start3A_1288, %multiple_of3A_1186] : memref<32x1000000xf32, #tpu.memory_space<hbm>> -> memref<8x128xf32, #tpu.memory_space<hbm>>
        tpu.enqueue_dma source(%dma_start3A_1289 : memref<8x128xf32, #tpu.memory_space<hbm>>) target(%dma_start3A_1287 : memref<8x128xf32, #tpu.memory_space<vmem>>) target_semaphore(%arg17 : memref<!tpu.dma_semaphore, #tpu.memory_space<semaphore_mem>>)
        %dma_start3A_1290 = arith.constant 0 : i32
        %dma_start3A_1291 = arith.constant 0 : i32
        %dma_start3A_1292 = arith.constant 24 : i32
        %dma_start3A_1293 = arith.constant 0 : i32
        %dma_start3A_1294 = tpu.memref_slice %arg12[%dma_start3A_1290, %dma_start3A_1291, %dma_start3A_1292, %dma_start3A_1293] : memref<3x4x32x128xf32, #tpu.memory_space<vmem>> -> memref<1x1x8x128xf32, #tpu.memory_space<vmem>>
        %dma_start3A_1295 = tpu.memref_squeeze %dma_start3A_1294 : memref<1x1x8x128xf32, #tpu.memory_space<vmem>> -> memref<8x128xf32, #tpu.memory_space<vmem>>
        %dma_start3A_1296 = arith.constant 24 : i32
        %dma_start3A_1297 = tpu.memref_slice %arg6[%dma_start3A_1296, %multiple_of3A_1191] : memref<32x1000000xf32, #tpu.memory_space<hbm>> -> memref<8x128xf32, #tpu.memory_space<hbm>>
        %dma_start3A_1298 = arith.constant 24 : i32
        %dma_start3A_1299 = arith.constant 0 : i32
        %dma_start3A_1300 = tpu.memref_slice %arg12[%dma_start3A_1290, %dma_start3A_1291, %dma_start3A_1298, %dma_start3A_1299] : memref<3x4x32x128xf32, #tpu.memory_space<vmem>> -> memref<1x1x8x128xf32, #tpu.memory_space<vmem>>
        %dma_start3A_1301 = tpu.memref_squeeze %dma_start3A_1300 : memref<1x1x8x128xf32, #tpu.memory_space<vmem>> -> memref<8x128xf32, #tpu.memory_space<vmem>>
        %dma_start3A_1302 = arith.constant 24 : i32
        %dma_start3A_1303 = tpu.memref_slice %arg6[%dma_start3A_1302, %multiple_of3A_1191] : memref<32x1000000xf32, #tpu.memory_space<hbm>> -> memref<8x128xf32, #tpu.memory_space<hbm>>
        tpu.enqueue_dma source(%dma_start3A_1303 : memref<8x128xf32, #tpu.memory_space<hbm>>) target(%dma_start3A_1301 : memref<8x128xf32, #tpu.memory_space<vmem>>) target_semaphore(%arg17 : memref<!tpu.dma_semaphore, #tpu.memory_space<semaphore_mem>>)
        %slice3A_1304 = vector.extract_strided_slice %shift_right_arithmetic3A_1176 {offsets = [1], sizes = [1], strides = [1]} : vector<16xi32> to vector<1xi32>
        %squeeze3A_1305 = vector.extract %slice3A_1304[0] : i32 from vector<1xi32>
        %shift_left3A_1306 = arith.constant 7 : i32
        %shift_left3A_1307 = arith.shli %squeeze3A_1305, %shift_left3A_1306 : i32
        %multiple_of3A_1308 = tpu.assume_multiple %shift_left3A_1307, 128 : i32
        %slice3A_1309 = vector.extract_strided_slice %shift_right_arithmetic3A_1181 {offsets = [1], sizes = [1], strides = [1]} : vector<16xi32> to vector<1xi32>
        %squeeze3A_1310 = vector.extract %slice3A_1309[0] : i32 from vector<1xi32>
        %shift_left3A_1311 = arith.constant 7 : i32
        %shift_left3A_1312 = arith.shli %squeeze3A_1310, %shift_left3A_1311 : i32
        %multiple_of3A_1313 = tpu.assume_multiple %shift_left3A_1312, 128 : i32
        %dma_start3A_1314 = arith.constant 0 : i32
        %dma_start3A_1315 = arith.constant 1 : i32
        %dma_start3A_1316 = arith.constant 0 : i32
        %dma_start3A_1317 = arith.constant 0 : i32
        %dma_start3A_1318 = tpu.memref_slice %arg11[%dma_start3A_1314, %dma_start3A_1315, %dma_start3A_1316, %dma_start3A_1317] : memref<3x4x32x128xf32, #tpu.memory_space<vmem>> -> memref<1x1x8x128xf32, #tpu.memory_space<vmem>>
        %dma_start3A_1319 = tpu.memref_squeeze %dma_start3A_1318 : memref<1x1x8x128xf32, #tpu.memory_space<vmem>> -> memref<8x128xf32, #tpu.memory_space<vmem>>
        %dma_start3A_1320 = arith.constant 0 : i32
        %dma_start3A_1321 = tpu.memref_slice %arg5[%dma_start3A_1320, %multiple_of3A_1308] : memref<32x1000000xf32, #tpu.memory_space<hbm>> -> memref<8x128xf32, #tpu.memory_space<hbm>>
        %dma_start3A_1322 = arith.constant 0 : i32
        %dma_start3A_1323 = arith.constant 0 : i32
        %dma_start3A_1324 = tpu.memref_slice %arg11[%dma_start3A_1314, %dma_start3A_1315, %dma_start3A_1322, %dma_start3A_1323] : memref<3x4x32x128xf32, #tpu.memory_space<vmem>> -> memref<1x1x8x128xf32, #tpu.memory_space<vmem>>
        %dma_start3A_1325 = tpu.memref_squeeze %dma_start3A_1324 : memref<1x1x8x128xf32, #tpu.memory_space<vmem>> -> memref<8x128xf32, #tpu.memory_space<vmem>>
        %dma_start3A_1326 = arith.constant 0 : i32
        %dma_start3A_1327 = tpu.memref_slice %arg5[%dma_start3A_1326, %multiple_of3A_1308] : memref<32x1000000xf32, #tpu.memory_space<hbm>> -> memref<8x128xf32, #tpu.memory_space<hbm>>
        tpu.enqueue_dma source(%dma_start3A_1327 : memref<8x128xf32, #tpu.memory_space<hbm>>) target(%dma_start3A_1325 : memref<8x128xf32, #tpu.memory_space<vmem>>) target_semaphore(%arg17 : memref<!tpu.dma_semaphore, #tpu.memory_space<semaphore_mem>>)
        %dma_start3A_1328 = arith.constant 0 : i32
        %dma_start3A_1329 = arith.constant 1 : i32
        %dma_start3A_1330 = arith.constant 0 : i32
        %dma_start3A_1331 = arith.constant 0 : i32
        %dma_start3A_1332 = tpu.memref_slice %arg12[%dma_start3A_1328, %dma_start3A_1329, %dma_start3A_1330, %dma_start3A_1331] : memref<3x4x32x128xf32, #tpu.memory_space<vmem>> -> memref<1x1x8x128xf32, #tpu.memory_space<vmem>>
        %dma_start3A_1333 = tpu.memref_squeeze %dma_start3A_1332 : memref<1x1x8x128xf32, #tpu.memory_space<vmem>> -> memref<8x128xf32, #tpu.memory_space<vmem>>
        %dma_start3A_1334 = arith.constant 0 : i32
        %dma_start3A_1335 = tpu.memref_slice %arg6[%dma_start3A_1334, %multiple_of3A_1313] : memref<32x1000000xf32, #tpu.memory_space<hbm>> -> memref<8x128xf32, #tpu.memory_space<hbm>>
        %dma_start3A_1336 = arith.constant 0 : i32
        %dma_start3A_1337 = arith.constant 0 : i32
        %dma_start3A_1338 = tpu.memref_slice %arg12[%dma_start3A_1328, %dma_start3A_1329, %dma_start3A_1336, %dma_start3A_1337] : memref<3x4x32x128xf32, #tpu.memory_space<vmem>> -> memref<1x1x8x128xf32, #tpu.memory_space<vmem>>
        %dma_start3A_1339 = tpu.memref_squeeze %dma_start3A_1338 : memref<1x1x8x128xf32, #tpu.memory_space<vmem>> -> memref<8x128xf32, #tpu.memory_space<vmem>>
        %dma_start3A_1340 = arith.constant 0 : i32
        %dma_start3A_1341 = tpu.memref_slice %arg6[%dma_start3A_1340, %multiple_of3A_1313] : memref<32x1000000xf32, #tpu.memory_space<hbm>> -> memref<8x128xf32, #tpu.memory_space<hbm>>
        tpu.enqueue_dma source(%dma_start3A_1341 : memref<8x128xf32, #tpu.memory_space<hbm>>) target(%dma_start3A_1339 : memref<8x128xf32, #tpu.memory_space<vmem>>) target_semaphore(%arg17 : memref<!tpu.dma_semaphore, #tpu.memory_space<semaphore_mem>>)
        %dma_start3A_1342 = arith.constant 0 : i32
        %dma_start3A_1343 = arith.constant 1 : i32
        %dma_start3A_1344 = arith.constant 8 : i32
        %dma_start3A_1345 = arith.constant 0 : i32
        %dma_start3A_1346 = tpu.memref_slice %arg11[%dma_start3A_1342, %dma_start3A_1343, %dma_start3A_1344, %dma_start3A_1345] : memref<3x4x32x128xf32, #tpu.memory_space<vmem>> -> memref<1x1x8x128xf32, #tpu.memory_space<vmem>>
        %dma_start3A_1347 = tpu.memref_squeeze %dma_start3A_1346 : memref<1x1x8x128xf32, #tpu.memory_space<vmem>> -> memref<8x128xf32, #tpu.memory_space<vmem>>
        %dma_start3A_1348 = arith.constant 8 : i32
        %dma_start3A_1349 = tpu.memref_slice %arg5[%dma_start3A_1348, %multiple_of3A_1308] : memref<32x1000000xf32, #tpu.memory_space<hbm>> -> memref<8x128xf32, #tpu.memory_space<hbm>>
        %dma_start3A_1350 = arith.constant 8 : i32
        %dma_start3A_1351 = arith.constant 0 : i32
        %dma_start3A_1352 = tpu.memref_slice %arg11[%dma_start3A_1342, %dma_start3A_1343, %dma_start3A_1350, %dma_start3A_1351] : memref<3x4x32x128xf32, #tpu.memory_space<vmem>> -> memref<1x1x8x128xf32, #tpu.memory_space<vmem>>
        %dma_start3A_1353 = tpu.memref_squeeze %dma_start3A_1352 : memref<1x1x8x128xf32, #tpu.memory_space<vmem>> -> memref<8x128xf32, #tpu.memory_space<vmem>>
        %dma_start3A_1354 = arith.constant 8 : i32
        %dma_start3A_1355 = tpu.memref_slice %arg5[%dma_start3A_1354, %multiple_of3A_1308] : memref<32x1000000xf32, #tpu.memory_space<hbm>> -> memref<8x128xf32, #tpu.memory_space<hbm>>
        tpu.enqueue_dma source(%dma_start3A_1355 : memref<8x128xf32, #tpu.memory_space<hbm>>) target(%dma_start3A_1353 : memref<8x128xf32, #tpu.memory_space<vmem>>) target_semaphore(%arg17 : memref<!tpu.dma_semaphore, #tpu.memory_space<semaphore_mem>>)
        %dma_start3A_1356 = arith.constant 0 : i32
        %dma_start3A_1357 = arith.constant 1 : i32
        %dma_start3A_1358 = arith.constant 8 : i32
        %dma_start3A_1359 = arith.constant 0 : i32
        %dma_start3A_1360 = tpu.memref_slice %arg12[%dma_start3A_1356, %dma_start3A_1357, %dma_start3A_1358, %dma_start3A_1359] : memref<3x4x32x128xf32, #tpu.memory_space<vmem>> -> memref<1x1x8x128xf32, #tpu.memory_space<vmem>>
        %dma_start3A_1361 = tpu.memref_squeeze %dma_start3A_1360 : memref<1x1x8x128xf32, #tpu.memory_space<vmem>> -> memref<8x128xf32, #tpu.memory_space<vmem>>
        %dma_start3A_1362 = arith.constant 8 : i32
        %dma_start3A_1363 = tpu.memref_slice %arg6[%dma_start3A_1362, %multiple_of3A_1313] : memref<32x1000000xf32, #tpu.memory_space<hbm>> -> memref<8x128xf32, #tpu.memory_space<hbm>>
        %dma_start3A_1364 = arith.constant 8 : i32
        %dma_start3A_1365 = arith.constant 0 : i32
        %dma_start3A_1366 = tpu.memref_slice %arg12[%dma_start3A_1356, %dma_start3A_1357, %dma_start3A_1364, %dma_start3A_1365] : memref<3x4x32x128xf32, #tpu.memory_space<vmem>> -> memref<1x1x8x128xf32, #tpu.memory_space<vmem>>
        %dma_start3A_1367 = tpu.memref_squeeze %dma_start3A_1366 : memref<1x1x8x128xf32, #tpu.memory_space<vmem>> -> memref<8x128xf32, #tpu.memory_space<vmem>>
        %dma_start3A_1368 = arith.constant 8 : i32
        %dma_start3A_1369 = tpu.memref_slice %arg6[%dma_start3A_1368, %multiple_of3A_1313] : memref<32x1000000xf32, #tpu.memory_space<hbm>> -> memref<8x128xf32, #tpu.memory_space<hbm>>
        tpu.enqueue_dma source(%dma_start3A_1369 : memref<8x128xf32, #tpu.memory_space<hbm>>) target(%dma_start3A_1367 : memref<8x128xf32, #tpu.memory_space<vmem>>) target_semaphore(%arg17 : memref<!tpu.dma_semaphore, #tpu.memory_space<semaphore_mem>>)
        %dma_start3A_1370 = arith.constant 0 : i32
        %dma_start3A_1371 = arith.constant 1 : i32
        %dma_start3A_1372 = arith.constant 16 : i32
        %dma_start3A_1373 = arith.constant 0 : i32
        %dma_start3A_1374 = tpu.memref_slice %arg11[%dma_start3A_1370, %dma_start3A_1371, %dma_start3A_1372, %dma_start3A_1373] : memref<3x4x32x128xf32, #tpu.memory_space<vmem>> -> memref<1x1x8x128xf32, #tpu.memory_space<vmem>>
        %dma_start3A_1375 = tpu.memref_squeeze %dma_start3A_1374 : memref<1x1x8x128xf32, #tpu.memory_space<vmem>> -> memref<8x128xf32, #tpu.memory_space<vmem>>
        %dma_start3A_1376 = arith.constant 16 : i32
        %dma_start3A_1377 = tpu.memref_slice %arg5[%dma_start3A_1376, %multiple_of3A_1308] : memref<32x1000000xf32, #tpu.memory_space<hbm>> -> memref<8x128xf32, #tpu.memory_space<hbm>>
        %dma_start3A_1378 = arith.constant 16 : i32
        %dma_start3A_1379 = arith.constant 0 : i32
        %dma_start3A_1380 = tpu.memref_slice %arg11[%dma_start3A_1370, %dma_start3A_1371, %dma_start3A_1378, %dma_start3A_1379] : memref<3x4x32x128xf32, #tpu.memory_space<vmem>> -> memref<1x1x8x128xf32, #tpu.memory_space<vmem>>
        %dma_start3A_1381 = tpu.memref_squeeze %dma_start3A_1380 : memref<1x1x8x128xf32, #tpu.memory_space<vmem>> -> memref<8x128xf32, #tpu.memory_space<vmem>>
        %dma_start3A_1382 = arith.constant 16 : i32
        %dma_start3A_1383 = tpu.memref_slice %arg5[%dma_start3A_1382, %multiple_of3A_1308] : memref<32x1000000xf32, #tpu.memory_space<hbm>> -> memref<8x128xf32, #tpu.memory_space<hbm>>
        tpu.enqueue_dma source(%dma_start3A_1383 : memref<8x128xf32, #tpu.memory_space<hbm>>) target(%dma_start3A_1381 : memref<8x128xf32, #tpu.memory_space<vmem>>) target_semaphore(%arg17 : memref<!tpu.dma_semaphore, #tpu.memory_space<semaphore_mem>>)
        %dma_start3A_1384 = arith.constant 0 : i32
        %dma_start3A_1385 = arith.constant 1 : i32
        %dma_start3A_1386 = arith.constant 16 : i32
        %dma_start3A_1387 = arith.constant 0 : i32
        %dma_start3A_1388 = tpu.memref_slice %arg12[%dma_start3A_1384, %dma_start3A_1385, %dma_start3A_1386, %dma_start3A_1387] : memref<3x4x32x128xf32, #tpu.memory_space<vmem>> -> memref<1x1x8x128xf32, #tpu.memory_space<vmem>>
        %dma_start3A_1389 = tpu.memref_squeeze %dma_start3A_1388 : memref<1x1x8x128xf32, #tpu.memory_space<vmem>> -> memref<8x128xf32, #tpu.memory_space<vmem>>
        %dma_start3A_1390 = arith.constant 16 : i32
        %dma_start3A_1391 = tpu.memref_slice %arg6[%dma_start3A_1390, %multiple_of3A_1313] : memref<32x1000000xf32, #tpu.memory_space<hbm>> -> memref<8x128xf32, #tpu.memory_space<hbm>>
        %dma_start3A_1392 = arith.constant 16 : i32
        %dma_start3A_1393 = arith.constant 0 : i32
        %dma_start3A_1394 = tpu.memref_slice %arg12[%dma_start3A_1384, %dma_start3A_1385, %dma_start3A_1392, %dma_start3A_1393] : memref<3x4x32x128xf32, #tpu.memory_space<vmem>> -> memref<1x1x8x128xf32, #tpu.memory_space<vmem>>
        %dma_start3A_1395 = tpu.memref_squeeze %dma_start3A_1394 : memref<1x1x8x128xf32, #tpu.memory_space<vmem>> -> memref<8x128xf32, #tpu.memory_space<vmem>>
        %dma_start3A_1396 = arith.constant 16 : i32
        %dma_start3A_1397 = tpu.memref_slice %arg6[%dma_start3A_1396, %multiple_of3A_1313] : memref<32x1000000xf32, #tpu.memory_space<hbm>> -> memref<8x128xf32, #tpu.memory_space<hbm>>
        tpu.enqueue_dma source(%dma_start3A_1397 : memref<8x128xf32, #tpu.memory_space<hbm>>) target(%dma_start3A_1395 : memref<8x128xf32, #tpu.memory_space<vmem>>) target_semaphore(%arg17 : memref<!tpu.dma_semaphore, #tpu.memory_space<semaphore_mem>>)
        %dma_start3A_1398 = arith.constant 0 : i32
        %dma_start3A_1399 = arith.constant 1 : i32
        %dma_start3A_1400 = arith.constant 24 : i32
        %dma_start3A_1401 = arith.constant 0 : i32
        %dma_start3A_1402 = tpu.memref_slice %arg11[%dma_start3A_1398, %dma_start3A_1399, %dma_start3A_1400, %dma_start3A_1401] : memref<3x4x32x128xf32, #tpu.memory_space<vmem>> -> memref<1x1x8x128xf32, #tpu.memory_space<vmem>>
        %dma_start3A_1403 = tpu.memref_squeeze %dma_start3A_1402 : memref<1x1x8x128xf32, #tpu.memory_space<vmem>> -> memref<8x128xf32, #tpu.memory_space<vmem>>
        %dma_start3A_1404 = arith.constant 24 : i32
        %dma_start3A_1405 = tpu.memref_slice %arg5[%dma_start3A_1404, %multiple_of3A_1308] : memref<32x1000000xf32, #tpu.memory_space<hbm>> -> memref<8x128xf32, #tpu.memory_space<hbm>>
        %dma_start3A_1406 = arith.constant 24 : i32
        %dma_start3A_1407 = arith.constant 0 : i32
        %dma_start3A_1408 = tpu.memref_slice %arg11[%dma_start3A_1398, %dma_start3A_1399, %dma_start3A_1406, %dma_start3A_1407] : memref<3x4x32x128xf32, #tpu.memory_space<vmem>> -> memref<1x1x8x128xf32, #tpu.memory_space<vmem>>
        %dma_start3A_1409 = tpu.memref_squeeze %dma_start3A_1408 : memref<1x1x8x128xf32, #tpu.memory_space<vmem>> -> memref<8x128xf32, #tpu.memory_space<vmem>>
        %dma_start3A_1410 = arith.constant 24 : i32
        %dma_start3A_1411 = tpu.memref_slice %arg5[%dma_start3A_1410, %multiple_of3A_1308] : memref<32x1000000xf32, #tpu.memory_space<hbm>> -> memref<8x128xf32, #tpu.memory_space<hbm>>
        tpu.enqueue_dma source(%dma_start3A_1411 : memref<8x128xf32, #tpu.memory_space<hbm>>) target(%dma_start3A_1409 : memref<8x128xf32, #tpu.memory_space<vmem>>) target_semaphore(%arg17 : memref<!tpu.dma_semaphore, #tpu.memory_space<semaphore_mem>>)
        %dma_start3A_1412 = arith.constant 0 : i32
        %dma_start3A_1413 = arith.constant 1 : i32
        %dma_start3A_1414 = arith.constant 24 : i32
        %dma_start3A_1415 = arith.constant 0 : i32
        %dma_start3A_1416 = tpu.memref_slice %arg12[%dma_start3A_1412, %dma_start3A_1413, %dma_start3A_1414, %dma_start3A_1415] : memref<3x4x32x128xf32, #tpu.memory_space<vmem>> -> memref<1x1x8x128xf32, #tpu.memory_space<vmem>>
        %dma_start3A_1417 = tpu.memref_squeeze %dma_start3A_1416 : memref<1x1x8x128xf32, #tpu.memory_space<vmem>> -> memref<8x128xf32, #tpu.memory_space<vmem>>
        %dma_start3A_1418 = arith.constant 24 : i32
        %dma_start3A_1419 = tpu.memref_slice %arg6[%dma_start3A_1418, %multiple_of3A_1313] : memref<32x1000000xf32, #tpu.memory_space<hbm>> -> memref<8x128xf32, #tpu.memory_space<hbm>>
        %dma_start3A_1420 = arith.constant 24 : i32
        %dma_start3A_1421 = arith.constant 0 : i32
        %dma_start3A_1422 = tpu.memref_slice %arg12[%dma_start3A_1412, %dma_start3A_1413, %dma_start3A_1420, %dma_start3A_1421] : memref<3x4x32x128xf32, #tpu.memory_space<vmem>> -> memref<1x1x8x128xf32, #tpu.memory_space<vmem>>
        %dma_start3A_1423 = tpu.memref_squeeze %dma_start3A_1422 : memref<1x1x8x128xf32, #tpu.memory_space<vmem>> -> memref<8x128xf32, #tpu.memory_space<vmem>>
        %dma_start3A_1424 = arith.constant 24 : i32
        %dma_start3A_1425 = tpu.memref_slice %arg6[%dma_start3A_1424, %multiple_of3A_1313] : memref<32x1000000xf32, #tpu.memory_space<hbm>> -> memref<8x128xf32, #tpu.memory_space<hbm>>
        tpu.enqueue_dma source(%dma_start3A_1425 : memref<8x128xf32, #tpu.memory_space<hbm>>) target(%dma_start3A_1423 : memref<8x128xf32, #tpu.memory_space<vmem>>) target_semaphore(%arg17 : memref<!tpu.dma_semaphore, #tpu.memory_space<semaphore_mem>>)
        %slice3A_1426 = vector.extract_strided_slice %shift_right_arithmetic3A_1176 {offsets = [2], sizes = [1], strides = [1]} : vector<16xi32> to vector<1xi32>
        %squeeze3A_1427 = vector.extract %slice3A_1426[0] : i32 from vector<1xi32>
        %shift_left3A_1428 = arith.constant 7 : i32
        %shift_left3A_1429 = arith.shli %squeeze3A_1427, %shift_left3A_1428 : i32
        %multiple_of3A_1430 = tpu.assume_multiple %shift_left3A_1429, 128 : i32
        %slice3A_1431 = vector.extract_strided_slice %shift_right_arithmetic3A_1181 {offsets = [2], sizes = [1], strides = [1]} : vector<16xi32> to vector<1xi32>
        %squeeze3A_1432 = vector.extract %slice3A_1431[0] : i32 from vector<1xi32>
        %shift_left3A_1433 = arith.constant 7 : i32
        %shift_left3A_1434 = arith.shli %squeeze3A_1432, %shift_left3A_1433 : i32
        %multiple_of3A_1435 = tpu.assume_multiple %shift_left3A_1434, 128 : i32
        %dma_start3A_1436 = arith.constant 0 : i32
        %dma_start3A_1437 = arith.constant 2 : i32
        %dma_start3A_1438 = arith.constant 0 : i32
        %dma_start3A_1439 = arith.constant 0 : i32
        %dma_start3A_1440 = tpu.memref_slice %arg11[%dma_start3A_1436, %dma_start3A_1437, %dma_start3A_1438, %dma_start3A_1439] : memref<3x4x32x128xf32, #tpu.memory_space<vmem>> -> memref<1x1x8x128xf32, #tpu.memory_space<vmem>>
        %dma_start3A_1441 = tpu.memref_squeeze %dma_start3A_1440 : memref<1x1x8x128xf32, #tpu.memory_space<vmem>> -> memref<8x128xf32, #tpu.memory_space<vmem>>
        %dma_start3A_1442 = arith.constant 0 : i32
        %dma_start3A_1443 = tpu.memref_slice %arg5[%dma_start3A_1442, %multiple_of3A_1430] : memref<32x1000000xf32, #tpu.memory_space<hbm>> -> memref<8x128xf32, #tpu.memory_space<hbm>>
        %dma_start3A_1444 = arith.constant 0 : i32
        %dma_start3A_1445 = arith.constant 0 : i32
        %dma_start3A_1446 = tpu.memref_slice %arg11[%dma_start3A_1436, %dma_start3A_1437, %dma_start3A_1444, %dma_start3A_1445] : memref<3x4x32x128xf32, #tpu.memory_space<vmem>> -> memref<1x1x8x128xf32, #tpu.memory_space<vmem>>
        %dma_start3A_1447 = tpu.memref_squeeze %dma_start3A_1446 : memref<1x1x8x128xf32, #tpu.memory_space<vmem>> -> memref<8x128xf32, #tpu.memory_space<vmem>>
        %dma_start3A_1448 = arith.constant 0 : i32
        %dma_start3A_1449 = tpu.memref_slice %arg5[%dma_start3A_1448, %multiple_of3A_1430] : memref<32x1000000xf32, #tpu.memory_space<hbm>> -> memref<8x128xf32, #tpu.memory_space<hbm>>
        tpu.enqueue_dma source(%dma_start3A_1449 : memref<8x128xf32, #tpu.memory_space<hbm>>) target(%dma_start3A_1447 : memref<8x128xf32, #tpu.memory_space<vmem>>) target_semaphore(%arg17 : memref<!tpu.dma_semaphore, #tpu.memory_space<semaphore_mem>>)
        %dma_start3A_1450 = arith.constant 0 : i32
        %dma_start3A_1451 = arith.constant 2 : i32
        %dma_start3A_1452 = arith.constant 0 : i32
        %dma_start3A_1453 = arith.constant 0 : i32
        %dma_start3A_1454 = tpu.memref_slice %arg12[%dma_start3A_1450, %dma_start3A_1451, %dma_start3A_1452, %dma_start3A_1453] : memref<3x4x32x128xf32, #tpu.memory_space<vmem>> -> memref<1x1x8x128xf32, #tpu.memory_space<vmem>>
        %dma_start3A_1455 = tpu.memref_squeeze %dma_start3A_1454 : memref<1x1x8x128xf32, #tpu.memory_space<vmem>> -> memref<8x128xf32, #tpu.memory_space<vmem>>
        %dma_start3A_1456 = arith.constant 0 : i32
        %dma_start3A_1457 = tpu.memref_slice %arg6[%dma_start3A_1456, %multiple_of3A_1435] : memref<32x1000000xf32, #tpu.memory_space<hbm>> -> memref<8x128xf32, #tpu.memory_space<hbm>>
        %dma_start3A_1458 = arith.constant 0 : i32
        %dma_start3A_1459 = arith.constant 0 : i32
        %dma_start3A_1460 = tpu.memref_slice %arg12[%dma_start3A_1450, %dma_start3A_1451, %dma_start3A_1458, %dma_start3A_1459] : memref<3x4x32x128xf32, #tpu.memory_space<vmem>> -> memref<1x1x8x128xf32, #tpu.memory_space<vmem>>
        %dma_start3A_1461 = tpu.memref_squeeze %dma_start3A_1460 : memref<1x1x8x128xf32, #tpu.memory_space<vmem>> -> memref<8x128xf32, #tpu.memory_space<vmem>>
        %dma_start3A_1462 = arith.constant 0 : i32
        %dma_start3A_1463 = tpu.memref_slice %arg6[%dma_start3A_1462, %multiple_of3A_1435] : memref<32x1000000xf32, #tpu.memory_space<hbm>> -> memref<8x128xf32, #tpu.memory_space<hbm>>
        tpu.enqueue_dma source(%dma_start3A_1463 : memref<8x128xf32, #tpu.memory_space<hbm>>) target(%dma_start3A_1461 : memref<8x128xf32, #tpu.memory_space<vmem>>) target_semaphore(%arg17 : memref<!tpu.dma_semaphore, #tpu.memory_space<semaphore_mem>>)
        %dma_start3A_1464 = arith.constant 0 : i32
        %dma_start3A_1465 = arith.constant 2 : i32
        %dma_start3A_1466 = arith.constant 8 : i32
        %dma_start3A_1467 = arith.constant 0 : i32
        %dma_start3A_1468 = tpu.memref_slice %arg11[%dma_start3A_1464, %dma_start3A_1465, %dma_start3A_1466, %dma_start3A_1467] : memref<3x4x32x128xf32, #tpu.memory_space<vmem>> -> memref<1x1x8x128xf32, #tpu.memory_space<vmem>>
        %dma_start3A_1469 = tpu.memref_squeeze %dma_start3A_1468 : memref<1x1x8x128xf32, #tpu.memory_space<vmem>> -> memref<8x128xf32, #tpu.memory_space<vmem>>
        %dma_start3A_1470 = arith.constant 8 : i32
        %dma_start3A_1471 = tpu.memref_slice %arg5[%dma_start3A_1470, %multiple_of3A_1430] : memref<32x1000000xf32, #tpu.memory_space<hbm>> -> memref<8x128xf32, #tpu.memory_space<hbm>>
        %dma_start3A_1472 = arith.constant 8 : i32
        %dma_start3A_1473 = arith.constant 0 : i32
        %dma_start3A_1474 = tpu.memref_slice %arg11[%dma_start3A_1464, %dma_start3A_1465, %dma_start3A_1472, %dma_start3A_1473] : memref<3x4x32x128xf32, #tpu.memory_space<vmem>> -> memref<1x1x8x128xf32, #tpu.memory_space<vmem>>
        %dma_start3A_1475 = tpu.memref_squeeze %dma_start3A_1474 : memref<1x1x8x128xf32, #tpu.memory_space<vmem>> -> memref<8x128xf32, #tpu.memory_space<vmem>>
        %dma_start3A_1476 = arith.constant 8 : i32
        %dma_start3A_1477 = tpu.memref_slice %arg5[%dma_start3A_1476, %multiple_of3A_1430] : memref<32x1000000xf32, #tpu.memory_space<hbm>> -> memref<8x128xf32, #tpu.memory_space<hbm>>
        tpu.enqueue_dma source(%dma_start3A_1477 : memref<8x128xf32, #tpu.memory_space<hbm>>) target(%dma_start3A_1475 : memref<8x128xf32, #tpu.memory_space<vmem>>) target_semaphore(%arg17 : memref<!tpu.dma_semaphore, #tpu.memory_space<semaphore_mem>>)
        %dma_start3A_1478 = arith.constant 0 : i32
        %dma_start3A_1479 = arith.constant 2 : i32
        %dma_start3A_1480 = arith.constant 8 : i32
        %dma_start3A_1481 = arith.constant 0 : i32
        %dma_start3A_1482 = tpu.memref_slice %arg12[%dma_start3A_1478, %dma_start3A_1479, %dma_start3A_1480, %dma_start3A_1481] : memref<3x4x32x128xf32, #tpu.memory_space<vmem>> -> memref<1x1x8x128xf32, #tpu.memory_space<vmem>>
        %dma_start3A_1483 = tpu.memref_squeeze %dma_start3A_1482 : memref<1x1x8x128xf32, #tpu.memory_space<vmem>> -> memref<8x128xf32, #tpu.memory_space<vmem>>
        %dma_start3A_1484 = arith.constant 8 : i32
        %dma_start3A_1485 = tpu.memref_slice %arg6[%dma_start3A_1484, %multiple_of3A_1435] : memref<32x1000000xf32, #tpu.memory_space<hbm>> -> memref<8x128xf32, #tpu.memory_space<hbm>>
        %dma_start3A_1486 = arith.constant 8 : i32
        %dma_start3A_1487 = arith.constant 0 : i32
        %dma_start3A_1488 = tpu.memref_slice %arg12[%dma_start3A_1478, %dma_start3A_1479, %dma_start3A_1486, %dma_start3A_1487] : memref<3x4x32x128xf32, #tpu.memory_space<vmem>> -> memref<1x1x8x128xf32, #tpu.memory_space<vmem>>
        %dma_start3A_1489 = tpu.memref_squeeze %dma_start3A_1488 : memref<1x1x8x128xf32, #tpu.memory_space<vmem>> -> memref<8x128xf32, #tpu.memory_space<vmem>>
        %dma_start3A_1490 = arith.constant 8 : i32
        %dma_start3A_1491 = tpu.memref_slice %arg6[%dma_start3A_1490, %multiple_of3A_1435] : memref<32x1000000xf32, #tpu.memory_space<hbm>> -> memref<8x128xf32, #tpu.memory_space<hbm>>
        tpu.enqueue_dma source(%dma_start3A_1491 : memref<8x128xf32, #tpu.memory_space<hbm>>) target(%dma_start3A_1489 : memref<8x128xf32, #tpu.memory_space<vmem>>) target_semaphore(%arg17 : memref<!tpu.dma_semaphore, #tpu.memory_space<semaphore_mem>>)
        %dma_start3A_1492 = arith.constant 0 : i32
        %dma_start3A_1493 = arith.constant 2 : i32
        %dma_start3A_1494 = arith.constant 16 : i32
        %dma_start3A_1495 = arith.constant 0 : i32
        %dma_start3A_1496 = tpu.memref_slice %arg11[%dma_start3A_1492, %dma_start3A_1493, %dma_start3A_1494, %dma_start3A_1495] : memref<3x4x32x128xf32, #tpu.memory_space<vmem>> -> memref<1x1x8x128xf32, #tpu.memory_space<vmem>>
        %dma_start3A_1497 = tpu.memref_squeeze %dma_start3A_1496 : memref<1x1x8x128xf32, #tpu.memory_space<vmem>> -> memref<8x128xf32, #tpu.memory_space<vmem>>
        %dma_start3A_1498 = arith.constant 16 : i32
        %dma_start3A_1499 = tpu.memref_slice %arg5[%dma_start3A_1498, %multiple_of3A_1430] : memref<32x1000000xf32, #tpu.memory_space<hbm>> -> memref<8x128xf32, #tpu.memory_space<hbm>>
        %dma_start3A_1500 = arith.constant 16 : i32
        %dma_start3A_1501 = arith.constant 0 : i32
        %dma_start3A_1502 = tpu.memref_slice %arg11[%dma_start3A_1492, %dma_start3A_1493, %dma_start3A_1500, %dma_start3A_1501] : memref<3x4x32x128xf32, #tpu.memory_space<vmem>> -> memref<1x1x8x128xf32, #tpu.memory_space<vmem>>
        %dma_start3A_1503 = tpu.memref_squeeze %dma_start3A_1502 : memref<1x1x8x128xf32, #tpu.memory_space<vmem>> -> memref<8x128xf32, #tpu.memory_space<vmem>>
        %dma_start3A_1504 = arith.constant 16 : i32
        %dma_start3A_1505 = tpu.memref_slice %arg5[%dma_start3A_1504, %multiple_of3A_1430] : memref<32x1000000xf32, #tpu.memory_space<hbm>> -> memref<8x128xf32, #tpu.memory_space<hbm>>
        tpu.enqueue_dma source(%dma_start3A_1505 : memref<8x128xf32, #tpu.memory_space<hbm>>) target(%dma_start3A_1503 : memref<8x128xf32, #tpu.memory_space<vmem>>) target_semaphore(%arg17 : memref<!tpu.dma_semaphore, #tpu.memory_space<semaphore_mem>>)
        %dma_start3A_1506 = arith.constant 0 : i32
        %dma_start3A_1507 = arith.constant 2 : i32
        %dma_start3A_1508 = arith.constant 16 : i32
        %dma_start3A_1509 = arith.constant 0 : i32
        %dma_start3A_1510 = tpu.memref_slice %arg12[%dma_start3A_1506, %dma_start3A_1507, %dma_start3A_1508, %dma_start3A_1509] : memref<3x4x32x128xf32, #tpu.memory_space<vmem>> -> memref<1x1x8x128xf32, #tpu.memory_space<vmem>>
        %dma_start3A_1511 = tpu.memref_squeeze %dma_start3A_1510 : memref<1x1x8x128xf32, #tpu.memory_space<vmem>> -> memref<8x128xf32, #tpu.memory_space<vmem>>
        %dma_start3A_1512 = arith.constant 16 : i32
        %dma_start3A_1513 = tpu.memref_slice %arg6[%dma_start3A_1512, %multiple_of3A_1435] : memref<32x1000000xf32, #tpu.memory_space<hbm>> -> memref<8x128xf32, #tpu.memory_space<hbm>>
        %dma_start3A_1514 = arith.constant 16 : i32
        %dma_start3A_1515 = arith.constant 0 : i32
        %dma_start3A_1516 = tpu.memref_slice %arg12[%dma_start3A_1506, %dma_start3A_1507, %dma_start3A_1514, %dma_start3A_1515] : memref<3x4x32x128xf32, #tpu.memory_space<vmem>> -> memref<1x1x8x128xf32, #tpu.memory_space<vmem>>
        %dma_start3A_1517 = tpu.memref_squeeze %dma_start3A_1516 : memref<1x1x8x128xf32, #tpu.memory_space<vmem>> -> memref<8x128xf32, #tpu.memory_space<vmem>>
        %dma_start3A_1518 = arith.constant 16 : i32
        %dma_start3A_1519 = tpu.memref_slice %arg6[%dma_start3A_1518, %multiple_of3A_1435] : memref<32x1000000xf32, #tpu.memory_space<hbm>> -> memref<8x128xf32, #tpu.memory_space<hbm>>
        tpu.enqueue_dma source(%dma_start3A_1519 : memref<8x128xf32, #tpu.memory_space<hbm>>) target(%dma_start3A_1517 : memref<8x128xf32, #tpu.memory_space<vmem>>) target_semaphore(%arg17 : memref<!tpu.dma_semaphore, #tpu.memory_space<semaphore_mem>>)
        %dma_start3A_1520 = arith.constant 0 : i32
        %dma_start3A_1521 = arith.constant 2 : i32
        %dma_start3A_1522 = arith.constant 24 : i32
        %dma_start3A_1523 = arith.constant 0 : i32
        %dma_start3A_1524 = tpu.memref_slice %arg11[%dma_start3A_1520, %dma_start3A_1521, %dma_start3A_1522, %dma_start3A_1523] : memref<3x4x32x128xf32, #tpu.memory_space<vmem>> -> memref<1x1x8x128xf32, #tpu.memory_space<vmem>>
        %dma_start3A_1525 = tpu.memref_squeeze %dma_start3A_1524 : memref<1x1x8x128xf32, #tpu.memory_space<vmem>> -> memref<8x128xf32, #tpu.memory_space<vmem>>
        %dma_start3A_1526 = arith.constant 24 : i32
        %dma_start3A_1527 = tpu.memref_slice %arg5[%dma_start3A_1526, %multiple_of3A_1430] : memref<32x1000000xf32, #tpu.memory_space<hbm>> -> memref<8x128xf32, #tpu.memory_space<hbm>>
        %dma_start3A_1528 = arith.constant 24 : i32
        %dma_start3A_1529 = arith.constant 0 : i32
        %dma_start3A_1530 = tpu.memref_slice %arg11[%dma_start3A_1520, %dma_start3A_1521, %dma_start3A_1528, %dma_start3A_1529] : memref<3x4x32x128xf32, #tpu.memory_space<vmem>> -> memref<1x1x8x128xf32, #tpu.memory_space<vmem>>
        %dma_start3A_1531 = tpu.memref_squeeze %dma_start3A_1530 : memref<1x1x8x128xf32, #tpu.memory_space<vmem>> -> memref<8x128xf32, #tpu.memory_space<vmem>>
        %dma_start3A_1532 = arith.constant 24 : i32
        %dma_start3A_1533 = tpu.memref_slice %arg5[%dma_start3A_1532, %multiple_of3A_1430] : memref<32x1000000xf32, #tpu.memory_space<hbm>> -> memref<8x128xf32, #tpu.memory_space<hbm>>
        tpu.enqueue_dma source(%dma_start3A_1533 : memref<8x128xf32, #tpu.memory_space<hbm>>) target(%dma_start3A_1531 : memref<8x128xf32, #tpu.memory_space<vmem>>) target_semaphore(%arg17 : memref<!tpu.dma_semaphore, #tpu.memory_space<semaphore_mem>>)
        %dma_start3A_1534 = arith.constant 0 : i32
        %dma_start3A_1535 = arith.constant 2 : i32
        %dma_start3A_1536 = arith.constant 24 : i32
        %dma_start3A_1537 = arith.constant 0 : i32
        %dma_start3A_1538 = tpu.memref_slice %arg12[%dma_start3A_1534, %dma_start3A_1535, %dma_start3A_1536, %dma_start3A_1537] : memref<3x4x32x128xf32, #tpu.memory_space<vmem>> -> memref<1x1x8x128xf32, #tpu.memory_space<vmem>>
        %dma_start3A_1539 = tpu.memref_squeeze %dma_start3A_1538 : memref<1x1x8x128xf32, #tpu.memory_space<vmem>> -> memref<8x128xf32, #tpu.memory_space<vmem>>
        %dma_start3A_1540 = arith.constant 24 : i32
        %dma_start3A_1541 = tpu.memref_slice %arg6[%dma_start3A_1540, %multiple_of3A_1435] : memref<32x1000000xf32, #tpu.memory_space<hbm>> -> memref<8x128xf32, #tpu.memory_space<hbm>>
        %dma_start3A_1542 = arith.constant 24 : i32
        %dma_start3A_1543 = arith.constant 0 : i32
        %dma_start3A_1544 = tpu.memref_slice %arg12[%dma_start3A_1534, %dma_start3A_1535, %dma_start3A_1542, %dma_start3A_1543] : memref<3x4x32x128xf32, #tpu.memory_space<vmem>> -> memref<1x1x8x128xf32, #tpu.memory_space<vmem>>
        %dma_start3A_1545 = tpu.memref_squeeze %dma_start3A_1544 : memref<1x1x8x128xf32, #tpu.memory_space<vmem>> -> memref<8x128xf32, #tpu.memory_space<vmem>>
        %dma_start3A_1546 = arith.constant 24 : i32
        %dma_start3A_1547 = tpu.memref_slice %arg6[%dma_start3A_1546, %multiple_of3A_1435] : memref<32x1000000xf32, #tpu.memory_space<hbm>> -> memref<8x128xf32, #tpu.memory_space<hbm>>
        tpu.enqueue_dma source(%dma_start3A_1547 : memref<8x128xf32, #tpu.memory_space<hbm>>) target(%dma_start3A_1545 : memref<8x128xf32, #tpu.memory_space<vmem>>) target_semaphore(%arg17 : memref<!tpu.dma_semaphore, #tpu.memory_space<semaphore_mem>>)
        %slice3A_1548 = vector.extract_strided_slice %shift_right_arithmetic3A_1176 {offsets = [3], sizes = [1], strides = [1]} : vector<16xi32> to vector<1xi32>
        %squeeze3A_1549 = vector.extract %slice3A_1548[0] : i32 from vector<1xi32>
        %shift_left3A_1550 = arith.constant 7 : i32
        %shift_left3A_1551 = arith.shli %squeeze3A_1549, %shift_left3A_1550 : i32
        %multiple_of3A_1552 = tpu.assume_multiple %shift_left3A_1551, 128 : i32
        %slice3A_1553 = vector.extract_strided_slice %shift_right_arithmetic3A_1181 {offsets = [3], sizes = [1], strides = [1]} : vector<16xi32> to vector<1xi32>
        %squeeze3A_1554 = vector.extract %slice3A_1553[0] : i32 from vector<1xi32>
        %shift_left3A_1555 = arith.constant 7 : i32
        %shift_left3A_1556 = arith.shli %squeeze3A_1554, %shift_left3A_1555 : i32
        %multiple_of3A_1557 = tpu.assume_multiple %shift_left3A_1556, 128 : i32
        %dma_start3A_1558 = arith.constant 0 : i32
        %dma_start3A_1559 = arith.constant 3 : i32
        %dma_start3A_1560 = arith.constant 0 : i32
        %dma_start3A_1561 = arith.constant 0 : i32
        %dma_start3A_1562 = tpu.memref_slice %arg11[%dma_start3A_1558, %dma_start3A_1559, %dma_start3A_1560, %dma_start3A_1561] : memref<3x4x32x128xf32, #tpu.memory_space<vmem>> -> memref<1x1x8x128xf32, #tpu.memory_space<vmem>>
        %dma_start3A_1563 = tpu.memref_squeeze %dma_start3A_1562 : memref<1x1x8x128xf32, #tpu.memory_space<vmem>> -> memref<8x128xf32, #tpu.memory_space<vmem>>
        %dma_start3A_1564 = arith.constant 0 : i32
        %dma_start3A_1565 = tpu.memref_slice %arg5[%dma_start3A_1564, %multiple_of3A_1552] : memref<32x1000000xf32, #tpu.memory_space<hbm>> -> memref<8x128xf32, #tpu.memory_space<hbm>>
        %dma_start3A_1566 = arith.constant 0 : i32
        %dma_start3A_1567 = arith.constant 0 : i32
        %dma_start3A_1568 = tpu.memref_slice %arg11[%dma_start3A_1558, %dma_start3A_1559, %dma_start3A_1566, %dma_start3A_1567] : memref<3x4x32x128xf32, #tpu.memory_space<vmem>> -> memref<1x1x8x128xf32, #tpu.memory_space<vmem>>
        %dma_start3A_1569 = tpu.memref_squeeze %dma_start3A_1568 : memref<1x1x8x128xf32, #tpu.memory_space<vmem>> -> memref<8x128xf32, #tpu.memory_space<vmem>>
        %dma_start3A_1570 = arith.constant 0 : i32
        %dma_start3A_1571 = tpu.memref_slice %arg5[%dma_start3A_1570, %multiple_of3A_1552] : memref<32x1000000xf32, #tpu.memory_space<hbm>> -> memref<8x128xf32, #tpu.memory_space<hbm>>
        tpu.enqueue_dma source(%dma_start3A_1571 : memref<8x128xf32, #tpu.memory_space<hbm>>) target(%dma_start3A_1569 : memref<8x128xf32, #tpu.memory_space<vmem>>) target_semaphore(%arg17 : memref<!tpu.dma_semaphore, #tpu.memory_space<semaphore_mem>>)
        %dma_start3A_1572 = arith.constant 0 : i32
        %dma_start3A_1573 = arith.constant 3 : i32
        %dma_start3A_1574 = arith.constant 0 : i32
        %dma_start3A_1575 = arith.constant 0 : i32
        %dma_start3A_1576 = tpu.memref_slice %arg12[%dma_start3A_1572, %dma_start3A_1573, %dma_start3A_1574, %dma_start3A_1575] : memref<3x4x32x128xf32, #tpu.memory_space<vmem>> -> memref<1x1x8x128xf32, #tpu.memory_space<vmem>>
        %dma_start3A_1577 = tpu.memref_squeeze %dma_start3A_1576 : memref<1x1x8x128xf32, #tpu.memory_space<vmem>> -> memref<8x128xf32, #tpu.memory_space<vmem>>
        %dma_start3A_1578 = arith.constant 0 : i32
        %dma_start3A_1579 = tpu.memref_slice %arg6[%dma_start3A_1578, %multiple_of3A_1557] : memref<32x1000000xf32, #tpu.memory_space<hbm>> -> memref<8x128xf32, #tpu.memory_space<hbm>>
        %dma_start3A_1580 = arith.constant 0 : i32
        %dma_start3A_1581 = arith.constant 0 : i32
        %dma_start3A_1582 = tpu.memref_slice %arg12[%dma_start3A_1572, %dma_start3A_1573, %dma_start3A_1580, %dma_start3A_1581] : memref<3x4x32x128xf32, #tpu.memory_space<vmem>> -> memref<1x1x8x128xf32, #tpu.memory_space<vmem>>
        %dma_start3A_1583 = tpu.memref_squeeze %dma_start3A_1582 : memref<1x1x8x128xf32, #tpu.memory_space<vmem>> -> memref<8x128xf32, #tpu.memory_space<vmem>>
        %dma_start3A_1584 = arith.constant 0 : i32
        %dma_start3A_1585 = tpu.memref_slice %arg6[%dma_start3A_1584, %multiple_of3A_1557] : memref<32x1000000xf32, #tpu.memory_space<hbm>> -> memref<8x128xf32, #tpu.memory_space<hbm>>
        tpu.enqueue_dma source(%dma_start3A_1585 : memref<8x128xf32, #tpu.memory_space<hbm>>) target(%dma_start3A_1583 : memref<8x128xf32, #tpu.memory_space<vmem>>) target_semaphore(%arg17 : memref<!tpu.dma_semaphore, #tpu.memory_space<semaphore_mem>>)
        %dma_start3A_1586 = arith.constant 0 : i32
        %dma_start3A_1587 = arith.constant 3 : i32
        %dma_start3A_1588 = arith.constant 8 : i32
        %dma_start3A_1589 = arith.constant 0 : i32
        %dma_start3A_1590 = tpu.memref_slice %arg11[%dma_start3A_1586, %dma_start3A_1587, %dma_start3A_1588, %dma_start3A_1589] : memref<3x4x32x128xf32, #tpu.memory_space<vmem>> -> memref<1x1x8x128xf32, #tpu.memory_space<vmem>>
        %dma_start3A_1591 = tpu.memref_squeeze %dma_start3A_1590 : memref<1x1x8x128xf32, #tpu.memory_space<vmem>> -> memref<8x128xf32, #tpu.memory_space<vmem>>
        %dma_start3A_1592 = arith.constant 8 : i32
        %dma_start3A_1593 = tpu.memref_slice %arg5[%dma_start3A_1592, %multiple_of3A_1552] : memref<32x1000000xf32, #tpu.memory_space<hbm>> -> memref<8x128xf32, #tpu.memory_space<hbm>>
        %dma_start3A_1594 = arith.constant 8 : i32
        %dma_start3A_1595 = arith.constant 0 : i32
        %dma_start3A_1596 = tpu.memref_slice %arg11[%dma_start3A_1586, %dma_start3A_1587, %dma_start3A_1594, %dma_start3A_1595] : memref<3x4x32x128xf32, #tpu.memory_space<vmem>> -> memref<1x1x8x128xf32, #tpu.memory_space<vmem>>
        %dma_start3A_1597 = tpu.memref_squeeze %dma_start3A_1596 : memref<1x1x8x128xf32, #tpu.memory_space<vmem>> -> memref<8x128xf32, #tpu.memory_space<vmem>>
        %dma_start3A_1598 = arith.constant 8 : i32
        %dma_start3A_1599 = tpu.memref_slice %arg5[%dma_start3A_1598, %multiple_of3A_1552] : memref<32x1000000xf32, #tpu.memory_space<hbm>> -> memref<8x128xf32, #tpu.memory_space<hbm>>
        tpu.enqueue_dma source(%dma_start3A_1599 : memref<8x128xf32, #tpu.memory_space<hbm>>) target(%dma_start3A_1597 : memref<8x128xf32, #tpu.memory_space<vmem>>) target_semaphore(%arg17 : memref<!tpu.dma_semaphore, #tpu.memory_space<semaphore_mem>>)
        %dma_start3A_1600 = arith.constant 0 : i32
        %dma_start3A_1601 = arith.constant 3 : i32
        %dma_start3A_1602 = arith.constant 8 : i32
        %dma_start3A_1603 = arith.constant 0 : i32
        %dma_start3A_1604 = tpu.memref_slice %arg12[%dma_start3A_1600, %dma_start3A_1601, %dma_start3A_1602, %dma_start3A_1603] : memref<3x4x32x128xf32, #tpu.memory_space<vmem>> -> memref<1x1x8x128xf32, #tpu.memory_space<vmem>>
        %dma_start3A_1605 = tpu.memref_squeeze %dma_start3A_1604 : memref<1x1x8x128xf32, #tpu.memory_space<vmem>> -> memref<8x128xf32, #tpu.memory_space<vmem>>
        %dma_start3A_1606 = arith.constant 8 : i32
        %dma_start3A_1607 = tpu.memref_slice %arg6[%dma_start3A_1606, %multiple_of3A_1557] : memref<32x1000000xf32, #tpu.memory_space<hbm>> -> memref<8x128xf32, #tpu.memory_space<hbm>>
        %dma_start3A_1608 = arith.constant 8 : i32
        %dma_start3A_1609 = arith.constant 0 : i32
        %dma_start3A_1610 = tpu.memref_slice %arg12[%dma_start3A_1600, %dma_start3A_1601, %dma_start3A_1608, %dma_start3A_1609] : memref<3x4x32x128xf32, #tpu.memory_space<vmem>> -> memref<1x1x8x128xf32, #tpu.memory_space<vmem>>
        %dma_start3A_1611 = tpu.memref_squeeze %dma_start3A_1610 : memref<1x1x8x128xf32, #tpu.memory_space<vmem>> -> memref<8x128xf32, #tpu.memory_space<vmem>>
        %dma_start3A_1612 = arith.constant 8 : i32
        %dma_start3A_1613 = tpu.memref_slice %arg6[%dma_start3A_1612, %multiple_of3A_1557] : memref<32x1000000xf32, #tpu.memory_space<hbm>> -> memref<8x128xf32, #tpu.memory_space<hbm>>
        tpu.enqueue_dma source(%dma_start3A_1613 : memref<8x128xf32, #tpu.memory_space<hbm>>) target(%dma_start3A_1611 : memref<8x128xf32, #tpu.memory_space<vmem>>) target_semaphore(%arg17 : memref<!tpu.dma_semaphore, #tpu.memory_space<semaphore_mem>>)
        %dma_start3A_1614 = arith.constant 0 : i32
        %dma_start3A_1615 = arith.constant 3 : i32
        %dma_start3A_1616 = arith.constant 16 : i32
        %dma_start3A_1617 = arith.constant 0 : i32
        %dma_start3A_1618 = tpu.memref_slice %arg11[%dma_start3A_1614, %dma_start3A_1615, %dma_start3A_1616, %dma_start3A_1617] : memref<3x4x32x128xf32, #tpu.memory_space<vmem>> -> memref<1x1x8x128xf32, #tpu.memory_space<vmem>>
        %dma_start3A_1619 = tpu.memref_squeeze %dma_start3A_1618 : memref<1x1x8x128xf32, #tpu.memory_space<vmem>> -> memref<8x128xf32, #tpu.memory_space<vmem>>
        %dma_start3A_1620 = arith.constant 16 : i32
        %dma_start3A_1621 = tpu.memref_slice %arg5[%dma_start3A_1620, %multiple_of3A_1552] : memref<32x1000000xf32, #tpu.memory_space<hbm>> -> memref<8x128xf32, #tpu.memory_space<hbm>>
        %dma_start3A_1622 = arith.constant 16 : i32
        %dma_start3A_1623 = arith.constant 0 : i32
        %dma_start3A_1624 = tpu.memref_slice %arg11[%dma_start3A_1614, %dma_start3A_1615, %dma_start3A_1622, %dma_start3A_1623] : memref<3x4x32x128xf32, #tpu.memory_space<vmem>> -> memref<1x1x8x128xf32, #tpu.memory_space<vmem>>
        %dma_start3A_1625 = tpu.memref_squeeze %dma_start3A_1624 : memref<1x1x8x128xf32, #tpu.memory_space<vmem>> -> memref<8x128xf32, #tpu.memory_space<vmem>>
        %dma_start3A_1626 = arith.constant 16 : i32
        %dma_start3A_1627 = tpu.memref_slice %arg5[%dma_start3A_1626, %multiple_of3A_1552] : memref<32x1000000xf32, #tpu.memory_space<hbm>> -> memref<8x128xf32, #tpu.memory_space<hbm>>
        tpu.enqueue_dma source(%dma_start3A_1627 : memref<8x128xf32, #tpu.memory_space<hbm>>) target(%dma_start3A_1625 : memref<8x128xf32, #tpu.memory_space<vmem>>) target_semaphore(%arg17 : memref<!tpu.dma_semaphore, #tpu.memory_space<semaphore_mem>>)
        %dma_start3A_1628 = arith.constant 0 : i32
        %dma_start3A_1629 = arith.constant 3 : i32
        %dma_start3A_1630 = arith.constant 16 : i32
        %dma_start3A_1631 = arith.constant 0 : i32
        %dma_start3A_1632 = tpu.memref_slice %arg12[%dma_start3A_1628, %dma_start3A_1629, %dma_start3A_1630, %dma_start3A_1631] : memref<3x4x32x128xf32, #tpu.memory_space<vmem>> -> memref<1x1x8x128xf32, #tpu.memory_space<vmem>>
        %dma_start3A_1633 = tpu.memref_squeeze %dma_start3A_1632 : memref<1x1x8x128xf32, #tpu.memory_space<vmem>> -> memref<8x128xf32, #tpu.memory_space<vmem>>
        %dma_start3A_1634 = arith.constant 16 : i32
        %dma_start3A_1635 = tpu.memref_slice %arg6[%dma_start3A_1634, %multiple_of3A_1557] : memref<32x1000000xf32, #tpu.memory_space<hbm>> -> memref<8x128xf32, #tpu.memory_space<hbm>>
        %dma_start3A_1636 = arith.constant 16 : i32
        %dma_start3A_1637 = arith.constant 0 : i32
        %dma_start3A_1638 = tpu.memref_slice %arg12[%dma_start3A_1628, %dma_start3A_1629, %dma_start3A_1636, %dma_start3A_1637] : memref<3x4x32x128xf32, #tpu.memory_space<vmem>> -> memref<1x1x8x128xf32, #tpu.memory_space<vmem>>
        %dma_start3A_1639 = tpu.memref_squeeze %dma_start3A_1638 : memref<1x1x8x128xf32, #tpu.memory_space<vmem>> -> memref<8x128xf32, #tpu.memory_space<vmem>>
        %dma_start3A_1640 = arith.constant 16 : i32
        %dma_start3A_1641 = tpu.memref_slice %arg6[%dma_start3A_1640, %multiple_of3A_1557] : memref<32x1000000xf32, #tpu.memory_space<hbm>> -> memref<8x128xf32, #tpu.memory_space<hbm>>
        tpu.enqueue_dma source(%dma_start3A_1641 : memref<8x128xf32, #tpu.memory_space<hbm>>) target(%dma_start3A_1639 : memref<8x128xf32, #tpu.memory_space<vmem>>) target_semaphore(%arg17 : memref<!tpu.dma_semaphore, #tpu.memory_space<semaphore_mem>>)
        %dma_start3A_1642 = arith.constant 0 : i32
        %dma_start3A_1643 = arith.constant 3 : i32
        %dma_start3A_1644 = arith.constant 24 : i32
        %dma_start3A_1645 = arith.constant 0 : i32
        %dma_start3A_1646 = tpu.memref_slice %arg11[%dma_start3A_1642, %dma_start3A_1643, %dma_start3A_1644, %dma_start3A_1645] : memref<3x4x32x128xf32, #tpu.memory_space<vmem>> -> memref<1x1x8x128xf32, #tpu.memory_space<vmem>>
        %dma_start3A_1647 = tpu.memref_squeeze %dma_start3A_1646 : memref<1x1x8x128xf32, #tpu.memory_space<vmem>> -> memref<8x128xf32, #tpu.memory_space<vmem>>
        %dma_start3A_1648 = arith.constant 24 : i32
        %dma_start3A_1649 = tpu.memref_slice %arg5[%dma_start3A_1648, %multiple_of3A_1552] : memref<32x1000000xf32, #tpu.memory_space<hbm>> -> memref<8x128xf32, #tpu.memory_space<hbm>>
        %dma_start3A_1650 = arith.constant 24 : i32
        %dma_start3A_1651 = arith.constant 0 : i32
        %dma_start3A_1652 = tpu.memref_slice %arg11[%dma_start3A_1642, %dma_start3A_1643, %dma_start3A_1650, %dma_start3A_1651] : memref<3x4x32x128xf32, #tpu.memory_space<vmem>> -> memref<1x1x8x128xf32, #tpu.memory_space<vmem>>
        %dma_start3A_1653 = tpu.memref_squeeze %dma_start3A_1652 : memref<1x1x8x128xf32, #tpu.memory_space<vmem>> -> memref<8x128xf32, #tpu.memory_space<vmem>>
        %dma_start3A_1654 = arith.constant 24 : i32
        %dma_start3A_1655 = tpu.memref_slice %arg5[%dma_start3A_1654, %multiple_of3A_1552] : memref<32x1000000xf32, #tpu.memory_space<hbm>> -> memref<8x128xf32, #tpu.memory_space<hbm>>
        tpu.enqueue_dma source(%dma_start3A_1655 : memref<8x128xf32, #tpu.memory_space<hbm>>) target(%dma_start3A_1653 : memref<8x128xf32, #tpu.memory_space<vmem>>) target_semaphore(%arg17 : memref<!tpu.dma_semaphore, #tpu.memory_space<semaphore_mem>>)
        %dma_start3A_1656 = arith.constant 0 : i32
        %dma_start3A_1657 = arith.constant 3 : i32
        %dma_start3A_1658 = arith.constant 24 : i32
        %dma_start3A_1659 = arith.constant 0 : i32
        %dma_start3A_1660 = tpu.memref_slice %arg12[%dma_start3A_1656, %dma_start3A_1657, %dma_start3A_1658, %dma_start3A_1659] : memref<3x4x32x128xf32, #tpu.memory_space<vmem>> -> memref<1x1x8x128xf32, #tpu.memory_space<vmem>>
        %dma_start3A_1661 = tpu.memref_squeeze %dma_start3A_1660 : memref<1x1x8x128xf32, #tpu.memory_space<vmem>> -> memref<8x128xf32, #tpu.memory_space<vmem>>
        %dma_start3A_1662 = arith.constant 24 : i32
        %dma_start3A_1663 = tpu.memref_slice %arg6[%dma_start3A_1662, %multiple_of3A_1557] : memref<32x1000000xf32, #tpu.memory_space<hbm>> -> memref<8x128xf32, #tpu.memory_space<hbm>>
        %dma_start3A_1664 = arith.constant 24 : i32
        %dma_start3A_1665 = arith.constant 0 : i32
        %dma_start3A_1666 = tpu.memref_slice %arg12[%dma_start3A_1656, %dma_start3A_1657, %dma_start3A_1664, %dma_start3A_1665] : memref<3x4x32x128xf32, #tpu.memory_space<vmem>> -> memref<1x1x8x128xf32, #tpu.memory_space<vmem>>
        %dma_start3A_1667 = tpu.memref_squeeze %dma_start3A_1666 : memref<1x1x8x128xf32, #tpu.memory_space<vmem>> -> memref<8x128xf32, #tpu.memory_space<vmem>>
        %dma_start3A_1668 = arith.constant 24 : i32
        %dma_start3A_1669 = tpu.memref_slice %arg6[%dma_start3A_1668, %multiple_of3A_1557] : memref<32x1000000xf32, #tpu.memory_space<hbm>> -> memref<8x128xf32, #tpu.memory_space<hbm>>
        tpu.enqueue_dma source(%dma_start3A_1669 : memref<8x128xf32, #tpu.memory_space<hbm>>) target(%dma_start3A_1667 : memref<8x128xf32, #tpu.memory_space<vmem>>) target_semaphore(%arg17 : memref<!tpu.dma_semaphore, #tpu.memory_space<semaphore_mem>>)
      } else {
      }
      %lt3A_1100 = arith.constant 128 : i32
      %lt3A_1101 = arith.cmpi slt, %add3A_1080, %lt3A_1100 : i32
      %jit3A_1102 = arith.constant 3 : i32
      %eq3A_1103 = arith.constant 0 : i32
      %eq3A_1104 = arith.cmpi eq, %jit3A_1102, %eq3A_1103 : i32
      %jit3A_1105 = arith.constant 1 : i32
      %select_n3A_1106 = arith.select %eq3A_1104, %jit3A_1105, %jit3A_1102 : i32
      %rem3A_1107 = arith.remsi %add3A_1080, %select_n3A_1106 : i32
      %ne3A_1108 = arith.constant 0 : i32
      %ne3A_1109 = arith.cmpi ne, %rem3A_1107, %ne3A_1108 : i32
      %lt3A_1110 = arith.constant 0 : i32
      %lt3A_1111 = arith.cmpi slt, %rem3A_1107, %lt3A_1110 : i32
      %lt3A_1112 = arith.constant 0 : i32
      %lt3A_1113 = arith.cmpi slt, %select_n3A_1106, %lt3A_1112 : i32
      %ne3A_1114 = arith.xori %lt3A_1111, %lt3A_1113 : i1
      %and3A_1115 = arith.andi %ne3A_1114, %ne3A_1109 : i1
      %add3A_1116 = arith.addi %rem3A_1107, %select_n3A_1106 : i32
      %select_n3A_1117 = arith.select %and3A_1115, %add3A_1116, %rem3A_1107 : i32
      %eq3A_1118 = arith.constant 1 : i32
      %eq3A_1119 = arith.cmpi eq, %select_n3A_1117, %eq3A_1118 : i32
      %and3A_1120 = arith.andi %lt3A_1101, %eq3A_1119 : i1
      %convert_element_type3A_1121 = arith.extui %and3A_1120 : i1 to i32
      %cond3A_1122 = arith.constant 0 : i32
      %cond3A_1123 = arith.cmpi ne, %convert_element_type3A_1121, %cond3A_1122 : i32
      scf.if %cond3A_1123 {
        %mul3A_1170 = arith.constant 4 : i32
        %mul3A_1171 = arith.muli %add3A_1080, %mul3A_1170 : i32
        %get3A_1172 = arith.index_cast %mul3A_1171 : i32 to index
        %get3A_1173 = tpu.vector_load %arg8[%get3A_1172] {strides = array<i32>} : memref<528xi32, #tpu.memory_space<vmem>>, vector<16xi32>,
        %shift_right_arithmetic3A_1174 = arith.constant 7 : i32
        %shift_right_arithmetic3A_1175 = vector.broadcast %shift_right_arithmetic3A_1174 : i32 to vector<16xi32>
        %shift_right_arithmetic3A_1176 = arith.shrsi %get3A_1173, %shift_right_arithmetic3A_1175 : vector<16xi32>
        %get3A_1177 = arith.index_cast %mul3A_1171 : i32 to index
        %get3A_1178 = tpu.vector_load %arg9[%get3A_1177] {strides = array<i32>} : memref<528xi32, #tpu.memory_space<vmem>>, vector<16xi32>,
        %shift_right_arithmetic3A_1179 = arith.constant 7 : i32
        %shift_right_arithmetic3A_1180 = vector.broadcast %shift_right_arithmetic3A_1179 : i32 to vector<16xi32>
        %shift_right_arithmetic3A_1181 = arith.shrsi %get3A_1178, %shift_right_arithmetic3A_1180 : vector<16xi32>
        %slice3A_1182 = vector.extract_strided_slice %shift_right_arithmetic3A_1176 {offsets = [0], sizes = [1], strides = [1]} : vector<16xi32> to vector<1xi32>
        %squeeze3A_1183 = vector.extract %slice3A_1182[0] : i32 from vector<1xi32>
        %shift_left3A_1184 = arith.constant 7 : i32
        %shift_left3A_1185 = arith.shli %squeeze3A_1183, %shift_left3A_1184 : i32
        %multiple_of3A_1186 = tpu.assume_multiple %shift_left3A_1185, 128 : i32
        %slice3A_1187 = vector.extract_strided_slice %shift_right_arithmetic3A_1181 {offsets = [0], sizes = [1], strides = [1]} : vector<16xi32> to vector<1xi32>
        %squeeze3A_1188 = vector.extract %slice3A_1187[0] : i32 from vector<1xi32>
        %shift_left3A_1189 = arith.constant 7 : i32
        %shift_left3A_1190 = arith.shli %squeeze3A_1188, %shift_left3A_1189 : i32
        %multiple_of3A_1191 = tpu.assume_multiple %shift_left3A_1190, 128 : i32
        %dma_start3A_1192 = arith.constant 1 : i32
        %dma_start3A_1193 = arith.constant 0 : i32
        %dma_start3A_1194 = arith.constant 0 : i32
        %dma_start3A_1195 = arith.constant 0 : i32
        %dma_start3A_1196 = tpu.memref_slice %arg11[%dma_start3A_1192, %dma_start3A_1193, %dma_start3A_1194, %dma_start3A_1195] : memref<3x4x32x128xf32, #tpu.memory_space<vmem>> -> memref<1x1x8x128xf32, #tpu.memory_space<vmem>>
        %dma_start3A_1197 = tpu.memref_squeeze %dma_start3A_1196 : memref<1x1x8x128xf32, #tpu.memory_space<vmem>> -> memref<8x128xf32, #tpu.memory_space<vmem>>
        %dma_start3A_1198 = arith.constant 0 : i32
        %dma_start3A_1199 = tpu.memref_slice %arg5[%dma_start3A_1198, %multiple_of3A_1186] : memref<32x1000000xf32, #tpu.memory_space<hbm>> -> memref<8x128xf32, #tpu.memory_space<hbm>>
        %dma_start3A_1200 = arith.constant 0 : i32
        %dma_start3A_1201 = arith.constant 0 : i32
        %dma_start3A_1202 = tpu.memref_slice %arg11[%dma_start3A_1192, %dma_start3A_1193, %dma_start3A_1200, %dma_start3A_1201] : memref<3x4x32x128xf32, #tpu.memory_space<vmem>> -> memref<1x1x8x128xf32, #tpu.memory_space<vmem>>
        %dma_start3A_1203 = tpu.memref_squeeze %dma_start3A_1202 : memref<1x1x8x128xf32, #tpu.memory_space<vmem>> -> memref<8x128xf32, #tpu.memory_space<vmem>>
        %dma_start3A_1204 = arith.constant 0 : i32
        %dma_start3A_1205 = tpu.memref_slice %arg5[%dma_start3A_1204, %multiple_of3A_1186] : memref<32x1000000xf32, #tpu.memory_space<hbm>> -> memref<8x128xf32, #tpu.memory_space<hbm>>
        tpu.enqueue_dma source(%dma_start3A_1205 : memref<8x128xf32, #tpu.memory_space<hbm>>) target(%dma_start3A_1203 : memref<8x128xf32, #tpu.memory_space<vmem>>) target_semaphore(%arg18 : memref<!tpu.dma_semaphore, #tpu.memory_space<semaphore_mem>>)
        %dma_start3A_1206 = arith.constant 1 : i32
        %dma_start3A_1207 = arith.constant 0 : i32
        %dma_start3A_1208 = arith.constant 0 : i32
        %dma_start3A_1209 = arith.constant 0 : i32
        %dma_start3A_1210 = tpu.memref_slice %arg12[%dma_start3A_1206, %dma_start3A_1207, %dma_start3A_1208, %dma_start3A_1209] : memref<3x4x32x128xf32, #tpu.memory_space<vmem>> -> memref<1x1x8x128xf32, #tpu.memory_space<vmem>>
        %dma_start3A_1211 = tpu.memref_squeeze %dma_start3A_1210 : memref<1x1x8x128xf32, #tpu.memory_space<vmem>> -> memref<8x128xf32, #tpu.memory_space<vmem>>
        %dma_start3A_1212 = arith.constant 0 : i32
        %dma_start3A_1213 = tpu.memref_slice %arg6[%dma_start3A_1212, %multiple_of3A_1191] : memref<32x1000000xf32, #tpu.memory_space<hbm>> -> memref<8x128xf32, #tpu.memory_space<hbm>>
        %dma_start3A_1214 = arith.constant 0 : i32
        %dma_start3A_1215 = arith.constant 0 : i32
        %dma_start3A_1216 = tpu.memref_slice %arg12[%dma_start3A_1206, %dma_start3A_1207, %dma_start3A_1214, %dma_start3A_1215] : memref<3x4x32x128xf32, #tpu.memory_space<vmem>> -> memref<1x1x8x128xf32, #tpu.memory_space<vmem>>
        %dma_start3A_1217 = tpu.memref_squeeze %dma_start3A_1216 : memref<1x1x8x128xf32, #tpu.memory_space<vmem>> -> memref<8x128xf32, #tpu.memory_space<vmem>>
        %dma_start3A_1218 = arith.constant 0 : i32
        %dma_start3A_1219 = tpu.memref_slice %arg6[%dma_start3A_1218, %multiple_of3A_1191] : memref<32x1000000xf32, #tpu.memory_space<hbm>> -> memref<8x128xf32, #tpu.memory_space<hbm>>
        tpu.enqueue_dma source(%dma_start3A_1219 : memref<8x128xf32, #tpu.memory_space<hbm>>) target(%dma_start3A_1217 : memref<8x128xf32, #tpu.memory_space<vmem>>) target_semaphore(%arg18 : memref<!tpu.dma_semaphore, #tpu.memory_space<semaphore_mem>>)
        %dma_start3A_1220 = arith.constant 1 : i32
        %dma_start3A_1221 = arith.constant 0 : i32
        %dma_start3A_1222 = arith.constant 8 : i32
        %dma_start3A_1223 = arith.constant 0 : i32
        %dma_start3A_1224 = tpu.memref_slice %arg11[%dma_start3A_1220, %dma_start3A_1221, %dma_start3A_1222, %dma_start3A_1223] : memref<3x4x32x128xf32, #tpu.memory_space<vmem>> -> memref<1x1x8x128xf32, #tpu.memory_space<vmem>>
        %dma_start3A_1225 = tpu.memref_squeeze %dma_start3A_1224 : memref<1x1x8x128xf32, #tpu.memory_space<vmem>> -> memref<8x128xf32, #tpu.memory_space<vmem>>
        %dma_start3A_1226 = arith.constant 8 : i32
        %dma_start3A_1227 = tpu.memref_slice %arg5[%dma_start3A_1226, %multiple_of3A_1186] : memref<32x1000000xf32, #tpu.memory_space<hbm>> -> memref<8x128xf32, #tpu.memory_space<hbm>>
        %dma_start3A_1228 = arith.constant 8 : i32
        %dma_start3A_1229 = arith.constant 0 : i32
        %dma_start3A_1230 = tpu.memref_slice %arg11[%dma_start3A_1220, %dma_start3A_1221, %dma_start3A_1228, %dma_start3A_1229] : memref<3x4x32x128xf32, #tpu.memory_space<vmem>> -> memref<1x1x8x128xf32, #tpu.memory_space<vmem>>
        %dma_start3A_1231 = tpu.memref_squeeze %dma_start3A_1230 : memref<1x1x8x128xf32, #tpu.memory_space<vmem>> -> memref<8x128xf32, #tpu.memory_space<vmem>>
        %dma_start3A_1232 = arith.constant 8 : i32
        %dma_start3A_1233 = tpu.memref_slice %arg5[%dma_start3A_1232, %multiple_of3A_1186] : memref<32x1000000xf32, #tpu.memory_space<hbm>> -> memref<8x128xf32, #tpu.memory_space<hbm>>
        tpu.enqueue_dma source(%dma_start3A_1233 : memref<8x128xf32, #tpu.memory_space<hbm>>) target(%dma_start3A_1231 : memref<8x128xf32, #tpu.memory_space<vmem>>) target_semaphore(%arg18 : memref<!tpu.dma_semaphore, #tpu.memory_space<semaphore_mem>>)
        %dma_start3A_1234 = arith.constant 1 : i32
        %dma_start3A_1235 = arith.constant 0 : i32
        %dma_start3A_1236 = arith.constant 8 : i32
        %dma_start3A_1237 = arith.constant 0 : i32
        %dma_start3A_1238 = tpu.memref_slice %arg12[%dma_start3A_1234, %dma_start3A_1235, %dma_start3A_1236, %dma_start3A_1237] : memref<3x4x32x128xf32, #tpu.memory_space<vmem>> -> memref<1x1x8x128xf32, #tpu.memory_space<vmem>>
        %dma_start3A_1239 = tpu.memref_squeeze %dma_start3A_1238 : memref<1x1x8x128xf32, #tpu.memory_space<vmem>> -> memref<8x128xf32, #tpu.memory_space<vmem>>
        %dma_start3A_1240 = arith.constant 8 : i32
        %dma_start3A_1241 = tpu.memref_slice %arg6[%dma_start3A_1240, %multiple_of3A_1191] : memref<32x1000000xf32, #tpu.memory_space<hbm>> -> memref<8x128xf32, #tpu.memory_space<hbm>>
        %dma_start3A_1242 = arith.constant 8 : i32
        %dma_start3A_1243 = arith.constant 0 : i32
        %dma_start3A_1244 = tpu.memref_slice %arg12[%dma_start3A_1234, %dma_start3A_1235, %dma_start3A_1242, %dma_start3A_1243] : memref<3x4x32x128xf32, #tpu.memory_space<vmem>> -> memref<1x1x8x128xf32, #tpu.memory_space<vmem>>
        %dma_start3A_1245 = tpu.memref_squeeze %dma_start3A_1244 : memref<1x1x8x128xf32, #tpu.memory_space<vmem>> -> memref<8x128xf32, #tpu.memory_space<vmem>>
        %dma_start3A_1246 = arith.constant 8 : i32
        %dma_start3A_1247 = tpu.memref_slice %arg6[%dma_start3A_1246, %multiple_of3A_1191] : memref<32x1000000xf32, #tpu.memory_space<hbm>> -> memref<8x128xf32, #tpu.memory_space<hbm>>
        tpu.enqueue_dma source(%dma_start3A_1247 : memref<8x128xf32, #tpu.memory_space<hbm>>) target(%dma_start3A_1245 : memref<8x128xf32, #tpu.memory_space<vmem>>) target_semaphore(%arg18 : memref<!tpu.dma_semaphore, #tpu.memory_space<semaphore_mem>>)
        %dma_start3A_1248 = arith.constant 1 : i32
        %dma_start3A_1249 = arith.constant 0 : i32
        %dma_start3A_1250 = arith.constant 16 : i32
        %dma_start3A_1251 = arith.constant 0 : i32
        %dma_start3A_1252 = tpu.memref_slice %arg11[%dma_start3A_1248, %dma_start3A_1249, %dma_start3A_1250, %dma_start3A_1251] : memref<3x4x32x128xf32, #tpu.memory_space<vmem>> -> memref<1x1x8x128xf32, #tpu.memory_space<vmem>>
        %dma_start3A_1253 = tpu.memref_squeeze %dma_start3A_1252 : memref<1x1x8x128xf32, #tpu.memory_space<vmem>> -> memref<8x128xf32, #tpu.memory_space<vmem>>
        %dma_start3A_1254 = arith.constant 16 : i32
        %dma_start3A_1255 = tpu.memref_slice %arg5[%dma_start3A_1254, %multiple_of3A_1186] : memref<32x1000000xf32, #tpu.memory_space<hbm>> -> memref<8x128xf32, #tpu.memory_space<hbm>>
        %dma_start3A_1256 = arith.constant 16 : i32
        %dma_start3A_1257 = arith.constant 0 : i32
        %dma_start3A_1258 = tpu.memref_slice %arg11[%dma_start3A_1248, %dma_start3A_1249, %dma_start3A_1256, %dma_start3A_1257] : memref<3x4x32x128xf32, #tpu.memory_space<vmem>> -> memref<1x1x8x128xf32, #tpu.memory_space<vmem>>
        %dma_start3A_1259 = tpu.memref_squeeze %dma_start3A_1258 : memref<1x1x8x128xf32, #tpu.memory_space<vmem>> -> memref<8x128xf32, #tpu.memory_space<vmem>>
        %dma_start3A_1260 = arith.constant 16 : i32
        %dma_start3A_1261 = tpu.memref_slice %arg5[%dma_start3A_1260, %multiple_of3A_1186] : memref<32x1000000xf32, #tpu.memory_space<hbm>> -> memref<8x128xf32, #tpu.memory_space<hbm>>
        tpu.enqueue_dma source(%dma_start3A_1261 : memref<8x128xf32, #tpu.memory_space<hbm>>) target(%dma_start3A_1259 : memref<8x128xf32, #tpu.memory_space<vmem>>) target_semaphore(%arg18 : memref<!tpu.dma_semaphore, #tpu.memory_space<semaphore_mem>>)
        %dma_start3A_1262 = arith.constant 1 : i32
        %dma_start3A_1263 = arith.constant 0 : i32
        %dma_start3A_1264 = arith.constant 16 : i32
        %dma_start3A_1265 = arith.constant 0 : i32
        %dma_start3A_1266 = tpu.memref_slice %arg12[%dma_start3A_1262, %dma_start3A_1263, %dma_start3A_1264, %dma_start3A_1265] : memref<3x4x32x128xf32, #tpu.memory_space<vmem>> -> memref<1x1x8x128xf32, #tpu.memory_space<vmem>>
        %dma_start3A_1267 = tpu.memref_squeeze %dma_start3A_1266 : memref<1x1x8x128xf32, #tpu.memory_space<vmem>> -> memref<8x128xf32, #tpu.memory_space<vmem>>
        %dma_start3A_1268 = arith.constant 16 : i32
        %dma_start3A_1269 = tpu.memref_slice %arg6[%dma_start3A_1268, %multiple_of3A_1191] : memref<32x1000000xf32, #tpu.memory_space<hbm>> -> memref<8x128xf32, #tpu.memory_space<hbm>>
        %dma_start3A_1270 = arith.constant 16 : i32
        %dma_start3A_1271 = arith.constant 0 : i32
        %dma_start3A_1272 = tpu.memref_slice %arg12[%dma_start3A_1262, %dma_start3A_1263, %dma_start3A_1270, %dma_start3A_1271] : memref<3x4x32x128xf32, #tpu.memory_space<vmem>> -> memref<1x1x8x128xf32, #tpu.memory_space<vmem>>
        %dma_start3A_1273 = tpu.memref_squeeze %dma_start3A_1272 : memref<1x1x8x128xf32, #tpu.memory_space<vmem>> -> memref<8x128xf32, #tpu.memory_space<vmem>>
        %dma_start3A_1274 = arith.constant 16 : i32
        %dma_start3A_1275 = tpu.memref_slice %arg6[%dma_start3A_1274, %multiple_of3A_1191] : memref<32x1000000xf32, #tpu.memory_space<hbm>> -> memref<8x128xf32, #tpu.memory_space<hbm>>
        tpu.enqueue_dma source(%dma_start3A_1275 : memref<8x128xf32, #tpu.memory_space<hbm>>) target(%dma_start3A_1273 : memref<8x128xf32, #tpu.memory_space<vmem>>) target_semaphore(%arg18 : memref<!tpu.dma_semaphore, #tpu.memory_space<semaphore_mem>>)
        %dma_start3A_1276 = arith.constant 1 : i32
        %dma_start3A_1277 = arith.constant 0 : i32
        %dma_start3A_1278 = arith.constant 24 : i32
        %dma_start3A_1279 = arith.constant 0 : i32
        %dma_start3A_1280 = tpu.memref_slice %arg11[%dma_start3A_1276, %dma_start3A_1277, %dma_start3A_1278, %dma_start3A_1279] : memref<3x4x32x128xf32, #tpu.memory_space<vmem>> -> memref<1x1x8x128xf32, #tpu.memory_space<vmem>>
        %dma_start3A_1281 = tpu.memref_squeeze %dma_start3A_1280 : memref<1x1x8x128xf32, #tpu.memory_space<vmem>> -> memref<8x128xf32, #tpu.memory_space<vmem>>
        %dma_start3A_1282 = arith.constant 24 : i32
        %dma_start3A_1283 = tpu.memref_slice %arg5[%dma_start3A_1282, %multiple_of3A_1186] : memref<32x1000000xf32, #tpu.memory_space<hbm>> -> memref<8x128xf32, #tpu.memory_space<hbm>>
        %dma_start3A_1284 = arith.constant 24 : i32
        %dma_start3A_1285 = arith.constant 0 : i32
        %dma_start3A_1286 = tpu.memref_slice %arg11[%dma_start3A_1276, %dma_start3A_1277, %dma_start3A_1284, %dma_start3A_1285] : memref<3x4x32x128xf32, #tpu.memory_space<vmem>> -> memref<1x1x8x128xf32, #tpu.memory_space<vmem>>
        %dma_start3A_1287 = tpu.memref_squeeze %dma_start3A_1286 : memref<1x1x8x128xf32, #tpu.memory_space<vmem>> -> memref<8x128xf32, #tpu.memory_space<vmem>>
        %dma_start3A_1288 = arith.constant 24 : i32
        %dma_start3A_1289 = tpu.memref_slice %arg5[%dma_start3A_1288, %multiple_of3A_1186] : memref<32x1000000xf32, #tpu.memory_space<hbm>> -> memref<8x128xf32, #tpu.memory_space<hbm>>
        tpu.enqueue_dma source(%dma_start3A_1289 : memref<8x128xf32, #tpu.memory_space<hbm>>) target(%dma_start3A_1287 : memref<8x128xf32, #tpu.memory_space<vmem>>) target_semaphore(%arg18 : memref<!tpu.dma_semaphore, #tpu.memory_space<semaphore_mem>>)
        %dma_start3A_1290 = arith.constant 1 : i32
        %dma_start3A_1291 = arith.constant 0 : i32
        %dma_start3A_1292 = arith.constant 24 : i32
        %dma_start3A_1293 = arith.constant 0 : i32
        %dma_start3A_1294 = tpu.memref_slice %arg12[%dma_start3A_1290, %dma_start3A_1291, %dma_start3A_1292, %dma_start3A_1293] : memref<3x4x32x128xf32, #tpu.memory_space<vmem>> -> memref<1x1x8x128xf32, #tpu.memory_space<vmem>>
        %dma_start3A_1295 = tpu.memref_squeeze %dma_start3A_1294 : memref<1x1x8x128xf32, #tpu.memory_space<vmem>> -> memref<8x128xf32, #tpu.memory_space<vmem>>
        %dma_start3A_1296 = arith.constant 24 : i32
        %dma_start3A_1297 = tpu.memref_slice %arg6[%dma_start3A_1296, %multiple_of3A_1191] : memref<32x1000000xf32, #tpu.memory_space<hbm>> -> memref<8x128xf32, #tpu.memory_space<hbm>>
        %dma_start3A_1298 = arith.constant 24 : i32
        %dma_start3A_1299 = arith.constant 0 : i32
        %dma_start3A_1300 = tpu.memref_slice %arg12[%dma_start3A_1290, %dma_start3A_1291, %dma_start3A_1298, %dma_start3A_1299] : memref<3x4x32x128xf32, #tpu.memory_space<vmem>> -> memref<1x1x8x128xf32, #tpu.memory_space<vmem>>
        %dma_start3A_1301 = tpu.memref_squeeze %dma_start3A_1300 : memref<1x1x8x128xf32, #tpu.memory_space<vmem>> -> memref<8x128xf32, #tpu.memory_space<vmem>>
        %dma_start3A_1302 = arith.constant 24 : i32
        %dma_start3A_1303 = tpu.memref_slice %arg6[%dma_start3A_1302, %multiple_of3A_1191] : memref<32x1000000xf32, #tpu.memory_space<hbm>> -> memref<8x128xf32, #tpu.memory_space<hbm>>
        tpu.enqueue_dma source(%dma_start3A_1303 : memref<8x128xf32, #tpu.memory_space<hbm>>) target(%dma_start3A_1301 : memref<8x128xf32, #tpu.memory_space<vmem>>) target_semaphore(%arg18 : memref<!tpu.dma_semaphore, #tpu.memory_space<semaphore_mem>>)
        %slice3A_1304 = vector.extract_strided_slice %shift_right_arithmetic3A_1176 {offsets = [1], sizes = [1], strides = [1]} : vector<16xi32> to vector<1xi32>
        %squeeze3A_1305 = vector.extract %slice3A_1304[0] : i32 from vector<1xi32>
        %shift_left3A_1306 = arith.constant 7 : i32
        %shift_left3A_1307 = arith.shli %squeeze3A_1305, %shift_left3A_1306 : i32
        %multiple_of3A_1308 = tpu.assume_multiple %shift_left3A_1307, 128 : i32
        %slice3A_1309 = vector.extract_strided_slice %shift_right_arithmetic3A_1181 {offsets = [1], sizes = [1], strides = [1]} : vector<16xi32> to vector<1xi32>
        %squeeze3A_1310 = vector.extract %slice3A_1309[0] : i32 from vector<1xi32>
        %shift_left3A_1311 = arith.constant 7 : i32
        %shift_left3A_1312 = arith.shli %squeeze3A_1310, %shift_left3A_1311 : i32
        %multiple_of3A_1313 = tpu.assume_multiple %shift_left3A_1312, 128 : i32
        %dma_start3A_1314 = arith.constant 1 : i32
        %dma_start3A_1315 = arith.constant 1 : i32
        %dma_start3A_1316 = arith.constant 0 : i32
        %dma_start3A_1317 = arith.constant 0 : i32
        %dma_start3A_1318 = tpu.memref_slice %arg11[%dma_start3A_1314, %dma_start3A_1315, %dma_start3A_1316, %dma_start3A_1317] : memref<3x4x32x128xf32, #tpu.memory_space<vmem>> -> memref<1x1x8x128xf32, #tpu.memory_space<vmem>>
        %dma_start3A_1319 = tpu.memref_squeeze %dma_start3A_1318 : memref<1x1x8x128xf32, #tpu.memory_space<vmem>> -> memref<8x128xf32, #tpu.memory_space<vmem>>
        %dma_start3A_1320 = arith.constant 0 : i32
        %dma_start3A_1321 = tpu.memref_slice %arg5[%dma_start3A_1320, %multiple_of3A_1308] : memref<32x1000000xf32, #tpu.memory_space<hbm>> -> memref<8x128xf32, #tpu.memory_space<hbm>>
        %dma_start3A_1322 = arith.constant 0 : i32
        %dma_start3A_1323 = arith.constant 0 : i32
        %dma_start3A_1324 = tpu.memref_slice %arg11[%dma_start3A_1314, %dma_start3A_1315, %dma_start3A_1322, %dma_start3A_1323] : memref<3x4x32x128xf32, #tpu.memory_space<vmem>> -> memref<1x1x8x128xf32, #tpu.memory_space<vmem>>
        %dma_start3A_1325 = tpu.memref_squeeze %dma_start3A_1324 : memref<1x1x8x128xf32, #tpu.memory_space<vmem>> -> memref<8x128xf32, #tpu.memory_space<vmem>>
        %dma_start3A_1326 = arith.constant 0 : i32
        %dma_start3A_1327 = tpu.memref_slice %arg5[%dma_start3A_1326, %multiple_of3A_1308] : memref<32x1000000xf32, #tpu.memory_space<hbm>> -> memref<8x128xf32, #tpu.memory_space<hbm>>
        tpu.enqueue_dma source(%dma_start3A_1327 : memref<8x128xf32, #tpu.memory_space<hbm>>) target(%dma_start3A_1325 : memref<8x128xf32, #tpu.memory_space<vmem>>) target_semaphore(%arg18 : memref<!tpu.dma_semaphore, #tpu.memory_space<semaphore_mem>>)
        %dma_start3A_1328 = arith.constant 1 : i32
        %dma_start3A_1329 = arith.constant 1 : i32
        %dma_start3A_1330 = arith.constant 0 : i32
        %dma_start3A_1331 = arith.constant 0 : i32
        %dma_start3A_1332 = tpu.memref_slice %arg12[%dma_start3A_1328, %dma_start3A_1329, %dma_start3A_1330, %dma_start3A_1331] : memref<3x4x32x128xf32, #tpu.memory_space<vmem>> -> memref<1x1x8x128xf32, #tpu.memory_space<vmem>>
        %dma_start3A_1333 = tpu.memref_squeeze %dma_start3A_1332 : memref<1x1x8x128xf32, #tpu.memory_space<vmem>> -> memref<8x128xf32, #tpu.memory_space<vmem>>
        %dma_start3A_1334 = arith.constant 0 : i32
        %dma_start3A_1335 = tpu.memref_slice %arg6[%dma_start3A_1334, %multiple_of3A_1313] : memref<32x1000000xf32, #tpu.memory_space<hbm>> -> memref<8x128xf32, #tpu.memory_space<hbm>>
        %dma_start3A_1336 = arith.constant 0 : i32
        %dma_start3A_1337 = arith.constant 0 : i32
        %dma_start3A_1338 = tpu.memref_slice %arg12[%dma_start3A_1328, %dma_start3A_1329, %dma_start3A_1336, %dma_start3A_1337] : memref<3x4x32x128xf32, #tpu.memory_space<vmem>> -> memref<1x1x8x128xf32, #tpu.memory_space<vmem>>
        %dma_start3A_1339 = tpu.memref_squeeze %dma_start3A_1338 : memref<1x1x8x128xf32, #tpu.memory_space<vmem>> -> memref<8x128xf32, #tpu.memory_space<vmem>>
        %dma_start3A_1340 = arith.constant 0 : i32
        %dma_start3A_1341 = tpu.memref_slice %arg6[%dma_start3A_1340, %multiple_of3A_1313] : memref<32x1000000xf32, #tpu.memory_space<hbm>> -> memref<8x128xf32, #tpu.memory_space<hbm>>
        tpu.enqueue_dma source(%dma_start3A_1341 : memref<8x128xf32, #tpu.memory_space<hbm>>) target(%dma_start3A_1339 : memref<8x128xf32, #tpu.memory_space<vmem>>) target_semaphore(%arg18 : memref<!tpu.dma_semaphore, #tpu.memory_space<semaphore_mem>>)
        %dma_start3A_1342 = arith.constant 1 : i32
        %dma_start3A_1343 = arith.constant 1 : i32
        %dma_start3A_1344 = arith.constant 8 : i32
        %dma_start3A_1345 = arith.constant 0 : i32
        %dma_start3A_1346 = tpu.memref_slice %arg11[%dma_start3A_1342, %dma_start3A_1343, %dma_start3A_1344, %dma_start3A_1345] : memref<3x4x32x128xf32, #tpu.memory_space<vmem>> -> memref<1x1x8x128xf32, #tpu.memory_space<vmem>>
        %dma_start3A_1347 = tpu.memref_squeeze %dma_start3A_1346 : memref<1x1x8x128xf32, #tpu.memory_space<vmem>> -> memref<8x128xf32, #tpu.memory_space<vmem>>
        %dma_start3A_1348 = arith.constant 8 : i32
        %dma_start3A_1349 = tpu.memref_slice %arg5[%dma_start3A_1348, %multiple_of3A_1308] : memref<32x1000000xf32, #tpu.memory_space<hbm>> -> memref<8x128xf32, #tpu.memory_space<hbm>>
        %dma_start3A_1350 = arith.constant 8 : i32
        %dma_start3A_1351 = arith.constant 0 : i32
        %dma_start3A_1352 = tpu.memref_slice %arg11[%dma_start3A_1342, %dma_start3A_1343, %dma_start3A_1350, %dma_start3A_1351] : memref<3x4x32x128xf32, #tpu.memory_space<vmem>> -> memref<1x1x8x128xf32, #tpu.memory_space<vmem>>
        %dma_start3A_1353 = tpu.memref_squeeze %dma_start3A_1352 : memref<1x1x8x128xf32, #tpu.memory_space<vmem>> -> memref<8x128xf32, #tpu.memory_space<vmem>>
        %dma_start3A_1354 = arith.constant 8 : i32
        %dma_start3A_1355 = tpu.memref_slice %arg5[%dma_start3A_1354, %multiple_of3A_1308] : memref<32x1000000xf32, #tpu.memory_space<hbm>> -> memref<8x128xf32, #tpu.memory_space<hbm>>
        tpu.enqueue_dma source(%dma_start3A_1355 : memref<8x128xf32, #tpu.memory_space<hbm>>) target(%dma_start3A_1353 : memref<8x128xf32, #tpu.memory_space<vmem>>) target_semaphore(%arg18 : memref<!tpu.dma_semaphore, #tpu.memory_space<semaphore_mem>>)
        %dma_start3A_1356 = arith.constant 1 : i32
        %dma_start3A_1357 = arith.constant 1 : i32
        %dma_start3A_1358 = arith.constant 8 : i32
        %dma_start3A_1359 = arith.constant 0 : i32
        %dma_start3A_1360 = tpu.memref_slice %arg12[%dma_start3A_1356, %dma_start3A_1357, %dma_start3A_1358, %dma_start3A_1359] : memref<3x4x32x128xf32, #tpu.memory_space<vmem>> -> memref<1x1x8x128xf32, #tpu.memory_space<vmem>>
        %dma_start3A_1361 = tpu.memref_squeeze %dma_start3A_1360 : memref<1x1x8x128xf32, #tpu.memory_space<vmem>> -> memref<8x128xf32, #tpu.memory_space<vmem>>
        %dma_start3A_1362 = arith.constant 8 : i32
        %dma_start3A_1363 = tpu.memref_slice %arg6[%dma_start3A_1362, %multiple_of3A_1313] : memref<32x1000000xf32, #tpu.memory_space<hbm>> -> memref<8x128xf32, #tpu.memory_space<hbm>>
        %dma_start3A_1364 = arith.constant 8 : i32
        %dma_start3A_1365 = arith.constant 0 : i32
        %dma_start3A_1366 = tpu.memref_slice %arg12[%dma_start3A_1356, %dma_start3A_1357, %dma_start3A_1364, %dma_start3A_1365] : memref<3x4x32x128xf32, #tpu.memory_space<vmem>> -> memref<1x1x8x128xf32, #tpu.memory_space<vmem>>
        %dma_start3A_1367 = tpu.memref_squeeze %dma_start3A_1366 : memref<1x1x8x128xf32, #tpu.memory_space<vmem>> -> memref<8x128xf32, #tpu.memory_space<vmem>>
        %dma_start3A_1368 = arith.constant 8 : i32
        %dma_start3A_1369 = tpu.memref_slice %arg6[%dma_start3A_1368, %multiple_of3A_1313] : memref<32x1000000xf32, #tpu.memory_space<hbm>> -> memref<8x128xf32, #tpu.memory_space<hbm>>
        tpu.enqueue_dma source(%dma_start3A_1369 : memref<8x128xf32, #tpu.memory_space<hbm>>) target(%dma_start3A_1367 : memref<8x128xf32, #tpu.memory_space<vmem>>) target_semaphore(%arg18 : memref<!tpu.dma_semaphore, #tpu.memory_space<semaphore_mem>>)
        %dma_start3A_1370 = arith.constant 1 : i32
        %dma_start3A_1371 = arith.constant 1 : i32
        %dma_start3A_1372 = arith.constant 16 : i32
        %dma_start3A_1373 = arith.constant 0 : i32
        %dma_start3A_1374 = tpu.memref_slice %arg11[%dma_start3A_1370, %dma_start3A_1371, %dma_start3A_1372, %dma_start3A_1373] : memref<3x4x32x128xf32, #tpu.memory_space<vmem>> -> memref<1x1x8x128xf32, #tpu.memory_space<vmem>>
        %dma_start3A_1375 = tpu.memref_squeeze %dma_start3A_1374 : memref<1x1x8x128xf32, #tpu.memory_space<vmem>> -> memref<8x128xf32, #tpu.memory_space<vmem>>
        %dma_start3A_1376 = arith.constant 16 : i32
        %dma_start3A_1377 = tpu.memref_slice %arg5[%dma_start3A_1376, %multiple_of3A_1308] : memref<32x1000000xf32, #tpu.memory_space<hbm>> -> memref<8x128xf32, #tpu.memory_space<hbm>>
        %dma_start3A_1378 = arith.constant 16 : i32
        %dma_start3A_1379 = arith.constant 0 : i32
        %dma_start3A_1380 = tpu.memref_slice %arg11[%dma_start3A_1370, %dma_start3A_1371, %dma_start3A_1378, %dma_start3A_1379] : memref<3x4x32x128xf32, #tpu.memory_space<vmem>> -> memref<1x1x8x128xf32, #tpu.memory_space<vmem>>
        %dma_start3A_1381 = tpu.memref_squeeze %dma_start3A_1380 : memref<1x1x8x128xf32, #tpu.memory_space<vmem>> -> memref<8x128xf32, #tpu.memory_space<vmem>>
        %dma_start3A_1382 = arith.constant 16 : i32
        %dma_start3A_1383 = tpu.memref_slice %arg5[%dma_start3A_1382, %multiple_of3A_1308] : memref<32x1000000xf32, #tpu.memory_space<hbm>> -> memref<8x128xf32, #tpu.memory_space<hbm>>
        tpu.enqueue_dma source(%dma_start3A_1383 : memref<8x128xf32, #tpu.memory_space<hbm>>) target(%dma_start3A_1381 : memref<8x128xf32, #tpu.memory_space<vmem>>) target_semaphore(%arg18 : memref<!tpu.dma_semaphore, #tpu.memory_space<semaphore_mem>>)
        %dma_start3A_1384 = arith.constant 1 : i32
        %dma_start3A_1385 = arith.constant 1 : i32
        %dma_start3A_1386 = arith.constant 16 : i32
        %dma_start3A_1387 = arith.constant 0 : i32
        %dma_start3A_1388 = tpu.memref_slice %arg12[%dma_start3A_1384, %dma_start3A_1385, %dma_start3A_1386, %dma_start3A_1387] : memref<3x4x32x128xf32, #tpu.memory_space<vmem>> -> memref<1x1x8x128xf32, #tpu.memory_space<vmem>>
        %dma_start3A_1389 = tpu.memref_squeeze %dma_start3A_1388 : memref<1x1x8x128xf32, #tpu.memory_space<vmem>> -> memref<8x128xf32, #tpu.memory_space<vmem>>
        %dma_start3A_1390 = arith.constant 16 : i32
        %dma_start3A_1391 = tpu.memref_slice %arg6[%dma_start3A_1390, %multiple_of3A_1313] : memref<32x1000000xf32, #tpu.memory_space<hbm>> -> memref<8x128xf32, #tpu.memory_space<hbm>>
        %dma_start3A_1392 = arith.constant 16 : i32
        %dma_start3A_1393 = arith.constant 0 : i32
        %dma_start3A_1394 = tpu.memref_slice %arg12[%dma_start3A_1384, %dma_start3A_1385, %dma_start3A_1392, %dma_start3A_1393] : memref<3x4x32x128xf32, #tpu.memory_space<vmem>> -> memref<1x1x8x128xf32, #tpu.memory_space<vmem>>
        %dma_start3A_1395 = tpu.memref_squeeze %dma_start3A_1394 : memref<1x1x8x128xf32, #tpu.memory_space<vmem>> -> memref<8x128xf32, #tpu.memory_space<vmem>>
        %dma_start3A_1396 = arith.constant 16 : i32
        %dma_start3A_1397 = tpu.memref_slice %arg6[%dma_start3A_1396, %multiple_of3A_1313] : memref<32x1000000xf32, #tpu.memory_space<hbm>> -> memref<8x128xf32, #tpu.memory_space<hbm>>
        tpu.enqueue_dma source(%dma_start3A_1397 : memref<8x128xf32, #tpu.memory_space<hbm>>) target(%dma_start3A_1395 : memref<8x128xf32, #tpu.memory_space<vmem>>) target_semaphore(%arg18 : memref<!tpu.dma_semaphore, #tpu.memory_space<semaphore_mem>>)
        %dma_start3A_1398 = arith.constant 1 : i32
        %dma_start3A_1399 = arith.constant 1 : i32
        %dma_start3A_1400 = arith.constant 24 : i32
        %dma_start3A_1401 = arith.constant 0 : i32
        %dma_start3A_1402 = tpu.memref_slice %arg11[%dma_start3A_1398, %dma_start3A_1399, %dma_start3A_1400, %dma_start3A_1401] : memref<3x4x32x128xf32, #tpu.memory_space<vmem>> -> memref<1x1x8x128xf32, #tpu.memory_space<vmem>>
        %dma_start3A_1403 = tpu.memref_squeeze %dma_start3A_1402 : memref<1x1x8x128xf32, #tpu.memory_space<vmem>> -> memref<8x128xf32, #tpu.memory_space<vmem>>
        %dma_start3A_1404 = arith.constant 24 : i32
        %dma_start3A_1405 = tpu.memref_slice %arg5[%dma_start3A_1404, %multiple_of3A_1308] : memref<32x1000000xf32, #tpu.memory_space<hbm>> -> memref<8x128xf32, #tpu.memory_space<hbm>>
        %dma_start3A_1406 = arith.constant 24 : i32
        %dma_start3A_1407 = arith.constant 0 : i32
        %dma_start3A_1408 = tpu.memref_slice %arg11[%dma_start3A_1398, %dma_start3A_1399, %dma_start3A_1406, %dma_start3A_1407] : memref<3x4x32x128xf32, #tpu.memory_space<vmem>> -> memref<1x1x8x128xf32, #tpu.memory_space<vmem>>
        %dma_start3A_1409 = tpu.memref_squeeze %dma_start3A_1408 : memref<1x1x8x128xf32, #tpu.memory_space<vmem>> -> memref<8x128xf32, #tpu.memory_space<vmem>>
        %dma_start3A_1410 = arith.constant 24 : i32
        %dma_start3A_1411 = tpu.memref_slice %arg5[%dma_start3A_1410, %multiple_of3A_1308] : memref<32x1000000xf32, #tpu.memory_space<hbm>> -> memref<8x128xf32, #tpu.memory_space<hbm>>
        tpu.enqueue_dma source(%dma_start3A_1411 : memref<8x128xf32, #tpu.memory_space<hbm>>) target(%dma_start3A_1409 : memref<8x128xf32, #tpu.memory_space<vmem>>) target_semaphore(%arg18 : memref<!tpu.dma_semaphore, #tpu.memory_space<semaphore_mem>>)
        %dma_start3A_1412 = arith.constant 1 : i32
        %dma_start3A_1413 = arith.constant 1 : i32
        %dma_start3A_1414 = arith.constant 24 : i32
        %dma_start3A_1415 = arith.constant 0 : i32
        %dma_start3A_1416 = tpu.memref_slice %arg12[%dma_start3A_1412, %dma_start3A_1413, %dma_start3A_1414, %dma_start3A_1415] : memref<3x4x32x128xf32, #tpu.memory_space<vmem>> -> memref<1x1x8x128xf32, #tpu.memory_space<vmem>>
        %dma_start3A_1417 = tpu.memref_squeeze %dma_start3A_1416 : memref<1x1x8x128xf32, #tpu.memory_space<vmem>> -> memref<8x128xf32, #tpu.memory_space<vmem>>
        %dma_start3A_1418 = arith.constant 24 : i32
        %dma_start3A_1419 = tpu.memref_slice %arg6[%dma_start3A_1418, %multiple_of3A_1313] : memref<32x1000000xf32, #tpu.memory_space<hbm>> -> memref<8x128xf32, #tpu.memory_space<hbm>>
        %dma_start3A_1420 = arith.constant 24 : i32
        %dma_start3A_1421 = arith.constant 0 : i32
        %dma_start3A_1422 = tpu.memref_slice %arg12[%dma_start3A_1412, %dma_start3A_1413, %dma_start3A_1420, %dma_start3A_1421] : memref<3x4x32x128xf32, #tpu.memory_space<vmem>> -> memref<1x1x8x128xf32, #tpu.memory_space<vmem>>
        %dma_start3A_1423 = tpu.memref_squeeze %dma_start3A_1422 : memref<1x1x8x128xf32, #tpu.memory_space<vmem>> -> memref<8x128xf32, #tpu.memory_space<vmem>>
        %dma_start3A_1424 = arith.constant 24 : i32
        %dma_start3A_1425 = tpu.memref_slice %arg6[%dma_start3A_1424, %multiple_of3A_1313] : memref<32x1000000xf32, #tpu.memory_space<hbm>> -> memref<8x128xf32, #tpu.memory_space<hbm>>
        tpu.enqueue_dma source(%dma_start3A_1425 : memref<8x128xf32, #tpu.memory_space<hbm>>) target(%dma_start3A_1423 : memref<8x128xf32, #tpu.memory_space<vmem>>) target_semaphore(%arg18 : memref<!tpu.dma_semaphore, #tpu.memory_space<semaphore_mem>>)
        %slice3A_1426 = vector.extract_strided_slice %shift_right_arithmetic3A_1176 {offsets = [2], sizes = [1], strides = [1]} : vector<16xi32> to vector<1xi32>
        %squeeze3A_1427 = vector.extract %slice3A_1426[0] : i32 from vector<1xi32>
        %shift_left3A_1428 = arith.constant 7 : i32
        %shift_left3A_1429 = arith.shli %squeeze3A_1427, %shift_left3A_1428 : i32
        %multiple_of3A_1430 = tpu.assume_multiple %shift_left3A_1429, 128 : i32
        %slice3A_1431 = vector.extract_strided_slice %shift_right_arithmetic3A_1181 {offsets = [2], sizes = [1], strides = [1]} : vector<16xi32> to vector<1xi32>
        %squeeze3A_1432 = vector.extract %slice3A_1431[0] : i32 from vector<1xi32>
        %shift_left3A_1433 = arith.constant 7 : i32
        %shift_left3A_1434 = arith.shli %squeeze3A_1432, %shift_left3A_1433 : i32
        %multiple_of3A_1435 = tpu.assume_multiple %shift_left3A_1434, 128 : i32
        %dma_start3A_1436 = arith.constant 1 : i32
        %dma_start3A_1437 = arith.constant 2 : i32
        %dma_start3A_1438 = arith.constant 0 : i32
        %dma_start3A_1439 = arith.constant 0 : i32
        %dma_start3A_1440 = tpu.memref_slice %arg11[%dma_start3A_1436, %dma_start3A_1437, %dma_start3A_1438, %dma_start3A_1439] : memref<3x4x32x128xf32, #tpu.memory_space<vmem>> -> memref<1x1x8x128xf32, #tpu.memory_space<vmem>>
        %dma_start3A_1441 = tpu.memref_squeeze %dma_start3A_1440 : memref<1x1x8x128xf32, #tpu.memory_space<vmem>> -> memref<8x128xf32, #tpu.memory_space<vmem>>
        %dma_start3A_1442 = arith.constant 0 : i32
        %dma_start3A_1443 = tpu.memref_slice %arg5[%dma_start3A_1442, %multiple_of3A_1430] : memref<32x1000000xf32, #tpu.memory_space<hbm>> -> memref<8x128xf32, #tpu.memory_space<hbm>>
        %dma_start3A_1444 = arith.constant 0 : i32
        %dma_start3A_1445 = arith.constant 0 : i32
        %dma_start3A_1446 = tpu.memref_slice %arg11[%dma_start3A_1436, %dma_start3A_1437, %dma_start3A_1444, %dma_start3A_1445] : memref<3x4x32x128xf32, #tpu.memory_space<vmem>> -> memref<1x1x8x128xf32, #tpu.memory_space<vmem>>
        %dma_start3A_1447 = tpu.memref_squeeze %dma_start3A_1446 : memref<1x1x8x128xf32, #tpu.memory_space<vmem>> -> memref<8x128xf32, #tpu.memory_space<vmem>>
        %dma_start3A_1448 = arith.constant 0 : i32
        %dma_start3A_1449 = tpu.memref_slice %arg5[%dma_start3A_1448, %multiple_of3A_1430] : memref<32x1000000xf32, #tpu.memory_space<hbm>> -> memref<8x128xf32, #tpu.memory_space<hbm>>
        tpu.enqueue_dma source(%dma_start3A_1449 : memref<8x128xf32, #tpu.memory_space<hbm>>) target(%dma_start3A_1447 : memref<8x128xf32, #tpu.memory_space<vmem>>) target_semaphore(%arg18 : memref<!tpu.dma_semaphore, #tpu.memory_space<semaphore_mem>>)
        %dma_start3A_1450 = arith.constant 1 : i32
        %dma_start3A_1451 = arith.constant 2 : i32
        %dma_start3A_1452 = arith.constant 0 : i32
        %dma_start3A_1453 = arith.constant 0 : i32
        %dma_start3A_1454 = tpu.memref_slice %arg12[%dma_start3A_1450, %dma_start3A_1451, %dma_start3A_1452, %dma_start3A_1453] : memref<3x4x32x128xf32, #tpu.memory_space<vmem>> -> memref<1x1x8x128xf32, #tpu.memory_space<vmem>>
        %dma_start3A_1455 = tpu.memref_squeeze %dma_start3A_1454 : memref<1x1x8x128xf32, #tpu.memory_space<vmem>> -> memref<8x128xf32, #tpu.memory_space<vmem>>
        %dma_start3A_1456 = arith.constant 0 : i32
        %dma_start3A_1457 = tpu.memref_slice %arg6[%dma_start3A_1456, %multiple_of3A_1435] : memref<32x1000000xf32, #tpu.memory_space<hbm>> -> memref<8x128xf32, #tpu.memory_space<hbm>>
        %dma_start3A_1458 = arith.constant 0 : i32
        %dma_start3A_1459 = arith.constant 0 : i32
        %dma_start3A_1460 = tpu.memref_slice %arg12[%dma_start3A_1450, %dma_start3A_1451, %dma_start3A_1458, %dma_start3A_1459] : memref<3x4x32x128xf32, #tpu.memory_space<vmem>> -> memref<1x1x8x128xf32, #tpu.memory_space<vmem>>
        %dma_start3A_1461 = tpu.memref_squeeze %dma_start3A_1460 : memref<1x1x8x128xf32, #tpu.memory_space<vmem>> -> memref<8x128xf32, #tpu.memory_space<vmem>>
        %dma_start3A_1462 = arith.constant 0 : i32
        %dma_start3A_1463 = tpu.memref_slice %arg6[%dma_start3A_1462, %multiple_of3A_1435] : memref<32x1000000xf32, #tpu.memory_space<hbm>> -> memref<8x128xf32, #tpu.memory_space<hbm>>
        tpu.enqueue_dma source(%dma_start3A_1463 : memref<8x128xf32, #tpu.memory_space<hbm>>) target(%dma_start3A_1461 : memref<8x128xf32, #tpu.memory_space<vmem>>) target_semaphore(%arg18 : memref<!tpu.dma_semaphore, #tpu.memory_space<semaphore_mem>>)
        %dma_start3A_1464 = arith.constant 1 : i32
        %dma_start3A_1465 = arith.constant 2 : i32
        %dma_start3A_1466 = arith.constant 8 : i32
        %dma_start3A_1467 = arith.constant 0 : i32
        %dma_start3A_1468 = tpu.memref_slice %arg11[%dma_start3A_1464, %dma_start3A_1465, %dma_start3A_1466, %dma_start3A_1467] : memref<3x4x32x128xf32, #tpu.memory_space<vmem>> -> memref<1x1x8x128xf32, #tpu.memory_space<vmem>>
        %dma_start3A_1469 = tpu.memref_squeeze %dma_start3A_1468 : memref<1x1x8x128xf32, #tpu.memory_space<vmem>> -> memref<8x128xf32, #tpu.memory_space<vmem>>
        %dma_start3A_1470 = arith.constant 8 : i32
        %dma_start3A_1471 = tpu.memref_slice %arg5[%dma_start3A_1470, %multiple_of3A_1430] : memref<32x1000000xf32, #tpu.memory_space<hbm>> -> memref<8x128xf32, #tpu.memory_space<hbm>>
        %dma_start3A_1472 = arith.constant 8 : i32
        %dma_start3A_1473 = arith.constant 0 : i32
        %dma_start3A_1474 = tpu.memref_slice %arg11[%dma_start3A_1464, %dma_start3A_1465, %dma_start3A_1472, %dma_start3A_1473] : memref<3x4x32x128xf32, #tpu.memory_space<vmem>> -> memref<1x1x8x128xf32, #tpu.memory_space<vmem>>
        %dma_start3A_1475 = tpu.memref_squeeze %dma_start3A_1474 : memref<1x1x8x128xf32, #tpu.memory_space<vmem>> -> memref<8x128xf32, #tpu.memory_space<vmem>>
        %dma_start3A_1476 = arith.constant 8 : i32
        %dma_start3A_1477 = tpu.memref_slice %arg5[%dma_start3A_1476, %multiple_of3A_1430] : memref<32x1000000xf32, #tpu.memory_space<hbm>> -> memref<8x128xf32, #tpu.memory_space<hbm>>
        tpu.enqueue_dma source(%dma_start3A_1477 : memref<8x128xf32, #tpu.memory_space<hbm>>) target(%dma_start3A_1475 : memref<8x128xf32, #tpu.memory_space<vmem>>) target_semaphore(%arg18 : memref<!tpu.dma_semaphore, #tpu.memory_space<semaphore_mem>>)
        %dma_start3A_1478 = arith.constant 1 : i32
        %dma_start3A_1479 = arith.constant 2 : i32
        %dma_start3A_1480 = arith.constant 8 : i32
        %dma_start3A_1481 = arith.constant 0 : i32
        %dma_start3A_1482 = tpu.memref_slice %arg12[%dma_start3A_1478, %dma_start3A_1479, %dma_start3A_1480, %dma_start3A_1481] : memref<3x4x32x128xf32, #tpu.memory_space<vmem>> -> memref<1x1x8x128xf32, #tpu.memory_space<vmem>>
        %dma_start3A_1483 = tpu.memref_squeeze %dma_start3A_1482 : memref<1x1x8x128xf32, #tpu.memory_space<vmem>> -> memref<8x128xf32, #tpu.memory_space<vmem>>
        %dma_start3A_1484 = arith.constant 8 : i32
        %dma_start3A_1485 = tpu.memref_slice %arg6[%dma_start3A_1484, %multiple_of3A_1435] : memref<32x1000000xf32, #tpu.memory_space<hbm>> -> memref<8x128xf32, #tpu.memory_space<hbm>>
        %dma_start3A_1486 = arith.constant 8 : i32
        %dma_start3A_1487 = arith.constant 0 : i32
        %dma_start3A_1488 = tpu.memref_slice %arg12[%dma_start3A_1478, %dma_start3A_1479, %dma_start3A_1486, %dma_start3A_1487] : memref<3x4x32x128xf32, #tpu.memory_space<vmem>> -> memref<1x1x8x128xf32, #tpu.memory_space<vmem>>
        %dma_start3A_1489 = tpu.memref_squeeze %dma_start3A_1488 : memref<1x1x8x128xf32, #tpu.memory_space<vmem>> -> memref<8x128xf32, #tpu.memory_space<vmem>>
        %dma_start3A_1490 = arith.constant 8 : i32
        %dma_start3A_1491 = tpu.memref_slice %arg6[%dma_start3A_1490, %multiple_of3A_1435] : memref<32x1000000xf32, #tpu.memory_space<hbm>> -> memref<8x128xf32, #tpu.memory_space<hbm>>
        tpu.enqueue_dma source(%dma_start3A_1491 : memref<8x128xf32, #tpu.memory_space<hbm>>) target(%dma_start3A_1489 : memref<8x128xf32, #tpu.memory_space<vmem>>) target_semaphore(%arg18 : memref<!tpu.dma_semaphore, #tpu.memory_space<semaphore_mem>>)
        %dma_start3A_1492 = arith.constant 1 : i32
        %dma_start3A_1493 = arith.constant 2 : i32
        %dma_start3A_1494 = arith.constant 16 : i32
        %dma_start3A_1495 = arith.constant 0 : i32
        %dma_start3A_1496 = tpu.memref_slice %arg11[%dma_start3A_1492, %dma_start3A_1493, %dma_start3A_1494, %dma_start3A_1495] : memref<3x4x32x128xf32, #tpu.memory_space<vmem>> -> memref<1x1x8x128xf32, #tpu.memory_space<vmem>>
        %dma_start3A_1497 = tpu.memref_squeeze %dma_start3A_1496 : memref<1x1x8x128xf32, #tpu.memory_space<vmem>> -> memref<8x128xf32, #tpu.memory_space<vmem>>
        %dma_start3A_1498 = arith.constant 16 : i32
        %dma_start3A_1499 = tpu.memref_slice %arg5[%dma_start3A_1498, %multiple_of3A_1430] : memref<32x1000000xf32, #tpu.memory_space<hbm>> -> memref<8x128xf32, #tpu.memory_space<hbm>>
        %dma_start3A_1500 = arith.constant 16 : i32
        %dma_start3A_1501 = arith.constant 0 : i32
        %dma_start3A_1502 = tpu.memref_slice %arg11[%dma_start3A_1492, %dma_start3A_1493, %dma_start3A_1500, %dma_start3A_1501] : memref<3x4x32x128xf32, #tpu.memory_space<vmem>> -> memref<1x1x8x128xf32, #tpu.memory_space<vmem>>
        %dma_start3A_1503 = tpu.memref_squeeze %dma_start3A_1502 : memref<1x1x8x128xf32, #tpu.memory_space<vmem>> -> memref<8x128xf32, #tpu.memory_space<vmem>>
        %dma_start3A_1504 = arith.constant 16 : i32
        %dma_start3A_1505 = tpu.memref_slice %arg5[%dma_start3A_1504, %multiple_of3A_1430] : memref<32x1000000xf32, #tpu.memory_space<hbm>> -> memref<8x128xf32, #tpu.memory_space<hbm>>
        tpu.enqueue_dma source(%dma_start3A_1505 : memref<8x128xf32, #tpu.memory_space<hbm>>) target(%dma_start3A_1503 : memref<8x128xf32, #tpu.memory_space<vmem>>) target_semaphore(%arg18 : memref<!tpu.dma_semaphore, #tpu.memory_space<semaphore_mem>>)
        %dma_start3A_1506 = arith.constant 1 : i32
        %dma_start3A_1507 = arith.constant 2 : i32
        %dma_start3A_1508 = arith.constant 16 : i32
        %dma_start3A_1509 = arith.constant 0 : i32
        %dma_start3A_1510 = tpu.memref_slice %arg12[%dma_start3A_1506, %dma_start3A_1507, %dma_start3A_1508, %dma_start3A_1509] : memref<3x4x32x128xf32, #tpu.memory_space<vmem>> -> memref<1x1x8x128xf32, #tpu.memory_space<vmem>>
        %dma_start3A_1511 = tpu.memref_squeeze %dma_start3A_1510 : memref<1x1x8x128xf32, #tpu.memory_space<vmem>> -> memref<8x128xf32, #tpu.memory_space<vmem>>
        %dma_start3A_1512 = arith.constant 16 : i32
        %dma_start3A_1513 = tpu.memref_slice %arg6[%dma_start3A_1512, %multiple_of3A_1435] : memref<32x1000000xf32, #tpu.memory_space<hbm>> -> memref<8x128xf32, #tpu.memory_space<hbm>>
        %dma_start3A_1514 = arith.constant 16 : i32
        %dma_start3A_1515 = arith.constant 0 : i32
        %dma_start3A_1516 = tpu.memref_slice %arg12[%dma_start3A_1506, %dma_start3A_1507, %dma_start3A_1514, %dma_start3A_1515] : memref<3x4x32x128xf32, #tpu.memory_space<vmem>> -> memref<1x1x8x128xf32, #tpu.memory_space<vmem>>
        %dma_start3A_1517 = tpu.memref_squeeze %dma_start3A_1516 : memref<1x1x8x128xf32, #tpu.memory_space<vmem>> -> memref<8x128xf32, #tpu.memory_space<vmem>>
        %dma_start3A_1518 = arith.constant 16 : i32
        %dma_start3A_1519 = tpu.memref_slice %arg6[%dma_start3A_1518, %multiple_of3A_1435] : memref<32x1000000xf32, #tpu.memory_space<hbm>> -> memref<8x128xf32, #tpu.memory_space<hbm>>
        tpu.enqueue_dma source(%dma_start3A_1519 : memref<8x128xf32, #tpu.memory_space<hbm>>) target(%dma_start3A_1517 : memref<8x128xf32, #tpu.memory_space<vmem>>) target_semaphore(%arg18 : memref<!tpu.dma_semaphore, #tpu.memory_space<semaphore_mem>>)
        %dma_start3A_1520 = arith.constant 1 : i32
        %dma_start3A_1521 = arith.constant 2 : i32
        %dma_start3A_1522 = arith.constant 24 : i32
        %dma_start3A_1523 = arith.constant 0 : i32
        %dma_start3A_1524 = tpu.memref_slice %arg11[%dma_start3A_1520, %dma_start3A_1521, %dma_start3A_1522, %dma_start3A_1523] : memref<3x4x32x128xf32, #tpu.memory_space<vmem>> -> memref<1x1x8x128xf32, #tpu.memory_space<vmem>>
        %dma_start3A_1525 = tpu.memref_squeeze %dma_start3A_1524 : memref<1x1x8x128xf32, #tpu.memory_space<vmem>> -> memref<8x128xf32, #tpu.memory_space<vmem>>
        %dma_start3A_1526 = arith.constant 24 : i32
        %dma_start3A_1527 = tpu.memref_slice %arg5[%dma_start3A_1526, %multiple_of3A_1430] : memref<32x1000000xf32, #tpu.memory_space<hbm>> -> memref<8x128xf32, #tpu.memory_space<hbm>>
        %dma_start3A_1528 = arith.constant 24 : i32
        %dma_start3A_1529 = arith.constant 0 : i32
        %dma_start3A_1530 = tpu.memref_slice %arg11[%dma_start3A_1520, %dma_start3A_1521, %dma_start3A_1528, %dma_start3A_1529] : memref<3x4x32x128xf32, #tpu.memory_space<vmem>> -> memref<1x1x8x128xf32, #tpu.memory_space<vmem>>
        %dma_start3A_1531 = tpu.memref_squeeze %dma_start3A_1530 : memref<1x1x8x128xf32, #tpu.memory_space<vmem>> -> memref<8x128xf32, #tpu.memory_space<vmem>>
        %dma_start3A_1532 = arith.constant 24 : i32
        %dma_start3A_1533 = tpu.memref_slice %arg5[%dma_start3A_1532, %multiple_of3A_1430] : memref<32x1000000xf32, #tpu.memory_space<hbm>> -> memref<8x128xf32, #tpu.memory_space<hbm>>
        tpu.enqueue_dma source(%dma_start3A_1533 : memref<8x128xf32, #tpu.memory_space<hbm>>) target(%dma_start3A_1531 : memref<8x128xf32, #tpu.memory_space<vmem>>) target_semaphore(%arg18 : memref<!tpu.dma_semaphore, #tpu.memory_space<semaphore_mem>>)
        %dma_start3A_1534 = arith.constant 1 : i32
        %dma_start3A_1535 = arith.constant 2 : i32
        %dma_start3A_1536 = arith.constant 24 : i32
        %dma_start3A_1537 = arith.constant 0 : i32
        %dma_start3A_1538 = tpu.memref_slice %arg12[%dma_start3A_1534, %dma_start3A_1535, %dma_start3A_1536, %dma_start3A_1537] : memref<3x4x32x128xf32, #tpu.memory_space<vmem>> -> memref<1x1x8x128xf32, #tpu.memory_space<vmem>>
        %dma_start3A_1539 = tpu.memref_squeeze %dma_start3A_1538 : memref<1x1x8x128xf32, #tpu.memory_space<vmem>> -> memref<8x128xf32, #tpu.memory_space<vmem>>
        %dma_start3A_1540 = arith.constant 24 : i32
        %dma_start3A_1541 = tpu.memref_slice %arg6[%dma_start3A_1540, %multiple_of3A_1435] : memref<32x1000000xf32, #tpu.memory_space<hbm>> -> memref<8x128xf32, #tpu.memory_space<hbm>>
        %dma_start3A_1542 = arith.constant 24 : i32
        %dma_start3A_1543 = arith.constant 0 : i32
        %dma_start3A_1544 = tpu.memref_slice %arg12[%dma_start3A_1534, %dma_start3A_1535, %dma_start3A_1542, %dma_start3A_1543] : memref<3x4x32x128xf32, #tpu.memory_space<vmem>> -> memref<1x1x8x128xf32, #tpu.memory_space<vmem>>
        %dma_start3A_1545 = tpu.memref_squeeze %dma_start3A_1544 : memref<1x1x8x128xf32, #tpu.memory_space<vmem>> -> memref<8x128xf32, #tpu.memory_space<vmem>>
        %dma_start3A_1546 = arith.constant 24 : i32
        %dma_start3A_1547 = tpu.memref_slice %arg6[%dma_start3A_1546, %multiple_of3A_1435] : memref<32x1000000xf32, #tpu.memory_space<hbm>> -> memref<8x128xf32, #tpu.memory_space<hbm>>
        tpu.enqueue_dma source(%dma_start3A_1547 : memref<8x128xf32, #tpu.memory_space<hbm>>) target(%dma_start3A_1545 : memref<8x128xf32, #tpu.memory_space<vmem>>) target_semaphore(%arg18 : memref<!tpu.dma_semaphore, #tpu.memory_space<semaphore_mem>>)
        %slice3A_1548 = vector.extract_strided_slice %shift_right_arithmetic3A_1176 {offsets = [3], sizes = [1], strides = [1]} : vector<16xi32> to vector<1xi32>
        %squeeze3A_1549 = vector.extract %slice3A_1548[0] : i32 from vector<1xi32>
        %shift_left3A_1550 = arith.constant 7 : i32
        %shift_left3A_1551 = arith.shli %squeeze3A_1549, %shift_left3A_1550 : i32
        %multiple_of3A_1552 = tpu.assume_multiple %shift_left3A_1551, 128 : i32
        %slice3A_1553 = vector.extract_strided_slice %shift_right_arithmetic3A_1181 {offsets = [3], sizes = [1], strides = [1]} : vector<16xi32> to vector<1xi32>
        %squeeze3A_1554 = vector.extract %slice3A_1553[0] : i32 from vector<1xi32>
        %shift_left3A_1555 = arith.constant 7 : i32
        %shift_left3A_1556 = arith.shli %squeeze3A_1554, %shift_left3A_1555 : i32
        %multiple_of3A_1557 = tpu.assume_multiple %shift_left3A_1556, 128 : i32
        %dma_start3A_1558 = arith.constant 1 : i32
        %dma_start3A_1559 = arith.constant 3 : i32
        %dma_start3A_1560 = arith.constant 0 : i32
        %dma_start3A_1561 = arith.constant 0 : i32
        %dma_start3A_1562 = tpu.memref_slice %arg11[%dma_start3A_1558, %dma_start3A_1559, %dma_start3A_1560, %dma_start3A_1561] : memref<3x4x32x128xf32, #tpu.memory_space<vmem>> -> memref<1x1x8x128xf32, #tpu.memory_space<vmem>>
        %dma_start3A_1563 = tpu.memref_squeeze %dma_start3A_1562 : memref<1x1x8x128xf32, #tpu.memory_space<vmem>> -> memref<8x128xf32, #tpu.memory_space<vmem>>
        %dma_start3A_1564 = arith.constant 0 : i32
        %dma_start3A_1565 = tpu.memref_slice %arg5[%dma_start3A_1564, %multiple_of3A_1552] : memref<32x1000000xf32, #tpu.memory_space<hbm>> -> memref<8x128xf32, #tpu.memory_space<hbm>>
        %dma_start3A_1566 = arith.constant 0 : i32
        %dma_start3A_1567 = arith.constant 0 : i32
        %dma_start3A_1568 = tpu.memref_slice %arg11[%dma_start3A_1558, %dma_start3A_1559, %dma_start3A_1566, %dma_start3A_1567] : memref<3x4x32x128xf32, #tpu.memory_space<vmem>> -> memref<1x1x8x128xf32, #tpu.memory_space<vmem>>
        %dma_start3A_1569 = tpu.memref_squeeze %dma_start3A_1568 : memref<1x1x8x128xf32, #tpu.memory_space<vmem>> -> memref<8x128xf32, #tpu.memory_space<vmem>>
        %dma_start3A_1570 = arith.constant 0 : i32
        %dma_start3A_1571 = tpu.memref_slice %arg5[%dma_start3A_1570, %multiple_of3A_1552] : memref<32x1000000xf32, #tpu.memory_space<hbm>> -> memref<8x128xf32, #tpu.memory_space<hbm>>
        tpu.enqueue_dma source(%dma_start3A_1571 : memref<8x128xf32, #tpu.memory_space<hbm>>) target(%dma_start3A_1569 : memref<8x128xf32, #tpu.memory_space<vmem>>) target_semaphore(%arg18 : memref<!tpu.dma_semaphore, #tpu.memory_space<semaphore_mem>>)
        %dma_start3A_1572 = arith.constant 1 : i32
        %dma_start3A_1573 = arith.constant 3 : i32
        %dma_start3A_1574 = arith.constant 0 : i32
        %dma_start3A_1575 = arith.constant 0 : i32
        %dma_start3A_1576 = tpu.memref_slice %arg12[%dma_start3A_1572, %dma_start3A_1573, %dma_start3A_1574, %dma_start3A_1575] : memref<3x4x32x128xf32, #tpu.memory_space<vmem>> -> memref<1x1x8x128xf32, #tpu.memory_space<vmem>>
        %dma_start3A_1577 = tpu.memref_squeeze %dma_start3A_1576 : memref<1x1x8x128xf32, #tpu.memory_space<vmem>> -> memref<8x128xf32, #tpu.memory_space<vmem>>
        %dma_start3A_1578 = arith.constant 0 : i32
        %dma_start3A_1579 = tpu.memref_slice %arg6[%dma_start3A_1578, %multiple_of3A_1557] : memref<32x1000000xf32, #tpu.memory_space<hbm>> -> memref<8x128xf32, #tpu.memory_space<hbm>>
        %dma_start3A_1580 = arith.constant 0 : i32
        %dma_start3A_1581 = arith.constant 0 : i32
        %dma_start3A_1582 = tpu.memref_slice %arg12[%dma_start3A_1572, %dma_start3A_1573, %dma_start3A_1580, %dma_start3A_1581] : memref<3x4x32x128xf32, #tpu.memory_space<vmem>> -> memref<1x1x8x128xf32, #tpu.memory_space<vmem>>
        %dma_start3A_1583 = tpu.memref_squeeze %dma_start3A_1582 : memref<1x1x8x128xf32, #tpu.memory_space<vmem>> -> memref<8x128xf32, #tpu.memory_space<vmem>>
        %dma_start3A_1584 = arith.constant 0 : i32
        %dma_start3A_1585 = tpu.memref_slice %arg6[%dma_start3A_1584, %multiple_of3A_1557] : memref<32x1000000xf32, #tpu.memory_space<hbm>> -> memref<8x128xf32, #tpu.memory_space<hbm>>
        tpu.enqueue_dma source(%dma_start3A_1585 : memref<8x128xf32, #tpu.memory_space<hbm>>) target(%dma_start3A_1583 : memref<8x128xf32, #tpu.memory_space<vmem>>) target_semaphore(%arg18 : memref<!tpu.dma_semaphore, #tpu.memory_space<semaphore_mem>>)
        %dma_start3A_1586 = arith.constant 1 : i32
        %dma_start3A_1587 = arith.constant 3 : i32
        %dma_start3A_1588 = arith.constant 8 : i32
        %dma_start3A_1589 = arith.constant 0 : i32
        %dma_start3A_1590 = tpu.memref_slice %arg11[%dma_start3A_1586, %dma_start3A_1587, %dma_start3A_1588, %dma_start3A_1589] : memref<3x4x32x128xf32, #tpu.memory_space<vmem>> -> memref<1x1x8x128xf32, #tpu.memory_space<vmem>>
        %dma_start3A_1591 = tpu.memref_squeeze %dma_start3A_1590 : memref<1x1x8x128xf32, #tpu.memory_space<vmem>> -> memref<8x128xf32, #tpu.memory_space<vmem>>
        %dma_start3A_1592 = arith.constant 8 : i32
        %dma_start3A_1593 = tpu.memref_slice %arg5[%dma_start3A_1592, %multiple_of3A_1552] : memref<32x1000000xf32, #tpu.memory_space<hbm>> -> memref<8x128xf32, #tpu.memory_space<hbm>>
        %dma_start3A_1594 = arith.constant 8 : i32
        %dma_start3A_1595 = arith.constant 0 : i32
        %dma_start3A_1596 = tpu.memref_slice %arg11[%dma_start3A_1586, %dma_start3A_1587, %dma_start3A_1594, %dma_start3A_1595] : memref<3x4x32x128xf32, #tpu.memory_space<vmem>> -> memref<1x1x8x128xf32, #tpu.memory_space<vmem>>
        %dma_start3A_1597 = tpu.memref_squeeze %dma_start3A_1596 : memref<1x1x8x128xf32, #tpu.memory_space<vmem>> -> memref<8x128xf32, #tpu.memory_space<vmem>>
        %dma_start3A_1598 = arith.constant 8 : i32
        %dma_start3A_1599 = tpu.memref_slice %arg5[%dma_start3A_1598, %multiple_of3A_1552] : memref<32x1000000xf32, #tpu.memory_space<hbm>> -> memref<8x128xf32, #tpu.memory_space<hbm>>
        tpu.enqueue_dma source(%dma_start3A_1599 : memref<8x128xf32, #tpu.memory_space<hbm>>) target(%dma_start3A_1597 : memref<8x128xf32, #tpu.memory_space<vmem>>) target_semaphore(%arg18 : memref<!tpu.dma_semaphore, #tpu.memory_space<semaphore_mem>>)
        %dma_start3A_1600 = arith.constant 1 : i32
        %dma_start3A_1601 = arith.constant 3 : i32
        %dma_start3A_1602 = arith.constant 8 : i32
        %dma_start3A_1603 = arith.constant 0 : i32
        %dma_start3A_1604 = tpu.memref_slice %arg12[%dma_start3A_1600, %dma_start3A_1601, %dma_start3A_1602, %dma_start3A_1603] : memref<3x4x32x128xf32, #tpu.memory_space<vmem>> -> memref<1x1x8x128xf32, #tpu.memory_space<vmem>>
        %dma_start3A_1605 = tpu.memref_squeeze %dma_start3A_1604 : memref<1x1x8x128xf32, #tpu.memory_space<vmem>> -> memref<8x128xf32, #tpu.memory_space<vmem>>
        %dma_start3A_1606 = arith.constant 8 : i32
        %dma_start3A_1607 = tpu.memref_slice %arg6[%dma_start3A_1606, %multiple_of3A_1557] : memref<32x1000000xf32, #tpu.memory_space<hbm>> -> memref<8x128xf32, #tpu.memory_space<hbm>>
        %dma_start3A_1608 = arith.constant 8 : i32
        %dma_start3A_1609 = arith.constant 0 : i32
        %dma_start3A_1610 = tpu.memref_slice %arg12[%dma_start3A_1600, %dma_start3A_1601, %dma_start3A_1608, %dma_start3A_1609] : memref<3x4x32x128xf32, #tpu.memory_space<vmem>> -> memref<1x1x8x128xf32, #tpu.memory_space<vmem>>
        %dma_start3A_1611 = tpu.memref_squeeze %dma_start3A_1610 : memref<1x1x8x128xf32, #tpu.memory_space<vmem>> -> memref<8x128xf32, #tpu.memory_space<vmem>>
        %dma_start3A_1612 = arith.constant 8 : i32
        %dma_start3A_1613 = tpu.memref_slice %arg6[%dma_start3A_1612, %multiple_of3A_1557] : memref<32x1000000xf32, #tpu.memory_space<hbm>> -> memref<8x128xf32, #tpu.memory_space<hbm>>
        tpu.enqueue_dma source(%dma_start3A_1613 : memref<8x128xf32, #tpu.memory_space<hbm>>) target(%dma_start3A_1611 : memref<8x128xf32, #tpu.memory_space<vmem>>) target_semaphore(%arg18 : memref<!tpu.dma_semaphore, #tpu.memory_space<semaphore_mem>>)
        %dma_start3A_1614 = arith.constant 1 : i32
        %dma_start3A_1615 = arith.constant 3 : i32
        %dma_start3A_1616 = arith.constant 16 : i32
        %dma_start3A_1617 = arith.constant 0 : i32
        %dma_start3A_1618 = tpu.memref_slice %arg11[%dma_start3A_1614, %dma_start3A_1615, %dma_start3A_1616, %dma_start3A_1617] : memref<3x4x32x128xf32, #tpu.memory_space<vmem>> -> memref<1x1x8x128xf32, #tpu.memory_space<vmem>>
        %dma_start3A_1619 = tpu.memref_squeeze %dma_start3A_1618 : memref<1x1x8x128xf32, #tpu.memory_space<vmem>> -> memref<8x128xf32, #tpu.memory_space<vmem>>
        %dma_start3A_1620 = arith.constant 16 : i32
        %dma_start3A_1621 = tpu.memref_slice %arg5[%dma_start3A_1620, %multiple_of3A_1552] : memref<32x1000000xf32, #tpu.memory_space<hbm>> -> memref<8x128xf32, #tpu.memory_space<hbm>>
        %dma_start3A_1622 = arith.constant 16 : i32
        %dma_start3A_1623 = arith.constant 0 : i32
        %dma_start3A_1624 = tpu.memref_slice %arg11[%dma_start3A_1614, %dma_start3A_1615, %dma_start3A_1622, %dma_start3A_1623] : memref<3x4x32x128xf32, #tpu.memory_space<vmem>> -> memref<1x1x8x128xf32, #tpu.memory_space<vmem>>
        %dma_start3A_1625 = tpu.memref_squeeze %dma_start3A_1624 : memref<1x1x8x128xf32, #tpu.memory_space<vmem>> -> memref<8x128xf32, #tpu.memory_space<vmem>>
        %dma_start3A_1626 = arith.constant 16 : i32
        %dma_start3A_1627 = tpu.memref_slice %arg5[%dma_start3A_1626, %multiple_of3A_1552] : memref<32x1000000xf32, #tpu.memory_space<hbm>> -> memref<8x128xf32, #tpu.memory_space<hbm>>
        tpu.enqueue_dma source(%dma_start3A_1627 : memref<8x128xf32, #tpu.memory_space<hbm>>) target(%dma_start3A_1625 : memref<8x128xf32, #tpu.memory_space<vmem>>) target_semaphore(%arg18 : memref<!tpu.dma_semaphore, #tpu.memory_space<semaphore_mem>>)
        %dma_start3A_1628 = arith.constant 1 : i32
        %dma_start3A_1629 = arith.constant 3 : i32
        %dma_start3A_1630 = arith.constant 16 : i32
        %dma_start3A_1631 = arith.constant 0 : i32
        %dma_start3A_1632 = tpu.memref_slice %arg12[%dma_start3A_1628, %dma_start3A_1629, %dma_start3A_1630, %dma_start3A_1631] : memref<3x4x32x128xf32, #tpu.memory_space<vmem>> -> memref<1x1x8x128xf32, #tpu.memory_space<vmem>>
        %dma_start3A_1633 = tpu.memref_squeeze %dma_start3A_1632 : memref<1x1x8x128xf32, #tpu.memory_space<vmem>> -> memref<8x128xf32, #tpu.memory_space<vmem>>
        %dma_start3A_1634 = arith.constant 16 : i32
        %dma_start3A_1635 = tpu.memref_slice %arg6[%dma_start3A_1634, %multiple_of3A_1557] : memref<32x1000000xf32, #tpu.memory_space<hbm>> -> memref<8x128xf32, #tpu.memory_space<hbm>>
        %dma_start3A_1636 = arith.constant 16 : i32
        %dma_start3A_1637 = arith.constant 0 : i32
        %dma_start3A_1638 = tpu.memref_slice %arg12[%dma_start3A_1628, %dma_start3A_1629, %dma_start3A_1636, %dma_start3A_1637] : memref<3x4x32x128xf32, #tpu.memory_space<vmem>> -> memref<1x1x8x128xf32, #tpu.memory_space<vmem>>
        %dma_start3A_1639 = tpu.memref_squeeze %dma_start3A_1638 : memref<1x1x8x128xf32, #tpu.memory_space<vmem>> -> memref<8x128xf32, #tpu.memory_space<vmem>>
        %dma_start3A_1640 = arith.constant 16 : i32
        %dma_start3A_1641 = tpu.memref_slice %arg6[%dma_start3A_1640, %multiple_of3A_1557] : memref<32x1000000xf32, #tpu.memory_space<hbm>> -> memref<8x128xf32, #tpu.memory_space<hbm>>
        tpu.enqueue_dma source(%dma_start3A_1641 : memref<8x128xf32, #tpu.memory_space<hbm>>) target(%dma_start3A_1639 : memref<8x128xf32, #tpu.memory_space<vmem>>) target_semaphore(%arg18 : memref<!tpu.dma_semaphore, #tpu.memory_space<semaphore_mem>>)
        %dma_start3A_1642 = arith.constant 1 : i32
        %dma_start3A_1643 = arith.constant 3 : i32
        %dma_start3A_1644 = arith.constant 24 : i32
        %dma_start3A_1645 = arith.constant 0 : i32
        %dma_start3A_1646 = tpu.memref_slice %arg11[%dma_start3A_1642, %dma_start3A_1643, %dma_start3A_1644, %dma_start3A_1645] : memref<3x4x32x128xf32, #tpu.memory_space<vmem>> -> memref<1x1x8x128xf32, #tpu.memory_space<vmem>>
        %dma_start3A_1647 = tpu.memref_squeeze %dma_start3A_1646 : memref<1x1x8x128xf32, #tpu.memory_space<vmem>> -> memref<8x128xf32, #tpu.memory_space<vmem>>
        %dma_start3A_1648 = arith.constant 24 : i32
        %dma_start3A_1649 = tpu.memref_slice %arg5[%dma_start3A_1648, %multiple_of3A_1552] : memref<32x1000000xf32, #tpu.memory_space<hbm>> -> memref<8x128xf32, #tpu.memory_space<hbm>>
        %dma_start3A_1650 = arith.constant 24 : i32
        %dma_start3A_1651 = arith.constant 0 : i32
        %dma_start3A_1652 = tpu.memref_slice %arg11[%dma_start3A_1642, %dma_start3A_1643, %dma_start3A_1650, %dma_start3A_1651] : memref<3x4x32x128xf32, #tpu.memory_space<vmem>> -> memref<1x1x8x128xf32, #tpu.memory_space<vmem>>
        %dma_start3A_1653 = tpu.memref_squeeze %dma_start3A_1652 : memref<1x1x8x128xf32, #tpu.memory_space<vmem>> -> memref<8x128xf32, #tpu.memory_space<vmem>>
        %dma_start3A_1654 = arith.constant 24 : i32
        %dma_start3A_1655 = tpu.memref_slice %arg5[%dma_start3A_1654, %multiple_of3A_1552] : memref<32x1000000xf32, #tpu.memory_space<hbm>> -> memref<8x128xf32, #tpu.memory_space<hbm>>
        tpu.enqueue_dma source(%dma_start3A_1655 : memref<8x128xf32, #tpu.memory_space<hbm>>) target(%dma_start3A_1653 : memref<8x128xf32, #tpu.memory_space<vmem>>) target_semaphore(%arg18 : memref<!tpu.dma_semaphore, #tpu.memory_space<semaphore_mem>>)
        %dma_start3A_1656 = arith.constant 1 : i32
        %dma_start3A_1657 = arith.constant 3 : i32
        %dma_start3A_1658 = arith.constant 24 : i32
        %dma_start3A_1659 = arith.constant 0 : i32
        %dma_start3A_1660 = tpu.memref_slice %arg12[%dma_start3A_1656, %dma_start3A_1657, %dma_start3A_1658, %dma_start3A_1659] : memref<3x4x32x128xf32, #tpu.memory_space<vmem>> -> memref<1x1x8x128xf32, #tpu.memory_space<vmem>>
        %dma_start3A_1661 = tpu.memref_squeeze %dma_start3A_1660 : memref<1x1x8x128xf32, #tpu.memory_space<vmem>> -> memref<8x128xf32, #tpu.memory_space<vmem>>
        %dma_start3A_1662 = arith.constant 24 : i32
        %dma_start3A_1663 = tpu.memref_slice %arg6[%dma_start3A_1662, %multiple_of3A_1557] : memref<32x1000000xf32, #tpu.memory_space<hbm>> -> memref<8x128xf32, #tpu.memory_space<hbm>>
        %dma_start3A_1664 = arith.constant 24 : i32
        %dma_start3A_1665 = arith.constant 0 : i32
        %dma_start3A_1666 = tpu.memref_slice %arg12[%dma_start3A_1656, %dma_start3A_1657, %dma_start3A_1664, %dma_start3A_1665] : memref<3x4x32x128xf32, #tpu.memory_space<vmem>> -> memref<1x1x8x128xf32, #tpu.memory_space<vmem>>
        %dma_start3A_1667 = tpu.memref_squeeze %dma_start3A_1666 : memref<1x1x8x128xf32, #tpu.memory_space<vmem>> -> memref<8x128xf32, #tpu.memory_space<vmem>>
        %dma_start3A_1668 = arith.constant 24 : i32
        %dma_start3A_1669 = tpu.memref_slice %arg6[%dma_start3A_1668, %multiple_of3A_1557] : memref<32x1000000xf32, #tpu.memory_space<hbm>> -> memref<8x128xf32, #tpu.memory_space<hbm>>
        tpu.enqueue_dma source(%dma_start3A_1669 : memref<8x128xf32, #tpu.memory_space<hbm>>) target(%dma_start3A_1667 : memref<8x128xf32, #tpu.memory_space<vmem>>) target_semaphore(%arg18 : memref<!tpu.dma_semaphore, #tpu.memory_space<semaphore_mem>>)
      } else {
      }
      %lt3A_1124 = arith.constant 128 : i32
      %lt3A_1125 = arith.cmpi slt, %add3A_1080, %lt3A_1124 : i32
      %jit3A_1126 = arith.constant 3 : i32
      %eq3A_1127 = arith.constant 0 : i32
      %eq3A_1128 = arith.cmpi eq, %jit3A_1126, %eq3A_1127 : i32
      %jit3A_1129 = arith.constant 1 : i32
      %select_n3A_1130 = arith.select %eq3A_1128, %jit3A_1129, %jit3A_1126 : i32
      %rem3A_1131 = arith.remsi %add3A_1080, %select_n3A_1130 : i32
      %ne3A_1132 = arith.constant 0 : i32
      %ne3A_1133 = arith.cmpi ne, %rem3A_1131, %ne3A_1132 : i32
      %lt3A_1134 = arith.constant 0 : i32
      %lt3A_1135 = arith.cmpi slt, %rem3A_1131, %lt3A_1134 : i32
      %lt3A_1136 = arith.constant 0 : i32
      %lt3A_1137 = arith.cmpi slt, %select_n3A_1130, %lt3A_1136 : i32
      %ne3A_1138 = arith.xori %lt3A_1135, %lt3A_1137 : i1
      %and3A_1139 = arith.andi %ne3A_1138, %ne3A_1133 : i1
      %add3A_1140 = arith.addi %rem3A_1131, %select_n3A_1130 : i32
      %select_n3A_1141 = arith.select %and3A_1139, %add3A_1140, %rem3A_1131 : i32
      %eq3A_1142 = arith.constant 2 : i32
      %eq3A_1143 = arith.cmpi eq, %select_n3A_1141, %eq3A_1142 : i32
      %and3A_1144 = arith.andi %lt3A_1125, %eq3A_1143 : i1
      %convert_element_type3A_1145 = arith.extui %and3A_1144 : i1 to i32
      %cond3A_1146 = arith.constant 0 : i32
      %cond3A_1147 = arith.cmpi ne, %convert_element_type3A_1145, %cond3A_1146 : i32
      scf.if %cond3A_1147 {
        %mul3A_1170 = arith.constant 4 : i32
        %mul3A_1171 = arith.muli %add3A_1080, %mul3A_1170 : i32
        %get3A_1172 = arith.index_cast %mul3A_1171 : i32 to index
        %get3A_1173 = tpu.vector_load %arg8[%get3A_1172] {strides = array<i32>} : memref<528xi32, #tpu.memory_space<vmem>>, vector<16xi32>,
        %shift_right_arithmetic3A_1174 = arith.constant 7 : i32
        %shift_right_arithmetic3A_1175 = vector.broadcast %shift_right_arithmetic3A_1174 : i32 to vector<16xi32>
        %shift_right_arithmetic3A_1176 = arith.shrsi %get3A_1173, %shift_right_arithmetic3A_1175 : vector<16xi32>
        %get3A_1177 = arith.index_cast %mul3A_1171 : i32 to index
        %get3A_1178 = tpu.vector_load %arg9[%get3A_1177] {strides = array<i32>} : memref<528xi32, #tpu.memory_space<vmem>>, vector<16xi32>,
        %shift_right_arithmetic3A_1179 = arith.constant 7 : i32
        %shift_right_arithmetic3A_1180 = vector.broadcast %shift_right_arithmetic3A_1179 : i32 to vector<16xi32>
        %shift_right_arithmetic3A_1181 = arith.shrsi %get3A_1178, %shift_right_arithmetic3A_1180 : vector<16xi32>
        %slice3A_1182 = vector.extract_strided_slice %shift_right_arithmetic3A_1176 {offsets = [0], sizes = [1], strides = [1]} : vector<16xi32> to vector<1xi32>
        %squeeze3A_1183 = vector.extract %slice3A_1182[0] : i32 from vector<1xi32>
        %shift_left3A_1184 = arith.constant 7 : i32
        %shift_left3A_1185 = arith.shli %squeeze3A_1183, %shift_left3A_1184 : i32
        %multiple_of3A_1186 = tpu.assume_multiple %shift_left3A_1185, 128 : i32
        %slice3A_1187 = vector.extract_strided_slice %shift_right_arithmetic3A_1181 {offsets = [0], sizes = [1], strides = [1]} : vector<16xi32> to vector<1xi32>
        %squeeze3A_1188 = vector.extract %slice3A_1187[0] : i32 from vector<1xi32>
        %shift_left3A_1189 = arith.constant 7 : i32
        %shift_left3A_1190 = arith.shli %squeeze3A_1188, %shift_left3A_1189 : i32
        %multiple_of3A_1191 = tpu.assume_multiple %shift_left3A_1190, 128 : i32
        %dma_start3A_1192 = arith.constant 2 : i32
        %dma_start3A_1193 = arith.constant 0 : i32
        %dma_start3A_1194 = arith.constant 0 : i32
        %dma_start3A_1195 = arith.constant 0 : i32
        %dma_start3A_1196 = tpu.memref_slice %arg11[%dma_start3A_1192, %dma_start3A_1193, %dma_start3A_1194, %dma_start3A_1195] : memref<3x4x32x128xf32, #tpu.memory_space<vmem>> -> memref<1x1x8x128xf32, #tpu.memory_space<vmem>>
        %dma_start3A_1197 = tpu.memref_squeeze %dma_start3A_1196 : memref<1x1x8x128xf32, #tpu.memory_space<vmem>> -> memref<8x128xf32, #tpu.memory_space<vmem>>
        %dma_start3A_1198 = arith.constant 0 : i32
        %dma_start3A_1199 = tpu.memref_slice %arg5[%dma_start3A_1198, %multiple_of3A_1186] : memref<32x1000000xf32, #tpu.memory_space<hbm>> -> memref<8x128xf32, #tpu.memory_space<hbm>>
        %dma_start3A_1200 = arith.constant 0 : i32
        %dma_start3A_1201 = arith.constant 0 : i32
        %dma_start3A_1202 = tpu.memref_slice %arg11[%dma_start3A_1192, %dma_start3A_1193, %dma_start3A_1200, %dma_start3A_1201] : memref<3x4x32x128xf32, #tpu.memory_space<vmem>> -> memref<1x1x8x128xf32, #tpu.memory_space<vmem>>
        %dma_start3A_1203 = tpu.memref_squeeze %dma_start3A_1202 : memref<1x1x8x128xf32, #tpu.memory_space<vmem>> -> memref<8x128xf32, #tpu.memory_space<vmem>>
        %dma_start3A_1204 = arith.constant 0 : i32
        %dma_start3A_1205 = tpu.memref_slice %arg5[%dma_start3A_1204, %multiple_of3A_1186] : memref<32x1000000xf32, #tpu.memory_space<hbm>> -> memref<8x128xf32, #tpu.memory_space<hbm>>
        tpu.enqueue_dma source(%dma_start3A_1205 : memref<8x128xf32, #tpu.memory_space<hbm>>) target(%dma_start3A_1203 : memref<8x128xf32, #tpu.memory_space<vmem>>) target_semaphore(%arg19 : memref<!tpu.dma_semaphore, #tpu.memory_space<semaphore_mem>>)
        %dma_start3A_1206 = arith.constant 2 : i32
        %dma_start3A_1207 = arith.constant 0 : i32
        %dma_start3A_1208 = arith.constant 0 : i32
        %dma_start3A_1209 = arith.constant 0 : i32
        %dma_start3A_1210 = tpu.memref_slice %arg12[%dma_start3A_1206, %dma_start3A_1207, %dma_start3A_1208, %dma_start3A_1209] : memref<3x4x32x128xf32, #tpu.memory_space<vmem>> -> memref<1x1x8x128xf32, #tpu.memory_space<vmem>>
        %dma_start3A_1211 = tpu.memref_squeeze %dma_start3A_1210 : memref<1x1x8x128xf32, #tpu.memory_space<vmem>> -> memref<8x128xf32, #tpu.memory_space<vmem>>
        %dma_start3A_1212 = arith.constant 0 : i32
        %dma_start3A_1213 = tpu.memref_slice %arg6[%dma_start3A_1212, %multiple_of3A_1191] : memref<32x1000000xf32, #tpu.memory_space<hbm>> -> memref<8x128xf32, #tpu.memory_space<hbm>>
        %dma_start3A_1214 = arith.constant 0 : i32
        %dma_start3A_1215 = arith.constant 0 : i32
        %dma_start3A_1216 = tpu.memref_slice %arg12[%dma_start3A_1206, %dma_start3A_1207, %dma_start3A_1214, %dma_start3A_1215] : memref<3x4x32x128xf32, #tpu.memory_space<vmem>> -> memref<1x1x8x128xf32, #tpu.memory_space<vmem>>
        %dma_start3A_1217 = tpu.memref_squeeze %dma_start3A_1216 : memref<1x1x8x128xf32, #tpu.memory_space<vmem>> -> memref<8x128xf32, #tpu.memory_space<vmem>>
        %dma_start3A_1218 = arith.constant 0 : i32
        %dma_start3A_1219 = tpu.memref_slice %arg6[%dma_start3A_1218, %multiple_of3A_1191] : memref<32x1000000xf32, #tpu.memory_space<hbm>> -> memref<8x128xf32, #tpu.memory_space<hbm>>
        tpu.enqueue_dma source(%dma_start3A_1219 : memref<8x128xf32, #tpu.memory_space<hbm>>) target(%dma_start3A_1217 : memref<8x128xf32, #tpu.memory_space<vmem>>) target_semaphore(%arg19 : memref<!tpu.dma_semaphore, #tpu.memory_space<semaphore_mem>>)
        %dma_start3A_1220 = arith.constant 2 : i32
        %dma_start3A_1221 = arith.constant 0 : i32
        %dma_start3A_1222 = arith.constant 8 : i32
        %dma_start3A_1223 = arith.constant 0 : i32
        %dma_start3A_1224 = tpu.memref_slice %arg11[%dma_start3A_1220, %dma_start3A_1221, %dma_start3A_1222, %dma_start3A_1223] : memref<3x4x32x128xf32, #tpu.memory_space<vmem>> -> memref<1x1x8x128xf32, #tpu.memory_space<vmem>>
        %dma_start3A_1225 = tpu.memref_squeeze %dma_start3A_1224 : memref<1x1x8x128xf32, #tpu.memory_space<vmem>> -> memref<8x128xf32, #tpu.memory_space<vmem>>
        %dma_start3A_1226 = arith.constant 8 : i32
        %dma_start3A_1227 = tpu.memref_slice %arg5[%dma_start3A_1226, %multiple_of3A_1186] : memref<32x1000000xf32, #tpu.memory_space<hbm>> -> memref<8x128xf32, #tpu.memory_space<hbm>>
        %dma_start3A_1228 = arith.constant 8 : i32
        %dma_start3A_1229 = arith.constant 0 : i32
        %dma_start3A_1230 = tpu.memref_slice %arg11[%dma_start3A_1220, %dma_start3A_1221, %dma_start3A_1228, %dma_start3A_1229] : memref<3x4x32x128xf32, #tpu.memory_space<vmem>> -> memref<1x1x8x128xf32, #tpu.memory_space<vmem>>
        %dma_start3A_1231 = tpu.memref_squeeze %dma_start3A_1230 : memref<1x1x8x128xf32, #tpu.memory_space<vmem>> -> memref<8x128xf32, #tpu.memory_space<vmem>>
        %dma_start3A_1232 = arith.constant 8 : i32
        %dma_start3A_1233 = tpu.memref_slice %arg5[%dma_start3A_1232, %multiple_of3A_1186] : memref<32x1000000xf32, #tpu.memory_space<hbm>> -> memref<8x128xf32, #tpu.memory_space<hbm>>
        tpu.enqueue_dma source(%dma_start3A_1233 : memref<8x128xf32, #tpu.memory_space<hbm>>) target(%dma_start3A_1231 : memref<8x128xf32, #tpu.memory_space<vmem>>) target_semaphore(%arg19 : memref<!tpu.dma_semaphore, #tpu.memory_space<semaphore_mem>>)
        %dma_start3A_1234 = arith.constant 2 : i32
        %dma_start3A_1235 = arith.constant 0 : i32
        %dma_start3A_1236 = arith.constant 8 : i32
        %dma_start3A_1237 = arith.constant 0 : i32
        %dma_start3A_1238 = tpu.memref_slice %arg12[%dma_start3A_1234, %dma_start3A_1235, %dma_start3A_1236, %dma_start3A_1237] : memref<3x4x32x128xf32, #tpu.memory_space<vmem>> -> memref<1x1x8x128xf32, #tpu.memory_space<vmem>>
        %dma_start3A_1239 = tpu.memref_squeeze %dma_start3A_1238 : memref<1x1x8x128xf32, #tpu.memory_space<vmem>> -> memref<8x128xf32, #tpu.memory_space<vmem>>
        %dma_start3A_1240 = arith.constant 8 : i32
        %dma_start3A_1241 = tpu.memref_slice %arg6[%dma_start3A_1240, %multiple_of3A_1191] : memref<32x1000000xf32, #tpu.memory_space<hbm>> -> memref<8x128xf32, #tpu.memory_space<hbm>>
        %dma_start3A_1242 = arith.constant 8 : i32
        %dma_start3A_1243 = arith.constant 0 : i32
        %dma_start3A_1244 = tpu.memref_slice %arg12[%dma_start3A_1234, %dma_start3A_1235, %dma_start3A_1242, %dma_start3A_1243] : memref<3x4x32x128xf32, #tpu.memory_space<vmem>> -> memref<1x1x8x128xf32, #tpu.memory_space<vmem>>
        %dma_start3A_1245 = tpu.memref_squeeze %dma_start3A_1244 : memref<1x1x8x128xf32, #tpu.memory_space<vmem>> -> memref<8x128xf32, #tpu.memory_space<vmem>>
        %dma_start3A_1246 = arith.constant 8 : i32
        %dma_start3A_1247 = tpu.memref_slice %arg6[%dma_start3A_1246, %multiple_of3A_1191] : memref<32x1000000xf32, #tpu.memory_space<hbm>> -> memref<8x128xf32, #tpu.memory_space<hbm>>
        tpu.enqueue_dma source(%dma_start3A_1247 : memref<8x128xf32, #tpu.memory_space<hbm>>) target(%dma_start3A_1245 : memref<8x128xf32, #tpu.memory_space<vmem>>) target_semaphore(%arg19 : memref<!tpu.dma_semaphore, #tpu.memory_space<semaphore_mem>>)
        %dma_start3A_1248 = arith.constant 2 : i32
        %dma_start3A_1249 = arith.constant 0 : i32
        %dma_start3A_1250 = arith.constant 16 : i32
        %dma_start3A_1251 = arith.constant 0 : i32
        %dma_start3A_1252 = tpu.memref_slice %arg11[%dma_start3A_1248, %dma_start3A_1249, %dma_start3A_1250, %dma_start3A_1251] : memref<3x4x32x128xf32, #tpu.memory_space<vmem>> -> memref<1x1x8x128xf32, #tpu.memory_space<vmem>>
        %dma_start3A_1253 = tpu.memref_squeeze %dma_start3A_1252 : memref<1x1x8x128xf32, #tpu.memory_space<vmem>> -> memref<8x128xf32, #tpu.memory_space<vmem>>
        %dma_start3A_1254 = arith.constant 16 : i32
        %dma_start3A_1255 = tpu.memref_slice %arg5[%dma_start3A_1254, %multiple_of3A_1186] : memref<32x1000000xf32, #tpu.memory_space<hbm>> -> memref<8x128xf32, #tpu.memory_space<hbm>>
        %dma_start3A_1256 = arith.constant 16 : i32
        %dma_start3A_1257 = arith.constant 0 : i32
        %dma_start3A_1258 = tpu.memref_slice %arg11[%dma_start3A_1248, %dma_start3A_1249, %dma_start3A_1256, %dma_start3A_1257] : memref<3x4x32x128xf32, #tpu.memory_space<vmem>> -> memref<1x1x8x128xf32, #tpu.memory_space<vmem>>
        %dma_start3A_1259 = tpu.memref_squeeze %dma_start3A_1258 : memref<1x1x8x128xf32, #tpu.memory_space<vmem>> -> memref<8x128xf32, #tpu.memory_space<vmem>>
        %dma_start3A_1260 = arith.constant 16 : i32
        %dma_start3A_1261 = tpu.memref_slice %arg5[%dma_start3A_1260, %multiple_of3A_1186] : memref<32x1000000xf32, #tpu.memory_space<hbm>> -> memref<8x128xf32, #tpu.memory_space<hbm>>
        tpu.enqueue_dma source(%dma_start3A_1261 : memref<8x128xf32, #tpu.memory_space<hbm>>) target(%dma_start3A_1259 : memref<8x128xf32, #tpu.memory_space<vmem>>) target_semaphore(%arg19 : memref<!tpu.dma_semaphore, #tpu.memory_space<semaphore_mem>>)
        %dma_start3A_1262 = arith.constant 2 : i32
        %dma_start3A_1263 = arith.constant 0 : i32
        %dma_start3A_1264 = arith.constant 16 : i32
        %dma_start3A_1265 = arith.constant 0 : i32
        %dma_start3A_1266 = tpu.memref_slice %arg12[%dma_start3A_1262, %dma_start3A_1263, %dma_start3A_1264, %dma_start3A_1265] : memref<3x4x32x128xf32, #tpu.memory_space<vmem>> -> memref<1x1x8x128xf32, #tpu.memory_space<vmem>>
        %dma_start3A_1267 = tpu.memref_squeeze %dma_start3A_1266 : memref<1x1x8x128xf32, #tpu.memory_space<vmem>> -> memref<8x128xf32, #tpu.memory_space<vmem>>
        %dma_start3A_1268 = arith.constant 16 : i32
        %dma_start3A_1269 = tpu.memref_slice %arg6[%dma_start3A_1268, %multiple_of3A_1191] : memref<32x1000000xf32, #tpu.memory_space<hbm>> -> memref<8x128xf32, #tpu.memory_space<hbm>>
        %dma_start3A_1270 = arith.constant 16 : i32
        %dma_start3A_1271 = arith.constant 0 : i32
        %dma_start3A_1272 = tpu.memref_slice %arg12[%dma_start3A_1262, %dma_start3A_1263, %dma_start3A_1270, %dma_start3A_1271] : memref<3x4x32x128xf32, #tpu.memory_space<vmem>> -> memref<1x1x8x128xf32, #tpu.memory_space<vmem>>
        %dma_start3A_1273 = tpu.memref_squeeze %dma_start3A_1272 : memref<1x1x8x128xf32, #tpu.memory_space<vmem>> -> memref<8x128xf32, #tpu.memory_space<vmem>>
        %dma_start3A_1274 = arith.constant 16 : i32
        %dma_start3A_1275 = tpu.memref_slice %arg6[%dma_start3A_1274, %multiple_of3A_1191] : memref<32x1000000xf32, #tpu.memory_space<hbm>> -> memref<8x128xf32, #tpu.memory_space<hbm>>
        tpu.enqueue_dma source(%dma_start3A_1275 : memref<8x128xf32, #tpu.memory_space<hbm>>) target(%dma_start3A_1273 : memref<8x128xf32, #tpu.memory_space<vmem>>) target_semaphore(%arg19 : memref<!tpu.dma_semaphore, #tpu.memory_space<semaphore_mem>>)
        %dma_start3A_1276 = arith.constant 2 : i32
        %dma_start3A_1277 = arith.constant 0 : i32
        %dma_start3A_1278 = arith.constant 24 : i32
        %dma_start3A_1279 = arith.constant 0 : i32
        %dma_start3A_1280 = tpu.memref_slice %arg11[%dma_start3A_1276, %dma_start3A_1277, %dma_start3A_1278, %dma_start3A_1279] : memref<3x4x32x128xf32, #tpu.memory_space<vmem>> -> memref<1x1x8x128xf32, #tpu.memory_space<vmem>>
        %dma_start3A_1281 = tpu.memref_squeeze %dma_start3A_1280 : memref<1x1x8x128xf32, #tpu.memory_space<vmem>> -> memref<8x128xf32, #tpu.memory_space<vmem>>
        %dma_start3A_1282 = arith.constant 24 : i32
        %dma_start3A_1283 = tpu.memref_slice %arg5[%dma_start3A_1282, %multiple_of3A_1186] : memref<32x1000000xf32, #tpu.memory_space<hbm>> -> memref<8x128xf32, #tpu.memory_space<hbm>>
        %dma_start3A_1284 = arith.constant 24 : i32
        %dma_start3A_1285 = arith.constant 0 : i32
        %dma_start3A_1286 = tpu.memref_slice %arg11[%dma_start3A_1276, %dma_start3A_1277, %dma_start3A_1284, %dma_start3A_1285] : memref<3x4x32x128xf32, #tpu.memory_space<vmem>> -> memref<1x1x8x128xf32, #tpu.memory_space<vmem>>
        %dma_start3A_1287 = tpu.memref_squeeze %dma_start3A_1286 : memref<1x1x8x128xf32, #tpu.memory_space<vmem>> -> memref<8x128xf32, #tpu.memory_space<vmem>>
        %dma_start3A_1288 = arith.constant 24 : i32
        %dma_start3A_1289 = tpu.memref_slice %arg5[%dma_start3A_1288, %multiple_of3A_1186] : memref<32x1000000xf32, #tpu.memory_space<hbm>> -> memref<8x128xf32, #tpu.memory_space<hbm>>
        tpu.enqueue_dma source(%dma_start3A_1289 : memref<8x128xf32, #tpu.memory_space<hbm>>) target(%dma_start3A_1287 : memref<8x128xf32, #tpu.memory_space<vmem>>) target_semaphore(%arg19 : memref<!tpu.dma_semaphore, #tpu.memory_space<semaphore_mem>>)
        %dma_start3A_1290 = arith.constant 2 : i32
        %dma_start3A_1291 = arith.constant 0 : i32
        %dma_start3A_1292 = arith.constant 24 : i32
        %dma_start3A_1293 = arith.constant 0 : i32
        %dma_start3A_1294 = tpu.memref_slice %arg12[%dma_start3A_1290, %dma_start3A_1291, %dma_start3A_1292, %dma_start3A_1293] : memref<3x4x32x128xf32, #tpu.memory_space<vmem>> -> memref<1x1x8x128xf32, #tpu.memory_space<vmem>>
        %dma_start3A_1295 = tpu.memref_squeeze %dma_start3A_1294 : memref<1x1x8x128xf32, #tpu.memory_space<vmem>> -> memref<8x128xf32, #tpu.memory_space<vmem>>
        %dma_start3A_1296 = arith.constant 24 : i32
        %dma_start3A_1297 = tpu.memref_slice %arg6[%dma_start3A_1296, %multiple_of3A_1191] : memref<32x1000000xf32, #tpu.memory_space<hbm>> -> memref<8x128xf32, #tpu.memory_space<hbm>>
        %dma_start3A_1298 = arith.constant 24 : i32
        %dma_start3A_1299 = arith.constant 0 : i32
        %dma_start3A_1300 = tpu.memref_slice %arg12[%dma_start3A_1290, %dma_start3A_1291, %dma_start3A_1298, %dma_start3A_1299] : memref<3x4x32x128xf32, #tpu.memory_space<vmem>> -> memref<1x1x8x128xf32, #tpu.memory_space<vmem>>
        %dma_start3A_1301 = tpu.memref_squeeze %dma_start3A_1300 : memref<1x1x8x128xf32, #tpu.memory_space<vmem>> -> memref<8x128xf32, #tpu.memory_space<vmem>>
        %dma_start3A_1302 = arith.constant 24 : i32
        %dma_start3A_1303 = tpu.memref_slice %arg6[%dma_start3A_1302, %multiple_of3A_1191] : memref<32x1000000xf32, #tpu.memory_space<hbm>> -> memref<8x128xf32, #tpu.memory_space<hbm>>
        tpu.enqueue_dma source(%dma_start3A_1303 : memref<8x128xf32, #tpu.memory_space<hbm>>) target(%dma_start3A_1301 : memref<8x128xf32, #tpu.memory_space<vmem>>) target_semaphore(%arg19 : memref<!tpu.dma_semaphore, #tpu.memory_space<semaphore_mem>>)
        %slice3A_1304 = vector.extract_strided_slice %shift_right_arithmetic3A_1176 {offsets = [1], sizes = [1], strides = [1]} : vector<16xi32> to vector<1xi32>
        %squeeze3A_1305 = vector.extract %slice3A_1304[0] : i32 from vector<1xi32>
        %shift_left3A_1306 = arith.constant 7 : i32
        %shift_left3A_1307 = arith.shli %squeeze3A_1305, %shift_left3A_1306 : i32
        %multiple_of3A_1308 = tpu.assume_multiple %shift_left3A_1307, 128 : i32
        %slice3A_1309 = vector.extract_strided_slice %shift_right_arithmetic3A_1181 {offsets = [1], sizes = [1], strides = [1]} : vector<16xi32> to vector<1xi32>
        %squeeze3A_1310 = vector.extract %slice3A_1309[0] : i32 from vector<1xi32>
        %shift_left3A_1311 = arith.constant 7 : i32
        %shift_left3A_1312 = arith.shli %squeeze3A_1310, %shift_left3A_1311 : i32
        %multiple_of3A_1313 = tpu.assume_multiple %shift_left3A_1312, 128 : i32
        %dma_start3A_1314 = arith.constant 2 : i32
        %dma_start3A_1315 = arith.constant 1 : i32
        %dma_start3A_1316 = arith.constant 0 : i32
        %dma_start3A_1317 = arith.constant 0 : i32
        %dma_start3A_1318 = tpu.memref_slice %arg11[%dma_start3A_1314, %dma_start3A_1315, %dma_start3A_1316, %dma_start3A_1317] : memref<3x4x32x128xf32, #tpu.memory_space<vmem>> -> memref<1x1x8x128xf32, #tpu.memory_space<vmem>>
        %dma_start3A_1319 = tpu.memref_squeeze %dma_start3A_1318 : memref<1x1x8x128xf32, #tpu.memory_space<vmem>> -> memref<8x128xf32, #tpu.memory_space<vmem>>
        %dma_start3A_1320 = arith.constant 0 : i32
        %dma_start3A_1321 = tpu.memref_slice %arg5[%dma_start3A_1320, %multiple_of3A_1308] : memref<32x1000000xf32, #tpu.memory_space<hbm>> -> memref<8x128xf32, #tpu.memory_space<hbm>>
        %dma_start3A_1322 = arith.constant 0 : i32
        %dma_start3A_1323 = arith.constant 0 : i32
        %dma_start3A_1324 = tpu.memref_slice %arg11[%dma_start3A_1314, %dma_start3A_1315, %dma_start3A_1322, %dma_start3A_1323] : memref<3x4x32x128xf32, #tpu.memory_space<vmem>> -> memref<1x1x8x128xf32, #tpu.memory_space<vmem>>
        %dma_start3A_1325 = tpu.memref_squeeze %dma_start3A_1324 : memref<1x1x8x128xf32, #tpu.memory_space<vmem>> -> memref<8x128xf32, #tpu.memory_space<vmem>>
        %dma_start3A_1326 = arith.constant 0 : i32
        %dma_start3A_1327 = tpu.memref_slice %arg5[%dma_start3A_1326, %multiple_of3A_1308] : memref<32x1000000xf32, #tpu.memory_space<hbm>> -> memref<8x128xf32, #tpu.memory_space<hbm>>
        tpu.enqueue_dma source(%dma_start3A_1327 : memref<8x128xf32, #tpu.memory_space<hbm>>) target(%dma_start3A_1325 : memref<8x128xf32, #tpu.memory_space<vmem>>) target_semaphore(%arg19 : memref<!tpu.dma_semaphore, #tpu.memory_space<semaphore_mem>>)
        %dma_start3A_1328 = arith.constant 2 : i32
        %dma_start3A_1329 = arith.constant 1 : i32
        %dma_start3A_1330 = arith.constant 0 : i32
        %dma_start3A_1331 = arith.constant 0 : i32
        %dma_start3A_1332 = tpu.memref_slice %arg12[%dma_start3A_1328, %dma_start3A_1329, %dma_start3A_1330, %dma_start3A_1331] : memref<3x4x32x128xf32, #tpu.memory_space<vmem>> -> memref<1x1x8x128xf32, #tpu.memory_space<vmem>>
        %dma_start3A_1333 = tpu.memref_squeeze %dma_start3A_1332 : memref<1x1x8x128xf32, #tpu.memory_space<vmem>> -> memref<8x128xf32, #tpu.memory_space<vmem>>
        %dma_start3A_1334 = arith.constant 0 : i32
        %dma_start3A_1335 = tpu.memref_slice %arg6[%dma_start3A_1334, %multiple_of3A_1313] : memref<32x1000000xf32, #tpu.memory_space<hbm>> -> memref<8x128xf32, #tpu.memory_space<hbm>>
        %dma_start3A_1336 = arith.constant 0 : i32
        %dma_start3A_1337 = arith.constant 0 : i32
        %dma_start3A_1338 = tpu.memref_slice %arg12[%dma_start3A_1328, %dma_start3A_1329, %dma_start3A_1336, %dma_start3A_1337] : memref<3x4x32x128xf32, #tpu.memory_space<vmem>> -> memref<1x1x8x128xf32, #tpu.memory_space<vmem>>
        %dma_start3A_1339 = tpu.memref_squeeze %dma_start3A_1338 : memref<1x1x8x128xf32, #tpu.memory_space<vmem>> -> memref<8x128xf32, #tpu.memory_space<vmem>>
        %dma_start3A_1340 = arith.constant 0 : i32
        %dma_start3A_1341 = tpu.memref_slice %arg6[%dma_start3A_1340, %multiple_of3A_1313] : memref<32x1000000xf32, #tpu.memory_space<hbm>> -> memref<8x128xf32, #tpu.memory_space<hbm>>
        tpu.enqueue_dma source(%dma_start3A_1341 : memref<8x128xf32, #tpu.memory_space<hbm>>) target(%dma_start3A_1339 : memref<8x128xf32, #tpu.memory_space<vmem>>) target_semaphore(%arg19 : memref<!tpu.dma_semaphore, #tpu.memory_space<semaphore_mem>>)
        %dma_start3A_1342 = arith.constant 2 : i32
        %dma_start3A_1343 = arith.constant 1 : i32
        %dma_start3A_1344 = arith.constant 8 : i32
        %dma_start3A_1345 = arith.constant 0 : i32
        %dma_start3A_1346 = tpu.memref_slice %arg11[%dma_start3A_1342, %dma_start3A_1343, %dma_start3A_1344, %dma_start3A_1345] : memref<3x4x32x128xf32, #tpu.memory_space<vmem>> -> memref<1x1x8x128xf32, #tpu.memory_space<vmem>>
        %dma_start3A_1347 = tpu.memref_squeeze %dma_start3A_1346 : memref<1x1x8x128xf32, #tpu.memory_space<vmem>> -> memref<8x128xf32, #tpu.memory_space<vmem>>
        %dma_start3A_1348 = arith.constant 8 : i32
        %dma_start3A_1349 = tpu.memref_slice %arg5[%dma_start3A_1348, %multiple_of3A_1308] : memref<32x1000000xf32, #tpu.memory_space<hbm>> -> memref<8x128xf32, #tpu.memory_space<hbm>>
        %dma_start3A_1350 = arith.constant 8 : i32
        %dma_start3A_1351 = arith.constant 0 : i32
        %dma_start3A_1352 = tpu.memref_slice %arg11[%dma_start3A_1342, %dma_start3A_1343, %dma_start3A_1350, %dma_start3A_1351] : memref<3x4x32x128xf32, #tpu.memory_space<vmem>> -> memref<1x1x8x128xf32, #tpu.memory_space<vmem>>
        %dma_start3A_1353 = tpu.memref_squeeze %dma_start3A_1352 : memref<1x1x8x128xf32, #tpu.memory_space<vmem>> -> memref<8x128xf32, #tpu.memory_space<vmem>>
        %dma_start3A_1354 = arith.constant 8 : i32
        %dma_start3A_1355 = tpu.memref_slice %arg5[%dma_start3A_1354, %multiple_of3A_1308] : memref<32x1000000xf32, #tpu.memory_space<hbm>> -> memref<8x128xf32, #tpu.memory_space<hbm>>
        tpu.enqueue_dma source(%dma_start3A_1355 : memref<8x128xf32, #tpu.memory_space<hbm>>) target(%dma_start3A_1353 : memref<8x128xf32, #tpu.memory_space<vmem>>) target_semaphore(%arg19 : memref<!tpu.dma_semaphore, #tpu.memory_space<semaphore_mem>>)
        %dma_start3A_1356 = arith.constant 2 : i32
        %dma_start3A_1357 = arith.constant 1 : i32
        %dma_start3A_1358 = arith.constant 8 : i32
        %dma_start3A_1359 = arith.constant 0 : i32
        %dma_start3A_1360 = tpu.memref_slice %arg12[%dma_start3A_1356, %dma_start3A_1357, %dma_start3A_1358, %dma_start3A_1359] : memref<3x4x32x128xf32, #tpu.memory_space<vmem>> -> memref<1x1x8x128xf32, #tpu.memory_space<vmem>>
        %dma_start3A_1361 = tpu.memref_squeeze %dma_start3A_1360 : memref<1x1x8x128xf32, #tpu.memory_space<vmem>> -> memref<8x128xf32, #tpu.memory_space<vmem>>
        %dma_start3A_1362 = arith.constant 8 : i32
        %dma_start3A_1363 = tpu.memref_slice %arg6[%dma_start3A_1362, %multiple_of3A_1313] : memref<32x1000000xf32, #tpu.memory_space<hbm>> -> memref<8x128xf32, #tpu.memory_space<hbm>>
        %dma_start3A_1364 = arith.constant 8 : i32
        %dma_start3A_1365 = arith.constant 0 : i32
        %dma_start3A_1366 = tpu.memref_slice %arg12[%dma_start3A_1356, %dma_start3A_1357, %dma_start3A_1364, %dma_start3A_1365] : memref<3x4x32x128xf32, #tpu.memory_space<vmem>> -> memref<1x1x8x128xf32, #tpu.memory_space<vmem>>
        %dma_start3A_1367 = tpu.memref_squeeze %dma_start3A_1366 : memref<1x1x8x128xf32, #tpu.memory_space<vmem>> -> memref<8x128xf32, #tpu.memory_space<vmem>>
        %dma_start3A_1368 = arith.constant 8 : i32
        %dma_start3A_1369 = tpu.memref_slice %arg6[%dma_start3A_1368, %multiple_of3A_1313] : memref<32x1000000xf32, #tpu.memory_space<hbm>> -> memref<8x128xf32, #tpu.memory_space<hbm>>
        tpu.enqueue_dma source(%dma_start3A_1369 : memref<8x128xf32, #tpu.memory_space<hbm>>) target(%dma_start3A_1367 : memref<8x128xf32, #tpu.memory_space<vmem>>) target_semaphore(%arg19 : memref<!tpu.dma_semaphore, #tpu.memory_space<semaphore_mem>>)
        %dma_start3A_1370 = arith.constant 2 : i32
        %dma_start3A_1371 = arith.constant 1 : i32
        %dma_start3A_1372 = arith.constant 16 : i32
        %dma_start3A_1373 = arith.constant 0 : i32
        %dma_start3A_1374 = tpu.memref_slice %arg11[%dma_start3A_1370, %dma_start3A_1371, %dma_start3A_1372, %dma_start3A_1373] : memref<3x4x32x128xf32, #tpu.memory_space<vmem>> -> memref<1x1x8x128xf32, #tpu.memory_space<vmem>>
        %dma_start3A_1375 = tpu.memref_squeeze %dma_start3A_1374 : memref<1x1x8x128xf32, #tpu.memory_space<vmem>> -> memref<8x128xf32, #tpu.memory_space<vmem>>
        %dma_start3A_1376 = arith.constant 16 : i32
        %dma_start3A_1377 = tpu.memref_slice %arg5[%dma_start3A_1376, %multiple_of3A_1308] : memref<32x1000000xf32, #tpu.memory_space<hbm>> -> memref<8x128xf32, #tpu.memory_space<hbm>>
        %dma_start3A_1378 = arith.constant 16 : i32
        %dma_start3A_1379 = arith.constant 0 : i32
        %dma_start3A_1380 = tpu.memref_slice %arg11[%dma_start3A_1370, %dma_start3A_1371, %dma_start3A_1378, %dma_start3A_1379] : memref<3x4x32x128xf32, #tpu.memory_space<vmem>> -> memref<1x1x8x128xf32, #tpu.memory_space<vmem>>
        %dma_start3A_1381 = tpu.memref_squeeze %dma_start3A_1380 : memref<1x1x8x128xf32, #tpu.memory_space<vmem>> -> memref<8x128xf32, #tpu.memory_space<vmem>>
        %dma_start3A_1382 = arith.constant 16 : i32
        %dma_start3A_1383 = tpu.memref_slice %arg5[%dma_start3A_1382, %multiple_of3A_1308] : memref<32x1000000xf32, #tpu.memory_space<hbm>> -> memref<8x128xf32, #tpu.memory_space<hbm>>
        tpu.enqueue_dma source(%dma_start3A_1383 : memref<8x128xf32, #tpu.memory_space<hbm>>) target(%dma_start3A_1381 : memref<8x128xf32, #tpu.memory_space<vmem>>) target_semaphore(%arg19 : memref<!tpu.dma_semaphore, #tpu.memory_space<semaphore_mem>>)
        %dma_start3A_1384 = arith.constant 2 : i32
        %dma_start3A_1385 = arith.constant 1 : i32
        %dma_start3A_1386 = arith.constant 16 : i32
        %dma_start3A_1387 = arith.constant 0 : i32
        %dma_start3A_1388 = tpu.memref_slice %arg12[%dma_start3A_1384, %dma_start3A_1385, %dma_start3A_1386, %dma_start3A_1387] : memref<3x4x32x128xf32, #tpu.memory_space<vmem>> -> memref<1x1x8x128xf32, #tpu.memory_space<vmem>>
        %dma_start3A_1389 = tpu.memref_squeeze %dma_start3A_1388 : memref<1x1x8x128xf32, #tpu.memory_space<vmem>> -> memref<8x128xf32, #tpu.memory_space<vmem>>
        %dma_start3A_1390 = arith.constant 16 : i32
        %dma_start3A_1391 = tpu.memref_slice %arg6[%dma_start3A_1390, %multiple_of3A_1313] : memref<32x1000000xf32, #tpu.memory_space<hbm>> -> memref<8x128xf32, #tpu.memory_space<hbm>>
        %dma_start3A_1392 = arith.constant 16 : i32
        %dma_start3A_1393 = arith.constant 0 : i32
        %dma_start3A_1394 = tpu.memref_slice %arg12[%dma_start3A_1384, %dma_start3A_1385, %dma_start3A_1392, %dma_start3A_1393] : memref<3x4x32x128xf32, #tpu.memory_space<vmem>> -> memref<1x1x8x128xf32, #tpu.memory_space<vmem>>
        %dma_start3A_1395 = tpu.memref_squeeze %dma_start3A_1394 : memref<1x1x8x128xf32, #tpu.memory_space<vmem>> -> memref<8x128xf32, #tpu.memory_space<vmem>>
        %dma_start3A_1396 = arith.constant 16 : i32
        %dma_start3A_1397 = tpu.memref_slice %arg6[%dma_start3A_1396, %multiple_of3A_1313] : memref<32x1000000xf32, #tpu.memory_space<hbm>> -> memref<8x128xf32, #tpu.memory_space<hbm>>
        tpu.enqueue_dma source(%dma_start3A_1397 : memref<8x128xf32, #tpu.memory_space<hbm>>) target(%dma_start3A_1395 : memref<8x128xf32, #tpu.memory_space<vmem>>) target_semaphore(%arg19 : memref<!tpu.dma_semaphore, #tpu.memory_space<semaphore_mem>>)
        %dma_start3A_1398 = arith.constant 2 : i32
        %dma_start3A_1399 = arith.constant 1 : i32
        %dma_start3A_1400 = arith.constant 24 : i32
        %dma_start3A_1401 = arith.constant 0 : i32
        %dma_start3A_1402 = tpu.memref_slice %arg11[%dma_start3A_1398, %dma_start3A_1399, %dma_start3A_1400, %dma_start3A_1401] : memref<3x4x32x128xf32, #tpu.memory_space<vmem>> -> memref<1x1x8x128xf32, #tpu.memory_space<vmem>>
        %dma_start3A_1403 = tpu.memref_squeeze %dma_start3A_1402 : memref<1x1x8x128xf32, #tpu.memory_space<vmem>> -> memref<8x128xf32, #tpu.memory_space<vmem>>
        %dma_start3A_1404 = arith.constant 24 : i32
        %dma_start3A_1405 = tpu.memref_slice %arg5[%dma_start3A_1404, %multiple_of3A_1308] : memref<32x1000000xf32, #tpu.memory_space<hbm>> -> memref<8x128xf32, #tpu.memory_space<hbm>>
        %dma_start3A_1406 = arith.constant 24 : i32
        %dma_start3A_1407 = arith.constant 0 : i32
        %dma_start3A_1408 = tpu.memref_slice %arg11[%dma_start3A_1398, %dma_start3A_1399, %dma_start3A_1406, %dma_start3A_1407] : memref<3x4x32x128xf32, #tpu.memory_space<vmem>> -> memref<1x1x8x128xf32, #tpu.memory_space<vmem>>
        %dma_start3A_1409 = tpu.memref_squeeze %dma_start3A_1408 : memref<1x1x8x128xf32, #tpu.memory_space<vmem>> -> memref<8x128xf32, #tpu.memory_space<vmem>>
        %dma_start3A_1410 = arith.constant 24 : i32
        %dma_start3A_1411 = tpu.memref_slice %arg5[%dma_start3A_1410, %multiple_of3A_1308] : memref<32x1000000xf32, #tpu.memory_space<hbm>> -> memref<8x128xf32, #tpu.memory_space<hbm>>
        tpu.enqueue_dma source(%dma_start3A_1411 : memref<8x128xf32, #tpu.memory_space<hbm>>) target(%dma_start3A_1409 : memref<8x128xf32, #tpu.memory_space<vmem>>) target_semaphore(%arg19 : memref<!tpu.dma_semaphore, #tpu.memory_space<semaphore_mem>>)
        %dma_start3A_1412 = arith.constant 2 : i32
        %dma_start3A_1413 = arith.constant 1 : i32
        %dma_start3A_1414 = arith.constant 24 : i32
        %dma_start3A_1415 = arith.constant 0 : i32
        %dma_start3A_1416 = tpu.memref_slice %arg12[%dma_start3A_1412, %dma_start3A_1413, %dma_start3A_1414, %dma_start3A_1415] : memref<3x4x32x128xf32, #tpu.memory_space<vmem>> -> memref<1x1x8x128xf32, #tpu.memory_space<vmem>>
        %dma_start3A_1417 = tpu.memref_squeeze %dma_start3A_1416 : memref<1x1x8x128xf32, #tpu.memory_space<vmem>> -> memref<8x128xf32, #tpu.memory_space<vmem>>
        %dma_start3A_1418 = arith.constant 24 : i32
        %dma_start3A_1419 = tpu.memref_slice %arg6[%dma_start3A_1418, %multiple_of3A_1313] : memref<32x1000000xf32, #tpu.memory_space<hbm>> -> memref<8x128xf32, #tpu.memory_space<hbm>>
        %dma_start3A_1420 = arith.constant 24 : i32
        %dma_start3A_1421 = arith.constant 0 : i32
        %dma_start3A_1422 = tpu.memref_slice %arg12[%dma_start3A_1412, %dma_start3A_1413, %dma_start3A_1420, %dma_start3A_1421] : memref<3x4x32x128xf32, #tpu.memory_space<vmem>> -> memref<1x1x8x128xf32, #tpu.memory_space<vmem>>
        %dma_start3A_1423 = tpu.memref_squeeze %dma_start3A_1422 : memref<1x1x8x128xf32, #tpu.memory_space<vmem>> -> memref<8x128xf32, #tpu.memory_space<vmem>>
        %dma_start3A_1424 = arith.constant 24 : i32
        %dma_start3A_1425 = tpu.memref_slice %arg6[%dma_start3A_1424, %multiple_of3A_1313] : memref<32x1000000xf32, #tpu.memory_space<hbm>> -> memref<8x128xf32, #tpu.memory_space<hbm>>
        tpu.enqueue_dma source(%dma_start3A_1425 : memref<8x128xf32, #tpu.memory_space<hbm>>) target(%dma_start3A_1423 : memref<8x128xf32, #tpu.memory_space<vmem>>) target_semaphore(%arg19 : memref<!tpu.dma_semaphore, #tpu.memory_space<semaphore_mem>>)
        %slice3A_1426 = vector.extract_strided_slice %shift_right_arithmetic3A_1176 {offsets = [2], sizes = [1], strides = [1]} : vector<16xi32> to vector<1xi32>
        %squeeze3A_1427 = vector.extract %slice3A_1426[0] : i32 from vector<1xi32>
        %shift_left3A_1428 = arith.constant 7 : i32
        %shift_left3A_1429 = arith.shli %squeeze3A_1427, %shift_left3A_1428 : i32
        %multiple_of3A_1430 = tpu.assume_multiple %shift_left3A_1429, 128 : i32
        %slice3A_1431 = vector.extract_strided_slice %shift_right_arithmetic3A_1181 {offsets = [2], sizes = [1], strides = [1]} : vector<16xi32> to vector<1xi32>
        %squeeze3A_1432 = vector.extract %slice3A_1431[0] : i32 from vector<1xi32>
        %shift_left3A_1433 = arith.constant 7 : i32
        %shift_left3A_1434 = arith.shli %squeeze3A_1432, %shift_left3A_1433 : i32
        %multiple_of3A_1435 = tpu.assume_multiple %shift_left3A_1434, 128 : i32
        %dma_start3A_1436 = arith.constant 2 : i32
        %dma_start3A_1437 = arith.constant 2 : i32
        %dma_start3A_1438 = arith.constant 0 : i32
        %dma_start3A_1439 = arith.constant 0 : i32
        %dma_start3A_1440 = tpu.memref_slice %arg11[%dma_start3A_1436, %dma_start3A_1437, %dma_start3A_1438, %dma_start3A_1439] : memref<3x4x32x128xf32, #tpu.memory_space<vmem>> -> memref<1x1x8x128xf32, #tpu.memory_space<vmem>>
        %dma_start3A_1441 = tpu.memref_squeeze %dma_start3A_1440 : memref<1x1x8x128xf32, #tpu.memory_space<vmem>> -> memref<8x128xf32, #tpu.memory_space<vmem>>
        %dma_start3A_1442 = arith.constant 0 : i32
        %dma_start3A_1443 = tpu.memref_slice %arg5[%dma_start3A_1442, %multiple_of3A_1430] : memref<32x1000000xf32, #tpu.memory_space<hbm>> -> memref<8x128xf32, #tpu.memory_space<hbm>>
        %dma_start3A_1444 = arith.constant 0 : i32
        %dma_start3A_1445 = arith.constant 0 : i32
        %dma_start3A_1446 = tpu.memref_slice %arg11[%dma_start3A_1436, %dma_start3A_1437, %dma_start3A_1444, %dma_start3A_1445] : memref<3x4x32x128xf32, #tpu.memory_space<vmem>> -> memref<1x1x8x128xf32, #tpu.memory_space<vmem>>
        %dma_start3A_1447 = tpu.memref_squeeze %dma_start3A_1446 : memref<1x1x8x128xf32, #tpu.memory_space<vmem>> -> memref<8x128xf32, #tpu.memory_space<vmem>>
        %dma_start3A_1448 = arith.constant 0 : i32
        %dma_start3A_1449 = tpu.memref_slice %arg5[%dma_start3A_1448, %multiple_of3A_1430] : memref<32x1000000xf32, #tpu.memory_space<hbm>> -> memref<8x128xf32, #tpu.memory_space<hbm>>
        tpu.enqueue_dma source(%dma_start3A_1449 : memref<8x128xf32, #tpu.memory_space<hbm>>) target(%dma_start3A_1447 : memref<8x128xf32, #tpu.memory_space<vmem>>) target_semaphore(%arg19 : memref<!tpu.dma_semaphore, #tpu.memory_space<semaphore_mem>>)
        %dma_start3A_1450 = arith.constant 2 : i32
        %dma_start3A_1451 = arith.constant 2 : i32
        %dma_start3A_1452 = arith.constant 0 : i32
        %dma_start3A_1453 = arith.constant 0 : i32
        %dma_start3A_1454 = tpu.memref_slice %arg12[%dma_start3A_1450, %dma_start3A_1451, %dma_start3A_1452, %dma_start3A_1453] : memref<3x4x32x128xf32, #tpu.memory_space<vmem>> -> memref<1x1x8x128xf32, #tpu.memory_space<vmem>>
        %dma_start3A_1455 = tpu.memref_squeeze %dma_start3A_1454 : memref<1x1x8x128xf32, #tpu.memory_space<vmem>> -> memref<8x128xf32, #tpu.memory_space<vmem>>
        %dma_start3A_1456 = arith.constant 0 : i32
        %dma_start3A_1457 = tpu.memref_slice %arg6[%dma_start3A_1456, %multiple_of3A_1435] : memref<32x1000000xf32, #tpu.memory_space<hbm>> -> memref<8x128xf32, #tpu.memory_space<hbm>>
        %dma_start3A_1458 = arith.constant 0 : i32
        %dma_start3A_1459 = arith.constant 0 : i32
        %dma_start3A_1460 = tpu.memref_slice %arg12[%dma_start3A_1450, %dma_start3A_1451, %dma_start3A_1458, %dma_start3A_1459] : memref<3x4x32x128xf32, #tpu.memory_space<vmem>> -> memref<1x1x8x128xf32, #tpu.memory_space<vmem>>
        %dma_start3A_1461 = tpu.memref_squeeze %dma_start3A_1460 : memref<1x1x8x128xf32, #tpu.memory_space<vmem>> -> memref<8x128xf32, #tpu.memory_space<vmem>>
        %dma_start3A_1462 = arith.constant 0 : i32
        %dma_start3A_1463 = tpu.memref_slice %arg6[%dma_start3A_1462, %multiple_of3A_1435] : memref<32x1000000xf32, #tpu.memory_space<hbm>> -> memref<8x128xf32, #tpu.memory_space<hbm>>
        tpu.enqueue_dma source(%dma_start3A_1463 : memref<8x128xf32, #tpu.memory_space<hbm>>) target(%dma_start3A_1461 : memref<8x128xf32, #tpu.memory_space<vmem>>) target_semaphore(%arg19 : memref<!tpu.dma_semaphore, #tpu.memory_space<semaphore_mem>>)
        %dma_start3A_1464 = arith.constant 2 : i32
        %dma_start3A_1465 = arith.constant 2 : i32
        %dma_start3A_1466 = arith.constant 8 : i32
        %dma_start3A_1467 = arith.constant 0 : i32
        %dma_start3A_1468 = tpu.memref_slice %arg11[%dma_start3A_1464, %dma_start3A_1465, %dma_start3A_1466, %dma_start3A_1467] : memref<3x4x32x128xf32, #tpu.memory_space<vmem>> -> memref<1x1x8x128xf32, #tpu.memory_space<vmem>>
        %dma_start3A_1469 = tpu.memref_squeeze %dma_start3A_1468 : memref<1x1x8x128xf32, #tpu.memory_space<vmem>> -> memref<8x128xf32, #tpu.memory_space<vmem>>
        %dma_start3A_1470 = arith.constant 8 : i32
        %dma_start3A_1471 = tpu.memref_slice %arg5[%dma_start3A_1470, %multiple_of3A_1430] : memref<32x1000000xf32, #tpu.memory_space<hbm>> -> memref<8x128xf32, #tpu.memory_space<hbm>>
        %dma_start3A_1472 = arith.constant 8 : i32
        %dma_start3A_1473 = arith.constant 0 : i32
        %dma_start3A_1474 = tpu.memref_slice %arg11[%dma_start3A_1464, %dma_start3A_1465, %dma_start3A_1472, %dma_start3A_1473] : memref<3x4x32x128xf32, #tpu.memory_space<vmem>> -> memref<1x1x8x128xf32, #tpu.memory_space<vmem>>
        %dma_start3A_1475 = tpu.memref_squeeze %dma_start3A_1474 : memref<1x1x8x128xf32, #tpu.memory_space<vmem>> -> memref<8x128xf32, #tpu.memory_space<vmem>>
        %dma_start3A_1476 = arith.constant 8 : i32
        %dma_start3A_1477 = tpu.memref_slice %arg5[%dma_start3A_1476, %multiple_of3A_1430] : memref<32x1000000xf32, #tpu.memory_space<hbm>> -> memref<8x128xf32, #tpu.memory_space<hbm>>
        tpu.enqueue_dma source(%dma_start3A_1477 : memref<8x128xf32, #tpu.memory_space<hbm>>) target(%dma_start3A_1475 : memref<8x128xf32, #tpu.memory_space<vmem>>) target_semaphore(%arg19 : memref<!tpu.dma_semaphore, #tpu.memory_space<semaphore_mem>>)
        %dma_start3A_1478 = arith.constant 2 : i32
        %dma_start3A_1479 = arith.constant 2 : i32
        %dma_start3A_1480 = arith.constant 8 : i32
        %dma_start3A_1481 = arith.constant 0 : i32
        %dma_start3A_1482 = tpu.memref_slice %arg12[%dma_start3A_1478, %dma_start3A_1479, %dma_start3A_1480, %dma_start3A_1481] : memref<3x4x32x128xf32, #tpu.memory_space<vmem>> -> memref<1x1x8x128xf32, #tpu.memory_space<vmem>>
        %dma_start3A_1483 = tpu.memref_squeeze %dma_start3A_1482 : memref<1x1x8x128xf32, #tpu.memory_space<vmem>> -> memref<8x128xf32, #tpu.memory_space<vmem>>
        %dma_start3A_1484 = arith.constant 8 : i32
        %dma_start3A_1485 = tpu.memref_slice %arg6[%dma_start3A_1484, %multiple_of3A_1435] : memref<32x1000000xf32, #tpu.memory_space<hbm>> -> memref<8x128xf32, #tpu.memory_space<hbm>>
        %dma_start3A_1486 = arith.constant 8 : i32
        %dma_start3A_1487 = arith.constant 0 : i32
        %dma_start3A_1488 = tpu.memref_slice %arg12[%dma_start3A_1478, %dma_start3A_1479, %dma_start3A_1486, %dma_start3A_1487] : memref<3x4x32x128xf32, #tpu.memory_space<vmem>> -> memref<1x1x8x128xf32, #tpu.memory_space<vmem>>
        %dma_start3A_1489 = tpu.memref_squeeze %dma_start3A_1488 : memref<1x1x8x128xf32, #tpu.memory_space<vmem>> -> memref<8x128xf32, #tpu.memory_space<vmem>>
        %dma_start3A_1490 = arith.constant 8 : i32
        %dma_start3A_1491 = tpu.memref_slice %arg6[%dma_start3A_1490, %multiple_of3A_1435] : memref<32x1000000xf32, #tpu.memory_space<hbm>> -> memref<8x128xf32, #tpu.memory_space<hbm>>
        tpu.enqueue_dma source(%dma_start3A_1491 : memref<8x128xf32, #tpu.memory_space<hbm>>) target(%dma_start3A_1489 : memref<8x128xf32, #tpu.memory_space<vmem>>) target_semaphore(%arg19 : memref<!tpu.dma_semaphore, #tpu.memory_space<semaphore_mem>>)
        %dma_start3A_1492 = arith.constant 2 : i32
        %dma_start3A_1493 = arith.constant 2 : i32
        %dma_start3A_1494 = arith.constant 16 : i32
        %dma_start3A_1495 = arith.constant 0 : i32
        %dma_start3A_1496 = tpu.memref_slice %arg11[%dma_start3A_1492, %dma_start3A_1493, %dma_start3A_1494, %dma_start3A_1495] : memref<3x4x32x128xf32, #tpu.memory_space<vmem>> -> memref<1x1x8x128xf32, #tpu.memory_space<vmem>>
        %dma_start3A_1497 = tpu.memref_squeeze %dma_start3A_1496 : memref<1x1x8x128xf32, #tpu.memory_space<vmem>> -> memref<8x128xf32, #tpu.memory_space<vmem>>
        %dma_start3A_1498 = arith.constant 16 : i32
        %dma_start3A_1499 = tpu.memref_slice %arg5[%dma_start3A_1498, %multiple_of3A_1430] : memref<32x1000000xf32, #tpu.memory_space<hbm>> -> memref<8x128xf32, #tpu.memory_space<hbm>>
        %dma_start3A_1500 = arith.constant 16 : i32
        %dma_start3A_1501 = arith.constant 0 : i32
        %dma_start3A_1502 = tpu.memref_slice %arg11[%dma_start3A_1492, %dma_start3A_1493, %dma_start3A_1500, %dma_start3A_1501] : memref<3x4x32x128xf32, #tpu.memory_space<vmem>> -> memref<1x1x8x128xf32, #tpu.memory_space<vmem>>
        %dma_start3A_1503 = tpu.memref_squeeze %dma_start3A_1502 : memref<1x1x8x128xf32, #tpu.memory_space<vmem>> -> memref<8x128xf32, #tpu.memory_space<vmem>>
        %dma_start3A_1504 = arith.constant 16 : i32
        %dma_start3A_1505 = tpu.memref_slice %arg5[%dma_start3A_1504, %multiple_of3A_1430] : memref<32x1000000xf32, #tpu.memory_space<hbm>> -> memref<8x128xf32, #tpu.memory_space<hbm>>
        tpu.enqueue_dma source(%dma_start3A_1505 : memref<8x128xf32, #tpu.memory_space<hbm>>) target(%dma_start3A_1503 : memref<8x128xf32, #tpu.memory_space<vmem>>) target_semaphore(%arg19 : memref<!tpu.dma_semaphore, #tpu.memory_space<semaphore_mem>>)
        %dma_start3A_1506 = arith.constant 2 : i32
        %dma_start3A_1507 = arith.constant 2 : i32
        %dma_start3A_1508 = arith.constant 16 : i32
        %dma_start3A_1509 = arith.constant 0 : i32
        %dma_start3A_1510 = tpu.memref_slice %arg12[%dma_start3A_1506, %dma_start3A_1507, %dma_start3A_1508, %dma_start3A_1509] : memref<3x4x32x128xf32, #tpu.memory_space<vmem>> -> memref<1x1x8x128xf32, #tpu.memory_space<vmem>>
        %dma_start3A_1511 = tpu.memref_squeeze %dma_start3A_1510 : memref<1x1x8x128xf32, #tpu.memory_space<vmem>> -> memref<8x128xf32, #tpu.memory_space<vmem>>
        %dma_start3A_1512 = arith.constant 16 : i32
        %dma_start3A_1513 = tpu.memref_slice %arg6[%dma_start3A_1512, %multiple_of3A_1435] : memref<32x1000000xf32, #tpu.memory_space<hbm>> -> memref<8x128xf32, #tpu.memory_space<hbm>>
        %dma_start3A_1514 = arith.constant 16 : i32
        %dma_start3A_1515 = arith.constant 0 : i32
        %dma_start3A_1516 = tpu.memref_slice %arg12[%dma_start3A_1506, %dma_start3A_1507, %dma_start3A_1514, %dma_start3A_1515] : memref<3x4x32x128xf32, #tpu.memory_space<vmem>> -> memref<1x1x8x128xf32, #tpu.memory_space<vmem>>
        %dma_start3A_1517 = tpu.memref_squeeze %dma_start3A_1516 : memref<1x1x8x128xf32, #tpu.memory_space<vmem>> -> memref<8x128xf32, #tpu.memory_space<vmem>>
        %dma_start3A_1518 = arith.constant 16 : i32
        %dma_start3A_1519 = tpu.memref_slice %arg6[%dma_start3A_1518, %multiple_of3A_1435] : memref<32x1000000xf32, #tpu.memory_space<hbm>> -> memref<8x128xf32, #tpu.memory_space<hbm>>
        tpu.enqueue_dma source(%dma_start3A_1519 : memref<8x128xf32, #tpu.memory_space<hbm>>) target(%dma_start3A_1517 : memref<8x128xf32, #tpu.memory_space<vmem>>) target_semaphore(%arg19 : memref<!tpu.dma_semaphore, #tpu.memory_space<semaphore_mem>>)
        %dma_start3A_1520 = arith.constant 2 : i32
        %dma_start3A_1521 = arith.constant 2 : i32
        %dma_start3A_1522 = arith.constant 24 : i32
        %dma_start3A_1523 = arith.constant 0 : i32
        %dma_start3A_1524 = tpu.memref_slice %arg11[%dma_start3A_1520, %dma_start3A_1521, %dma_start3A_1522, %dma_start3A_1523] : memref<3x4x32x128xf32, #tpu.memory_space<vmem>> -> memref<1x1x8x128xf32, #tpu.memory_space<vmem>>
        %dma_start3A_1525 = tpu.memref_squeeze %dma_start3A_1524 : memref<1x1x8x128xf32, #tpu.memory_space<vmem>> -> memref<8x128xf32, #tpu.memory_space<vmem>>
        %dma_start3A_1526 = arith.constant 24 : i32
        %dma_start3A_1527 = tpu.memref_slice %arg5[%dma_start3A_1526, %multiple_of3A_1430] : memref<32x1000000xf32, #tpu.memory_space<hbm>> -> memref<8x128xf32, #tpu.memory_space<hbm>>
        %dma_start3A_1528 = arith.constant 24 : i32
        %dma_start3A_1529 = arith.constant 0 : i32
        %dma_start3A_1530 = tpu.memref_slice %arg11[%dma_start3A_1520, %dma_start3A_1521, %dma_start3A_1528, %dma_start3A_1529] : memref<3x4x32x128xf32, #tpu.memory_space<vmem>> -> memref<1x1x8x128xf32, #tpu.memory_space<vmem>>
        %dma_start3A_1531 = tpu.memref_squeeze %dma_start3A_1530 : memref<1x1x8x128xf32, #tpu.memory_space<vmem>> -> memref<8x128xf32, #tpu.memory_space<vmem>>
        %dma_start3A_1532 = arith.constant 24 : i32
        %dma_start3A_1533 = tpu.memref_slice %arg5[%dma_start3A_1532, %multiple_of3A_1430] : memref<32x1000000xf32, #tpu.memory_space<hbm>> -> memref<8x128xf32, #tpu.memory_space<hbm>>
        tpu.enqueue_dma source(%dma_start3A_1533 : memref<8x128xf32, #tpu.memory_space<hbm>>) target(%dma_start3A_1531 : memref<8x128xf32, #tpu.memory_space<vmem>>) target_semaphore(%arg19 : memref<!tpu.dma_semaphore, #tpu.memory_space<semaphore_mem>>)
        %dma_start3A_1534 = arith.constant 2 : i32
        %dma_start3A_1535 = arith.constant 2 : i32
        %dma_start3A_1536 = arith.constant 24 : i32
        %dma_start3A_1537 = arith.constant 0 : i32
        %dma_start3A_1538 = tpu.memref_slice %arg12[%dma_start3A_1534, %dma_start3A_1535, %dma_start3A_1536, %dma_start3A_1537] : memref<3x4x32x128xf32, #tpu.memory_space<vmem>> -> memref<1x1x8x128xf32, #tpu.memory_space<vmem>>
        %dma_start3A_1539 = tpu.memref_squeeze %dma_start3A_1538 : memref<1x1x8x128xf32, #tpu.memory_space<vmem>> -> memref<8x128xf32, #tpu.memory_space<vmem>>
        %dma_start3A_1540 = arith.constant 24 : i32
        %dma_start3A_1541 = tpu.memref_slice %arg6[%dma_start3A_1540, %multiple_of3A_1435] : memref<32x1000000xf32, #tpu.memory_space<hbm>> -> memref<8x128xf32, #tpu.memory_space<hbm>>
        %dma_start3A_1542 = arith.constant 24 : i32
        %dma_start3A_1543 = arith.constant 0 : i32
        %dma_start3A_1544 = tpu.memref_slice %arg12[%dma_start3A_1534, %dma_start3A_1535, %dma_start3A_1542, %dma_start3A_1543] : memref<3x4x32x128xf32, #tpu.memory_space<vmem>> -> memref<1x1x8x128xf32, #tpu.memory_space<vmem>>
        %dma_start3A_1545 = tpu.memref_squeeze %dma_start3A_1544 : memref<1x1x8x128xf32, #tpu.memory_space<vmem>> -> memref<8x128xf32, #tpu.memory_space<vmem>>
        %dma_start3A_1546 = arith.constant 24 : i32
        %dma_start3A_1547 = tpu.memref_slice %arg6[%dma_start3A_1546, %multiple_of3A_1435] : memref<32x1000000xf32, #tpu.memory_space<hbm>> -> memref<8x128xf32, #tpu.memory_space<hbm>>
        tpu.enqueue_dma source(%dma_start3A_1547 : memref<8x128xf32, #tpu.memory_space<hbm>>) target(%dma_start3A_1545 : memref<8x128xf32, #tpu.memory_space<vmem>>) target_semaphore(%arg19 : memref<!tpu.dma_semaphore, #tpu.memory_space<semaphore_mem>>)
        %slice3A_1548 = vector.extract_strided_slice %shift_right_arithmetic3A_1176 {offsets = [3], sizes = [1], strides = [1]} : vector<16xi32> to vector<1xi32>
        %squeeze3A_1549 = vector.extract %slice3A_1548[0] : i32 from vector<1xi32>
        %shift_left3A_1550 = arith.constant 7 : i32
        %shift_left3A_1551 = arith.shli %squeeze3A_1549, %shift_left3A_1550 : i32
        %multiple_of3A_1552 = tpu.assume_multiple %shift_left3A_1551, 128 : i32
        %slice3A_1553 = vector.extract_strided_slice %shift_right_arithmetic3A_1181 {offsets = [3], sizes = [1], strides = [1]} : vector<16xi32> to vector<1xi32>
        %squeeze3A_1554 = vector.extract %slice3A_1553[0] : i32 from vector<1xi32>
        %shift_left3A_1555 = arith.constant 7 : i32
        %shift_left3A_1556 = arith.shli %squeeze3A_1554, %shift_left3A_1555 : i32
        %multiple_of3A_1557 = tpu.assume_multiple %shift_left3A_1556, 128 : i32
        %dma_start3A_1558 = arith.constant 2 : i32
        %dma_start3A_1559 = arith.constant 3 : i32
        %dma_start3A_1560 = arith.constant 0 : i32
        %dma_start3A_1561 = arith.constant 0 : i32
        %dma_start3A_1562 = tpu.memref_slice %arg11[%dma_start3A_1558, %dma_start3A_1559, %dma_start3A_1560, %dma_start3A_1561] : memref<3x4x32x128xf32, #tpu.memory_space<vmem>> -> memref<1x1x8x128xf32, #tpu.memory_space<vmem>>
        %dma_start3A_1563 = tpu.memref_squeeze %dma_start3A_1562 : memref<1x1x8x128xf32, #tpu.memory_space<vmem>> -> memref<8x128xf32, #tpu.memory_space<vmem>>
        %dma_start3A_1564 = arith.constant 0 : i32
        %dma_start3A_1565 = tpu.memref_slice %arg5[%dma_start3A_1564, %multiple_of3A_1552] : memref<32x1000000xf32, #tpu.memory_space<hbm>> -> memref<8x128xf32, #tpu.memory_space<hbm>>
        %dma_start3A_1566 = arith.constant 0 : i32
        %dma_start3A_1567 = arith.constant 0 : i32
        %dma_start3A_1568 = tpu.memref_slice %arg11[%dma_start3A_1558, %dma_start3A_1559, %dma_start3A_1566, %dma_start3A_1567] : memref<3x4x32x128xf32, #tpu.memory_space<vmem>> -> memref<1x1x8x128xf32, #tpu.memory_space<vmem>>
        %dma_start3A_1569 = tpu.memref_squeeze %dma_start3A_1568 : memref<1x1x8x128xf32, #tpu.memory_space<vmem>> -> memref<8x128xf32, #tpu.memory_space<vmem>>
        %dma_start3A_1570 = arith.constant 0 : i32
        %dma_start3A_1571 = tpu.memref_slice %arg5[%dma_start3A_1570, %multiple_of3A_1552] : memref<32x1000000xf32, #tpu.memory_space<hbm>> -> memref<8x128xf32, #tpu.memory_space<hbm>>
        tpu.enqueue_dma source(%dma_start3A_1571 : memref<8x128xf32, #tpu.memory_space<hbm>>) target(%dma_start3A_1569 : memref<8x128xf32, #tpu.memory_space<vmem>>) target_semaphore(%arg19 : memref<!tpu.dma_semaphore, #tpu.memory_space<semaphore_mem>>)
        %dma_start3A_1572 = arith.constant 2 : i32
        %dma_start3A_1573 = arith.constant 3 : i32
        %dma_start3A_1574 = arith.constant 0 : i32
        %dma_start3A_1575 = arith.constant 0 : i32
        %dma_start3A_1576 = tpu.memref_slice %arg12[%dma_start3A_1572, %dma_start3A_1573, %dma_start3A_1574, %dma_start3A_1575] : memref<3x4x32x128xf32, #tpu.memory_space<vmem>> -> memref<1x1x8x128xf32, #tpu.memory_space<vmem>>
        %dma_start3A_1577 = tpu.memref_squeeze %dma_start3A_1576 : memref<1x1x8x128xf32, #tpu.memory_space<vmem>> -> memref<8x128xf32, #tpu.memory_space<vmem>>
        %dma_start3A_1578 = arith.constant 0 : i32
        %dma_start3A_1579 = tpu.memref_slice %arg6[%dma_start3A_1578, %multiple_of3A_1557] : memref<32x1000000xf32, #tpu.memory_space<hbm>> -> memref<8x128xf32, #tpu.memory_space<hbm>>
        %dma_start3A_1580 = arith.constant 0 : i32
        %dma_start3A_1581 = arith.constant 0 : i32
        %dma_start3A_1582 = tpu.memref_slice %arg12[%dma_start3A_1572, %dma_start3A_1573, %dma_start3A_1580, %dma_start3A_1581] : memref<3x4x32x128xf32, #tpu.memory_space<vmem>> -> memref<1x1x8x128xf32, #tpu.memory_space<vmem>>
        %dma_start3A_1583 = tpu.memref_squeeze %dma_start3A_1582 : memref<1x1x8x128xf32, #tpu.memory_space<vmem>> -> memref<8x128xf32, #tpu.memory_space<vmem>>
        %dma_start3A_1584 = arith.constant 0 : i32
        %dma_start3A_1585 = tpu.memref_slice %arg6[%dma_start3A_1584, %multiple_of3A_1557] : memref<32x1000000xf32, #tpu.memory_space<hbm>> -> memref<8x128xf32, #tpu.memory_space<hbm>>
        tpu.enqueue_dma source(%dma_start3A_1585 : memref<8x128xf32, #tpu.memory_space<hbm>>) target(%dma_start3A_1583 : memref<8x128xf32, #tpu.memory_space<vmem>>) target_semaphore(%arg19 : memref<!tpu.dma_semaphore, #tpu.memory_space<semaphore_mem>>)
        %dma_start3A_1586 = arith.constant 2 : i32
        %dma_start3A_1587 = arith.constant 3 : i32
        %dma_start3A_1588 = arith.constant 8 : i32
        %dma_start3A_1589 = arith.constant 0 : i32
        %dma_start3A_1590 = tpu.memref_slice %arg11[%dma_start3A_1586, %dma_start3A_1587, %dma_start3A_1588, %dma_start3A_1589] : memref<3x4x32x128xf32, #tpu.memory_space<vmem>> -> memref<1x1x8x128xf32, #tpu.memory_space<vmem>>
        %dma_start3A_1591 = tpu.memref_squeeze %dma_start3A_1590 : memref<1x1x8x128xf32, #tpu.memory_space<vmem>> -> memref<8x128xf32, #tpu.memory_space<vmem>>
        %dma_start3A_1592 = arith.constant 8 : i32
        %dma_start3A_1593 = tpu.memref_slice %arg5[%dma_start3A_1592, %multiple_of3A_1552] : memref<32x1000000xf32, #tpu.memory_space<hbm>> -> memref<8x128xf32, #tpu.memory_space<hbm>>
        %dma_start3A_1594 = arith.constant 8 : i32
        %dma_start3A_1595 = arith.constant 0 : i32
        %dma_start3A_1596 = tpu.memref_slice %arg11[%dma_start3A_1586, %dma_start3A_1587, %dma_start3A_1594, %dma_start3A_1595] : memref<3x4x32x128xf32, #tpu.memory_space<vmem>> -> memref<1x1x8x128xf32, #tpu.memory_space<vmem>>
        %dma_start3A_1597 = tpu.memref_squeeze %dma_start3A_1596 : memref<1x1x8x128xf32, #tpu.memory_space<vmem>> -> memref<8x128xf32, #tpu.memory_space<vmem>>
        %dma_start3A_1598 = arith.constant 8 : i32
        %dma_start3A_1599 = tpu.memref_slice %arg5[%dma_start3A_1598, %multiple_of3A_1552] : memref<32x1000000xf32, #tpu.memory_space<hbm>> -> memref<8x128xf32, #tpu.memory_space<hbm>>
        tpu.enqueue_dma source(%dma_start3A_1599 : memref<8x128xf32, #tpu.memory_space<hbm>>) target(%dma_start3A_1597 : memref<8x128xf32, #tpu.memory_space<vmem>>) target_semaphore(%arg19 : memref<!tpu.dma_semaphore, #tpu.memory_space<semaphore_mem>>)
        %dma_start3A_1600 = arith.constant 2 : i32
        %dma_start3A_1601 = arith.constant 3 : i32
        %dma_start3A_1602 = arith.constant 8 : i32
        %dma_start3A_1603 = arith.constant 0 : i32
        %dma_start3A_1604 = tpu.memref_slice %arg12[%dma_start3A_1600, %dma_start3A_1601, %dma_start3A_1602, %dma_start3A_1603] : memref<3x4x32x128xf32, #tpu.memory_space<vmem>> -> memref<1x1x8x128xf32, #tpu.memory_space<vmem>>
        %dma_start3A_1605 = tpu.memref_squeeze %dma_start3A_1604 : memref<1x1x8x128xf32, #tpu.memory_space<vmem>> -> memref<8x128xf32, #tpu.memory_space<vmem>>
        %dma_start3A_1606 = arith.constant 8 : i32
        %dma_start3A_1607 = tpu.memref_slice %arg6[%dma_start3A_1606, %multiple_of3A_1557] : memref<32x1000000xf32, #tpu.memory_space<hbm>> -> memref<8x128xf32, #tpu.memory_space<hbm>>
        %dma_start3A_1608 = arith.constant 8 : i32
        %dma_start3A_1609 = arith.constant 0 : i32
        %dma_start3A_1610 = tpu.memref_slice %arg12[%dma_start3A_1600, %dma_start3A_1601, %dma_start3A_1608, %dma_start3A_1609] : memref<3x4x32x128xf32, #tpu.memory_space<vmem>> -> memref<1x1x8x128xf32, #tpu.memory_space<vmem>>
        %dma_start3A_1611 = tpu.memref_squeeze %dma_start3A_1610 : memref<1x1x8x128xf32, #tpu.memory_space<vmem>> -> memref<8x128xf32, #tpu.memory_space<vmem>>
        %dma_start3A_1612 = arith.constant 8 : i32
        %dma_start3A_1613 = tpu.memref_slice %arg6[%dma_start3A_1612, %multiple_of3A_1557] : memref<32x1000000xf32, #tpu.memory_space<hbm>> -> memref<8x128xf32, #tpu.memory_space<hbm>>
        tpu.enqueue_dma source(%dma_start3A_1613 : memref<8x128xf32, #tpu.memory_space<hbm>>) target(%dma_start3A_1611 : memref<8x128xf32, #tpu.memory_space<vmem>>) target_semaphore(%arg19 : memref<!tpu.dma_semaphore, #tpu.memory_space<semaphore_mem>>)
        %dma_start3A_1614 = arith.constant 2 : i32
        %dma_start3A_1615 = arith.constant 3 : i32
        %dma_start3A_1616 = arith.constant 16 : i32
        %dma_start3A_1617 = arith.constant 0 : i32
        %dma_start3A_1618 = tpu.memref_slice %arg11[%dma_start3A_1614, %dma_start3A_1615, %dma_start3A_1616, %dma_start3A_1617] : memref<3x4x32x128xf32, #tpu.memory_space<vmem>> -> memref<1x1x8x128xf32, #tpu.memory_space<vmem>>
        %dma_start3A_1619 = tpu.memref_squeeze %dma_start3A_1618 : memref<1x1x8x128xf32, #tpu.memory_space<vmem>> -> memref<8x128xf32, #tpu.memory_space<vmem>>
        %dma_start3A_1620 = arith.constant 16 : i32
        %dma_start3A_1621 = tpu.memref_slice %arg5[%dma_start3A_1620, %multiple_of3A_1552] : memref<32x1000000xf32, #tpu.memory_space<hbm>> -> memref<8x128xf32, #tpu.memory_space<hbm>>
        %dma_start3A_1622 = arith.constant 16 : i32
        %dma_start3A_1623 = arith.constant 0 : i32
        %dma_start3A_1624 = tpu.memref_slice %arg11[%dma_start3A_1614, %dma_start3A_1615, %dma_start3A_1622, %dma_start3A_1623] : memref<3x4x32x128xf32, #tpu.memory_space<vmem>> -> memref<1x1x8x128xf32, #tpu.memory_space<vmem>>
        %dma_start3A_1625 = tpu.memref_squeeze %dma_start3A_1624 : memref<1x1x8x128xf32, #tpu.memory_space<vmem>> -> memref<8x128xf32, #tpu.memory_space<vmem>>
        %dma_start3A_1626 = arith.constant 16 : i32
        %dma_start3A_1627 = tpu.memref_slice %arg5[%dma_start3A_1626, %multiple_of3A_1552] : memref<32x1000000xf32, #tpu.memory_space<hbm>> -> memref<8x128xf32, #tpu.memory_space<hbm>>
        tpu.enqueue_dma source(%dma_start3A_1627 : memref<8x128xf32, #tpu.memory_space<hbm>>) target(%dma_start3A_1625 : memref<8x128xf32, #tpu.memory_space<vmem>>) target_semaphore(%arg19 : memref<!tpu.dma_semaphore, #tpu.memory_space<semaphore_mem>>)
        %dma_start3A_1628 = arith.constant 2 : i32
        %dma_start3A_1629 = arith.constant 3 : i32
        %dma_start3A_1630 = arith.constant 16 : i32
        %dma_start3A_1631 = arith.constant 0 : i32
        %dma_start3A_1632 = tpu.memref_slice %arg12[%dma_start3A_1628, %dma_start3A_1629, %dma_start3A_1630, %dma_start3A_1631] : memref<3x4x32x128xf32, #tpu.memory_space<vmem>> -> memref<1x1x8x128xf32, #tpu.memory_space<vmem>>
        %dma_start3A_1633 = tpu.memref_squeeze %dma_start3A_1632 : memref<1x1x8x128xf32, #tpu.memory_space<vmem>> -> memref<8x128xf32, #tpu.memory_space<vmem>>
        %dma_start3A_1634 = arith.constant 16 : i32
        %dma_start3A_1635 = tpu.memref_slice %arg6[%dma_start3A_1634, %multiple_of3A_1557] : memref<32x1000000xf32, #tpu.memory_space<hbm>> -> memref<8x128xf32, #tpu.memory_space<hbm>>
        %dma_start3A_1636 = arith.constant 16 : i32
        %dma_start3A_1637 = arith.constant 0 : i32
        %dma_start3A_1638 = tpu.memref_slice %arg12[%dma_start3A_1628, %dma_start3A_1629, %dma_start3A_1636, %dma_start3A_1637] : memref<3x4x32x128xf32, #tpu.memory_space<vmem>> -> memref<1x1x8x128xf32, #tpu.memory_space<vmem>>
        %dma_start3A_1639 = tpu.memref_squeeze %dma_start3A_1638 : memref<1x1x8x128xf32, #tpu.memory_space<vmem>> -> memref<8x128xf32, #tpu.memory_space<vmem>>
        %dma_start3A_1640 = arith.constant 16 : i32
        %dma_start3A_1641 = tpu.memref_slice %arg6[%dma_start3A_1640, %multiple_of3A_1557] : memref<32x1000000xf32, #tpu.memory_space<hbm>> -> memref<8x128xf32, #tpu.memory_space<hbm>>
        tpu.enqueue_dma source(%dma_start3A_1641 : memref<8x128xf32, #tpu.memory_space<hbm>>) target(%dma_start3A_1639 : memref<8x128xf32, #tpu.memory_space<vmem>>) target_semaphore(%arg19 : memref<!tpu.dma_semaphore, #tpu.memory_space<semaphore_mem>>)
        %dma_start3A_1642 = arith.constant 2 : i32
        %dma_start3A_1643 = arith.constant 3 : i32
        %dma_start3A_1644 = arith.constant 24 : i32
        %dma_start3A_1645 = arith.constant 0 : i32
        %dma_start3A_1646 = tpu.memref_slice %arg11[%dma_start3A_1642, %dma_start3A_1643, %dma_start3A_1644, %dma_start3A_1645] : memref<3x4x32x128xf32, #tpu.memory_space<vmem>> -> memref<1x1x8x128xf32, #tpu.memory_space<vmem>>
        %dma_start3A_1647 = tpu.memref_squeeze %dma_start3A_1646 : memref<1x1x8x128xf32, #tpu.memory_space<vmem>> -> memref<8x128xf32, #tpu.memory_space<vmem>>
        %dma_start3A_1648 = arith.constant 24 : i32
        %dma_start3A_1649 = tpu.memref_slice %arg5[%dma_start3A_1648, %multiple_of3A_1552] : memref<32x1000000xf32, #tpu.memory_space<hbm>> -> memref<8x128xf32, #tpu.memory_space<hbm>>
        %dma_start3A_1650 = arith.constant 24 : i32
        %dma_start3A_1651 = arith.constant 0 : i32
        %dma_start3A_1652 = tpu.memref_slice %arg11[%dma_start3A_1642, %dma_start3A_1643, %dma_start3A_1650, %dma_start3A_1651] : memref<3x4x32x128xf32, #tpu.memory_space<vmem>> -> memref<1x1x8x128xf32, #tpu.memory_space<vmem>>
        %dma_start3A_1653 = tpu.memref_squeeze %dma_start3A_1652 : memref<1x1x8x128xf32, #tpu.memory_space<vmem>> -> memref<8x128xf32, #tpu.memory_space<vmem>>
        %dma_start3A_1654 = arith.constant 24 : i32
        %dma_start3A_1655 = tpu.memref_slice %arg5[%dma_start3A_1654, %multiple_of3A_1552] : memref<32x1000000xf32, #tpu.memory_space<hbm>> -> memref<8x128xf32, #tpu.memory_space<hbm>>
        tpu.enqueue_dma source(%dma_start3A_1655 : memref<8x128xf32, #tpu.memory_space<hbm>>) target(%dma_start3A_1653 : memref<8x128xf32, #tpu.memory_space<vmem>>) target_semaphore(%arg19 : memref<!tpu.dma_semaphore, #tpu.memory_space<semaphore_mem>>)
        %dma_start3A_1656 = arith.constant 2 : i32
        %dma_start3A_1657 = arith.constant 3 : i32
        %dma_start3A_1658 = arith.constant 24 : i32
        %dma_start3A_1659 = arith.constant 0 : i32
        %dma_start3A_1660 = tpu.memref_slice %arg12[%dma_start3A_1656, %dma_start3A_1657, %dma_start3A_1658, %dma_start3A_1659] : memref<3x4x32x128xf32, #tpu.memory_space<vmem>> -> memref<1x1x8x128xf32, #tpu.memory_space<vmem>>
        %dma_start3A_1661 = tpu.memref_squeeze %dma_start3A_1660 : memref<1x1x8x128xf32, #tpu.memory_space<vmem>> -> memref<8x128xf32, #tpu.memory_space<vmem>>
        %dma_start3A_1662 = arith.constant 24 : i32
        %dma_start3A_1663 = tpu.memref_slice %arg6[%dma_start3A_1662, %multiple_of3A_1557] : memref<32x1000000xf32, #tpu.memory_space<hbm>> -> memref<8x128xf32, #tpu.memory_space<hbm>>
        %dma_start3A_1664 = arith.constant 24 : i32
        %dma_start3A_1665 = arith.constant 0 : i32
        %dma_start3A_1666 = tpu.memref_slice %arg12[%dma_start3A_1656, %dma_start3A_1657, %dma_start3A_1664, %dma_start3A_1665] : memref<3x4x32x128xf32, #tpu.memory_space<vmem>> -> memref<1x1x8x128xf32, #tpu.memory_space<vmem>>
        %dma_start3A_1667 = tpu.memref_squeeze %dma_start3A_1666 : memref<1x1x8x128xf32, #tpu.memory_space<vmem>> -> memref<8x128xf32, #tpu.memory_space<vmem>>
        %dma_start3A_1668 = arith.constant 24 : i32
        %dma_start3A_1669 = tpu.memref_slice %arg6[%dma_start3A_1668, %multiple_of3A_1557] : memref<32x1000000xf32, #tpu.memory_space<hbm>> -> memref<8x128xf32, #tpu.memory_space<hbm>>
        tpu.enqueue_dma source(%dma_start3A_1669 : memref<8x128xf32, #tpu.memory_space<hbm>>) target(%dma_start3A_1667 : memref<8x128xf32, #tpu.memory_space<vmem>>) target_semaphore(%arg19 : memref<!tpu.dma_semaphore, #tpu.memory_space<semaphore_mem>>)
      } else {
      }
      %jit3A_1148 = arith.constant 3 : i32
      %eq3A_1149 = arith.constant 0 : i32
      %eq3A_1150 = arith.cmpi eq, %jit3A_1148, %eq3A_1149 : i32
      %jit3A_1151 = arith.constant 1 : i32
      %select_n3A_1152 = arith.select %eq3A_1150, %jit3A_1151, %jit3A_1148 : i32
      %rem3A_1153 = arith.remsi %scan3A_1075, %select_n3A_1152 : i32
      %ne3A_1154 = arith.constant 0 : i32
      %ne3A_1155 = arith.cmpi ne, %rem3A_1153, %ne3A_1154 : i32
      %lt3A_1156 = arith.constant 0 : i32
      %lt3A_1157 = arith.cmpi slt, %rem3A_1153, %lt3A_1156 : i32
      %lt3A_1158 = arith.constant 0 : i32
      %lt3A_1159 = arith.cmpi slt, %select_n3A_1152, %lt3A_1158 : i32
      %ne3A_1160 = arith.xori %lt3A_1157, %lt3A_1159 : i1
      %and3A_1161 = arith.andi %ne3A_1160, %ne3A_1155 : i1
      %add3A_1162 = arith.addi %rem3A_1153, %select_n3A_1152 : i32
      %select_n3A_1163 = arith.select %and3A_1161, %add3A_1162, %rem3A_1153 : i32
      %eq3A_1164 = arith.constant 0 : i32
      %eq3A_1165 = arith.cmpi eq, %select_n3A_1163, %eq3A_1164 : i32
      %convert_element_type3A_1166 = arith.extui %eq3A_1165 : i1 to i32
      %cond3A_1167 = arith.constant 0 : i32
      %cond3A_1168 = arith.cmpi ne, %convert_element_type3A_1166, %cond3A_1167 : i32
      %cond3A_1169:3 = scf.if %cond3A_1168 -> (f32, vector<16xf32>, vector<16xf32>) {
        %dma_wait3A = arith.constant 0 : i32
        %dma_wait3A_1170 = arith.constant 0 : i32
        %dma_wait3A_1171 = arith.constant 0 : i32
        %dma_wait3A_1172 = arith.constant 0 : i32
        %dma_wait3A_1173 = tpu.memref_slice %arg11[%dma_wait3A, %dma_wait3A_1170, %dma_wait3A_1171, %dma_wait3A_1172] : memref<3x4x32x128xf32, #tpu.memory_space<vmem>> -> memref<1x1x32x128xf32, #tpu.memory_space<vmem>>
        %dma_wait3A_1174 = tpu.memref_squeeze %dma_wait3A_1173 : memref<1x1x32x128xf32, #tpu.memory_space<vmem>> -> memref<32x128xf32, #tpu.memory_space<vmem>>
        %dma_wait3A_1175 = arith.constant 0 : i32
        %dma_wait3A_1176 = arith.constant 0 : i32
        %dma_wait3A_1177 = tpu.memref_slice %arg5[%dma_wait3A_1175, %dma_wait3A_1176] : memref<32x1000000xf32, #tpu.memory_space<hbm>> -> memref<32x128xf32, #tpu.memory_space<hbm>>
        %dma_wait3A_1178 = arith.constant 0 : i32
        %dma_wait3A_1179 = arith.constant 0 : i32
        %dma_wait3A_1180 = tpu.memref_slice %arg11[%dma_wait3A, %dma_wait3A_1170, %dma_wait3A_1178, %dma_wait3A_1179] : memref<3x4x32x128xf32, #tpu.memory_space<vmem>> -> memref<1x1x32x128xf32, #tpu.memory_space<vmem>>
        %dma_wait3A_1181 = tpu.memref_squeeze %dma_wait3A_1180 : memref<1x1x32x128xf32, #tpu.memory_space<vmem>> -> memref<32x128xf32, #tpu.memory_space<vmem>>
        %dma_wait3A_1182 = arith.constant 0 : i32
        %dma_wait3A_1183 = arith.constant 0 : i32
        %dma_wait3A_1184 = tpu.memref_slice %arg5[%dma_wait3A_1182, %dma_wait3A_1183] : memref<32x1000000xf32, #tpu.memory_space<hbm>> -> memref<32x128xf32, #tpu.memory_space<hbm>>
        tpu.wait_dma2 semaphore(%arg17 : memref<!tpu.dma_semaphore, #tpu.memory_space<semaphore_mem>>) src(%dma_wait3A_1184 : memref<32x128xf32, #tpu.memory_space<hbm>>) dst(%dma_wait3A_1181 : memref<32x128xf32, #tpu.memory_space<vmem>>)
        %dma_wait3A_1185 = arith.constant 0 : i32
        %dma_wait3A_1186 = arith.constant 0 : i32
        %dma_wait3A_1187 = arith.constant 0 : i32
        %dma_wait3A_1188 = arith.constant 0 : i32
        %dma_wait3A_1189 = tpu.memref_slice %arg12[%dma_wait3A_1185, %dma_wait3A_1186, %dma_wait3A_1187, %dma_wait3A_1188] : memref<3x4x32x128xf32, #tpu.memory_space<vmem>> -> memref<1x1x32x128xf32, #tpu.memory_space<vmem>>
        %dma_wait3A_1190 = tpu.memref_squeeze %dma_wait3A_1189 : memref<1x1x32x128xf32, #tpu.memory_space<vmem>> -> memref<32x128xf32, #tpu.memory_space<vmem>>
        %dma_wait3A_1191 = arith.constant 0 : i32
        %dma_wait3A_1192 = arith.constant 0 : i32
        %dma_wait3A_1193 = tpu.memref_slice %arg6[%dma_wait3A_1191, %dma_wait3A_1192] : memref<32x1000000xf32, #tpu.memory_space<hbm>> -> memref<32x128xf32, #tpu.memory_space<hbm>>
        %dma_wait3A_1194 = arith.constant 0 : i32
        %dma_wait3A_1195 = arith.constant 0 : i32
        %dma_wait3A_1196 = tpu.memref_slice %arg12[%dma_wait3A_1185, %dma_wait3A_1186, %dma_wait3A_1194, %dma_wait3A_1195] : memref<3x4x32x128xf32, #tpu.memory_space<vmem>> -> memref<1x1x32x128xf32, #tpu.memory_space<vmem>>
        %dma_wait3A_1197 = tpu.memref_squeeze %dma_wait3A_1196 : memref<1x1x32x128xf32, #tpu.memory_space<vmem>> -> memref<32x128xf32, #tpu.memory_space<vmem>>
        %dma_wait3A_1198 = arith.constant 0 : i32
        %dma_wait3A_1199 = arith.constant 0 : i32
        %dma_wait3A_1200 = tpu.memref_slice %arg6[%dma_wait3A_1198, %dma_wait3A_1199] : memref<32x1000000xf32, #tpu.memory_space<hbm>> -> memref<32x128xf32, #tpu.memory_space<hbm>>
        tpu.wait_dma2 semaphore(%arg17 : memref<!tpu.dma_semaphore, #tpu.memory_space<semaphore_mem>>) src(%dma_wait3A_1200 : memref<32x128xf32, #tpu.memory_space<hbm>>) dst(%dma_wait3A_1197 : memref<32x128xf32, #tpu.memory_space<vmem>>)
        %dma_wait3A_1201 = arith.constant 0 : i32
        %dma_wait3A_1202 = arith.constant 1 : i32
        %dma_wait3A_1203 = arith.constant 0 : i32
        %dma_wait3A_1204 = arith.constant 0 : i32
        %dma_wait3A_1205 = tpu.memref_slice %arg11[%dma_wait3A_1201, %dma_wait3A_1202, %dma_wait3A_1203, %dma_wait3A_1204] : memref<3x4x32x128xf32, #tpu.memory_space<vmem>> -> memref<1x1x32x128xf32, #tpu.memory_space<vmem>>
        %dma_wait3A_1206 = tpu.memref_squeeze %dma_wait3A_1205 : memref<1x1x32x128xf32, #tpu.memory_space<vmem>> -> memref<32x128xf32, #tpu.memory_space<vmem>>
        %dma_wait3A_1207 = arith.constant 0 : i32
        %dma_wait3A_1208 = arith.constant 0 : i32
        %dma_wait3A_1209 = tpu.memref_slice %arg5[%dma_wait3A_1207, %dma_wait3A_1208] : memref<32x1000000xf32, #tpu.memory_space<hbm>> -> memref<32x128xf32, #tpu.memory_space<hbm>>
        %dma_wait3A_1210 = arith.constant 0 : i32
        %dma_wait3A_1211 = arith.constant 0 : i32
        %dma_wait3A_1212 = tpu.memref_slice %arg11[%dma_wait3A_1201, %dma_wait3A_1202, %dma_wait3A_1210, %dma_wait3A_1211] : memref<3x4x32x128xf32, #tpu.memory_space<vmem>> -> memref<1x1x32x128xf32, #tpu.memory_space<vmem>>
        %dma_wait3A_1213 = tpu.memref_squeeze %dma_wait3A_1212 : memref<1x1x32x128xf32, #tpu.memory_space<vmem>> -> memref<32x128xf32, #tpu.memory_space<vmem>>
        %dma_wait3A_1214 = arith.constant 0 : i32
        %dma_wait3A_1215 = arith.constant 0 : i32
        %dma_wait3A_1216 = tpu.memref_slice %arg5[%dma_wait3A_1214, %dma_wait3A_1215] : memref<32x1000000xf32, #tpu.memory_space<hbm>> -> memref<32x128xf32, #tpu.memory_space<hbm>>
        tpu.wait_dma2 semaphore(%arg17 : memref<!tpu.dma_semaphore, #tpu.memory_space<semaphore_mem>>) src(%dma_wait3A_1216 : memref<32x128xf32, #tpu.memory_space<hbm>>) dst(%dma_wait3A_1213 : memref<32x128xf32, #tpu.memory_space<vmem>>)
        %dma_wait3A_1217 = arith.constant 0 : i32
        %dma_wait3A_1218 = arith.constant 1 : i32
        %dma_wait3A_1219 = arith.constant 0 : i32
        %dma_wait3A_1220 = arith.constant 0 : i32
        %dma_wait3A_1221 = tpu.memref_slice %arg12[%dma_wait3A_1217, %dma_wait3A_1218, %dma_wait3A_1219, %dma_wait3A_1220] : memref<3x4x32x128xf32, #tpu.memory_space<vmem>> -> memref<1x1x32x128xf32, #tpu.memory_space<vmem>>
        %dma_wait3A_1222 = tpu.memref_squeeze %dma_wait3A_1221 : memref<1x1x32x128xf32, #tpu.memory_space<vmem>> -> memref<32x128xf32, #tpu.memory_space<vmem>>
        %dma_wait3A_1223 = arith.constant 0 : i32
        %dma_wait3A_1224 = arith.constant 0 : i32
        %dma_wait3A_1225 = tpu.memref_slice %arg6[%dma_wait3A_1223, %dma_wait3A_1224] : memref<32x1000000xf32, #tpu.memory_space<hbm>> -> memref<32x128xf32, #tpu.memory_space<hbm>>
        %dma_wait3A_1226 = arith.constant 0 : i32
        %dma_wait3A_1227 = arith.constant 0 : i32
        %dma_wait3A_1228 = tpu.memref_slice %arg12[%dma_wait3A_1217, %dma_wait3A_1218, %dma_wait3A_1226, %dma_wait3A_1227] : memref<3x4x32x128xf32, #tpu.memory_space<vmem>> -> memref<1x1x32x128xf32, #tpu.memory_space<vmem>>
        %dma_wait3A_1229 = tpu.memref_squeeze %dma_wait3A_1228 : memref<1x1x32x128xf32, #tpu.memory_space<vmem>> -> memref<32x128xf32, #tpu.memory_space<vmem>>
        %dma_wait3A_1230 = arith.constant 0 : i32
        %dma_wait3A_1231 = arith.constant 0 : i32
        %dma_wait3A_1232 = tpu.memref_slice %arg6[%dma_wait3A_1230, %dma_wait3A_1231] : memref<32x1000000xf32, #tpu.memory_space<hbm>> -> memref<32x128xf32, #tpu.memory_space<hbm>>
        tpu.wait_dma2 semaphore(%arg17 : memref<!tpu.dma_semaphore, #tpu.memory_space<semaphore_mem>>) src(%dma_wait3A_1232 : memref<32x128xf32, #tpu.memory_space<hbm>>) dst(%dma_wait3A_1229 : memref<32x128xf32, #tpu.memory_space<vmem>>)
        %dma_wait3A_1233 = arith.constant 0 : i32
        %dma_wait3A_1234 = arith.constant 2 : i32
        %dma_wait3A_1235 = arith.constant 0 : i32
        %dma_wait3A_1236 = arith.constant 0 : i32
        %dma_wait3A_1237 = tpu.memref_slice %arg11[%dma_wait3A_1233, %dma_wait3A_1234, %dma_wait3A_1235, %dma_wait3A_1236] : memref<3x4x32x128xf32, #tpu.memory_space<vmem>> -> memref<1x1x32x128xf32, #tpu.memory_space<vmem>>
        %dma_wait3A_1238 = tpu.memref_squeeze %dma_wait3A_1237 : memref<1x1x32x128xf32, #tpu.memory_space<vmem>> -> memref<32x128xf32, #tpu.memory_space<vmem>>
        %dma_wait3A_1239 = arith.constant 0 : i32
        %dma_wait3A_1240 = arith.constant 0 : i32
        %dma_wait3A_1241 = tpu.memref_slice %arg5[%dma_wait3A_1239, %dma_wait3A_1240] : memref<32x1000000xf32, #tpu.memory_space<hbm>> -> memref<32x128xf32, #tpu.memory_space<hbm>>
        %dma_wait3A_1242 = arith.constant 0 : i32
        %dma_wait3A_1243 = arith.constant 0 : i32
        %dma_wait3A_1244 = tpu.memref_slice %arg11[%dma_wait3A_1233, %dma_wait3A_1234, %dma_wait3A_1242, %dma_wait3A_1243] : memref<3x4x32x128xf32, #tpu.memory_space<vmem>> -> memref<1x1x32x128xf32, #tpu.memory_space<vmem>>
        %dma_wait3A_1245 = tpu.memref_squeeze %dma_wait3A_1244 : memref<1x1x32x128xf32, #tpu.memory_space<vmem>> -> memref<32x128xf32, #tpu.memory_space<vmem>>
        %dma_wait3A_1246 = arith.constant 0 : i32
        %dma_wait3A_1247 = arith.constant 0 : i32
        %dma_wait3A_1248 = tpu.memref_slice %arg5[%dma_wait3A_1246, %dma_wait3A_1247] : memref<32x1000000xf32, #tpu.memory_space<hbm>> -> memref<32x128xf32, #tpu.memory_space<hbm>>
        tpu.wait_dma2 semaphore(%arg17 : memref<!tpu.dma_semaphore, #tpu.memory_space<semaphore_mem>>) src(%dma_wait3A_1248 : memref<32x128xf32, #tpu.memory_space<hbm>>) dst(%dma_wait3A_1245 : memref<32x128xf32, #tpu.memory_space<vmem>>)
        %dma_wait3A_1249 = arith.constant 0 : i32
        %dma_wait3A_1250 = arith.constant 2 : i32
        %dma_wait3A_1251 = arith.constant 0 : i32
        %dma_wait3A_1252 = arith.constant 0 : i32
        %dma_wait3A_1253 = tpu.memref_slice %arg12[%dma_wait3A_1249, %dma_wait3A_1250, %dma_wait3A_1251, %dma_wait3A_1252] : memref<3x4x32x128xf32, #tpu.memory_space<vmem>> -> memref<1x1x32x128xf32, #tpu.memory_space<vmem>>
        %dma_wait3A_1254 = tpu.memref_squeeze %dma_wait3A_1253 : memref<1x1x32x128xf32, #tpu.memory_space<vmem>> -> memref<32x128xf32, #tpu.memory_space<vmem>>
        %dma_wait3A_1255 = arith.constant 0 : i32
        %dma_wait3A_1256 = arith.constant 0 : i32
        %dma_wait3A_1257 = tpu.memref_slice %arg6[%dma_wait3A_1255, %dma_wait3A_1256] : memref<32x1000000xf32, #tpu.memory_space<hbm>> -> memref<32x128xf32, #tpu.memory_space<hbm>>
        %dma_wait3A_1258 = arith.constant 0 : i32
        %dma_wait3A_1259 = arith.constant 0 : i32
        %dma_wait3A_1260 = tpu.memref_slice %arg12[%dma_wait3A_1249, %dma_wait3A_1250, %dma_wait3A_1258, %dma_wait3A_1259] : memref<3x4x32x128xf32, #tpu.memory_space<vmem>> -> memref<1x1x32x128xf32, #tpu.memory_space<vmem>>
        %dma_wait3A_1261 = tpu.memref_squeeze %dma_wait3A_1260 : memref<1x1x32x128xf32, #tpu.memory_space<vmem>> -> memref<32x128xf32, #tpu.memory_space<vmem>>
        %dma_wait3A_1262 = arith.constant 0 : i32
        %dma_wait3A_1263 = arith.constant 0 : i32
        %dma_wait3A_1264 = tpu.memref_slice %arg6[%dma_wait3A_1262, %dma_wait3A_1263] : memref<32x1000000xf32, #tpu.memory_space<hbm>> -> memref<32x128xf32, #tpu.memory_space<hbm>>
        tpu.wait_dma2 semaphore(%arg17 : memref<!tpu.dma_semaphore, #tpu.memory_space<semaphore_mem>>) src(%dma_wait3A_1264 : memref<32x128xf32, #tpu.memory_space<hbm>>) dst(%dma_wait3A_1261 : memref<32x128xf32, #tpu.memory_space<vmem>>)
        %dma_wait3A_1265 = arith.constant 0 : i32
        %dma_wait3A_1266 = arith.constant 3 : i32
        %dma_wait3A_1267 = arith.constant 0 : i32
        %dma_wait3A_1268 = arith.constant 0 : i32
        %dma_wait3A_1269 = tpu.memref_slice %arg11[%dma_wait3A_1265, %dma_wait3A_1266, %dma_wait3A_1267, %dma_wait3A_1268] : memref<3x4x32x128xf32, #tpu.memory_space<vmem>> -> memref<1x1x32x128xf32, #tpu.memory_space<vmem>>
        %dma_wait3A_1270 = tpu.memref_squeeze %dma_wait3A_1269 : memref<1x1x32x128xf32, #tpu.memory_space<vmem>> -> memref<32x128xf32, #tpu.memory_space<vmem>>
        %dma_wait3A_1271 = arith.constant 0 : i32
        %dma_wait3A_1272 = arith.constant 0 : i32
        %dma_wait3A_1273 = tpu.memref_slice %arg5[%dma_wait3A_1271, %dma_wait3A_1272] : memref<32x1000000xf32, #tpu.memory_space<hbm>> -> memref<32x128xf32, #tpu.memory_space<hbm>>
        %dma_wait3A_1274 = arith.constant 0 : i32
        %dma_wait3A_1275 = arith.constant 0 : i32
        %dma_wait3A_1276 = tpu.memref_slice %arg11[%dma_wait3A_1265, %dma_wait3A_1266, %dma_wait3A_1274, %dma_wait3A_1275] : memref<3x4x32x128xf32, #tpu.memory_space<vmem>> -> memref<1x1x32x128xf32, #tpu.memory_space<vmem>>
        %dma_wait3A_1277 = tpu.memref_squeeze %dma_wait3A_1276 : memref<1x1x32x128xf32, #tpu.memory_space<vmem>> -> memref<32x128xf32, #tpu.memory_space<vmem>>
        %dma_wait3A_1278 = arith.constant 0 : i32
        %dma_wait3A_1279 = arith.constant 0 : i32
        %dma_wait3A_1280 = tpu.memref_slice %arg5[%dma_wait3A_1278, %dma_wait3A_1279] : memref<32x1000000xf32, #tpu.memory_space<hbm>> -> memref<32x128xf32, #tpu.memory_space<hbm>>
        tpu.wait_dma2 semaphore(%arg17 : memref<!tpu.dma_semaphore, #tpu.memory_space<semaphore_mem>>) src(%dma_wait3A_1280 : memref<32x128xf32, #tpu.memory_space<hbm>>) dst(%dma_wait3A_1277 : memref<32x128xf32, #tpu.memory_space<vmem>>)
        %dma_wait3A_1281 = arith.constant 0 : i32
        %dma_wait3A_1282 = arith.constant 3 : i32
        %dma_wait3A_1283 = arith.constant 0 : i32
        %dma_wait3A_1284 = arith.constant 0 : i32
        %dma_wait3A_1285 = tpu.memref_slice %arg12[%dma_wait3A_1281, %dma_wait3A_1282, %dma_wait3A_1283, %dma_wait3A_1284] : memref<3x4x32x128xf32, #tpu.memory_space<vmem>> -> memref<1x1x32x128xf32, #tpu.memory_space<vmem>>
        %dma_wait3A_1286 = tpu.memref_squeeze %dma_wait3A_1285 : memref<1x1x32x128xf32, #tpu.memory_space<vmem>> -> memref<32x128xf32, #tpu.memory_space<vmem>>
        %dma_wait3A_1287 = arith.constant 0 : i32
        %dma_wait3A_1288 = arith.constant 0 : i32
        %dma_wait3A_1289 = tpu.memref_slice %arg6[%dma_wait3A_1287, %dma_wait3A_1288] : memref<32x1000000xf32, #tpu.memory_space<hbm>> -> memref<32x128xf32, #tpu.memory_space<hbm>>
        %dma_wait3A_1290 = arith.constant 0 : i32
        %dma_wait3A_1291 = arith.constant 0 : i32
        %dma_wait3A_1292 = tpu.memref_slice %arg12[%dma_wait3A_1281, %dma_wait3A_1282, %dma_wait3A_1290, %dma_wait3A_1291] : memref<3x4x32x128xf32, #tpu.memory_space<vmem>> -> memref<1x1x32x128xf32, #tpu.memory_space<vmem>>
        %dma_wait3A_1293 = tpu.memref_squeeze %dma_wait3A_1292 : memref<1x1x32x128xf32, #tpu.memory_space<vmem>> -> memref<32x128xf32, #tpu.memory_space<vmem>>
        %dma_wait3A_1294 = arith.constant 0 : i32
        %dma_wait3A_1295 = arith.constant 0 : i32
        %dma_wait3A_1296 = tpu.memref_slice %arg6[%dma_wait3A_1294, %dma_wait3A_1295] : memref<32x1000000xf32, #tpu.memory_space<hbm>> -> memref<32x128xf32, #tpu.memory_space<hbm>>
        tpu.wait_dma2 semaphore(%arg17 : memref<!tpu.dma_semaphore, #tpu.memory_space<semaphore_mem>>) src(%dma_wait3A_1296 : memref<32x128xf32, #tpu.memory_space<hbm>>) dst(%dma_wait3A_1293 : memref<32x128xf32, #tpu.memory_space<vmem>>)
        %mul3A_1297 = arith.constant 4 : i32
        %mul3A_1298 = arith.muli %scan3A_1075, %mul3A_1297 : i32
        %get3A_1299 = arith.index_cast %mul3A_1298 : i32 to index
        %get3A_1300 = tpu.vector_load %arg8[%get3A_1299] {strides = array<i32>} : memref<528xi32, #tpu.memory_space<vmem>>, vector<16xi32>,
        %and3A_1301 = arith.constant 127 : i32
        %and3A_1302 = vector.broadcast %and3A_1301 : i32 to vector<16xi32>
        %and3A_1303 = arith.andi %get3A_1300, %and3A_1302 : vector<16xi32>
        %get3A_1304 = arith.index_cast %mul3A_1298 : i32 to index
        %get3A_1305 = tpu.vector_load %arg9[%get3A_1304] {strides = array<i32>} : memref<528xi32, #tpu.memory_space<vmem>>, vector<16xi32>,
        %and3A_1306 = arith.constant 127 : i32
        %and3A_1307 = vector.broadcast %and3A_1306 : i32 to vector<16xi32>
        %and3A_1308 = arith.andi %get3A_1305, %and3A_1307 : vector<16xi32>
        %get3A_1309 = arith.index_cast %mul3A_1298 : i32 to index
        %get3A_1310 = tpu.vector_load %arg10[%get3A_1309] {strides = array<i32>} : memref<528xf32, #tpu.memory_space<vmem>>, vector<16xf32>,
        %broadcast_in_dim3A_1311 = arith.constant 0 : i32
        %broadcast_in_dim3A_1312 = vector.broadcast %broadcast_in_dim3A_1311 : i32 to vector<16xi32>
        %slice3A_1313 = vector.extract_strided_slice %and3A_1303 {offsets = [0], sizes = [1], strides = [1]} : vector<16xi32> to vector<1xi32>
        %squeeze3A_1314 = vector.extract %slice3A_1313[0] : i32 from vector<1xi32>
        %broadcast_in_dim3A_1315 = vector.broadcast %squeeze3A_1314 : i32 to vector<16xi32>
        %slice3A_1316 = vector.extract_strided_slice %and3A_1308 {offsets = [0], sizes = [1], strides = [1]} : vector<16xi32> to vector<1xi32>
        %squeeze3A_1317 = vector.extract %slice3A_1316[0] : i32 from vector<1xi32>
        %broadcast_in_dim3A_1318 = vector.broadcast %squeeze3A_1317 : i32 to vector<16xi32>
        %broadcast_in_dim3A_1319 = arith.constant 0 : i32
        %broadcast_in_dim3A_1320 = vector.broadcast %broadcast_in_dim3A_1319 : i32 to vector<16xi32>
        %gather3A = tpu.vector_load_idx %arg11[%broadcast_in_dim3A_1312, %broadcast_in_dim3A_1320, %iota3A, %broadcast_in_dim3A_1315] : memref<3x4x32x128xf32, #tpu.memory_space<vmem>>[vector<16xi32>, vector<16xi32>, vector<16xi32>, vector<16xi32>], vector<16xf32>,
        %add3A_1321 = arith.constant 16 : i32
        %add3A_1322 = vector.broadcast %add3A_1321 : i32 to vector<16xi32>
        %add3A_1323 = arith.addi %add3A_1322, %iota3A : vector<16xi32>
        %gather3A_1324 = tpu.vector_load_idx %arg11[%broadcast_in_dim3A_1312, %broadcast_in_dim3A_1320, %add3A_1323, %broadcast_in_dim3A_1315] : memref<3x4x32x128xf32, #tpu.memory_space<vmem>>[vector<16xi32>, vector<16xi32>, vector<16xi32>, vector<16xi32>], vector<16xf32>,
        %gather3A_1325 = tpu.vector_load_idx %arg12[%broadcast_in_dim3A_1312, %broadcast_in_dim3A_1320, %iota3A, %broadcast_in_dim3A_1318] : memref<3x4x32x128xf32, #tpu.memory_space<vmem>>[vector<16xi32>, vector<16xi32>, vector<16xi32>, vector<16xi32>], vector<16xf32>,
        %add3A_1326 = arith.constant 16 : i32
        %add3A_1327 = vector.broadcast %add3A_1326 : i32 to vector<16xi32>
        %add3A_1328 = arith.addi %add3A_1327, %iota3A : vector<16xi32>
        %gather3A_1329 = tpu.vector_load_idx %arg12[%broadcast_in_dim3A_1312, %broadcast_in_dim3A_1320, %add3A_1328, %broadcast_in_dim3A_1318] : memref<3x4x32x128xf32, #tpu.memory_space<vmem>>[vector<16xi32>, vector<16xi32>, vector<16xi32>, vector<16xi32>], vector<16xf32>,
        %mul3A_1330 = arith.mulf %gather3A, %gather3A : vector<16xf32>
        %add3A_1331 = arith.addf %scan3A_1077, %mul3A_1330 : vector<16xf32>
        %mul3A_1332 = arith.mulf %gather3A_1324, %gather3A_1324 : vector<16xf32>
        %add3A_1333 = arith.addf %add3A_1331, %mul3A_1332 : vector<16xf32>
        %mul3A_1334 = arith.mulf %gather3A_1325, %gather3A_1325 : vector<16xf32>
        %add3A_1335 = arith.addf %scan3A_1078, %mul3A_1334 : vector<16xf32>
        %mul3A_1336 = arith.mulf %gather3A_1329, %gather3A_1329 : vector<16xf32>
        %add3A_1337 = arith.addf %add3A_1335, %mul3A_1336 : vector<16xf32>
        %mul3A_1338 = arith.mulf %gather3A, %gather3A_1325 : vector<16xf32>
        %mul3A_1339 = arith.mulf %gather3A_1324, %gather3A_1329 : vector<16xf32>
        %add3A_1340 = arith.addf %mul3A_1338, %mul3A_1339 : vector<16xf32>
        %reduce_sum3A = arith.constant true
        %reduce_sum3A_1341 = vector.broadcast %reduce_sum3A : i1 to vector<16xi1>
        %reduce_sum3A_1342 = tpu.scan <sum>, %add3A_1340 masked %reduce_sum3A_1341 : vector<16xf32>, vector<16xi1> -> vector<16xf32>
        %reduce_sum3A_1343 = vector.extract %reduce_sum3A_1342[15] : f32 from vector<16xf32>
        %slice3A_1344 = vector.extract_strided_slice %get3A_1310 {offsets = [0], sizes = [1], strides = [1]} : vector<16xf32> to vector<1xf32>
        %squeeze3A_1345 = vector.extract %slice3A_1344[0] : f32 from vector<1xf32>
        %sub3A = arith.subf %squeeze3A_1345, %reduce_sum3A_1343 : f32
        %mul3A_1346 = arith.mulf %sub3A, %sub3A : f32
        %add3A_1347 = arith.addf %scan3A_1076, %mul3A_1346 : f32
        %slice3A_1348 = vector.extract_strided_slice %and3A_1303 {offsets = [1], sizes = [1], strides = [1]} : vector<16xi32> to vector<1xi32>
        %squeeze3A_1349 = vector.extract %slice3A_1348[0] : i32 from vector<1xi32>
        %broadcast_in_dim3A_1350 = vector.broadcast %squeeze3A_1349 : i32 to vector<16xi32>
        %slice3A_1351 = vector.extract_strided_slice %and3A_1308 {offsets = [1], sizes = [1], strides = [1]} : vector<16xi32> to vector<1xi32>
        %squeeze3A_1352 = vector.extract %slice3A_1351[0] : i32 from vector<1xi32>
        %broadcast_in_dim3A_1353 = vector.broadcast %squeeze3A_1352 : i32 to vector<16xi32>
        %broadcast_in_dim3A_1354 = arith.constant 1 : i32
        %broadcast_in_dim3A_1355 = vector.broadcast %broadcast_in_dim3A_1354 : i32 to vector<16xi32>
        %gather3A_1356 = tpu.vector_load_idx %arg11[%broadcast_in_dim3A_1312, %broadcast_in_dim3A_1355, %iota3A, %broadcast_in_dim3A_1350] : memref<3x4x32x128xf32, #tpu.memory_space<vmem>>[vector<16xi32>, vector<16xi32>, vector<16xi32>, vector<16xi32>], vector<16xf32>,
        %add3A_1357 = arith.constant 16 : i32
        %add3A_1358 = vector.broadcast %add3A_1357 : i32 to vector<16xi32>
        %add3A_1359 = arith.addi %add3A_1358, %iota3A : vector<16xi32>
        %gather3A_1360 = tpu.vector_load_idx %arg11[%broadcast_in_dim3A_1312, %broadcast_in_dim3A_1355, %add3A_1359, %broadcast_in_dim3A_1350] : memref<3x4x32x128xf32, #tpu.memory_space<vmem>>[vector<16xi32>, vector<16xi32>, vector<16xi32>, vector<16xi32>], vector<16xf32>,
        %gather3A_1361 = tpu.vector_load_idx %arg12[%broadcast_in_dim3A_1312, %broadcast_in_dim3A_1355, %iota3A, %broadcast_in_dim3A_1353] : memref<3x4x32x128xf32, #tpu.memory_space<vmem>>[vector<16xi32>, vector<16xi32>, vector<16xi32>, vector<16xi32>], vector<16xf32>,
        %add3A_1362 = arith.constant 16 : i32
        %add3A_1363 = vector.broadcast %add3A_1362 : i32 to vector<16xi32>
        %add3A_1364 = arith.addi %add3A_1363, %iota3A : vector<16xi32>
        %gather3A_1365 = tpu.vector_load_idx %arg12[%broadcast_in_dim3A_1312, %broadcast_in_dim3A_1355, %add3A_1364, %broadcast_in_dim3A_1353] : memref<3x4x32x128xf32, #tpu.memory_space<vmem>>[vector<16xi32>, vector<16xi32>, vector<16xi32>, vector<16xi32>], vector<16xf32>,
        %mul3A_1366 = arith.mulf %gather3A_1356, %gather3A_1356 : vector<16xf32>
        %add3A_1367 = arith.addf %add3A_1333, %mul3A_1366 : vector<16xf32>
        %mul3A_1368 = arith.mulf %gather3A_1360, %gather3A_1360 : vector<16xf32>
        %add3A_1369 = arith.addf %add3A_1367, %mul3A_1368 : vector<16xf32>
        %mul3A_1370 = arith.mulf %gather3A_1361, %gather3A_1361 : vector<16xf32>
        %add3A_1371 = arith.addf %add3A_1337, %mul3A_1370 : vector<16xf32>
        %mul3A_1372 = arith.mulf %gather3A_1365, %gather3A_1365 : vector<16xf32>
        %add3A_1373 = arith.addf %add3A_1371, %mul3A_1372 : vector<16xf32>
        %mul3A_1374 = arith.mulf %gather3A_1356, %gather3A_1361 : vector<16xf32>
        %mul3A_1375 = arith.mulf %gather3A_1360, %gather3A_1365 : vector<16xf32>
        %add3A_1376 = arith.addf %mul3A_1374, %mul3A_1375 : vector<16xf32>
        %reduce_sum3A_1377 = arith.constant true
        %reduce_sum3A_1378 = vector.broadcast %reduce_sum3A_1377 : i1 to vector<16xi1>
        %reduce_sum3A_1379 = tpu.scan <sum>, %add3A_1376 masked %reduce_sum3A_1378 : vector<16xf32>, vector<16xi1> -> vector<16xf32>
        %reduce_sum3A_1380 = vector.extract %reduce_sum3A_1379[15] : f32 from vector<16xf32>
        %slice3A_1381 = vector.extract_strided_slice %get3A_1310 {offsets = [1], sizes = [1], strides = [1]} : vector<16xf32> to vector<1xf32>
        %squeeze3A_1382 = vector.extract %slice3A_1381[0] : f32 from vector<1xf32>
        %sub3A_1383 = arith.subf %squeeze3A_1382, %reduce_sum3A_1380 : f32
        %mul3A_1384 = arith.mulf %sub3A_1383, %sub3A_1383 : f32
        %add3A_1385 = arith.addf %add3A_1347, %mul3A_1384 : f32
        %slice3A_1386 = vector.extract_strided_slice %and3A_1303 {offsets = [2], sizes = [1], strides = [1]} : vector<16xi32> to vector<1xi32>
        %squeeze3A_1387 = vector.extract %slice3A_1386[0] : i32 from vector<1xi32>
        %broadcast_in_dim3A_1388 = vector.broadcast %squeeze3A_1387 : i32 to vector<16xi32>
        %slice3A_1389 = vector.extract_strided_slice %and3A_1308 {offsets = [2], sizes = [1], strides = [1]} : vector<16xi32> to vector<1xi32>
        %squeeze3A_1390 = vector.extract %slice3A_1389[0] : i32 from vector<1xi32>
        %broadcast_in_dim3A_1391 = vector.broadcast %squeeze3A_1390 : i32 to vector<16xi32>
        %broadcast_in_dim3A_1392 = arith.constant 2 : i32
        %broadcast_in_dim3A_1393 = vector.broadcast %broadcast_in_dim3A_1392 : i32 to vector<16xi32>
        %gather3A_1394 = tpu.vector_load_idx %arg11[%broadcast_in_dim3A_1312, %broadcast_in_dim3A_1393, %iota3A, %broadcast_in_dim3A_1388] : memref<3x4x32x128xf32, #tpu.memory_space<vmem>>[vector<16xi32>, vector<16xi32>, vector<16xi32>, vector<16xi32>], vector<16xf32>,
        %add3A_1395 = arith.constant 16 : i32
        %add3A_1396 = vector.broadcast %add3A_1395 : i32 to vector<16xi32>
        %add3A_1397 = arith.addi %add3A_1396, %iota3A : vector<16xi32>
        %gather3A_1398 = tpu.vector_load_idx %arg11[%broadcast_in_dim3A_1312, %broadcast_in_dim3A_1393, %add3A_1397, %broadcast_in_dim3A_1388] : memref<3x4x32x128xf32, #tpu.memory_space<vmem>>[vector<16xi32>, vector<16xi32>, vector<16xi32>, vector<16xi32>], vector<16xf32>,
        %gather3A_1399 = tpu.vector_load_idx %arg12[%broadcast_in_dim3A_1312, %broadcast_in_dim3A_1393, %iota3A, %broadcast_in_dim3A_1391] : memref<3x4x32x128xf32, #tpu.memory_space<vmem>>[vector<16xi32>, vector<16xi32>, vector<16xi32>, vector<16xi32>], vector<16xf32>,
        %add3A_1400 = arith.constant 16 : i32
        %add3A_1401 = vector.broadcast %add3A_1400 : i32 to vector<16xi32>
        %add3A_1402 = arith.addi %add3A_1401, %iota3A : vector<16xi32>
        %gather3A_1403 = tpu.vector_load_idx %arg12[%broadcast_in_dim3A_1312, %broadcast_in_dim3A_1393, %add3A_1402, %broadcast_in_dim3A_1391] : memref<3x4x32x128xf32, #tpu.memory_space<vmem>>[vector<16xi32>, vector<16xi32>, vector<16xi32>, vector<16xi32>], vector<16xf32>,
        %mul3A_1404 = arith.mulf %gather3A_1394, %gather3A_1394 : vector<16xf32>
        %add3A_1405 = arith.addf %add3A_1369, %mul3A_1404 : vector<16xf32>
        %mul3A_1406 = arith.mulf %gather3A_1398, %gather3A_1398 : vector<16xf32>
        %add3A_1407 = arith.addf %add3A_1405, %mul3A_1406 : vector<16xf32>
        %mul3A_1408 = arith.mulf %gather3A_1399, %gather3A_1399 : vector<16xf32>
        %add3A_1409 = arith.addf %add3A_1373, %mul3A_1408 : vector<16xf32>
        %mul3A_1410 = arith.mulf %gather3A_1403, %gather3A_1403 : vector<16xf32>
        %add3A_1411 = arith.addf %add3A_1409, %mul3A_1410 : vector<16xf32>
        %mul3A_1412 = arith.mulf %gather3A_1394, %gather3A_1399 : vector<16xf32>
        %mul3A_1413 = arith.mulf %gather3A_1398, %gather3A_1403 : vector<16xf32>
        %add3A_1414 = arith.addf %mul3A_1412, %mul3A_1413 : vector<16xf32>
        %reduce_sum3A_1415 = arith.constant true
        %reduce_sum3A_1416 = vector.broadcast %reduce_sum3A_1415 : i1 to vector<16xi1>
        %reduce_sum3A_1417 = tpu.scan <sum>, %add3A_1414 masked %reduce_sum3A_1416 : vector<16xf32>, vector<16xi1> -> vector<16xf32>
        %reduce_sum3A_1418 = vector.extract %reduce_sum3A_1417[15] : f32 from vector<16xf32>
        %slice3A_1419 = vector.extract_strided_slice %get3A_1310 {offsets = [2], sizes = [1], strides = [1]} : vector<16xf32> to vector<1xf32>
        %squeeze3A_1420 = vector.extract %slice3A_1419[0] : f32 from vector<1xf32>
        %sub3A_1421 = arith.subf %squeeze3A_1420, %reduce_sum3A_1418 : f32
        %mul3A_1422 = arith.mulf %sub3A_1421, %sub3A_1421 : f32
        %add3A_1423 = arith.addf %add3A_1385, %mul3A_1422 : f32
        %slice3A_1424 = vector.extract_strided_slice %and3A_1303 {offsets = [3], sizes = [1], strides = [1]} : vector<16xi32> to vector<1xi32>
        %squeeze3A_1425 = vector.extract %slice3A_1424[0] : i32 from vector<1xi32>
        %broadcast_in_dim3A_1426 = vector.broadcast %squeeze3A_1425 : i32 to vector<16xi32>
        %slice3A_1427 = vector.extract_strided_slice %and3A_1308 {offsets = [3], sizes = [1], strides = [1]} : vector<16xi32> to vector<1xi32>
        %squeeze3A_1428 = vector.extract %slice3A_1427[0] : i32 from vector<1xi32>
        %broadcast_in_dim3A_1429 = vector.broadcast %squeeze3A_1428 : i32 to vector<16xi32>
        %broadcast_in_dim3A_1430 = arith.constant 3 : i32
        %broadcast_in_dim3A_1431 = vector.broadcast %broadcast_in_dim3A_1430 : i32 to vector<16xi32>
        %gather3A_1432 = tpu.vector_load_idx %arg11[%broadcast_in_dim3A_1312, %broadcast_in_dim3A_1431, %iota3A, %broadcast_in_dim3A_1426] : memref<3x4x32x128xf32, #tpu.memory_space<vmem>>[vector<16xi32>, vector<16xi32>, vector<16xi32>, vector<16xi32>], vector<16xf32>,
        %add3A_1433 = arith.constant 16 : i32
        %add3A_1434 = vector.broadcast %add3A_1433 : i32 to vector<16xi32>
        %add3A_1435 = arith.addi %add3A_1434, %iota3A : vector<16xi32>
        %gather3A_1436 = tpu.vector_load_idx %arg11[%broadcast_in_dim3A_1312, %broadcast_in_dim3A_1431, %add3A_1435, %broadcast_in_dim3A_1426] : memref<3x4x32x128xf32, #tpu.memory_space<vmem>>[vector<16xi32>, vector<16xi32>, vector<16xi32>, vector<16xi32>], vector<16xf32>,
        %gather3A_1437 = tpu.vector_load_idx %arg12[%broadcast_in_dim3A_1312, %broadcast_in_dim3A_1431, %iota3A, %broadcast_in_dim3A_1429] : memref<3x4x32x128xf32, #tpu.memory_space<vmem>>[vector<16xi32>, vector<16xi32>, vector<16xi32>, vector<16xi32>], vector<16xf32>,
        %add3A_1438 = arith.constant 16 : i32
        %add3A_1439 = vector.broadcast %add3A_1438 : i32 to vector<16xi32>
        %add3A_1440 = arith.addi %add3A_1439, %iota3A : vector<16xi32>
        %gather3A_1441 = tpu.vector_load_idx %arg12[%broadcast_in_dim3A_1312, %broadcast_in_dim3A_1431, %add3A_1440, %broadcast_in_dim3A_1429] : memref<3x4x32x128xf32, #tpu.memory_space<vmem>>[vector<16xi32>, vector<16xi32>, vector<16xi32>, vector<16xi32>], vector<16xf32>,
        %mul3A_1442 = arith.mulf %gather3A_1432, %gather3A_1432 : vector<16xf32>
        %add3A_1443 = arith.addf %add3A_1407, %mul3A_1442 : vector<16xf32>
        %mul3A_1444 = arith.mulf %gather3A_1436, %gather3A_1436 : vector<16xf32>
        %add3A_1445 = arith.addf %add3A_1443, %mul3A_1444 : vector<16xf32>
        %mul3A_1446 = arith.mulf %gather3A_1437, %gather3A_1437 : vector<16xf32>
        %add3A_1447 = arith.addf %add3A_1411, %mul3A_1446 : vector<16xf32>
        %mul3A_1448 = arith.mulf %gather3A_1441, %gather3A_1441 : vector<16xf32>
        %add3A_1449 = arith.addf %add3A_1447, %mul3A_1448 : vector<16xf32>
        %mul3A_1450 = arith.mulf %gather3A_1432, %gather3A_1437 : vector<16xf32>
        %mul3A_1451 = arith.mulf %gather3A_1436, %gather3A_1441 : vector<16xf32>
        %add3A_1452 = arith.addf %mul3A_1450, %mul3A_1451 : vector<16xf32>
        %reduce_sum3A_1453 = arith.constant true
        %reduce_sum3A_1454 = vector.broadcast %reduce_sum3A_1453 : i1 to vector<16xi1>
        %reduce_sum3A_1455 = tpu.scan <sum>, %add3A_1452 masked %reduce_sum3A_1454 : vector<16xf32>, vector<16xi1> -> vector<16xf32>
        %reduce_sum3A_1456 = vector.extract %reduce_sum3A_1455[15] : f32 from vector<16xf32>
        %slice3A_1457 = vector.extract_strided_slice %get3A_1310 {offsets = [3], sizes = [1], strides = [1]} : vector<16xf32> to vector<1xf32>
        %squeeze3A_1458 = vector.extract %slice3A_1457[0] : f32 from vector<1xf32>
        %sub3A_1459 = arith.subf %squeeze3A_1458, %reduce_sum3A_1456 : f32
        %mul3A_1460 = arith.mulf %sub3A_1459, %sub3A_1459 : f32
        %add3A_1461 = arith.addf %add3A_1423, %mul3A_1460 : f32
        scf.yield %add3A_1461, %add3A_1445, %add3A_1449 : f32, vector<16xf32>, vector<16xf32>
      } else {
        %jit3A_1170 = arith.constant 3 : i32
        %eq3A_1171 = arith.constant 0 : i32
        %eq3A_1172 = arith.cmpi eq, %jit3A_1170, %eq3A_1171 : i32
        %jit3A_1173 = arith.constant 1 : i32
        %select_n3A_1174 = arith.select %eq3A_1172, %jit3A_1173, %jit3A_1170 : i32
        %rem3A_1175 = arith.remsi %scan3A_1075, %select_n3A_1174 : i32
        %ne3A_1176 = arith.constant 0 : i32
        %ne3A_1177 = arith.cmpi ne, %rem3A_1175, %ne3A_1176 : i32
        %lt3A_1178 = arith.constant 0 : i32
        %lt3A_1179 = arith.cmpi slt, %rem3A_1175, %lt3A_1178 : i32
        %lt3A_1180 = arith.constant 0 : i32
        %lt3A_1181 = arith.cmpi slt, %select_n3A_1174, %lt3A_1180 : i32
        %ne3A_1182 = arith.xori %lt3A_1179, %lt3A_1181 : i1
        %and3A_1183 = arith.andi %ne3A_1182, %ne3A_1177 : i1
        %add3A_1184 = arith.addi %rem3A_1175, %select_n3A_1174 : i32
        %select_n3A_1185 = arith.select %and3A_1183, %add3A_1184, %rem3A_1175 : i32
        %eq3A_1186 = arith.constant 1 : i32
        %eq3A_1187 = arith.cmpi eq, %select_n3A_1185, %eq3A_1186 : i32
        %convert_element_type3A_1188 = arith.extui %eq3A_1187 : i1 to i32
        %cond3A_1189 = arith.constant 0 : i32
        %cond3A_1190 = arith.cmpi ne, %convert_element_type3A_1188, %cond3A_1189 : i32
        %cond3A_1191:3 = scf.if %cond3A_1190 -> (f32, vector<16xf32>, vector<16xf32>) {
          %dma_wait3A = arith.constant 1 : i32
          %dma_wait3A_1192 = arith.constant 0 : i32
          %dma_wait3A_1193 = arith.constant 0 : i32
          %dma_wait3A_1194 = arith.constant 0 : i32
          %dma_wait3A_1195 = tpu.memref_slice %arg11[%dma_wait3A, %dma_wait3A_1192, %dma_wait3A_1193, %dma_wait3A_1194] : memref<3x4x32x128xf32, #tpu.memory_space<vmem>> -> memref<1x1x32x128xf32, #tpu.memory_space<vmem>>
          %dma_wait3A_1196 = tpu.memref_squeeze %dma_wait3A_1195 : memref<1x1x32x128xf32, #tpu.memory_space<vmem>> -> memref<32x128xf32, #tpu.memory_space<vmem>>
          %dma_wait3A_1197 = arith.constant 0 : i32
          %dma_wait3A_1198 = arith.constant 0 : i32
          %dma_wait3A_1199 = tpu.memref_slice %arg5[%dma_wait3A_1197, %dma_wait3A_1198] : memref<32x1000000xf32, #tpu.memory_space<hbm>> -> memref<32x128xf32, #tpu.memory_space<hbm>>
          %dma_wait3A_1200 = arith.constant 0 : i32
          %dma_wait3A_1201 = arith.constant 0 : i32
          %dma_wait3A_1202 = tpu.memref_slice %arg11[%dma_wait3A, %dma_wait3A_1192, %dma_wait3A_1200, %dma_wait3A_1201] : memref<3x4x32x128xf32, #tpu.memory_space<vmem>> -> memref<1x1x32x128xf32, #tpu.memory_space<vmem>>
          %dma_wait3A_1203 = tpu.memref_squeeze %dma_wait3A_1202 : memref<1x1x32x128xf32, #tpu.memory_space<vmem>> -> memref<32x128xf32, #tpu.memory_space<vmem>>
          %dma_wait3A_1204 = arith.constant 0 : i32
          %dma_wait3A_1205 = arith.constant 0 : i32
          %dma_wait3A_1206 = tpu.memref_slice %arg5[%dma_wait3A_1204, %dma_wait3A_1205] : memref<32x1000000xf32, #tpu.memory_space<hbm>> -> memref<32x128xf32, #tpu.memory_space<hbm>>
          tpu.wait_dma2 semaphore(%arg18 : memref<!tpu.dma_semaphore, #tpu.memory_space<semaphore_mem>>) src(%dma_wait3A_1206 : memref<32x128xf32, #tpu.memory_space<hbm>>) dst(%dma_wait3A_1203 : memref<32x128xf32, #tpu.memory_space<vmem>>)
          %dma_wait3A_1207 = arith.constant 1 : i32
          %dma_wait3A_1208 = arith.constant 0 : i32
          %dma_wait3A_1209 = arith.constant 0 : i32
          %dma_wait3A_1210 = arith.constant 0 : i32
          %dma_wait3A_1211 = tpu.memref_slice %arg12[%dma_wait3A_1207, %dma_wait3A_1208, %dma_wait3A_1209, %dma_wait3A_1210] : memref<3x4x32x128xf32, #tpu.memory_space<vmem>> -> memref<1x1x32x128xf32, #tpu.memory_space<vmem>>
          %dma_wait3A_1212 = tpu.memref_squeeze %dma_wait3A_1211 : memref<1x1x32x128xf32, #tpu.memory_space<vmem>> -> memref<32x128xf32, #tpu.memory_space<vmem>>
          %dma_wait3A_1213 = arith.constant 0 : i32
          %dma_wait3A_1214 = arith.constant 0 : i32
          %dma_wait3A_1215 = tpu.memref_slice %arg6[%dma_wait3A_1213, %dma_wait3A_1214] : memref<32x1000000xf32, #tpu.memory_space<hbm>> -> memref<32x128xf32, #tpu.memory_space<hbm>>
          %dma_wait3A_1216 = arith.constant 0 : i32
          %dma_wait3A_1217 = arith.constant 0 : i32
          %dma_wait3A_1218 = tpu.memref_slice %arg12[%dma_wait3A_1207, %dma_wait3A_1208, %dma_wait3A_1216, %dma_wait3A_1217] : memref<3x4x32x128xf32, #tpu.memory_space<vmem>> -> memref<1x1x32x128xf32, #tpu.memory_space<vmem>>
          %dma_wait3A_1219 = tpu.memref_squeeze %dma_wait3A_1218 : memref<1x1x32x128xf32, #tpu.memory_space<vmem>> -> memref<32x128xf32, #tpu.memory_space<vmem>>
          %dma_wait3A_1220 = arith.constant 0 : i32
          %dma_wait3A_1221 = arith.constant 0 : i32
          %dma_wait3A_1222 = tpu.memref_slice %arg6[%dma_wait3A_1220, %dma_wait3A_1221] : memref<32x1000000xf32, #tpu.memory_space<hbm>> -> memref<32x128xf32, #tpu.memory_space<hbm>>
          tpu.wait_dma2 semaphore(%arg18 : memref<!tpu.dma_semaphore, #tpu.memory_space<semaphore_mem>>) src(%dma_wait3A_1222 : memref<32x128xf32, #tpu.memory_space<hbm>>) dst(%dma_wait3A_1219 : memref<32x128xf32, #tpu.memory_space<vmem>>)
          %dma_wait3A_1223 = arith.constant 1 : i32
          %dma_wait3A_1224 = arith.constant 1 : i32
          %dma_wait3A_1225 = arith.constant 0 : i32
          %dma_wait3A_1226 = arith.constant 0 : i32
          %dma_wait3A_1227 = tpu.memref_slice %arg11[%dma_wait3A_1223, %dma_wait3A_1224, %dma_wait3A_1225, %dma_wait3A_1226] : memref<3x4x32x128xf32, #tpu.memory_space<vmem>> -> memref<1x1x32x128xf32, #tpu.memory_space<vmem>>
          %dma_wait3A_1228 = tpu.memref_squeeze %dma_wait3A_1227 : memref<1x1x32x128xf32, #tpu.memory_space<vmem>> -> memref<32x128xf32, #tpu.memory_space<vmem>>
          %dma_wait3A_1229 = arith.constant 0 : i32
          %dma_wait3A_1230 = arith.constant 0 : i32
          %dma_wait3A_1231 = tpu.memref_slice %arg5[%dma_wait3A_1229, %dma_wait3A_1230] : memref<32x1000000xf32, #tpu.memory_space<hbm>> -> memref<32x128xf32, #tpu.memory_space<hbm>>
          %dma_wait3A_1232 = arith.constant 0 : i32
          %dma_wait3A_1233 = arith.constant 0 : i32
          %dma_wait3A_1234 = tpu.memref_slice %arg11[%dma_wait3A_1223, %dma_wait3A_1224, %dma_wait3A_1232, %dma_wait3A_1233] : memref<3x4x32x128xf32, #tpu.memory_space<vmem>> -> memref<1x1x32x128xf32, #tpu.memory_space<vmem>>
          %dma_wait3A_1235 = tpu.memref_squeeze %dma_wait3A_1234 : memref<1x1x32x128xf32, #tpu.memory_space<vmem>> -> memref<32x128xf32, #tpu.memory_space<vmem>>
          %dma_wait3A_1236 = arith.constant 0 : i32
          %dma_wait3A_1237 = arith.constant 0 : i32
          %dma_wait3A_1238 = tpu.memref_slice %arg5[%dma_wait3A_1236, %dma_wait3A_1237] : memref<32x1000000xf32, #tpu.memory_space<hbm>> -> memref<32x128xf32, #tpu.memory_space<hbm>>
          tpu.wait_dma2 semaphore(%arg18 : memref<!tpu.dma_semaphore, #tpu.memory_space<semaphore_mem>>) src(%dma_wait3A_1238 : memref<32x128xf32, #tpu.memory_space<hbm>>) dst(%dma_wait3A_1235 : memref<32x128xf32, #tpu.memory_space<vmem>>)
          %dma_wait3A_1239 = arith.constant 1 : i32
          %dma_wait3A_1240 = arith.constant 1 : i32
          %dma_wait3A_1241 = arith.constant 0 : i32
          %dma_wait3A_1242 = arith.constant 0 : i32
          %dma_wait3A_1243 = tpu.memref_slice %arg12[%dma_wait3A_1239, %dma_wait3A_1240, %dma_wait3A_1241, %dma_wait3A_1242] : memref<3x4x32x128xf32, #tpu.memory_space<vmem>> -> memref<1x1x32x128xf32, #tpu.memory_space<vmem>>
          %dma_wait3A_1244 = tpu.memref_squeeze %dma_wait3A_1243 : memref<1x1x32x128xf32, #tpu.memory_space<vmem>> -> memref<32x128xf32, #tpu.memory_space<vmem>>
          %dma_wait3A_1245 = arith.constant 0 : i32
          %dma_wait3A_1246 = arith.constant 0 : i32
          %dma_wait3A_1247 = tpu.memref_slice %arg6[%dma_wait3A_1245, %dma_wait3A_1246] : memref<32x1000000xf32, #tpu.memory_space<hbm>> -> memref<32x128xf32, #tpu.memory_space<hbm>>
          %dma_wait3A_1248 = arith.constant 0 : i32
          %dma_wait3A_1249 = arith.constant 0 : i32
          %dma_wait3A_1250 = tpu.memref_slice %arg12[%dma_wait3A_1239, %dma_wait3A_1240, %dma_wait3A_1248, %dma_wait3A_1249] : memref<3x4x32x128xf32, #tpu.memory_space<vmem>> -> memref<1x1x32x128xf32, #tpu.memory_space<vmem>>
          %dma_wait3A_1251 = tpu.memref_squeeze %dma_wait3A_1250 : memref<1x1x32x128xf32, #tpu.memory_space<vmem>> -> memref<32x128xf32, #tpu.memory_space<vmem>>
          %dma_wait3A_1252 = arith.constant 0 : i32
          %dma_wait3A_1253 = arith.constant 0 : i32
          %dma_wait3A_1254 = tpu.memref_slice %arg6[%dma_wait3A_1252, %dma_wait3A_1253] : memref<32x1000000xf32, #tpu.memory_space<hbm>> -> memref<32x128xf32, #tpu.memory_space<hbm>>
          tpu.wait_dma2 semaphore(%arg18 : memref<!tpu.dma_semaphore, #tpu.memory_space<semaphore_mem>>) src(%dma_wait3A_1254 : memref<32x128xf32, #tpu.memory_space<hbm>>) dst(%dma_wait3A_1251 : memref<32x128xf32, #tpu.memory_space<vmem>>)
          %dma_wait3A_1255 = arith.constant 1 : i32
          %dma_wait3A_1256 = arith.constant 2 : i32
          %dma_wait3A_1257 = arith.constant 0 : i32
          %dma_wait3A_1258 = arith.constant 0 : i32
          %dma_wait3A_1259 = tpu.memref_slice %arg11[%dma_wait3A_1255, %dma_wait3A_1256, %dma_wait3A_1257, %dma_wait3A_1258] : memref<3x4x32x128xf32, #tpu.memory_space<vmem>> -> memref<1x1x32x128xf32, #tpu.memory_space<vmem>>
          %dma_wait3A_1260 = tpu.memref_squeeze %dma_wait3A_1259 : memref<1x1x32x128xf32, #tpu.memory_space<vmem>> -> memref<32x128xf32, #tpu.memory_space<vmem>>
          %dma_wait3A_1261 = arith.constant 0 : i32
          %dma_wait3A_1262 = arith.constant 0 : i32
          %dma_wait3A_1263 = tpu.memref_slice %arg5[%dma_wait3A_1261, %dma_wait3A_1262] : memref<32x1000000xf32, #tpu.memory_space<hbm>> -> memref<32x128xf32, #tpu.memory_space<hbm>>
          %dma_wait3A_1264 = arith.constant 0 : i32
          %dma_wait3A_1265 = arith.constant 0 : i32
          %dma_wait3A_1266 = tpu.memref_slice %arg11[%dma_wait3A_1255, %dma_wait3A_1256, %dma_wait3A_1264, %dma_wait3A_1265] : memref<3x4x32x128xf32, #tpu.memory_space<vmem>> -> memref<1x1x32x128xf32, #tpu.memory_space<vmem>>
          %dma_wait3A_1267 = tpu.memref_squeeze %dma_wait3A_1266 : memref<1x1x32x128xf32, #tpu.memory_space<vmem>> -> memref<32x128xf32, #tpu.memory_space<vmem>>
          %dma_wait3A_1268 = arith.constant 0 : i32
          %dma_wait3A_1269 = arith.constant 0 : i32
          %dma_wait3A_1270 = tpu.memref_slice %arg5[%dma_wait3A_1268, %dma_wait3A_1269] : memref<32x1000000xf32, #tpu.memory_space<hbm>> -> memref<32x128xf32, #tpu.memory_space<hbm>>
          tpu.wait_dma2 semaphore(%arg18 : memref<!tpu.dma_semaphore, #tpu.memory_space<semaphore_mem>>) src(%dma_wait3A_1270 : memref<32x128xf32, #tpu.memory_space<hbm>>) dst(%dma_wait3A_1267 : memref<32x128xf32, #tpu.memory_space<vmem>>)
          %dma_wait3A_1271 = arith.constant 1 : i32
          %dma_wait3A_1272 = arith.constant 2 : i32
          %dma_wait3A_1273 = arith.constant 0 : i32
          %dma_wait3A_1274 = arith.constant 0 : i32
          %dma_wait3A_1275 = tpu.memref_slice %arg12[%dma_wait3A_1271, %dma_wait3A_1272, %dma_wait3A_1273, %dma_wait3A_1274] : memref<3x4x32x128xf32, #tpu.memory_space<vmem>> -> memref<1x1x32x128xf32, #tpu.memory_space<vmem>>
          %dma_wait3A_1276 = tpu.memref_squeeze %dma_wait3A_1275 : memref<1x1x32x128xf32, #tpu.memory_space<vmem>> -> memref<32x128xf32, #tpu.memory_space<vmem>>
          %dma_wait3A_1277 = arith.constant 0 : i32
          %dma_wait3A_1278 = arith.constant 0 : i32
          %dma_wait3A_1279 = tpu.memref_slice %arg6[%dma_wait3A_1277, %dma_wait3A_1278] : memref<32x1000000xf32, #tpu.memory_space<hbm>> -> memref<32x128xf32, #tpu.memory_space<hbm>>
          %dma_wait3A_1280 = arith.constant 0 : i32
          %dma_wait3A_1281 = arith.constant 0 : i32
          %dma_wait3A_1282 = tpu.memref_slice %arg12[%dma_wait3A_1271, %dma_wait3A_1272, %dma_wait3A_1280, %dma_wait3A_1281] : memref<3x4x32x128xf32, #tpu.memory_space<vmem>> -> memref<1x1x32x128xf32, #tpu.memory_space<vmem>>
          %dma_wait3A_1283 = tpu.memref_squeeze %dma_wait3A_1282 : memref<1x1x32x128xf32, #tpu.memory_space<vmem>> -> memref<32x128xf32, #tpu.memory_space<vmem>>
          %dma_wait3A_1284 = arith.constant 0 : i32
          %dma_wait3A_1285 = arith.constant 0 : i32
          %dma_wait3A_1286 = tpu.memref_slice %arg6[%dma_wait3A_1284, %dma_wait3A_1285] : memref<32x1000000xf32, #tpu.memory_space<hbm>> -> memref<32x128xf32, #tpu.memory_space<hbm>>
          tpu.wait_dma2 semaphore(%arg18 : memref<!tpu.dma_semaphore, #tpu.memory_space<semaphore_mem>>) src(%dma_wait3A_1286 : memref<32x128xf32, #tpu.memory_space<hbm>>) dst(%dma_wait3A_1283 : memref<32x128xf32, #tpu.memory_space<vmem>>)
          %dma_wait3A_1287 = arith.constant 1 : i32
          %dma_wait3A_1288 = arith.constant 3 : i32
          %dma_wait3A_1289 = arith.constant 0 : i32
          %dma_wait3A_1290 = arith.constant 0 : i32
          %dma_wait3A_1291 = tpu.memref_slice %arg11[%dma_wait3A_1287, %dma_wait3A_1288, %dma_wait3A_1289, %dma_wait3A_1290] : memref<3x4x32x128xf32, #tpu.memory_space<vmem>> -> memref<1x1x32x128xf32, #tpu.memory_space<vmem>>
          %dma_wait3A_1292 = tpu.memref_squeeze %dma_wait3A_1291 : memref<1x1x32x128xf32, #tpu.memory_space<vmem>> -> memref<32x128xf32, #tpu.memory_space<vmem>>
          %dma_wait3A_1293 = arith.constant 0 : i32
          %dma_wait3A_1294 = arith.constant 0 : i32
          %dma_wait3A_1295 = tpu.memref_slice %arg5[%dma_wait3A_1293, %dma_wait3A_1294] : memref<32x1000000xf32, #tpu.memory_space<hbm>> -> memref<32x128xf32, #tpu.memory_space<hbm>>
          %dma_wait3A_1296 = arith.constant 0 : i32
          %dma_wait3A_1297 = arith.constant 0 : i32
          %dma_wait3A_1298 = tpu.memref_slice %arg11[%dma_wait3A_1287, %dma_wait3A_1288, %dma_wait3A_1296, %dma_wait3A_1297] : memref<3x4x32x128xf32, #tpu.memory_space<vmem>> -> memref<1x1x32x128xf32, #tpu.memory_space<vmem>>
          %dma_wait3A_1299 = tpu.memref_squeeze %dma_wait3A_1298 : memref<1x1x32x128xf32, #tpu.memory_space<vmem>> -> memref<32x128xf32, #tpu.memory_space<vmem>>
          %dma_wait3A_1300 = arith.constant 0 : i32
          %dma_wait3A_1301 = arith.constant 0 : i32
          %dma_wait3A_1302 = tpu.memref_slice %arg5[%dma_wait3A_1300, %dma_wait3A_1301] : memref<32x1000000xf32, #tpu.memory_space<hbm>> -> memref<32x128xf32, #tpu.memory_space<hbm>>
          tpu.wait_dma2 semaphore(%arg18 : memref<!tpu.dma_semaphore, #tpu.memory_space<semaphore_mem>>) src(%dma_wait3A_1302 : memref<32x128xf32, #tpu.memory_space<hbm>>) dst(%dma_wait3A_1299 : memref<32x128xf32, #tpu.memory_space<vmem>>)
          %dma_wait3A_1303 = arith.constant 1 : i32
          %dma_wait3A_1304 = arith.constant 3 : i32
          %dma_wait3A_1305 = arith.constant 0 : i32
          %dma_wait3A_1306 = arith.constant 0 : i32
          %dma_wait3A_1307 = tpu.memref_slice %arg12[%dma_wait3A_1303, %dma_wait3A_1304, %dma_wait3A_1305, %dma_wait3A_1306] : memref<3x4x32x128xf32, #tpu.memory_space<vmem>> -> memref<1x1x32x128xf32, #tpu.memory_space<vmem>>
          %dma_wait3A_1308 = tpu.memref_squeeze %dma_wait3A_1307 : memref<1x1x32x128xf32, #tpu.memory_space<vmem>> -> memref<32x128xf32, #tpu.memory_space<vmem>>
          %dma_wait3A_1309 = arith.constant 0 : i32
          %dma_wait3A_1310 = arith.constant 0 : i32
          %dma_wait3A_1311 = tpu.memref_slice %arg6[%dma_wait3A_1309, %dma_wait3A_1310] : memref<32x1000000xf32, #tpu.memory_space<hbm>> -> memref<32x128xf32, #tpu.memory_space<hbm>>
          %dma_wait3A_1312 = arith.constant 0 : i32
          %dma_wait3A_1313 = arith.constant 0 : i32
          %dma_wait3A_1314 = tpu.memref_slice %arg12[%dma_wait3A_1303, %dma_wait3A_1304, %dma_wait3A_1312, %dma_wait3A_1313] : memref<3x4x32x128xf32, #tpu.memory_space<vmem>> -> memref<1x1x32x128xf32, #tpu.memory_space<vmem>>
          %dma_wait3A_1315 = tpu.memref_squeeze %dma_wait3A_1314 : memref<1x1x32x128xf32, #tpu.memory_space<vmem>> -> memref<32x128xf32, #tpu.memory_space<vmem>>
          %dma_wait3A_1316 = arith.constant 0 : i32
          %dma_wait3A_1317 = arith.constant 0 : i32
          %dma_wait3A_1318 = tpu.memref_slice %arg6[%dma_wait3A_1316, %dma_wait3A_1317] : memref<32x1000000xf32, #tpu.memory_space<hbm>> -> memref<32x128xf32, #tpu.memory_space<hbm>>
          tpu.wait_dma2 semaphore(%arg18 : memref<!tpu.dma_semaphore, #tpu.memory_space<semaphore_mem>>) src(%dma_wait3A_1318 : memref<32x128xf32, #tpu.memory_space<hbm>>) dst(%dma_wait3A_1315 : memref<32x128xf32, #tpu.memory_space<vmem>>)
          %mul3A_1319 = arith.constant 4 : i32
          %mul3A_1320 = arith.muli %scan3A_1075, %mul3A_1319 : i32
          %get3A_1321 = arith.index_cast %mul3A_1320 : i32 to index
          %get3A_1322 = tpu.vector_load %arg8[%get3A_1321] {strides = array<i32>} : memref<528xi32, #tpu.memory_space<vmem>>, vector<16xi32>,
          %and3A_1323 = arith.constant 127 : i32
          %and3A_1324 = vector.broadcast %and3A_1323 : i32 to vector<16xi32>
          %and3A_1325 = arith.andi %get3A_1322, %and3A_1324 : vector<16xi32>
          %get3A_1326 = arith.index_cast %mul3A_1320 : i32 to index
          %get3A_1327 = tpu.vector_load %arg9[%get3A_1326] {strides = array<i32>} : memref<528xi32, #tpu.memory_space<vmem>>, vector<16xi32>,
          %and3A_1328 = arith.constant 127 : i32
          %and3A_1329 = vector.broadcast %and3A_1328 : i32 to vector<16xi32>
          %and3A_1330 = arith.andi %get3A_1327, %and3A_1329 : vector<16xi32>
          %get3A_1331 = arith.index_cast %mul3A_1320 : i32 to index
          %get3A_1332 = tpu.vector_load %arg10[%get3A_1331] {strides = array<i32>} : memref<528xf32, #tpu.memory_space<vmem>>, vector<16xf32>,
          %broadcast_in_dim3A_1333 = arith.constant 1 : i32
          %broadcast_in_dim3A_1334 = vector.broadcast %broadcast_in_dim3A_1333 : i32 to vector<16xi32>
          %slice3A_1335 = vector.extract_strided_slice %and3A_1325 {offsets = [0], sizes = [1], strides = [1]} : vector<16xi32> to vector<1xi32>
          %squeeze3A_1336 = vector.extract %slice3A_1335[0] : i32 from vector<1xi32>
          %broadcast_in_dim3A_1337 = vector.broadcast %squeeze3A_1336 : i32 to vector<16xi32>
          %slice3A_1338 = vector.extract_strided_slice %and3A_1330 {offsets = [0], sizes = [1], strides = [1]} : vector<16xi32> to vector<1xi32>
          %squeeze3A_1339 = vector.extract %slice3A_1338[0] : i32 from vector<1xi32>
          %broadcast_in_dim3A_1340 = vector.broadcast %squeeze3A_1339 : i32 to vector<16xi32>
          %broadcast_in_dim3A_1341 = arith.constant 0 : i32
          %broadcast_in_dim3A_1342 = vector.broadcast %broadcast_in_dim3A_1341 : i32 to vector<16xi32>
          %gather3A = tpu.vector_load_idx %arg11[%broadcast_in_dim3A_1334, %broadcast_in_dim3A_1342, %iota3A, %broadcast_in_dim3A_1337] : memref<3x4x32x128xf32, #tpu.memory_space<vmem>>[vector<16xi32>, vector<16xi32>, vector<16xi32>, vector<16xi32>], vector<16xf32>,
          %add3A_1343 = arith.constant 16 : i32
          %add3A_1344 = vector.broadcast %add3A_1343 : i32 to vector<16xi32>
          %add3A_1345 = arith.addi %add3A_1344, %iota3A : vector<16xi32>
          %gather3A_1346 = tpu.vector_load_idx %arg11[%broadcast_in_dim3A_1334, %broadcast_in_dim3A_1342, %add3A_1345, %broadcast_in_dim3A_1337] : memref<3x4x32x128xf32, #tpu.memory_space<vmem>>[vector<16xi32>, vector<16xi32>, vector<16xi32>, vector<16xi32>], vector<16xf32>,
          %gather3A_1347 = tpu.vector_load_idx %arg12[%broadcast_in_dim3A_1334, %broadcast_in_dim3A_1342, %iota3A, %broadcast_in_dim3A_1340] : memref<3x4x32x128xf32, #tpu.memory_space<vmem>>[vector<16xi32>, vector<16xi32>, vector<16xi32>, vector<16xi32>], vector<16xf32>,
          %add3A_1348 = arith.constant 16 : i32
          %add3A_1349 = vector.broadcast %add3A_1348 : i32 to vector<16xi32>
          %add3A_1350 = arith.addi %add3A_1349, %iota3A : vector<16xi32>
          %gather3A_1351 = tpu.vector_load_idx %arg12[%broadcast_in_dim3A_1334, %broadcast_in_dim3A_1342, %add3A_1350, %broadcast_in_dim3A_1340] : memref<3x4x32x128xf32, #tpu.memory_space<vmem>>[vector<16xi32>, vector<16xi32>, vector<16xi32>, vector<16xi32>], vector<16xf32>,
          %mul3A_1352 = arith.mulf %gather3A, %gather3A : vector<16xf32>
          %add3A_1353 = arith.addf %scan3A_1077, %mul3A_1352 : vector<16xf32>
          %mul3A_1354 = arith.mulf %gather3A_1346, %gather3A_1346 : vector<16xf32>
          %add3A_1355 = arith.addf %add3A_1353, %mul3A_1354 : vector<16xf32>
          %mul3A_1356 = arith.mulf %gather3A_1347, %gather3A_1347 : vector<16xf32>
          %add3A_1357 = arith.addf %scan3A_1078, %mul3A_1356 : vector<16xf32>
          %mul3A_1358 = arith.mulf %gather3A_1351, %gather3A_1351 : vector<16xf32>
          %add3A_1359 = arith.addf %add3A_1357, %mul3A_1358 : vector<16xf32>
          %mul3A_1360 = arith.mulf %gather3A, %gather3A_1347 : vector<16xf32>
          %mul3A_1361 = arith.mulf %gather3A_1346, %gather3A_1351 : vector<16xf32>
          %add3A_1362 = arith.addf %mul3A_1360, %mul3A_1361 : vector<16xf32>
          %reduce_sum3A = arith.constant true
          %reduce_sum3A_1363 = vector.broadcast %reduce_sum3A : i1 to vector<16xi1>
          %reduce_sum3A_1364 = tpu.scan <sum>, %add3A_1362 masked %reduce_sum3A_1363 : vector<16xf32>, vector<16xi1> -> vector<16xf32>
          %reduce_sum3A_1365 = vector.extract %reduce_sum3A_1364[15] : f32 from vector<16xf32>
          %slice3A_1366 = vector.extract_strided_slice %get3A_1332 {offsets = [0], sizes = [1], strides = [1]} : vector<16xf32> to vector<1xf32>
          %squeeze3A_1367 = vector.extract %slice3A_1366[0] : f32 from vector<1xf32>
          %sub3A = arith.subf %squeeze3A_1367, %reduce_sum3A_1365 : f32
          %mul3A_1368 = arith.mulf %sub3A, %sub3A : f32
          %add3A_1369 = arith.addf %scan3A_1076, %mul3A_1368 : f32
          %slice3A_1370 = vector.extract_strided_slice %and3A_1325 {offsets = [1], sizes = [1], strides = [1]} : vector<16xi32> to vector<1xi32>
          %squeeze3A_1371 = vector.extract %slice3A_1370[0] : i32 from vector<1xi32>
          %broadcast_in_dim3A_1372 = vector.broadcast %squeeze3A_1371 : i32 to vector<16xi32>
          %slice3A_1373 = vector.extract_strided_slice %and3A_1330 {offsets = [1], sizes = [1], strides = [1]} : vector<16xi32> to vector<1xi32>
          %squeeze3A_1374 = vector.extract %slice3A_1373[0] : i32 from vector<1xi32>
          %broadcast_in_dim3A_1375 = vector.broadcast %squeeze3A_1374 : i32 to vector<16xi32>
          %broadcast_in_dim3A_1376 = arith.constant 1 : i32
          %broadcast_in_dim3A_1377 = vector.broadcast %broadcast_in_dim3A_1376 : i32 to vector<16xi32>
          %gather3A_1378 = tpu.vector_load_idx %arg11[%broadcast_in_dim3A_1334, %broadcast_in_dim3A_1377, %iota3A, %broadcast_in_dim3A_1372] : memref<3x4x32x128xf32, #tpu.memory_space<vmem>>[vector<16xi32>, vector<16xi32>, vector<16xi32>, vector<16xi32>], vector<16xf32>,
          %add3A_1379 = arith.constant 16 : i32
          %add3A_1380 = vector.broadcast %add3A_1379 : i32 to vector<16xi32>
          %add3A_1381 = arith.addi %add3A_1380, %iota3A : vector<16xi32>
          %gather3A_1382 = tpu.vector_load_idx %arg11[%broadcast_in_dim3A_1334, %broadcast_in_dim3A_1377, %add3A_1381, %broadcast_in_dim3A_1372] : memref<3x4x32x128xf32, #tpu.memory_space<vmem>>[vector<16xi32>, vector<16xi32>, vector<16xi32>, vector<16xi32>], vector<16xf32>,
          %gather3A_1383 = tpu.vector_load_idx %arg12[%broadcast_in_dim3A_1334, %broadcast_in_dim3A_1377, %iota3A, %broadcast_in_dim3A_1375] : memref<3x4x32x128xf32, #tpu.memory_space<vmem>>[vector<16xi32>, vector<16xi32>, vector<16xi32>, vector<16xi32>], vector<16xf32>,
          %add3A_1384 = arith.constant 16 : i32
          %add3A_1385 = vector.broadcast %add3A_1384 : i32 to vector<16xi32>
          %add3A_1386 = arith.addi %add3A_1385, %iota3A : vector<16xi32>
          %gather3A_1387 = tpu.vector_load_idx %arg12[%broadcast_in_dim3A_1334, %broadcast_in_dim3A_1377, %add3A_1386, %broadcast_in_dim3A_1375] : memref<3x4x32x128xf32, #tpu.memory_space<vmem>>[vector<16xi32>, vector<16xi32>, vector<16xi32>, vector<16xi32>], vector<16xf32>,
          %mul3A_1388 = arith.mulf %gather3A_1378, %gather3A_1378 : vector<16xf32>
          %add3A_1389 = arith.addf %add3A_1355, %mul3A_1388 : vector<16xf32>
          %mul3A_1390 = arith.mulf %gather3A_1382, %gather3A_1382 : vector<16xf32>
          %add3A_1391 = arith.addf %add3A_1389, %mul3A_1390 : vector<16xf32>
          %mul3A_1392 = arith.mulf %gather3A_1383, %gather3A_1383 : vector<16xf32>
          %add3A_1393 = arith.addf %add3A_1359, %mul3A_1392 : vector<16xf32>
          %mul3A_1394 = arith.mulf %gather3A_1387, %gather3A_1387 : vector<16xf32>
          %add3A_1395 = arith.addf %add3A_1393, %mul3A_1394 : vector<16xf32>
          %mul3A_1396 = arith.mulf %gather3A_1378, %gather3A_1383 : vector<16xf32>
          %mul3A_1397 = arith.mulf %gather3A_1382, %gather3A_1387 : vector<16xf32>
          %add3A_1398 = arith.addf %mul3A_1396, %mul3A_1397 : vector<16xf32>
          %reduce_sum3A_1399 = arith.constant true
          %reduce_sum3A_1400 = vector.broadcast %reduce_sum3A_1399 : i1 to vector<16xi1>
          %reduce_sum3A_1401 = tpu.scan <sum>, %add3A_1398 masked %reduce_sum3A_1400 : vector<16xf32>, vector<16xi1> -> vector<16xf32>
          %reduce_sum3A_1402 = vector.extract %reduce_sum3A_1401[15] : f32 from vector<16xf32>
          %slice3A_1403 = vector.extract_strided_slice %get3A_1332 {offsets = [1], sizes = [1], strides = [1]} : vector<16xf32> to vector<1xf32>
          %squeeze3A_1404 = vector.extract %slice3A_1403[0] : f32 from vector<1xf32>
          %sub3A_1405 = arith.subf %squeeze3A_1404, %reduce_sum3A_1402 : f32
          %mul3A_1406 = arith.mulf %sub3A_1405, %sub3A_1405 : f32
          %add3A_1407 = arith.addf %add3A_1369, %mul3A_1406 : f32
          %slice3A_1408 = vector.extract_strided_slice %and3A_1325 {offsets = [2], sizes = [1], strides = [1]} : vector<16xi32> to vector<1xi32>
          %squeeze3A_1409 = vector.extract %slice3A_1408[0] : i32 from vector<1xi32>
          %broadcast_in_dim3A_1410 = vector.broadcast %squeeze3A_1409 : i32 to vector<16xi32>
          %slice3A_1411 = vector.extract_strided_slice %and3A_1330 {offsets = [2], sizes = [1], strides = [1]} : vector<16xi32> to vector<1xi32>
          %squeeze3A_1412 = vector.extract %slice3A_1411[0] : i32 from vector<1xi32>
          %broadcast_in_dim3A_1413 = vector.broadcast %squeeze3A_1412 : i32 to vector<16xi32>
          %broadcast_in_dim3A_1414 = arith.constant 2 : i32
          %broadcast_in_dim3A_1415 = vector.broadcast %broadcast_in_dim3A_1414 : i32 to vector<16xi32>
          %gather3A_1416 = tpu.vector_load_idx %arg11[%broadcast_in_dim3A_1334, %broadcast_in_dim3A_1415, %iota3A, %broadcast_in_dim3A_1410] : memref<3x4x32x128xf32, #tpu.memory_space<vmem>>[vector<16xi32>, vector<16xi32>, vector<16xi32>, vector<16xi32>], vector<16xf32>,
          %add3A_1417 = arith.constant 16 : i32
          %add3A_1418 = vector.broadcast %add3A_1417 : i32 to vector<16xi32>
          %add3A_1419 = arith.addi %add3A_1418, %iota3A : vector<16xi32>
          %gather3A_1420 = tpu.vector_load_idx %arg11[%broadcast_in_dim3A_1334, %broadcast_in_dim3A_1415, %add3A_1419, %broadcast_in_dim3A_1410] : memref<3x4x32x128xf32, #tpu.memory_space<vmem>>[vector<16xi32>, vector<16xi32>, vector<16xi32>, vector<16xi32>], vector<16xf32>,
          %gather3A_1421 = tpu.vector_load_idx %arg12[%broadcast_in_dim3A_1334, %broadcast_in_dim3A_1415, %iota3A, %broadcast_in_dim3A_1413] : memref<3x4x32x128xf32, #tpu.memory_space<vmem>>[vector<16xi32>, vector<16xi32>, vector<16xi32>, vector<16xi32>], vector<16xf32>,
          %add3A_1422 = arith.constant 16 : i32
          %add3A_1423 = vector.broadcast %add3A_1422 : i32 to vector<16xi32>
          %add3A_1424 = arith.addi %add3A_1423, %iota3A : vector<16xi32>
          %gather3A_1425 = tpu.vector_load_idx %arg12[%broadcast_in_dim3A_1334, %broadcast_in_dim3A_1415, %add3A_1424, %broadcast_in_dim3A_1413] : memref<3x4x32x128xf32, #tpu.memory_space<vmem>>[vector<16xi32>, vector<16xi32>, vector<16xi32>, vector<16xi32>], vector<16xf32>,
          %mul3A_1426 = arith.mulf %gather3A_1416, %gather3A_1416 : vector<16xf32>
          %add3A_1427 = arith.addf %add3A_1391, %mul3A_1426 : vector<16xf32>
          %mul3A_1428 = arith.mulf %gather3A_1420, %gather3A_1420 : vector<16xf32>
          %add3A_1429 = arith.addf %add3A_1427, %mul3A_1428 : vector<16xf32>
          %mul3A_1430 = arith.mulf %gather3A_1421, %gather3A_1421 : vector<16xf32>
          %add3A_1431 = arith.addf %add3A_1395, %mul3A_1430 : vector<16xf32>
          %mul3A_1432 = arith.mulf %gather3A_1425, %gather3A_1425 : vector<16xf32>
          %add3A_1433 = arith.addf %add3A_1431, %mul3A_1432 : vector<16xf32>
          %mul3A_1434 = arith.mulf %gather3A_1416, %gather3A_1421 : vector<16xf32>
          %mul3A_1435 = arith.mulf %gather3A_1420, %gather3A_1425 : vector<16xf32>
          %add3A_1436 = arith.addf %mul3A_1434, %mul3A_1435 : vector<16xf32>
          %reduce_sum3A_1437 = arith.constant true
          %reduce_sum3A_1438 = vector.broadcast %reduce_sum3A_1437 : i1 to vector<16xi1>
          %reduce_sum3A_1439 = tpu.scan <sum>, %add3A_1436 masked %reduce_sum3A_1438 : vector<16xf32>, vector<16xi1> -> vector<16xf32>
          %reduce_sum3A_1440 = vector.extract %reduce_sum3A_1439[15] : f32 from vector<16xf32>
          %slice3A_1441 = vector.extract_strided_slice %get3A_1332 {offsets = [2], sizes = [1], strides = [1]} : vector<16xf32> to vector<1xf32>
          %squeeze3A_1442 = vector.extract %slice3A_1441[0] : f32 from vector<1xf32>
          %sub3A_1443 = arith.subf %squeeze3A_1442, %reduce_sum3A_1440 : f32
          %mul3A_1444 = arith.mulf %sub3A_1443, %sub3A_1443 : f32
          %add3A_1445 = arith.addf %add3A_1407, %mul3A_1444 : f32
          %slice3A_1446 = vector.extract_strided_slice %and3A_1325 {offsets = [3], sizes = [1], strides = [1]} : vector<16xi32> to vector<1xi32>
          %squeeze3A_1447 = vector.extract %slice3A_1446[0] : i32 from vector<1xi32>
          %broadcast_in_dim3A_1448 = vector.broadcast %squeeze3A_1447 : i32 to vector<16xi32>
          %slice3A_1449 = vector.extract_strided_slice %and3A_1330 {offsets = [3], sizes = [1], strides = [1]} : vector<16xi32> to vector<1xi32>
          %squeeze3A_1450 = vector.extract %slice3A_1449[0] : i32 from vector<1xi32>
          %broadcast_in_dim3A_1451 = vector.broadcast %squeeze3A_1450 : i32 to vector<16xi32>
          %broadcast_in_dim3A_1452 = arith.constant 3 : i32
          %broadcast_in_dim3A_1453 = vector.broadcast %broadcast_in_dim3A_1452 : i32 to vector<16xi32>
          %gather3A_1454 = tpu.vector_load_idx %arg11[%broadcast_in_dim3A_1334, %broadcast_in_dim3A_1453, %iota3A, %broadcast_in_dim3A_1448] : memref<3x4x32x128xf32, #tpu.memory_space<vmem>>[vector<16xi32>, vector<16xi32>, vector<16xi32>, vector<16xi32>], vector<16xf32>,
          %add3A_1455 = arith.constant 16 : i32
          %add3A_1456 = vector.broadcast %add3A_1455 : i32 to vector<16xi32>
          %add3A_1457 = arith.addi %add3A_1456, %iota3A : vector<16xi32>
          %gather3A_1458 = tpu.vector_load_idx %arg11[%broadcast_in_dim3A_1334, %broadcast_in_dim3A_1453, %add3A_1457, %broadcast_in_dim3A_1448] : memref<3x4x32x128xf32, #tpu.memory_space<vmem>>[vector<16xi32>, vector<16xi32>, vector<16xi32>, vector<16xi32>], vector<16xf32>,
          %gather3A_1459 = tpu.vector_load_idx %arg12[%broadcast_in_dim3A_1334, %broadcast_in_dim3A_1453, %iota3A, %broadcast_in_dim3A_1451] : memref<3x4x32x128xf32, #tpu.memory_space<vmem>>[vector<16xi32>, vector<16xi32>, vector<16xi32>, vector<16xi32>], vector<16xf32>,
          %add3A_1460 = arith.constant 16 : i32
          %add3A_1461 = vector.broadcast %add3A_1460 : i32 to vector<16xi32>
          %add3A_1462 = arith.addi %add3A_1461, %iota3A : vector<16xi32>
          %gather3A_1463 = tpu.vector_load_idx %arg12[%broadcast_in_dim3A_1334, %broadcast_in_dim3A_1453, %add3A_1462, %broadcast_in_dim3A_1451] : memref<3x4x32x128xf32, #tpu.memory_space<vmem>>[vector<16xi32>, vector<16xi32>, vector<16xi32>, vector<16xi32>], vector<16xf32>,
          %mul3A_1464 = arith.mulf %gather3A_1454, %gather3A_1454 : vector<16xf32>
          %add3A_1465 = arith.addf %add3A_1429, %mul3A_1464 : vector<16xf32>
          %mul3A_1466 = arith.mulf %gather3A_1458, %gather3A_1458 : vector<16xf32>
          %add3A_1467 = arith.addf %add3A_1465, %mul3A_1466 : vector<16xf32>
          %mul3A_1468 = arith.mulf %gather3A_1459, %gather3A_1459 : vector<16xf32>
          %add3A_1469 = arith.addf %add3A_1433, %mul3A_1468 : vector<16xf32>
          %mul3A_1470 = arith.mulf %gather3A_1463, %gather3A_1463 : vector<16xf32>
          %add3A_1471 = arith.addf %add3A_1469, %mul3A_1470 : vector<16xf32>
          %mul3A_1472 = arith.mulf %gather3A_1454, %gather3A_1459 : vector<16xf32>
          %mul3A_1473 = arith.mulf %gather3A_1458, %gather3A_1463 : vector<16xf32>
          %add3A_1474 = arith.addf %mul3A_1472, %mul3A_1473 : vector<16xf32>
          %reduce_sum3A_1475 = arith.constant true
          %reduce_sum3A_1476 = vector.broadcast %reduce_sum3A_1475 : i1 to vector<16xi1>
          %reduce_sum3A_1477 = tpu.scan <sum>, %add3A_1474 masked %reduce_sum3A_1476 : vector<16xf32>, vector<16xi1> -> vector<16xf32>
          %reduce_sum3A_1478 = vector.extract %reduce_sum3A_1477[15] : f32 from vector<16xf32>
          %slice3A_1479 = vector.extract_strided_slice %get3A_1332 {offsets = [3], sizes = [1], strides = [1]} : vector<16xf32> to vector<1xf32>
          %squeeze3A_1480 = vector.extract %slice3A_1479[0] : f32 from vector<1xf32>
          %sub3A_1481 = arith.subf %squeeze3A_1480, %reduce_sum3A_1478 : f32
          %mul3A_1482 = arith.mulf %sub3A_1481, %sub3A_1481 : f32
          %add3A_1483 = arith.addf %add3A_1445, %mul3A_1482 : f32
          scf.yield %add3A_1483, %add3A_1467, %add3A_1471 : f32, vector<16xf32>, vector<16xf32>
        } else {
          %dma_wait3A = arith.constant 2 : i32
          %dma_wait3A_1192 = arith.constant 0 : i32
          %dma_wait3A_1193 = arith.constant 0 : i32
          %dma_wait3A_1194 = arith.constant 0 : i32
          %dma_wait3A_1195 = tpu.memref_slice %arg11[%dma_wait3A, %dma_wait3A_1192, %dma_wait3A_1193, %dma_wait3A_1194] : memref<3x4x32x128xf32, #tpu.memory_space<vmem>> -> memref<1x1x32x128xf32, #tpu.memory_space<vmem>>
          %dma_wait3A_1196 = tpu.memref_squeeze %dma_wait3A_1195 : memref<1x1x32x128xf32, #tpu.memory_space<vmem>> -> memref<32x128xf32, #tpu.memory_space<vmem>>
          %dma_wait3A_1197 = arith.constant 0 : i32
          %dma_wait3A_1198 = arith.constant 0 : i32
          %dma_wait3A_1199 = tpu.memref_slice %arg5[%dma_wait3A_1197, %dma_wait3A_1198] : memref<32x1000000xf32, #tpu.memory_space<hbm>> -> memref<32x128xf32, #tpu.memory_space<hbm>>
          %dma_wait3A_1200 = arith.constant 0 : i32
          %dma_wait3A_1201 = arith.constant 0 : i32
          %dma_wait3A_1202 = tpu.memref_slice %arg11[%dma_wait3A, %dma_wait3A_1192, %dma_wait3A_1200, %dma_wait3A_1201] : memref<3x4x32x128xf32, #tpu.memory_space<vmem>> -> memref<1x1x32x128xf32, #tpu.memory_space<vmem>>
          %dma_wait3A_1203 = tpu.memref_squeeze %dma_wait3A_1202 : memref<1x1x32x128xf32, #tpu.memory_space<vmem>> -> memref<32x128xf32, #tpu.memory_space<vmem>>
          %dma_wait3A_1204 = arith.constant 0 : i32
          %dma_wait3A_1205 = arith.constant 0 : i32
          %dma_wait3A_1206 = tpu.memref_slice %arg5[%dma_wait3A_1204, %dma_wait3A_1205] : memref<32x1000000xf32, #tpu.memory_space<hbm>> -> memref<32x128xf32, #tpu.memory_space<hbm>>
          tpu.wait_dma2 semaphore(%arg19 : memref<!tpu.dma_semaphore, #tpu.memory_space<semaphore_mem>>) src(%dma_wait3A_1206 : memref<32x128xf32, #tpu.memory_space<hbm>>) dst(%dma_wait3A_1203 : memref<32x128xf32, #tpu.memory_space<vmem>>)
          %dma_wait3A_1207 = arith.constant 2 : i32
          %dma_wait3A_1208 = arith.constant 0 : i32
          %dma_wait3A_1209 = arith.constant 0 : i32
          %dma_wait3A_1210 = arith.constant 0 : i32
          %dma_wait3A_1211 = tpu.memref_slice %arg12[%dma_wait3A_1207, %dma_wait3A_1208, %dma_wait3A_1209, %dma_wait3A_1210] : memref<3x4x32x128xf32, #tpu.memory_space<vmem>> -> memref<1x1x32x128xf32, #tpu.memory_space<vmem>>
          %dma_wait3A_1212 = tpu.memref_squeeze %dma_wait3A_1211 : memref<1x1x32x128xf32, #tpu.memory_space<vmem>> -> memref<32x128xf32, #tpu.memory_space<vmem>>
          %dma_wait3A_1213 = arith.constant 0 : i32
          %dma_wait3A_1214 = arith.constant 0 : i32
          %dma_wait3A_1215 = tpu.memref_slice %arg6[%dma_wait3A_1213, %dma_wait3A_1214] : memref<32x1000000xf32, #tpu.memory_space<hbm>> -> memref<32x128xf32, #tpu.memory_space<hbm>>
          %dma_wait3A_1216 = arith.constant 0 : i32
          %dma_wait3A_1217 = arith.constant 0 : i32
          %dma_wait3A_1218 = tpu.memref_slice %arg12[%dma_wait3A_1207, %dma_wait3A_1208, %dma_wait3A_1216, %dma_wait3A_1217] : memref<3x4x32x128xf32, #tpu.memory_space<vmem>> -> memref<1x1x32x128xf32, #tpu.memory_space<vmem>>
          %dma_wait3A_1219 = tpu.memref_squeeze %dma_wait3A_1218 : memref<1x1x32x128xf32, #tpu.memory_space<vmem>> -> memref<32x128xf32, #tpu.memory_space<vmem>>
          %dma_wait3A_1220 = arith.constant 0 : i32
          %dma_wait3A_1221 = arith.constant 0 : i32
          %dma_wait3A_1222 = tpu.memref_slice %arg6[%dma_wait3A_1220, %dma_wait3A_1221] : memref<32x1000000xf32, #tpu.memory_space<hbm>> -> memref<32x128xf32, #tpu.memory_space<hbm>>
          tpu.wait_dma2 semaphore(%arg19 : memref<!tpu.dma_semaphore, #tpu.memory_space<semaphore_mem>>) src(%dma_wait3A_1222 : memref<32x128xf32, #tpu.memory_space<hbm>>) dst(%dma_wait3A_1219 : memref<32x128xf32, #tpu.memory_space<vmem>>)
          %dma_wait3A_1223 = arith.constant 2 : i32
          %dma_wait3A_1224 = arith.constant 1 : i32
          %dma_wait3A_1225 = arith.constant 0 : i32
          %dma_wait3A_1226 = arith.constant 0 : i32
          %dma_wait3A_1227 = tpu.memref_slice %arg11[%dma_wait3A_1223, %dma_wait3A_1224, %dma_wait3A_1225, %dma_wait3A_1226] : memref<3x4x32x128xf32, #tpu.memory_space<vmem>> -> memref<1x1x32x128xf32, #tpu.memory_space<vmem>>
          %dma_wait3A_1228 = tpu.memref_squeeze %dma_wait3A_1227 : memref<1x1x32x128xf32, #tpu.memory_space<vmem>> -> memref<32x128xf32, #tpu.memory_space<vmem>>
          %dma_wait3A_1229 = arith.constant 0 : i32
          %dma_wait3A_1230 = arith.constant 0 : i32
          %dma_wait3A_1231 = tpu.memref_slice %arg5[%dma_wait3A_1229, %dma_wait3A_1230] : memref<32x1000000xf32, #tpu.memory_space<hbm>> -> memref<32x128xf32, #tpu.memory_space<hbm>>
          %dma_wait3A_1232 = arith.constant 0 : i32
          %dma_wait3A_1233 = arith.constant 0 : i32
          %dma_wait3A_1234 = tpu.memref_slice %arg11[%dma_wait3A_1223, %dma_wait3A_1224, %dma_wait3A_1232, %dma_wait3A_1233] : memref<3x4x32x128xf32, #tpu.memory_space<vmem>> -> memref<1x1x32x128xf32, #tpu.memory_space<vmem>>
          %dma_wait3A_1235 = tpu.memref_squeeze %dma_wait3A_1234 : memref<1x1x32x128xf32, #tpu.memory_space<vmem>> -> memref<32x128xf32, #tpu.memory_space<vmem>>
          %dma_wait3A_1236 = arith.constant 0 : i32
          %dma_wait3A_1237 = arith.constant 0 : i32
          %dma_wait3A_1238 = tpu.memref_slice %arg5[%dma_wait3A_1236, %dma_wait3A_1237] : memref<32x1000000xf32, #tpu.memory_space<hbm>> -> memref<32x128xf32, #tpu.memory_space<hbm>>
          tpu.wait_dma2 semaphore(%arg19 : memref<!tpu.dma_semaphore, #tpu.memory_space<semaphore_mem>>) src(%dma_wait3A_1238 : memref<32x128xf32, #tpu.memory_space<hbm>>) dst(%dma_wait3A_1235 : memref<32x128xf32, #tpu.memory_space<vmem>>)
          %dma_wait3A_1239 = arith.constant 2 : i32
          %dma_wait3A_1240 = arith.constant 1 : i32
          %dma_wait3A_1241 = arith.constant 0 : i32
          %dma_wait3A_1242 = arith.constant 0 : i32
          %dma_wait3A_1243 = tpu.memref_slice %arg12[%dma_wait3A_1239, %dma_wait3A_1240, %dma_wait3A_1241, %dma_wait3A_1242] : memref<3x4x32x128xf32, #tpu.memory_space<vmem>> -> memref<1x1x32x128xf32, #tpu.memory_space<vmem>>
          %dma_wait3A_1244 = tpu.memref_squeeze %dma_wait3A_1243 : memref<1x1x32x128xf32, #tpu.memory_space<vmem>> -> memref<32x128xf32, #tpu.memory_space<vmem>>
          %dma_wait3A_1245 = arith.constant 0 : i32
          %dma_wait3A_1246 = arith.constant 0 : i32
          %dma_wait3A_1247 = tpu.memref_slice %arg6[%dma_wait3A_1245, %dma_wait3A_1246] : memref<32x1000000xf32, #tpu.memory_space<hbm>> -> memref<32x128xf32, #tpu.memory_space<hbm>>
          %dma_wait3A_1248 = arith.constant 0 : i32
          %dma_wait3A_1249 = arith.constant 0 : i32
          %dma_wait3A_1250 = tpu.memref_slice %arg12[%dma_wait3A_1239, %dma_wait3A_1240, %dma_wait3A_1248, %dma_wait3A_1249] : memref<3x4x32x128xf32, #tpu.memory_space<vmem>> -> memref<1x1x32x128xf32, #tpu.memory_space<vmem>>
          %dma_wait3A_1251 = tpu.memref_squeeze %dma_wait3A_1250 : memref<1x1x32x128xf32, #tpu.memory_space<vmem>> -> memref<32x128xf32, #tpu.memory_space<vmem>>
          %dma_wait3A_1252 = arith.constant 0 : i32
          %dma_wait3A_1253 = arith.constant 0 : i32
          %dma_wait3A_1254 = tpu.memref_slice %arg6[%dma_wait3A_1252, %dma_wait3A_1253] : memref<32x1000000xf32, #tpu.memory_space<hbm>> -> memref<32x128xf32, #tpu.memory_space<hbm>>
          tpu.wait_dma2 semaphore(%arg19 : memref<!tpu.dma_semaphore, #tpu.memory_space<semaphore_mem>>) src(%dma_wait3A_1254 : memref<32x128xf32, #tpu.memory_space<hbm>>) dst(%dma_wait3A_1251 : memref<32x128xf32, #tpu.memory_space<vmem>>)
          %dma_wait3A_1255 = arith.constant 2 : i32
          %dma_wait3A_1256 = arith.constant 2 : i32
          %dma_wait3A_1257 = arith.constant 0 : i32
          %dma_wait3A_1258 = arith.constant 0 : i32
          %dma_wait3A_1259 = tpu.memref_slice %arg11[%dma_wait3A_1255, %dma_wait3A_1256, %dma_wait3A_1257, %dma_wait3A_1258] : memref<3x4x32x128xf32, #tpu.memory_space<vmem>> -> memref<1x1x32x128xf32, #tpu.memory_space<vmem>>
          %dma_wait3A_1260 = tpu.memref_squeeze %dma_wait3A_1259 : memref<1x1x32x128xf32, #tpu.memory_space<vmem>> -> memref<32x128xf32, #tpu.memory_space<vmem>>
          %dma_wait3A_1261 = arith.constant 0 : i32
          %dma_wait3A_1262 = arith.constant 0 : i32
          %dma_wait3A_1263 = tpu.memref_slice %arg5[%dma_wait3A_1261, %dma_wait3A_1262] : memref<32x1000000xf32, #tpu.memory_space<hbm>> -> memref<32x128xf32, #tpu.memory_space<hbm>>
          %dma_wait3A_1264 = arith.constant 0 : i32
          %dma_wait3A_1265 = arith.constant 0 : i32
          %dma_wait3A_1266 = tpu.memref_slice %arg11[%dma_wait3A_1255, %dma_wait3A_1256, %dma_wait3A_1264, %dma_wait3A_1265] : memref<3x4x32x128xf32, #tpu.memory_space<vmem>> -> memref<1x1x32x128xf32, #tpu.memory_space<vmem>>
          %dma_wait3A_1267 = tpu.memref_squeeze %dma_wait3A_1266 : memref<1x1x32x128xf32, #tpu.memory_space<vmem>> -> memref<32x128xf32, #tpu.memory_space<vmem>>
          %dma_wait3A_1268 = arith.constant 0 : i32
          %dma_wait3A_1269 = arith.constant 0 : i32
          %dma_wait3A_1270 = tpu.memref_slice %arg5[%dma_wait3A_1268, %dma_wait3A_1269] : memref<32x1000000xf32, #tpu.memory_space<hbm>> -> memref<32x128xf32, #tpu.memory_space<hbm>>
          tpu.wait_dma2 semaphore(%arg19 : memref<!tpu.dma_semaphore, #tpu.memory_space<semaphore_mem>>) src(%dma_wait3A_1270 : memref<32x128xf32, #tpu.memory_space<hbm>>) dst(%dma_wait3A_1267 : memref<32x128xf32, #tpu.memory_space<vmem>>)
          %dma_wait3A_1271 = arith.constant 2 : i32
          %dma_wait3A_1272 = arith.constant 2 : i32
          %dma_wait3A_1273 = arith.constant 0 : i32
          %dma_wait3A_1274 = arith.constant 0 : i32
          %dma_wait3A_1275 = tpu.memref_slice %arg12[%dma_wait3A_1271, %dma_wait3A_1272, %dma_wait3A_1273, %dma_wait3A_1274] : memref<3x4x32x128xf32, #tpu.memory_space<vmem>> -> memref<1x1x32x128xf32, #tpu.memory_space<vmem>>
          %dma_wait3A_1276 = tpu.memref_squeeze %dma_wait3A_1275 : memref<1x1x32x128xf32, #tpu.memory_space<vmem>> -> memref<32x128xf32, #tpu.memory_space<vmem>>
          %dma_wait3A_1277 = arith.constant 0 : i32
          %dma_wait3A_1278 = arith.constant 0 : i32
          %dma_wait3A_1279 = tpu.memref_slice %arg6[%dma_wait3A_1277, %dma_wait3A_1278] : memref<32x1000000xf32, #tpu.memory_space<hbm>> -> memref<32x128xf32, #tpu.memory_space<hbm>>
          %dma_wait3A_1280 = arith.constant 0 : i32
          %dma_wait3A_1281 = arith.constant 0 : i32
          %dma_wait3A_1282 = tpu.memref_slice %arg12[%dma_wait3A_1271, %dma_wait3A_1272, %dma_wait3A_1280, %dma_wait3A_1281] : memref<3x4x32x128xf32, #tpu.memory_space<vmem>> -> memref<1x1x32x128xf32, #tpu.memory_space<vmem>>
          %dma_wait3A_1283 = tpu.memref_squeeze %dma_wait3A_1282 : memref<1x1x32x128xf32, #tpu.memory_space<vmem>> -> memref<32x128xf32, #tpu.memory_space<vmem>>
          %dma_wait3A_1284 = arith.constant 0 : i32
          %dma_wait3A_1285 = arith.constant 0 : i32
          %dma_wait3A_1286 = tpu.memref_slice %arg6[%dma_wait3A_1284, %dma_wait3A_1285] : memref<32x1000000xf32, #tpu.memory_space<hbm>> -> memref<32x128xf32, #tpu.memory_space<hbm>>
          tpu.wait_dma2 semaphore(%arg19 : memref<!tpu.dma_semaphore, #tpu.memory_space<semaphore_mem>>) src(%dma_wait3A_1286 : memref<32x128xf32, #tpu.memory_space<hbm>>) dst(%dma_wait3A_1283 : memref<32x128xf32, #tpu.memory_space<vmem>>)
          %dma_wait3A_1287 = arith.constant 2 : i32
          %dma_wait3A_1288 = arith.constant 3 : i32
          %dma_wait3A_1289 = arith.constant 0 : i32
          %dma_wait3A_1290 = arith.constant 0 : i32
          %dma_wait3A_1291 = tpu.memref_slice %arg11[%dma_wait3A_1287, %dma_wait3A_1288, %dma_wait3A_1289, %dma_wait3A_1290] : memref<3x4x32x128xf32, #tpu.memory_space<vmem>> -> memref<1x1x32x128xf32, #tpu.memory_space<vmem>>
          %dma_wait3A_1292 = tpu.memref_squeeze %dma_wait3A_1291 : memref<1x1x32x128xf32, #tpu.memory_space<vmem>> -> memref<32x128xf32, #tpu.memory_space<vmem>>
          %dma_wait3A_1293 = arith.constant 0 : i32
          %dma_wait3A_1294 = arith.constant 0 : i32
          %dma_wait3A_1295 = tpu.memref_slice %arg5[%dma_wait3A_1293, %dma_wait3A_1294] : memref<32x1000000xf32, #tpu.memory_space<hbm>> -> memref<32x128xf32, #tpu.memory_space<hbm>>
          %dma_wait3A_1296 = arith.constant 0 : i32
          %dma_wait3A_1297 = arith.constant 0 : i32
          %dma_wait3A_1298 = tpu.memref_slice %arg11[%dma_wait3A_1287, %dma_wait3A_1288, %dma_wait3A_1296, %dma_wait3A_1297] : memref<3x4x32x128xf32, #tpu.memory_space<vmem>> -> memref<1x1x32x128xf32, #tpu.memory_space<vmem>>
          %dma_wait3A_1299 = tpu.memref_squeeze %dma_wait3A_1298 : memref<1x1x32x128xf32, #tpu.memory_space<vmem>> -> memref<32x128xf32, #tpu.memory_space<vmem>>
          %dma_wait3A_1300 = arith.constant 0 : i32
          %dma_wait3A_1301 = arith.constant 0 : i32
          %dma_wait3A_1302 = tpu.memref_slice %arg5[%dma_wait3A_1300, %dma_wait3A_1301] : memref<32x1000000xf32, #tpu.memory_space<hbm>> -> memref<32x128xf32, #tpu.memory_space<hbm>>
          tpu.wait_dma2 semaphore(%arg19 : memref<!tpu.dma_semaphore, #tpu.memory_space<semaphore_mem>>) src(%dma_wait3A_1302 : memref<32x128xf32, #tpu.memory_space<hbm>>) dst(%dma_wait3A_1299 : memref<32x128xf32, #tpu.memory_space<vmem>>)
          %dma_wait3A_1303 = arith.constant 2 : i32
          %dma_wait3A_1304 = arith.constant 3 : i32
          %dma_wait3A_1305 = arith.constant 0 : i32
          %dma_wait3A_1306 = arith.constant 0 : i32
          %dma_wait3A_1307 = tpu.memref_slice %arg12[%dma_wait3A_1303, %dma_wait3A_1304, %dma_wait3A_1305, %dma_wait3A_1306] : memref<3x4x32x128xf32, #tpu.memory_space<vmem>> -> memref<1x1x32x128xf32, #tpu.memory_space<vmem>>
          %dma_wait3A_1308 = tpu.memref_squeeze %dma_wait3A_1307 : memref<1x1x32x128xf32, #tpu.memory_space<vmem>> -> memref<32x128xf32, #tpu.memory_space<vmem>>
          %dma_wait3A_1309 = arith.constant 0 : i32
          %dma_wait3A_1310 = arith.constant 0 : i32
          %dma_wait3A_1311 = tpu.memref_slice %arg6[%dma_wait3A_1309, %dma_wait3A_1310] : memref<32x1000000xf32, #tpu.memory_space<hbm>> -> memref<32x128xf32, #tpu.memory_space<hbm>>
          %dma_wait3A_1312 = arith.constant 0 : i32
          %dma_wait3A_1313 = arith.constant 0 : i32
          %dma_wait3A_1314 = tpu.memref_slice %arg12[%dma_wait3A_1303, %dma_wait3A_1304, %dma_wait3A_1312, %dma_wait3A_1313] : memref<3x4x32x128xf32, #tpu.memory_space<vmem>> -> memref<1x1x32x128xf32, #tpu.memory_space<vmem>>
          %dma_wait3A_1315 = tpu.memref_squeeze %dma_wait3A_1314 : memref<1x1x32x128xf32, #tpu.memory_space<vmem>> -> memref<32x128xf32, #tpu.memory_space<vmem>>
          %dma_wait3A_1316 = arith.constant 0 : i32
          %dma_wait3A_1317 = arith.constant 0 : i32
          %dma_wait3A_1318 = tpu.memref_slice %arg6[%dma_wait3A_1316, %dma_wait3A_1317] : memref<32x1000000xf32, #tpu.memory_space<hbm>> -> memref<32x128xf32, #tpu.memory_space<hbm>>
          tpu.wait_dma2 semaphore(%arg19 : memref<!tpu.dma_semaphore, #tpu.memory_space<semaphore_mem>>) src(%dma_wait3A_1318 : memref<32x128xf32, #tpu.memory_space<hbm>>) dst(%dma_wait3A_1315 : memref<32x128xf32, #tpu.memory_space<vmem>>)
          %mul3A_1319 = arith.constant 4 : i32
          %mul3A_1320 = arith.muli %scan3A_1075, %mul3A_1319 : i32
          %get3A_1321 = arith.index_cast %mul3A_1320 : i32 to index
          %get3A_1322 = tpu.vector_load %arg8[%get3A_1321] {strides = array<i32>} : memref<528xi32, #tpu.memory_space<vmem>>, vector<16xi32>,
          %and3A_1323 = arith.constant 127 : i32
          %and3A_1324 = vector.broadcast %and3A_1323 : i32 to vector<16xi32>
          %and3A_1325 = arith.andi %get3A_1322, %and3A_1324 : vector<16xi32>
          %get3A_1326 = arith.index_cast %mul3A_1320 : i32 to index
          %get3A_1327 = tpu.vector_load %arg9[%get3A_1326] {strides = array<i32>} : memref<528xi32, #tpu.memory_space<vmem>>, vector<16xi32>,
          %and3A_1328 = arith.constant 127 : i32
          %and3A_1329 = vector.broadcast %and3A_1328 : i32 to vector<16xi32>
          %and3A_1330 = arith.andi %get3A_1327, %and3A_1329 : vector<16xi32>
          %get3A_1331 = arith.index_cast %mul3A_1320 : i32 to index
          %get3A_1332 = tpu.vector_load %arg10[%get3A_1331] {strides = array<i32>} : memref<528xf32, #tpu.memory_space<vmem>>, vector<16xf32>,
          %broadcast_in_dim3A_1333 = arith.constant 2 : i32
          %broadcast_in_dim3A_1334 = vector.broadcast %broadcast_in_dim3A_1333 : i32 to vector<16xi32>
          %slice3A_1335 = vector.extract_strided_slice %and3A_1325 {offsets = [0], sizes = [1], strides = [1]} : vector<16xi32> to vector<1xi32>
          %squeeze3A_1336 = vector.extract %slice3A_1335[0] : i32 from vector<1xi32>
          %broadcast_in_dim3A_1337 = vector.broadcast %squeeze3A_1336 : i32 to vector<16xi32>
          %slice3A_1338 = vector.extract_strided_slice %and3A_1330 {offsets = [0], sizes = [1], strides = [1]} : vector<16xi32> to vector<1xi32>
          %squeeze3A_1339 = vector.extract %slice3A_1338[0] : i32 from vector<1xi32>
          %broadcast_in_dim3A_1340 = vector.broadcast %squeeze3A_1339 : i32 to vector<16xi32>
          %broadcast_in_dim3A_1341 = arith.constant 0 : i32
          %broadcast_in_dim3A_1342 = vector.broadcast %broadcast_in_dim3A_1341 : i32 to vector<16xi32>
          %gather3A = tpu.vector_load_idx %arg11[%broadcast_in_dim3A_1334, %broadcast_in_dim3A_1342, %iota3A, %broadcast_in_dim3A_1337] : memref<3x4x32x128xf32, #tpu.memory_space<vmem>>[vector<16xi32>, vector<16xi32>, vector<16xi32>, vector<16xi32>], vector<16xf32>,
          %add3A_1343 = arith.constant 16 : i32
          %add3A_1344 = vector.broadcast %add3A_1343 : i32 to vector<16xi32>
          %add3A_1345 = arith.addi %add3A_1344, %iota3A : vector<16xi32>
          %gather3A_1346 = tpu.vector_load_idx %arg11[%broadcast_in_dim3A_1334, %broadcast_in_dim3A_1342, %add3A_1345, %broadcast_in_dim3A_1337] : memref<3x4x32x128xf32, #tpu.memory_space<vmem>>[vector<16xi32>, vector<16xi32>, vector<16xi32>, vector<16xi32>], vector<16xf32>,
          %gather3A_1347 = tpu.vector_load_idx %arg12[%broadcast_in_dim3A_1334, %broadcast_in_dim3A_1342, %iota3A, %broadcast_in_dim3A_1340] : memref<3x4x32x128xf32, #tpu.memory_space<vmem>>[vector<16xi32>, vector<16xi32>, vector<16xi32>, vector<16xi32>], vector<16xf32>,
          %add3A_1348 = arith.constant 16 : i32
          %add3A_1349 = vector.broadcast %add3A_1348 : i32 to vector<16xi32>
          %add3A_1350 = arith.addi %add3A_1349, %iota3A : vector<16xi32>
          %gather3A_1351 = tpu.vector_load_idx %arg12[%broadcast_in_dim3A_1334, %broadcast_in_dim3A_1342, %add3A_1350, %broadcast_in_dim3A_1340] : memref<3x4x32x128xf32, #tpu.memory_space<vmem>>[vector<16xi32>, vector<16xi32>, vector<16xi32>, vector<16xi32>], vector<16xf32>,
          %mul3A_1352 = arith.mulf %gather3A, %gather3A : vector<16xf32>
          %add3A_1353 = arith.addf %scan3A_1077, %mul3A_1352 : vector<16xf32>
          %mul3A_1354 = arith.mulf %gather3A_1346, %gather3A_1346 : vector<16xf32>
          %add3A_1355 = arith.addf %add3A_1353, %mul3A_1354 : vector<16xf32>
          %mul3A_1356 = arith.mulf %gather3A_1347, %gather3A_1347 : vector<16xf32>
          %add3A_1357 = arith.addf %scan3A_1078, %mul3A_1356 : vector<16xf32>
          %mul3A_1358 = arith.mulf %gather3A_1351, %gather3A_1351 : vector<16xf32>
          %add3A_1359 = arith.addf %add3A_1357, %mul3A_1358 : vector<16xf32>
          %mul3A_1360 = arith.mulf %gather3A, %gather3A_1347 : vector<16xf32>
          %mul3A_1361 = arith.mulf %gather3A_1346, %gather3A_1351 : vector<16xf32>
          %add3A_1362 = arith.addf %mul3A_1360, %mul3A_1361 : vector<16xf32>
          %reduce_sum3A = arith.constant true
          %reduce_sum3A_1363 = vector.broadcast %reduce_sum3A : i1 to vector<16xi1>
          %reduce_sum3A_1364 = tpu.scan <sum>, %add3A_1362 masked %reduce_sum3A_1363 : vector<16xf32>, vector<16xi1> -> vector<16xf32>
          %reduce_sum3A_1365 = vector.extract %reduce_sum3A_1364[15] : f32 from vector<16xf32>
          %slice3A_1366 = vector.extract_strided_slice %get3A_1332 {offsets = [0], sizes = [1], strides = [1]} : vector<16xf32> to vector<1xf32>
          %squeeze3A_1367 = vector.extract %slice3A_1366[0] : f32 from vector<1xf32>
          %sub3A = arith.subf %squeeze3A_1367, %reduce_sum3A_1365 : f32
          %mul3A_1368 = arith.mulf %sub3A, %sub3A : f32
          %add3A_1369 = arith.addf %scan3A_1076, %mul3A_1368 : f32
          %slice3A_1370 = vector.extract_strided_slice %and3A_1325 {offsets = [1], sizes = [1], strides = [1]} : vector<16xi32> to vector<1xi32>
          %squeeze3A_1371 = vector.extract %slice3A_1370[0] : i32 from vector<1xi32>
          %broadcast_in_dim3A_1372 = vector.broadcast %squeeze3A_1371 : i32 to vector<16xi32>
          %slice3A_1373 = vector.extract_strided_slice %and3A_1330 {offsets = [1], sizes = [1], strides = [1]} : vector<16xi32> to vector<1xi32>
          %squeeze3A_1374 = vector.extract %slice3A_1373[0] : i32 from vector<1xi32>
          %broadcast_in_dim3A_1375 = vector.broadcast %squeeze3A_1374 : i32 to vector<16xi32>
          %broadcast_in_dim3A_1376 = arith.constant 1 : i32
          %broadcast_in_dim3A_1377 = vector.broadcast %broadcast_in_dim3A_1376 : i32 to vector<16xi32>
          %gather3A_1378 = tpu.vector_load_idx %arg11[%broadcast_in_dim3A_1334, %broadcast_in_dim3A_1377, %iota3A, %broadcast_in_dim3A_1372] : memref<3x4x32x128xf32, #tpu.memory_space<vmem>>[vector<16xi32>, vector<16xi32>, vector<16xi32>, vector<16xi32>], vector<16xf32>,
          %add3A_1379 = arith.constant 16 : i32
          %add3A_1380 = vector.broadcast %add3A_1379 : i32 to vector<16xi32>
          %add3A_1381 = arith.addi %add3A_1380, %iota3A : vector<16xi32>
          %gather3A_1382 = tpu.vector_load_idx %arg11[%broadcast_in_dim3A_1334, %broadcast_in_dim3A_1377, %add3A_1381, %broadcast_in_dim3A_1372] : memref<3x4x32x128xf32, #tpu.memory_space<vmem>>[vector<16xi32>, vector<16xi32>, vector<16xi32>, vector<16xi32>], vector<16xf32>,
          %gather3A_1383 = tpu.vector_load_idx %arg12[%broadcast_in_dim3A_1334, %broadcast_in_dim3A_1377, %iota3A, %broadcast_in_dim3A_1375] : memref<3x4x32x128xf32, #tpu.memory_space<vmem>>[vector<16xi32>, vector<16xi32>, vector<16xi32>, vector<16xi32>], vector<16xf32>,
          %add3A_1384 = arith.constant 16 : i32
          %add3A_1385 = vector.broadcast %add3A_1384 : i32 to vector<16xi32>
          %add3A_1386 = arith.addi %add3A_1385, %iota3A : vector<16xi32>
          %gather3A_1387 = tpu.vector_load_idx %arg12[%broadcast_in_dim3A_1334, %broadcast_in_dim3A_1377, %add3A_1386, %broadcast_in_dim3A_1375] : memref<3x4x32x128xf32, #tpu.memory_space<vmem>>[vector<16xi32>, vector<16xi32>, vector<16xi32>, vector<16xi32>], vector<16xf32>,
          %mul3A_1388 = arith.mulf %gather3A_1378, %gather3A_1378 : vector<16xf32>
          %add3A_1389 = arith.addf %add3A_1355, %mul3A_1388 : vector<16xf32>
          %mul3A_1390 = arith.mulf %gather3A_1382, %gather3A_1382 : vector<16xf32>
          %add3A_1391 = arith.addf %add3A_1389, %mul3A_1390 : vector<16xf32>
          %mul3A_1392 = arith.mulf %gather3A_1383, %gather3A_1383 : vector<16xf32>
          %add3A_1393 = arith.addf %add3A_1359, %mul3A_1392 : vector<16xf32>
          %mul3A_1394 = arith.mulf %gather3A_1387, %gather3A_1387 : vector<16xf32>
          %add3A_1395 = arith.addf %add3A_1393, %mul3A_1394 : vector<16xf32>
          %mul3A_1396 = arith.mulf %gather3A_1378, %gather3A_1383 : vector<16xf32>
          %mul3A_1397 = arith.mulf %gather3A_1382, %gather3A_1387 : vector<16xf32>
          %add3A_1398 = arith.addf %mul3A_1396, %mul3A_1397 : vector<16xf32>
          %reduce_sum3A_1399 = arith.constant true
          %reduce_sum3A_1400 = vector.broadcast %reduce_sum3A_1399 : i1 to vector<16xi1>
          %reduce_sum3A_1401 = tpu.scan <sum>, %add3A_1398 masked %reduce_sum3A_1400 : vector<16xf32>, vector<16xi1> -> vector<16xf32>
          %reduce_sum3A_1402 = vector.extract %reduce_sum3A_1401[15] : f32 from vector<16xf32>
          %slice3A_1403 = vector.extract_strided_slice %get3A_1332 {offsets = [1], sizes = [1], strides = [1]} : vector<16xf32> to vector<1xf32>
          %squeeze3A_1404 = vector.extract %slice3A_1403[0] : f32 from vector<1xf32>
          %sub3A_1405 = arith.subf %squeeze3A_1404, %reduce_sum3A_1402 : f32
          %mul3A_1406 = arith.mulf %sub3A_1405, %sub3A_1405 : f32
          %add3A_1407 = arith.addf %add3A_1369, %mul3A_1406 : f32
          %slice3A_1408 = vector.extract_strided_slice %and3A_1325 {offsets = [2], sizes = [1], strides = [1]} : vector<16xi32> to vector<1xi32>
          %squeeze3A_1409 = vector.extract %slice3A_1408[0] : i32 from vector<1xi32>
          %broadcast_in_dim3A_1410 = vector.broadcast %squeeze3A_1409 : i32 to vector<16xi32>
          %slice3A_1411 = vector.extract_strided_slice %and3A_1330 {offsets = [2], sizes = [1], strides = [1]} : vector<16xi32> to vector<1xi32>
          %squeeze3A_1412 = vector.extract %slice3A_1411[0] : i32 from vector<1xi32>
          %broadcast_in_dim3A_1413 = vector.broadcast %squeeze3A_1412 : i32 to vector<16xi32>
          %broadcast_in_dim3A_1414 = arith.constant 2 : i32
          %broadcast_in_dim3A_1415 = vector.broadcast %broadcast_in_dim3A_1414 : i32 to vector<16xi32>
          %gather3A_1416 = tpu.vector_load_idx %arg11[%broadcast_in_dim3A_1334, %broadcast_in_dim3A_1415, %iota3A, %broadcast_in_dim3A_1410] : memref<3x4x32x128xf32, #tpu.memory_space<vmem>>[vector<16xi32>, vector<16xi32>, vector<16xi32>, vector<16xi32>], vector<16xf32>,
          %add3A_1417 = arith.constant 16 : i32
          %add3A_1418 = vector.broadcast %add3A_1417 : i32 to vector<16xi32>
          %add3A_1419 = arith.addi %add3A_1418, %iota3A : vector<16xi32>
          %gather3A_1420 = tpu.vector_load_idx %arg11[%broadcast_in_dim3A_1334, %broadcast_in_dim3A_1415, %add3A_1419, %broadcast_in_dim3A_1410] : memref<3x4x32x128xf32, #tpu.memory_space<vmem>>[vector<16xi32>, vector<16xi32>, vector<16xi32>, vector<16xi32>], vector<16xf32>,
          %gather3A_1421 = tpu.vector_load_idx %arg12[%broadcast_in_dim3A_1334, %broadcast_in_dim3A_1415, %iota3A, %broadcast_in_dim3A_1413] : memref<3x4x32x128xf32, #tpu.memory_space<vmem>>[vector<16xi32>, vector<16xi32>, vector<16xi32>, vector<16xi32>], vector<16xf32>,
          %add3A_1422 = arith.constant 16 : i32
          %add3A_1423 = vector.broadcast %add3A_1422 : i32 to vector<16xi32>
          %add3A_1424 = arith.addi %add3A_1423, %iota3A : vector<16xi32>
          %gather3A_1425 = tpu.vector_load_idx %arg12[%broadcast_in_dim3A_1334, %broadcast_in_dim3A_1415, %add3A_1424, %broadcast_in_dim3A_1413] : memref<3x4x32x128xf32, #tpu.memory_space<vmem>>[vector<16xi32>, vector<16xi32>, vector<16xi32>, vector<16xi32>], vector<16xf32>,
          %mul3A_1426 = arith.mulf %gather3A_1416, %gather3A_1416 : vector<16xf32>
          %add3A_1427 = arith.addf %add3A_1391, %mul3A_1426 : vector<16xf32>
          %mul3A_1428 = arith.mulf %gather3A_1420, %gather3A_1420 : vector<16xf32>
          %add3A_1429 = arith.addf %add3A_1427, %mul3A_1428 : vector<16xf32>
          %mul3A_1430 = arith.mulf %gather3A_1421, %gather3A_1421 : vector<16xf32>
          %add3A_1431 = arith.addf %add3A_1395, %mul3A_1430 : vector<16xf32>
          %mul3A_1432 = arith.mulf %gather3A_1425, %gather3A_1425 : vector<16xf32>
          %add3A_1433 = arith.addf %add3A_1431, %mul3A_1432 : vector<16xf32>
          %mul3A_1434 = arith.mulf %gather3A_1416, %gather3A_1421 : vector<16xf32>
          %mul3A_1435 = arith.mulf %gather3A_1420, %gather3A_1425 : vector<16xf32>
          %add3A_1436 = arith.addf %mul3A_1434, %mul3A_1435 : vector<16xf32>
          %reduce_sum3A_1437 = arith.constant true
          %reduce_sum3A_1438 = vector.broadcast %reduce_sum3A_1437 : i1 to vector<16xi1>
          %reduce_sum3A_1439 = tpu.scan <sum>, %add3A_1436 masked %reduce_sum3A_1438 : vector<16xf32>, vector<16xi1> -> vector<16xf32>
          %reduce_sum3A_1440 = vector.extract %reduce_sum3A_1439[15] : f32 from vector<16xf32>
          %slice3A_1441 = vector.extract_strided_slice %get3A_1332 {offsets = [2], sizes = [1], strides = [1]} : vector<16xf32> to vector<1xf32>
          %squeeze3A_1442 = vector.extract %slice3A_1441[0] : f32 from vector<1xf32>
          %sub3A_1443 = arith.subf %squeeze3A_1442, %reduce_sum3A_1440 : f32
          %mul3A_1444 = arith.mulf %sub3A_1443, %sub3A_1443 : f32
          %add3A_1445 = arith.addf %add3A_1407, %mul3A_1444 : f32
          %slice3A_1446 = vector.extract_strided_slice %and3A_1325 {offsets = [3], sizes = [1], strides = [1]} : vector<16xi32> to vector<1xi32>
          %squeeze3A_1447 = vector.extract %slice3A_1446[0] : i32 from vector<1xi32>
          %broadcast_in_dim3A_1448 = vector.broadcast %squeeze3A_1447 : i32 to vector<16xi32>
          %slice3A_1449 = vector.extract_strided_slice %and3A_1330 {offsets = [3], sizes = [1], strides = [1]} : vector<16xi32> to vector<1xi32>
          %squeeze3A_1450 = vector.extract %slice3A_1449[0] : i32 from vector<1xi32>
          %broadcast_in_dim3A_1451 = vector.broadcast %squeeze3A_1450 : i32 to vector<16xi32>
          %broadcast_in_dim3A_1452 = arith.constant 3 : i32
          %broadcast_in_dim3A_1453 = vector.broadcast %broadcast_in_dim3A_1452 : i32 to vector<16xi32>
          %gather3A_1454 = tpu.vector_load_idx %arg11[%broadcast_in_dim3A_1334, %broadcast_in_dim3A_1453, %iota3A, %broadcast_in_dim3A_1448] : memref<3x4x32x128xf32, #tpu.memory_space<vmem>>[vector<16xi32>, vector<16xi32>, vector<16xi32>, vector<16xi32>], vector<16xf32>,
          %add3A_1455 = arith.constant 16 : i32
          %add3A_1456 = vector.broadcast %add3A_1455 : i32 to vector<16xi32>
          %add3A_1457 = arith.addi %add3A_1456, %iota3A : vector<16xi32>
          %gather3A_1458 = tpu.vector_load_idx %arg11[%broadcast_in_dim3A_1334, %broadcast_in_dim3A_1453, %add3A_1457, %broadcast_in_dim3A_1448] : memref<3x4x32x128xf32, #tpu.memory_space<vmem>>[vector<16xi32>, vector<16xi32>, vector<16xi32>, vector<16xi32>], vector<16xf32>,
          %gather3A_1459 = tpu.vector_load_idx %arg12[%broadcast_in_dim3A_1334, %broadcast_in_dim3A_1453, %iota3A, %broadcast_in_dim3A_1451] : memref<3x4x32x128xf32, #tpu.memory_space<vmem>>[vector<16xi32>, vector<16xi32>, vector<16xi32>, vector<16xi32>], vector<16xf32>,
          %add3A_1460 = arith.constant 16 : i32
          %add3A_1461 = vector.broadcast %add3A_1460 : i32 to vector<16xi32>
          %add3A_1462 = arith.addi %add3A_1461, %iota3A : vector<16xi32>
          %gather3A_1463 = tpu.vector_load_idx %arg12[%broadcast_in_dim3A_1334, %broadcast_in_dim3A_1453, %add3A_1462, %broadcast_in_dim3A_1451] : memref<3x4x32x128xf32, #tpu.memory_space<vmem>>[vector<16xi32>, vector<16xi32>, vector<16xi32>, vector<16xi32>], vector<16xf32>,
          %mul3A_1464 = arith.mulf %gather3A_1454, %gather3A_1454 : vector<16xf32>
          %add3A_1465 = arith.addf %add3A_1429, %mul3A_1464 : vector<16xf32>
          %mul3A_1466 = arith.mulf %gather3A_1458, %gather3A_1458 : vector<16xf32>
          %add3A_1467 = arith.addf %add3A_1465, %mul3A_1466 : vector<16xf32>
          %mul3A_1468 = arith.mulf %gather3A_1459, %gather3A_1459 : vector<16xf32>
          %add3A_1469 = arith.addf %add3A_1433, %mul3A_1468 : vector<16xf32>
          %mul3A_1470 = arith.mulf %gather3A_1463, %gather3A_1463 : vector<16xf32>
          %add3A_1471 = arith.addf %add3A_1469, %mul3A_1470 : vector<16xf32>
          %mul3A_1472 = arith.mulf %gather3A_1454, %gather3A_1459 : vector<16xf32>
          %mul3A_1473 = arith.mulf %gather3A_1458, %gather3A_1463 : vector<16xf32>
          %add3A_1474 = arith.addf %mul3A_1472, %mul3A_1473 : vector<16xf32>
          %reduce_sum3A_1475 = arith.constant true
          %reduce_sum3A_1476 = vector.broadcast %reduce_sum3A_1475 : i1 to vector<16xi1>
          %reduce_sum3A_1477 = tpu.scan <sum>, %add3A_1474 masked %reduce_sum3A_1476 : vector<16xf32>, vector<16xi1> -> vector<16xf32>
          %reduce_sum3A_1478 = vector.extract %reduce_sum3A_1477[15] : f32 from vector<16xf32>
          %slice3A_1479 = vector.extract_strided_slice %get3A_1332 {offsets = [3], sizes = [1], strides = [1]} : vector<16xf32> to vector<1xf32>
          %squeeze3A_1480 = vector.extract %slice3A_1479[0] : f32 from vector<1xf32>
          %sub3A_1481 = arith.subf %squeeze3A_1480, %reduce_sum3A_1478 : f32
          %mul3A_1482 = arith.mulf %sub3A_1481, %sub3A_1481 : f32
          %add3A_1483 = arith.addf %add3A_1445, %mul3A_1482 : f32
          scf.yield %add3A_1483, %add3A_1467, %add3A_1471 : f32, vector<16xf32>, vector<16xf32>
        }
        scf.yield %cond3A_1191#0, %cond3A_1191#1, %cond3A_1191#2 : f32, vector<16xf32>, vector<16xf32>
      }
      scf.yield %cond3A_1169#0, %cond3A_1169#1, %cond3A_1169#2 : f32, vector<16xf32>, vector<16xf32>
    }
    %scan3A_996 = arith.constant 128 : i32
    %mul3A_997 = arith.constant 6.250000e-02 : f32
    %mul3A_998 = arith.mulf %scan3A_995#0, %mul3A_997 : f32
    %broadcast_in_dim3A_999 = vector.broadcast %mul3A_998 : f32 to vector<16xf32>
    %swap3A = arith.constant 0 : i32
    %swap3A_1000 = arith.index_cast %swap3A : i32 to index
    %swap3A_1001 = arith.constant 0 : index
    %swap3A_1002 = tpu.vector_load %arg13[%swap3A_1000, %swap3A_1001] {strides = array<i32>} : memref<16x16xf32, #tpu.memory_space<vmem>>, vector<16xf32>,
    tpu.vector_store %arg13[%swap3A_1000, %swap3A_1001], %broadcast_in_dim3A_999 {strides = array<i32>} : memref<16x16xf32, #tpu.memory_space<vmem>>, vector<16xf32>,
    %swap3A_1003 = arith.constant 1 : i32
    %swap3A_1004 = arith.index_cast %swap3A_1003 : i32 to index
    %swap3A_1005 = arith.constant 0 : index
    %swap3A_1006 = tpu.vector_load %arg13[%swap3A_1004, %swap3A_1005] {strides = array<i32>} : memref<16x16xf32, #tpu.memory_space<vmem>>, vector<16xf32>,
    tpu.vector_store %arg13[%swap3A_1004, %swap3A_1005], %scan3A_995#1 {strides = array<i32>} : memref<16x16xf32, #tpu.memory_space<vmem>>, vector<16xf32>,
    %swap3A_1007 = arith.constant 2 : i32
    %swap3A_1008 = arith.index_cast %swap3A_1007 : i32 to index
    %swap3A_1009 = arith.constant 0 : index
    %swap3A_1010 = tpu.vector_load %arg13[%swap3A_1008, %swap3A_1009] {strides = array<i32>} : memref<16x16xf32, #tpu.memory_space<vmem>>, vector<16xf32>,
    tpu.vector_store %arg13[%swap3A_1008, %swap3A_1009], %scan3A_995#2 {strides = array<i32>} : memref<16x16xf32, #tpu.memory_space<vmem>>, vector<16xf32>,
    %swap3A_1011 = arith.constant 3 : i32
    %swap3A_1012 = arith.index_cast %swap3A_1011 : i32 to index
    %swap3A_1013 = arith.constant 0 : index
    %swap3A_1014 = tpu.vector_load %arg13[%swap3A_1012, %swap3A_1013] {strides = array<i32>} : memref<16x16xf32, #tpu.memory_space<vmem>>, vector<16xf32>,
    tpu.vector_store %arg13[%swap3A_1012, %swap3A_1013], %broadcast_in_dim3A_1 {strides = array<i32>} : memref<16x16xf32, #tpu.memory_space<vmem>>, vector<16xf32>,
    %swap3A_1015 = arith.constant 4 : i32
    %swap3A_1016 = arith.index_cast %swap3A_1015 : i32 to index
    %swap3A_1017 = arith.constant 0 : index
    %swap3A_1018 = tpu.vector_load %arg13[%swap3A_1016, %swap3A_1017] {strides = array<i32>} : memref<16x16xf32, #tpu.memory_space<vmem>>, vector<16xf32>,
    tpu.vector_store %arg13[%swap3A_1016, %swap3A_1017], %broadcast_in_dim3A_1 {strides = array<i32>} : memref<16x16xf32, #tpu.memory_space<vmem>>, vector<16xf32>,
    %swap3A_1019 = arith.constant 5 : i32
    %swap3A_1020 = arith.index_cast %swap3A_1019 : i32 to index
    %swap3A_1021 = arith.constant 0 : index
    %swap3A_1022 = tpu.vector_load %arg13[%swap3A_1020, %swap3A_1021] {strides = array<i32>} : memref<16x16xf32, #tpu.memory_space<vmem>>, vector<16xf32>,
    tpu.vector_store %arg13[%swap3A_1020, %swap3A_1021], %broadcast_in_dim3A_1 {strides = array<i32>} : memref<16x16xf32, #tpu.memory_space<vmem>>, vector<16xf32>,
    %swap3A_1023 = arith.constant 6 : i32
    %swap3A_1024 = arith.index_cast %swap3A_1023 : i32 to index
    %swap3A_1025 = arith.constant 0 : index
    %swap3A_1026 = tpu.vector_load %arg13[%swap3A_1024, %swap3A_1025] {strides = array<i32>} : memref<16x16xf32, #tpu.memory_space<vmem>>, vector<16xf32>,
    tpu.vector_store %arg13[%swap3A_1024, %swap3A_1025], %broadcast_in_dim3A_1 {strides = array<i32>} : memref<16x16xf32, #tpu.memory_space<vmem>>, vector<16xf32>,
    %swap3A_1027 = arith.constant 7 : i32
    %swap3A_1028 = arith.index_cast %swap3A_1027 : i32 to index
    %swap3A_1029 = arith.constant 0 : index
    %swap3A_1030 = tpu.vector_load %arg13[%swap3A_1028, %swap3A_1029] {strides = array<i32>} : memref<16x16xf32, #tpu.memory_space<vmem>>, vector<16xf32>,
    tpu.vector_store %arg13[%swap3A_1028, %swap3A_1029], %broadcast_in_dim3A_1 {strides = array<i32>} : memref<16x16xf32, #tpu.memory_space<vmem>>, vector<16xf32>,
    %swap3A_1031 = arith.constant 8 : i32
    %swap3A_1032 = arith.index_cast %swap3A_1031 : i32 to index
    %swap3A_1033 = arith.constant 0 : index
    %swap3A_1034 = tpu.vector_load %arg13[%swap3A_1032, %swap3A_1033] {strides = array<i32>} : memref<16x16xf32, #tpu.memory_space<vmem>>, vector<16xf32>,
    tpu.vector_store %arg13[%swap3A_1032, %swap3A_1033], %broadcast_in_dim3A_1 {strides = array<i32>} : memref<16x16xf32, #tpu.memory_space<vmem>>, vector<16xf32>,
    %swap3A_1035 = arith.constant 9 : i32
    %swap3A_1036 = arith.index_cast %swap3A_1035 : i32 to index
    %swap3A_1037 = arith.constant 0 : index
    %swap3A_1038 = tpu.vector_load %arg13[%swap3A_1036, %swap3A_1037] {strides = array<i32>} : memref<16x16xf32, #tpu.memory_space<vmem>>, vector<16xf32>,
    tpu.vector_store %arg13[%swap3A_1036, %swap3A_1037], %broadcast_in_dim3A_1 {strides = array<i32>} : memref<16x16xf32, #tpu.memory_space<vmem>>, vector<16xf32>,
    %swap3A_1039 = arith.constant 10 : i32
    %swap3A_1040 = arith.index_cast %swap3A_1039 : i32 to index
    %swap3A_1041 = arith.constant 0 : index
    %swap3A_1042 = tpu.vector_load %arg13[%swap3A_1040, %swap3A_1041] {strides = array<i32>} : memref<16x16xf32, #tpu.memory_space<vmem>>, vector<16xf32>,
    tpu.vector_store %arg13[%swap3A_1040, %swap3A_1041], %broadcast_in_dim3A_1 {strides = array<i32>} : memref<16x16xf32, #tpu.memory_space<vmem>>, vector<16xf32>,
    %swap3A_1043 = arith.constant 11 : i32
    %swap3A_1044 = arith.index_cast %swap3A_1043 : i32 to index
    %swap3A_1045 = arith.constant 0 : index
    %swap3A_1046 = tpu.vector_load %arg13[%swap3A_1044, %swap3A_1045] {strides = array<i32>} : memref<16x16xf32, #tpu.memory_space<vmem>>, vector<16xf32>,
    tpu.vector_store %arg13[%swap3A_1044, %swap3A_1045], %broadcast_in_dim3A_1 {strides = array<i32>} : memref<16x16xf32, #tpu.memory_space<vmem>>, vector<16xf32>,
    %swap3A_1047 = arith.constant 12 : i32
    %swap3A_1048 = arith.index_cast %swap3A_1047 : i32 to index
    %swap3A_1049 = arith.constant 0 : index
    %swap3A_1050 = tpu.vector_load %arg13[%swap3A_1048, %swap3A_1049] {strides = array<i32>} : memref<16x16xf32, #tpu.memory_space<vmem>>, vector<16xf32>,
    tpu.vector_store %arg13[%swap3A_1048, %swap3A_1049], %broadcast_in_dim3A_1 {strides = array<i32>} : memref<16x16xf32, #tpu.memory_space<vmem>>, vector<16xf32>,
    %swap3A_1051 = arith.constant 13 : i32
    %swap3A_1052 = arith.index_cast %swap3A_1051 : i32 to index
    %swap3A_1053 = arith.constant 0 : index
    %swap3A_1054 = tpu.vector_load %arg13[%swap3A_1052, %swap3A_1053] {strides = array<i32>} : memref<16x16xf32, #tpu.memory_space<vmem>>, vector<16xf32>,
    tpu.vector_store %arg13[%swap3A_1052, %swap3A_1053], %broadcast_in_dim3A_1 {strides = array<i32>} : memref<16x16xf32, #tpu.memory_space<vmem>>, vector<16xf32>,
    %swap3A_1055 = arith.constant 14 : i32
    %swap3A_1056 = arith.index_cast %swap3A_1055 : i32 to index
    %swap3A_1057 = arith.constant 0 : index
    %swap3A_1058 = tpu.vector_load %arg13[%swap3A_1056, %swap3A_1057] {strides = array<i32>} : memref<16x16xf32, #tpu.memory_space<vmem>>, vector<16xf32>,
    tpu.vector_store %arg13[%swap3A_1056, %swap3A_1057], %broadcast_in_dim3A_1 {strides = array<i32>} : memref<16x16xf32, #tpu.memory_space<vmem>>, vector<16xf32>,
    %swap3A_1059 = arith.constant 15 : i32
    %swap3A_1060 = arith.index_cast %swap3A_1059 : i32 to index
    %swap3A_1061 = arith.constant 0 : index
    %swap3A_1062 = tpu.vector_load %arg13[%swap3A_1060, %swap3A_1061] {strides = array<i32>} : memref<16x16xf32, #tpu.memory_space<vmem>>, vector<16xf32>,
    tpu.vector_store %arg13[%swap3A_1060, %swap3A_1061], %broadcast_in_dim3A_1 {strides = array<i32>} : memref<16x16xf32, #tpu.memory_space<vmem>>, vector<16xf32>,
    %eq3A = arith.constant 0 : i32
    %eq3A_1063 = arith.cmpi eq, %arg1, %eq3A : i32
    %convert_element_type3A = arith.extui %eq3A_1063 : i1 to i32
    %cond3A = arith.constant 0 : i32
    %cond3A_1064 = arith.cmpi ne, %convert_element_type3A, %cond3A : i32
    scf.if %cond3A_1064 {
      "tpu.region"() ({
        %run_scoped3A = tpu.sem_alloc : memref<!tpu.dma_semaphore, #tpu.memory_space<semaphore_mem>>
        tpu.enqueue_dma source(%arg13 : memref<16x16xf32, #tpu.memory_space<vmem>>) target(%arg16 : memref<16x16xf32, #tpu.memory_space<vmem_shared>>) target_semaphore(%run_scoped3A : memref<!tpu.dma_semaphore, #tpu.memory_space<semaphore_mem>>)
        tpu.wait_dma2 semaphore(%run_scoped3A : memref<!tpu.dma_semaphore, #tpu.memory_space<semaphore_mem>>) src(%arg13 : memref<16x16xf32, #tpu.memory_space<vmem>>) dst(%arg16 : memref<16x16xf32, #tpu.memory_space<vmem_shared>>)
        tpu.yield
      }) : () -> ()
    } else {
    }
    %barrier3A = arith.constant 0 : index
    tpu.barrier barrier_id(%barrier3A)
    %ne3A = arith.constant 0 : i32
    %ne3A_1065 = arith.cmpi ne, %arg1, %ne3A : i32
    %convert_element_type3A_1066 = arith.extui %ne3A_1065 : i1 to i32
    %cond3A_1067 = arith.constant 0 : i32
    %cond3A_1068 = arith.cmpi ne, %convert_element_type3A_1066, %cond3A_1067 : i32
    scf.if %cond3A_1068 {
      %iota3A_1075 = tpu.iota {dimensions = array<i32: 0>} : vector<16xi32>
      "tpu.region"() ({
        %run_scoped3A = tpu.sem_alloc : memref<!tpu.dma_semaphore, #tpu.memory_space<semaphore_mem>>
        %dma_start3A_1076 = arith.constant 0 : i32
        %dma_start3A_1077 = arith.constant 0 : i32
        %dma_start3A_1078 = tpu.memref_slice %arg16[%dma_start3A_1076, %dma_start3A_1077] : memref<16x16xf32, #tpu.memory_space<vmem_shared>> -> memref<16x16xf32, #tpu.memory_space<vmem_shared>>
        tpu.enqueue_indirect_dma source(%arg13 : memref<16x16xf32, #tpu.memory_space<vmem>>) target(%dma_start3A_1078 : memref<16x16xf32, #tpu.memory_space<vmem_shared>>) offsets(%iota3A_1075 : vector<16xi32>) semaphore(%run_scoped3A : memref<!tpu.dma_semaphore, #tpu.memory_space<semaphore_mem>>) {add = true}
        %dma_wait3A = arith.constant 0 : i32
        %dma_wait3A_1079 = arith.constant 0 : i32
        %dma_wait3A_1080 = tpu.memref_slice %arg16[%dma_wait3A, %dma_wait3A_1079] : memref<16x16xf32, #tpu.memory_space<vmem_shared>> -> memref<16x16xf32, #tpu.memory_space<vmem_shared>>
        tpu.wait_indirect_dma semaphore(%run_scoped3A : memref<!tpu.dma_semaphore, #tpu.memory_space<semaphore_mem>>) src(%arg13 : memref<16x16xf32, #tpu.memory_space<vmem>>) dst(%dma_wait3A_1080 : memref<16x16xf32, #tpu.memory_space<vmem_shared>>)
        tpu.yield
      }) : () -> ()
    } else {
    }
    %barrier3A_1069 = arith.constant 0 : index
    tpu.barrier barrier_id(%barrier3A_1069)
    %eq3A_1070 = arith.constant 0 : i32
    %eq3A_1071 = arith.cmpi eq, %arg1, %eq3A_1070 : i32
    %convert_element_type3A_1072 = arith.extui %eq3A_1071 : i1 to i32
    %cond3A_1073 = arith.constant 0 : i32
    %cond3A_1074 = arith.cmpi ne, %convert_element_type3A_1072, %cond3A_1073 : i32
    scf.if %cond3A_1074 {
      "tpu.region"() ({
        %run_scoped3A = tpu.sem_alloc : memref<!tpu.dma_semaphore, #tpu.memory_space<semaphore_mem>>
        tpu.enqueue_dma source(%arg16 : memref<16x16xf32, #tpu.memory_space<vmem_shared>>) target(%arg14 : memref<16x16xf32, #tpu.memory_space<vmem>>) target_semaphore(%run_scoped3A : memref<!tpu.dma_semaphore, #tpu.memory_space<semaphore_mem>>)
        tpu.wait_dma2 semaphore(%run_scoped3A : memref<!tpu.dma_semaphore, #tpu.memory_space<semaphore_mem>>) src(%arg16 : memref<16x16xf32, #tpu.memory_space<vmem_shared>>) dst(%arg14 : memref<16x16xf32, #tpu.memory_space<vmem>>)
        tpu.yield
      }) : () -> ()
      %get3A_1075 = arith.constant 0 : i32
      %get3A_1076 = arith.index_cast %get3A_1075 : i32 to index
      %get3A_1077 = arith.constant 0 : index
      %get3A_1078 = tpu.vector_load %arg14[%get3A_1076, %get3A_1077] {strides = array<i32>} : memref<16x16xf32, #tpu.memory_space<vmem>>, vector<16xf32>,
      %mul3A_1079 = arith.constant 6.10351563E-5 : f32
      %mul3A_1080 = vector.broadcast %mul3A_1079 : f32 to vector<16xf32>
      %mul3A_1081 = arith.mulf %get3A_1078, %mul3A_1080 : vector<16xf32>
      %get3A_1082 = arith.constant 1 : i32
      %get3A_1083 = arith.index_cast %get3A_1082 : i32 to index
      %get3A_1084 = arith.constant 0 : index
      %get3A_1085 = tpu.vector_load %arg14[%get3A_1083, %get3A_1084] {strides = array<i32>} : memref<16x16xf32, #tpu.memory_space<vmem>>, vector<16xf32>,
      %get3A_1086 = arith.constant 2 : i32
      %get3A_1087 = arith.index_cast %get3A_1086 : i32 to index
      %get3A_1088 = arith.constant 0 : index
      %get3A_1089 = tpu.vector_load %arg14[%get3A_1087, %get3A_1088] {strides = array<i32>} : memref<16x16xf32, #tpu.memory_space<vmem>>, vector<16xf32>,
      %add3A_1090 = arith.addf %get3A_1085, %get3A_1089 : vector<16xf32>
      %mul3A_1091 = arith.constant 1.90734858E-10 : f32
      %mul3A_1092 = vector.broadcast %mul3A_1091 : f32 to vector<16xf32>
      %mul3A_1093 = arith.mulf %add3A_1090, %mul3A_1092 : vector<16xf32>
      %add3A_1094 = arith.addf %mul3A_1081, %mul3A_1093 : vector<16xf32>
      %reduce_sum3A = arith.constant true
      %reduce_sum3A_1095 = vector.broadcast %reduce_sum3A : i1 to vector<16xi1>
      %reduce_sum3A_1096 = tpu.scan <sum>, %add3A_1094 masked %reduce_sum3A_1095 : vector<16xf32>, vector<16xi1> -> vector<16xf32>
      %reduce_sum3A_1097 = vector.extract %reduce_sum3A_1096[15] : f32 from vector<16xf32>
      %broadcast_in_dim3A_1098 = vector.broadcast %reduce_sum3A_1097 : f32 to vector<16xf32>
      %swap3A_1099 = arith.constant 0 : index
      %swap3A_1100 = tpu.vector_load %arg15[%swap3A_1099] {strides = array<i32>} : memref<16xf32, #tpu.memory_space<vmem>>, vector<16xf32>,
      tpu.vector_store %arg15[%swap3A_1099], %broadcast_in_dim3A_1098 {strides = array<i32>} : memref<16xf32, #tpu.memory_space<vmem>>, vector<16xf32>,
      "tpu.region"() ({
        %run_scoped3A = tpu.sem_alloc : memref<!tpu.dma_semaphore, #tpu.memory_space<semaphore_mem>>
        %dma_start3A_1101 = arith.constant 0 : i32
        %dma_start3A_1102 = tpu.memref_slice %arg7[%arg0, %dma_start3A_1101] : memref<2x16xf32, #tpu.memory_space<hbm>> -> memref<1x16xf32, #tpu.memory_space<hbm>>
        %dma_start3A_1103 = tpu.memref_squeeze %dma_start3A_1102 : memref<1x16xf32, #tpu.memory_space<hbm>> -> memref<16xf32, #tpu.memory_space<hbm>>
        %dma_start3A_1104 = arith.constant 0 : i32
        %dma_start3A_1105 = tpu.memref_slice %arg7[%arg0, %dma_start3A_1104] : memref<2x16xf32, #tpu.memory_space<hbm>> -> memref<1x16xf32, #tpu.memory_space<hbm>>
        %dma_start3A_1106 = tpu.memref_squeeze %dma_start3A_1105 : memref<1x16xf32, #tpu.memory_space<hbm>> -> memref<16xf32, #tpu.memory_space<hbm>>
        tpu.enqueue_dma source(%arg15 : memref<16xf32, #tpu.memory_space<vmem>>) target(%dma_start3A_1106 : memref<16xf32, #tpu.memory_space<hbm>>) target_semaphore(%run_scoped3A : memref<!tpu.dma_semaphore, #tpu.memory_space<semaphore_mem>>)
        %dma_wait3A = arith.constant 0 : i32
        %dma_wait3A_1107 = tpu.memref_slice %arg7[%arg0, %dma_wait3A] : memref<2x16xf32, #tpu.memory_space<hbm>> -> memref<1x16xf32, #tpu.memory_space<hbm>>
        %dma_wait3A_1108 = tpu.memref_squeeze %dma_wait3A_1107 : memref<1x16xf32, #tpu.memory_space<hbm>> -> memref<16xf32, #tpu.memory_space<hbm>>
        %dma_wait3A_1109 = arith.constant 0 : i32
        %dma_wait3A_1110 = tpu.memref_slice %arg7[%arg0, %dma_wait3A_1109] : memref<2x16xf32, #tpu.memory_space<hbm>> -> memref<1x16xf32, #tpu.memory_space<hbm>>
        %dma_wait3A_1111 = tpu.memref_squeeze %dma_wait3A_1110 : memref<1x16xf32, #tpu.memory_space<hbm>> -> memref<16xf32, #tpu.memory_space<hbm>>
        tpu.wait_dma2 semaphore(%run_scoped3A : memref<!tpu.dma_semaphore, #tpu.memory_space<semaphore_mem>>) src(%arg15 : memref<16xf32, #tpu.memory_space<vmem>>) dst(%dma_wait3A_1111 : memref<16xf32, #tpu.memory_space<hbm>>)
        tpu.yield
      }) : () -> ()
    } else {
    }
    return
  }
}

</mosaic_0001>

<sc_bundles>
// kernel: wbpr_sc.3.cloned.1.call-start
scs
__scs_entry_jumppad:
0x0: {  	(pc) =	sbr.rel $0x88, $3  }
0x1: {  	(tag) =	ssettag $0x0;
	lr =	simm.s32 $0x1  }
0x2: {  	[smem:$0x3F9C] =	sst lr;
	_ =	strace $0xD0000000  }
0x3: {  	_ = 	snop  }
0x4: {  	_ = 	snop  }
0x5: {  	_ = 	snop  }
0x6: {  	_ = 	snop  }
0x7: {  	_ = 	snop  }
__scs_overlays_trampoline_lowered:
0x8: {  	[smem:$0x3FAB] =	sst s0  }
0x9: {  	[smem:$0x3FAC] =	sst s1  }
0xa: {  	[smem:$0x3FAD] =	sst s2  }
0xb: {  	[smem:$0x3FAE] =	sst s3  }
0xc: {  	[smem:$0x3FAF] =	sst s4  }
0xd: {  	[smem:$0x3FB0] =	sst s5  }
0xe: {  	[smem:$0x3FB1] =	sst s6  }
0xf: {  	[smem:$0x3FB2] =	sst s7  }
0x10: {  	[smem:$0x3FB3] =	sst s8  }
0x11: {  	[smem:$0x3FB4] =	sst s9;
	s0 =	simm.s32 @!p0 $0x0  }
0x12: {  	s1 =	sld [smem:$0x3F9A];
	s0 =	simm.s32 @p0 $0x1  }
0x13: {  	[smem:$0x3FB5] =	sst s0;
	s0 =	simm.s32 @!p1 $0x0  }
0x14: {  	s2 =	sld [smem:$0x3F99];
	s0 =	simm.s32 @p1 $0x1  }
0x15: {  	[smem:$0x3FB6] =	sst s0;
	s0 =	simm.s32 @!p2 $0x0  }
0x16: {  	s3 =	sld [smem:$0x3FDB];
	s0 =	simm.s32 @p2 $0x1  }
0x17: {  	s4 =	simm.s32 $0x1BF5;
	[smem:$0x3FB8] =	sst s0  }
0x18: {  	s0 =	sld [smem:$0x3F9B];
	_ =	swait.ge [sflag:s4], $0x0  }
0x19: {  	s7 =	sld [smem:$0x3F9C]  }
0x1a: {  	s8 =	sadd.s32 $0xFFFFE003, lr  }
0x1b: {  	s9 =	sadd.s32 $0xFFFFFEF7, lr;
	s5 =	simm.s32 $0xFFFFFFFF;
	p2 =	slt.u32 s8, $0xFFFFF086  }
0x1c: {  	p1 =	slt.u32 s9, $0xF7A;
	s5 =	simm.s32 @!p2 $0x0  }
0x1d: {  	s5 =	simm.s32 @p1 $0x1;
	p0 =	seq.s32 s7, s2  }
0x1e: {  	s7 =	smul.u32 @!p0 $0xF7A, s2;
	p2 =	seq.s32 @!p0 s5, $0x0  }
0x1f: {  	s9 =	smul.u32 $0xF7A, s1;
	s8 =	simm.s32 @!p0 $0x1BF5;
	p2 =	por !p2, p0  }
0x20: {  	[sflag:s8] =	ssyncset.s32 @!p0 $0xFFFFF086;
	s6 =	sadd.s32 @!p0 s3, s7;
	s7 =	simm.s32 @!p0 $0x108  }
0x21: {  	s3 =	sadd.s32 s3, s9;
	s6 =	sadd.s32 @!p0 $0x88, s6;
	s7 =	simm.s32 @p2 $0x1082  }
0x22: {  	[simem:s7], [sflag:s8] =	dma.local @!p0 [hbm:s6], $0xF7A  }
0x23: {  	s9 =	sor.u32 $0xD0000000, s2;
	s6 =	simm.s32 $0x108;
	_ =	swait.ge @!p0 [sflag:s8], $0x0  }
0x24: {  	s3 =	sadd.s32 $0x88, s3;
	s6 =	simm.s32 @!p1 $0x1082;
	[sflag:s4] =	ssyncset.s32 $0xFFFFF086  }
0x25: {  	[simem:s6], [sflag:s4] =	dma.local [hbm:s3], $0xF7A  }
0x26: {  	[smem:$0x3F9C] =	sst s1;
	(tag) =	ssettag s2;
	_ =	strace s9  }
0x27: {  	s1 =	sld [smem:$0x3FAC]  }
0x28: {  	s2 =	sld [smem:$0x3FAD]  }
0x29: {  	s4 =	sld [smem:$0x3FAF]  }
0x2a: {  	p0 =	seq.s32 s5, $0x0;
	s5 =	sld [smem:$0x3FB0]  }
0x2b: {  	s6 =	sld [smem:$0x3FB1]  }
0x2c: {  	s7 =	sld [smem:$0x3FB2]  }
0x2d: {  	s3 =	simm.s32 $0x108;
	s8 =	sld [smem:$0x3FB3]  }
0x2e: {  	s3 =	simm.s32 @!p0 $0x1082;
	s9 =	sld [smem:$0x3FB4]  }
0x2f: {  	lr =	sadd.s32 s0, s3;
	s0 =	sld [smem:$0x3FAB]  }
0x30: {  	s3 =	sld [smem:$0x3FAE]  }
0x31: {  	[smem:$0x3FB7] =	sst s10  }
0x32: {  	s10 =	sld [smem:$0x3FB5];
	_ =	sdelay $0x3  }
0x33: {  	p0 =	seq.s32 s10, $0x1;
	s10 =	sld [smem:$0x3FB7];
	_ =	sdelay $0x3  }
0x34: {  	[smem:$0x3FB7] =	sst s10  }
0x35: {  	s10 =	sld [smem:$0x3FB6];
	_ =	sdelay $0x3  }
0x36: {  	p1 =	seq.s32 s10, $0x1;
	s10 =	sld [smem:$0x3FB7];
	_ =	sdelay $0x3  }
0x37: {  	[smem:$0x3FB7] =	sst s10  }
0x38: {  	s10 =	sld [smem:$0x3FB8]  }
0x39: {  	_ = 	snop;
	(pc) =	sbr.ind lr, $3  }
0x3a: {  	_ = 	snop  }
0x3b: {  	_ = 	snop  }
0x3c: {  	p2 =	seq.s32 s10, $0x1;
	s10 =	sld [smem:$0x3FB7]  }
0x3d: {  	_ =	shalt  }
0x3e: {  	_ =	shalt  }
0x3f: {  	_ =	shalt  }
0x40: {  	_ =	shalt  }
0x41: {  	_ =	shalt  }
0x42: {  	_ =	shalt  }
0x43: {  	_ =	shalt  }
0x44: {  	_ =	shalt  }
0x45: {  	_ =	shalt  }
0x46: {  	_ =	shalt  }
0x47: {  	_ =	shalt  }
0x48: {  	_ =	shalt  }
0x49: {  	_ =	shalt  }
0x4a: {  	_ =	shalt  }
0x4b: {  	_ =	shalt  }
0x4c: {  	_ =	shalt  }
0x4d: {  	_ =	shalt  }
0x4e: {  	_ =	shalt  }
0x4f: {  	_ =	shalt  }
0x50: {  	_ =	shalt  }
0x51: {  	_ =	shalt  }
0x52: {  	_ =	shalt  }
0x53: {  	_ =	shalt  }
0x54: {  	_ =	shalt  }
0x55: {  	_ =	shalt  }
0x56: {  	_ =	shalt  }
0x57: {  	_ =	shalt  }
0x58: {  	_ =	shalt  }
0x59: {  	_ =	shalt  }
0x5a: {  	_ =	shalt  }
0x5b: {  	_ =	shalt  }
0x5c: {  	_ =	shalt  }
0x5d: {  	_ =	shalt  }
0x5e: {  	_ =	shalt  }
0x5f: {  	_ =	shalt  }
0x60: {  	_ =	shalt  }
0x61: {  	_ =	shalt  }
0x62: {  	_ =	shalt  }
0x63: {  	_ =	shalt  }
0x64: {  	_ =	shalt  }
0x65: {  	_ =	shalt  }
0x66: {  	_ =	shalt  }
0x67: {  	_ =	shalt  }
0x68: {  	_ =	shalt  }
0x69: {  	_ =	shalt  }
0x6a: {  	_ =	shalt  }
0x6b: {  	_ =	shalt  }
0x6c: {  	_ =	shalt  }
0x6d: {  	_ =	shalt  }
0x6e: {  	_ =	shalt  }
0x6f: {  	_ =	shalt  }
0x70: {  	_ =	shalt  }
0x71: {  	_ =	shalt  }
0x72: {  	_ =	shalt  }
0x73: {  	_ =	shalt  }
0x74: {  	_ =	shalt  }
0x75: {  	_ =	shalt  }
0x76: {  	_ =	shalt  }
0x77: {  	_ =	shalt  }
0x78: {  	_ =	shalt  }
0x79: {  	_ =	shalt  }
0x7a: {  	_ =	shalt  }
0x7b: {  	_ =	shalt  }
0x7c: {  	_ =	shalt  }
0x7d: {  	_ =	shalt  }
0x7e: {  	_ =	shalt  }
0x7f: {  	_ =	shalt  }
0x80: {  	_ =	shalt  }
0x81: {  	_ =	shalt  }
0x82: {  	_ =	shalt  }
0x83: {  	_ =	shalt  }
0x84: {  	_ =	shalt  }
0x85: {  	_ =	shalt  }
0x86: {  	_ =	shalt  }
0x87: {  	_ =	shalt  }
.Lfunc_end0:
.L_simem_size_0:
called_computation_lowered:
.L_overlay_start_0:
0x88: {  	s2 =	sld [smem:$0x3FD9]  }
0x89: {  	s3 =	sld [smem:$0x3FFE];
	_ =	sdelay $0x1  }
0x8a: {  	s1 =	srdreg.scid  }
0x8b: {  	s0 =	sand.u32 $0x1, s1  }
0x8c: {  	s17 =	sshll.u32 s0, $0xA;
	s2 =	sadd.s32 s3, s2  }
0x8d: {  	s2 =	sadd.s32 s2, s17  }
0x8e: {  	[smem:$0x3FC3] =	sst s2  }
0x8f: {  	_ = 	snop  }
0x90: {  	s2 =	sld [smem:$0x3FC6]  }
0x91: {  	s18 =	sld [smem:$0x3FC5];
	(tm) =	ssettm $0x1  }
0x92: {  	s4 =	sld [smem:$0x3FFB];
	_ =	sdelay $0x3  }
0x93: {  	_ =	strace s4  }
0x94: {  	s4 =	sld [smem:$0x3FFC];
	_ =	sdelay $0x3  }
0x95: {  	_ =	strace s4  }
0x96: {  	s4 =	sld [smem:$0x3FFD];
	_ =	sdelay $0x3  }
0x97: {  	_ =	strace s4  }
0x98: {  	_ =	strace $0x8FFFFFFF  }
0x99: {  	s19 =	sld [smem:$0x3FDB];
	_ =	sdelay $0x1  }
0x9a: {  	s5 =	simm.s32 $_scs_section_size  }
0x9b: {  	s6 =	simm.s32 $_size__tile_overlayer_lowered;
	s7 =	simm.s32 $_tile_overlayer_lowered  }
0x9c: {  	s22 =	simm.s32 $0x1BFF;
	s21 =	sshll.u32 s7, $0x1;
	s4 =	sadd.s32 s5, s19  }
0x9d: {  	s8 =	simm.s32 $0x0;
	s20 =	sshll.u32 s6, $0x1;
	s6 =	sadd.s32 s21, s4  }
0x9e: {  	[timem:s8], [sflag:s22] =	dma.local [hbm:s6], s20  }
0x9f: {  	_ =	swait.ge [sflag:s22], s20  }
0xa0: {  	s5 =	ssub.s32 $0x0, s20;
	[sflag:s22] =	ssyncset.done $0x0  }
0xa1: {  	[sflag:s22] =	ssyncadd.s32 s5;
	_ =	sdelay $0x1  }
0xa2: {  	s23 =	simm.s32 $0x1B8B  }
0xa3: {  	_ =	swait.ge [sflag:s23], $0x1  }
0xa4: {  	[sflag:s23] =	ssyncset.done $0x0  }
0xa5: {  	s25 =	simm.s32 $0x1B8E;
	s24 =	sld [smem:$0x3FFE];
	[sflag:s23] =	ssyncadd.s32 $0xFFFFFFFF  }
0xa6: {  	s26 =	simm.s32 $execute0_lowered;
	[smem:$0x3FD2] =	sst s25  }
0xa7: {  	s6 =	sshll.u32 s26, $0x1;
	_ =	strace $0x80000046;
	[dreg:$0x1] =	wrdreg $0xFFFFFFFF  }
0xa8: {  	s28 =	simm.s32 $_size_execute0_lowered;
	s4 =	sadd.s32 s4, s6;
	[dreg:$0x0] =	wrdreg $0x0  }
0xa9: {  	s6 =	sshll.u32 s28, $0x1;
	[dreg:$0x2] =	wrdreg s4  }
0xaa: {  	[dreg:$0x3] =	wrdreg s6  }
0xab: {  	[dreg:$0x4] =	wrdreg $0xC0  }
0xac: {  	_ =	task [dreg:s8], $0x5FFFF  }
0xad: {  	[dreg:$0x1] =	wrdreg $0xFFFFFFFF  }
0xae: {  	[dreg:$0x0] =	wrdreg $0x60  }
0xaf: {  	[dreg:$0x2] =	wrdreg s24  }
0xb0: {  	[dreg:$0x3] =	wrdreg s2  }
0xb1: {  	[dreg:$0x4] =	wrdreg s18  }
0xb2: {  	[dreg:$0x5] =	wrdreg $0x198000  }
0xb3: {  	[dreg:$0x6] =	wrdreg $0x9  }
0xb4: {  	_ =	task.clear_ibuf [dreg:s8], $0x7FFFF;
	_ =	strace $0x90000046  }
0xb5: {  	s29 =	simm.s32 $0x9;
	_ =	strace $0x80000048  }
0xb6: {  	_ =	swait.ge [sflag:s29], $0x1  }
0xb7: {  	[sflag:s29] =	ssyncadd.s32 $0xFFFFFFFF  }
0xb8: {  	_ =	strace $0x90000048  }
0xb9: {  	_ =	sfence  }
0xba: {  	s30 =	sld [smem:$0x0];
	_ =	sdelay $0x2  }
0xbb: {  	s31 =	sshll.u32 s1, $0xD;
	s1 =	sshrl.u32 s1, $0x2  }
0xbc: {  	s3 =	sand.u32 $0x4000, s31;
	s1 =	sadd.s32 s1, s30  }
0xbd: {  	s0 =	sor.u32 s3, s0;
	s1 =	sshll.u32 s1, $0x11  }
0xbe: {  	s0 =	sor.u32 s1, s0  }
0xbf: {  	s0 =	sadd.s32 $0x8F2B, s0  }
0xc0: {  	[sflag:s0] =	ssyncadd.remote.s32 $0x1  }
0xc1: {  	_ =	sfence.sel $0xFFFF  }
0xc2: {  	[dreg:$0x0] =	wrdreg $0xFFFFFFFF;
	(pc) =	sbr.abs _section_cstart, $3  }
0xc3: {  	[dreg:$0x1] =	wrdreg $0xFFFFFFFF  }
0xc4: {  	_ =	task.clear_ibuf [dreg:s8], $0x2FFFF;
	_ =	strace $0x9FFFFFFF  }
0xc5: {  	(tm) =	ssettm $0x7FFFFFFF  }
tec
execute0_lowered:
.L_overlay_start_1:
0x0: {  	(tag) =	ssettag $0x1  }
0x1: {  	s0 =	rddreg [dreg:$0x0]  }
0x2: {  	s1 =	rddreg [dreg:$0x1]  }
0x3: {  	s2 =	rddreg [dreg:$0x2]  }
0x4: {  	s5 =	simm.s32 $0x0;
	s3 =	srdreg.scid;
	s8 =	stileid.u32  }
0x5: {  	s15 =	simm.s32 $0x780;
	s16 =	simm.s32 $0xC780;
	s31 =	simm.s32 $0xE380  }
0x6: {  	s14 =	simm.s32 $0x2B80;
	s9 =	simm.s32 $0x3380;
	s10 =	simm.s32 $0xF380  }
0x7: {  	s11 =	simm.s32 $0xF780;
	s12 =	simm.s32 $0x3B80;
	s13 =	simm.s32 $0xFB80  }
0x8: {  	s17 =	simm.s32 $0x3F80;
	s18 =	simm.s32 $0xFF80;
	s19 =	simm.s32 $0x4380  }
0x9: {  	s20 =	simm.s32 $0x10380;
	s22 =	simm.s32 $0x0;
	[smem:$0x7FF] =	sst s5  }
0xa: {  	s3 =	sand.u32 $0x1, s3;
	s4 =	sshll.u32 s8, $0x6;
	s7 =	sshll.u32 s8, $0x4  }
0xb: {  	p0 =	seq.s32 s8, $0x0;
	s8 =	simm.s32 $0xEF80;
	s6 =	sshll.u32 s3, $0xA  }
0xc: {  	s4 =	sand.u32 $0x200, s4;
	s25 =	sshll.u32 s3, $0x4;
	s3 =	ssub.s32 $0x2, s3  }
0xd: {  	s24 =	sand.u32 $0x70, s7;
	s4 =	sor.u32 s6, s4;
	s26 =	sshrl.u32 s3, $0x1  }
0xe: {  	_ =	strace $0x80000047;
	s4 =	sor.u32 s24, s4;
	s3 =	ssub.s32 s3, s26  }
0xf: {  	v0 =	vlaneseq.u32;
	s7 =	simm.s32 $0x2F80;
	s4 =	sadd.s32 s4, s0;
	s30 =	smax.u32 s3, $0x1  }
.Ltmp0:
0x10: {  	v0 =	vmul.u32 $0x80, v0;
	s28 =	sadd.s32 $0xE00, s4;
	[dreg:$0x9] =	wrdreg s30;
	(pc) =	sbr.rel .LBB2_1-.Ltmp0, $4  }
0x11: {  	s6 =	simm.s32 $0xEB80;
	s29 =	sadd.s32 $0x1600, s4;
	[dreg:$0x5] =	wrdreg s28  }
0x12: {  	v8 =	vimm.f32 $0.0e+00;
	vm0 =	vmmov @!p0 $0xffff;
	v1 =	vor.u32 $0x3800, v0;
	s0 =	sadd.s32 s25, s0;
	s4 =	sadd.s32 $0x600, s4;
	[dreg:$0x6] =	wrdreg s29  }
0x13: {  	v2 =	vor.u32 $0x3000, v0;
	v3 =	vor.u32 $0x2800, v0;
	v4 =	vor.u32 $0x2000, v0;
	s3 =	simm.s32 $0x3780;
	s0 =	sadd.s32 $0x1E00, s0;
	[dreg:$0x7] =	wrdreg s4  }
0x14: {  	v5 =	vor.u32 $0x1800, v0;
	v6 =	vor.u32 $0x1000, v0;
	v7 =	vor.u32 $0x800, v0;
	[dreg:$0x8] =	wrdreg s0;
	s0 =	simm.s32 $0x2780;
	s4 =	simm.s32 $0xE780  }
.LBB2_9:
0x15: {  	[tilespmem:$0x18800] =	vst v10  }
0x16: {  	[tilespmem:$0x18880] =	vst v9  }
0x17: {  	[tilespmem:$0x18900] =	vst v8  }
0x18: {  	[tilespmem:$0x18980] =	vst v8  }
0x19: {  	[tilespmem:$0x18A00] =	vst v8  }
0x1a: {  	[tilespmem:$0x18A80] =	vst v8  }
0x1b: {  	[tilespmem:$0x18B00] =	vst v8  }
0x1c: {  	[tilespmem:$0x18B80] =	vst v8  }
0x1d: {  	[tilespmem:$0x18C00] =	vst v8  }
0x1e: {  	[tilespmem:$0x18C80] =	vst v8  }
0x1f: {  	[tilespmem:$0x18D00] =	vst v8  }
0x20: {  	[tilespmem:$0x18D80] =	vst v8  }
0x21: {  	s21 =	smul.f32 $6.250000000e-02, s25;
	[tilespmem:$0x18E00] =	vst v8  }
0x22: {  	[tilespmem:$0x18E80] =	vst v8  }
0x23: {  	[tilespmem:$0x18F00] =	vst v8;
	v11 =	vmov s21  }
0x24: {  	s24 =	rddreg [dreg:$0x3];
	s21 =	simm.s32 @p0 $0x18780;
	[tilespmem:$0x18780] =	vst v11  }
0x25: {  	[spmem:s24] =	stream.linear.scatter @p0 [tilespmem:s21], [sflag:$0x4], $0x800, $0x38;
	[tilespmem:$0x19810] =	vst v63  }
0x26: {  	s21 =	simm.s32 @p0 $0x4  }
0x27: {  	_ =	swait.ge @p0 [sflag:s21], $0x800  }
0x28: {  	[sflag:s21] =	ssyncset.done @p0 $0x0  }
0x29: {  	[sflag:s21] =	ssyncadd.s32 @p0 $0xFFFFF800  }
0x2a: {  	[bflag:$0x0] =	sbarrier.arrive @p0 $0xFFFF  }
0x2b: {  	s22 =	simm.s32 @p0 $0x18F80;
	[bflag:$0x0] =	sbarrier.arrive @p0 $0xFFFF  }
0x2c: {  	[tilespmem:s22], [sflag:$0x4] =	stream.linear.gather @p0 [spmem:s24], $0x800, $0x38;
	[tilespmem:$0x19810] =	vst v63  }
0x2d: {  	_ =	swait.ge @p0 [sflag:s21], $0x800  }
0x2e: {  	[sflag:s21] =	ssyncset.done @p0 $0x0  }
0x2f: {  	[sflag:s21] =	ssyncadd.s32 @p0 $0xFFFFF800  }
0x30: {  	v9 =	vld @p0 [tilespmem:$0x19000]  }
0x31: {  	v10 =	vld @p0 [tilespmem:$0x19080];
	_ =	sdelay $0x1  }
0x32: {  	v11 =	vld @p0 [tilespmem:$0x18F80];
	_ =	sdelay $0x2  }
0x33: {  	v9 =	vadd.f32 @p0 v10, v9;
	_ =	sdelay $0x1  }
0x34: {  	v10 =	vmul.f32 @p0 $6.103515630e-05, v11;
	v9 =	vmul.f32 @p0 $1.907348580e-10, v9;
	_ =	sdelay $0x1  }
0x35: {  	v9 =	vadd.f32 @p0 v9, v10;
	_ =	sdelay $0x1  }
0x36: {  	(xrf2) =	vadd.scan.msk.f32 @p0 $0xffff, v9;
	_ =	sdelay $0x9  }
0x37: {  	v9, _, _ =	vpop @p0 (xrf2)  }
0x38: {  	v9 =	vbroadcast @p0 v9, $0xF;
	_ =	sdelay $0x1  }
0x39: {  	s23 =	simm.s32 @p0 $0x19780;
	s22 =	simm.s32 @p0 $0x0;
	s25 =	rddreg [dreg:$0x8];
	[tilespmem:$0x19780] =	vst @p0 v9  }
0x3a: {  	v9 =	vlaneseq.u32 @!p0;
	[hbm4b:s25+s22] =	stream.linear.scatter @p0 [tilespmem:s23], [sflag:$0x4], $0x80, $0x38;
	[tilespmem:$0x19810] =	vst v63  }
0x3b: {  	_ =	swait.ge @p0 [sflag:s21], $0x80  }
0x3c: {  	[sflag:s21] =	ssyncset.done @p0 $0x0  }
0x3d: {  	[sflag:s21] =	ssyncadd.s32 @p0 $0xFFFFFF80  }
0x3e: {  	s21 =	simm.s32 @!p0 $0x18780;
	[bflag:$0x0] =	sbarrier.arrive @!p0 $0xFFFF  }
0x3f: {  	[spmem:s24] =	stream.indirect_vreg.scatter.add.f32 @!p0 [tilespmem:s21], [sflag:$0x4], $0x10, v9, vm0, $0xb8;
	[tilespmem:$0x19810] =	vst v63  }
0x40: {  	s21 =	simm.s32 @!p0 $0x4  }
0x41: {  	_ =	swait.ge @!p0 [sflag:s21], $0x100  }
0x42: {  	s29 =	rddreg [dreg:$0xa]  }
0x43: {  	s30 =	rddreg [dreg:$0x9];
	s22 =	sadd.s32 $0x1, s29  }
0x44: {  	p1 =	sne.s32 s22, s30  }
.Ltmp1:
0x45: {  	_ = 	snop;
	(pc) =	sbr.rel @!p1 .LBB2_10-.Ltmp1, $3  }
0x46: {  	[sflag:s21] =	ssyncset.done @!p0 $0x0  }
0x47: {  	[sflag:s21] =	ssyncadd.s32 @!p0 $0xFFFFFF00  }
0x48: {  	[bflag:$0x0] =	sbarrier.arrive @!p0 $0xFFFF;
	_ =	sdelay $0x1  }
.LBB2_1:
0x49: {  	[dreg:$0xa] =	wrdreg s22  }
0x4a: {  	s21 =	rddreg [dreg:$0x5]  }
0x4b: {  	s23 =	simm.s32 $0x80;
	s24 =	simm.s32 $0x400;
	s25 =	simm.s32 $0x4  }
0x4c: {  	[tilespmem:s5], [sflag:$0x4] =	stream.strided.gather [hbm4b:s21+s23], $0x200, s24, s23, $0x38;
	[tilespmem:$0x19810] =	vst v63  }
0x4d: {  	_ =	swait.ge [sflag:s25], $0x200  }
0x4e: {  	[sflag:s25] =	ssyncset.done $0x0  }
0x4f: {  	s29 =	simm.s32 $0x280;
	s28 =	rddreg [dreg:$0x6];
	[sflag:s25] =	ssyncadd.s32 $0xFFFFFE00  }
0x50: {  	[tilespmem:s29], [sflag:$0x4] =	stream.strided.gather [hbm4b:s28+s23], $0x200, s24, s23, $0x38;
	[tilespmem:$0x19810] =	vst v63  }
0x51: {  	_ =	swait.ge [sflag:s25], $0x200  }
0x52: {  	[sflag:s25] =	ssyncset.done $0x0  }
0x53: {  	s21 =	simm.s32 $0x500;
	s30 =	rddreg [dreg:$0x7];
	[sflag:s25] =	ssyncadd.s32 $0xFFFFFE00  }
0x54: {  	[tilespmem:s21], [sflag:$0x4] =	stream.strided.gather [hbm4b:s30+s23], $0x200, s24, s23, $0x38;
	[tilespmem:$0x19810] =	vst v63  }
0x55: {  	_ =	swait.ge [sflag:s25], $0x200  }
0x56: {  	[sflag:s25] =	ssyncset.done $0x0  }
0x57: {  	[sflag:s25] =	ssyncadd.s32 $0xFFFFFE00  }
0x58: {  	v9 =	vld [tilespmem:$0x0];
	_ =	sdelay $0x3  }
0x59: {  	v10 =	vld [tilespmem:$0x280]  }
0x5a: {  	v9 =	vshrl.u32 v9, $0x7  }
0x5b: {  	v9 =	vshll.u32 v9, $0xA  }
0x5c: {  	(v2sf) =	vpush v9, $0x0;
	_ =	sdelay $0x1  }
0x5d: {  	v10 =	vshrl.u32 v10, $0x7  }
0x5e: {  	v10 =	vshll.u32 v10, $0xA  }
0x5f: {  	(v2sf) =	vpush v10, $0x0;
	_ =	sdelay $0xa  }
0x60: {  	s22 =	spop (v2sf)  }
0x61: {  	s24 =	sshrl.u32 s22, $0x3  }
0x62: {  	s23 =	sadd.s32 s1, s24  }
0x63: {  	[tilespmem:s15], [sflag:$0x1] =	stream.linear.gather [hbm4b:s23+s5], $0x400, $0x38;
	[tilespmem:$0x19810] =	vst v63  }
0x64: {  	s23 =	spop (v2sf)  }
0x65: {  	s25 =	sshrl.u32 s23, $0x3  }
0x66: {  	s26 =	sadd.s32 $0x7A1400, s22;
	s24 =	sadd.s32 s2, s25  }
0x67: {  	[tilespmem:s16], [sflag:$0x1] =	stream.linear.gather [hbm4b:s24+s5], $0x400, $0x38;
	[tilespmem:$0x19810] =	vst v63  }
0x68: {  	s24 =	sshrl.u32 s26, $0x3  }
0x69: {  	s28 =	simm.s32 $0xB80;
	s29 =	sadd.s32 $0x7A1400, s23;
	s24 =	sadd.s32 s1, s24  }
0x6a: {  	(v2sf) =	vpush v9, $0x1;
	[tilespmem:s28], [sflag:$0x1] =	stream.linear.gather [hbm4b:s24+s5], $0x400, $0x38;
	[tilespmem:$0x19810] =	vst v63  }
0x6b: {  	s24 =	sshrl.u32 s29, $0x3  }
0x6c: {  	s30 =	simm.s32 $0xCB80;
	s25 =	sadd.s32 $0xF42800, s22;
	s24 =	sadd.s32 s2, s24  }
0x6d: {  	[tilespmem:s30], [sflag:$0x1] =	stream.linear.gather [hbm4b:s24+s5], $0x400, $0x38;
	[tilespmem:$0x19810] =	vst v63  }
0x6e: {  	(v2sf) =	vpush v10, $0x1;
	s24 =	sshrl.u32 s25, $0x3  }
0x6f: {  	s26 =	simm.s32 $0xF80;
	s28 =	sadd.s32 $0xF42800, s23;
	s24 =	sadd.s32 s1, s24  }
0x70: {  	[tilespmem:s26], [sflag:$0x1] =	stream.linear.gather [hbm4b:s24+s5], $0x400, $0x38;
	[tilespmem:$0x19810] =	vst v63  }
0x71: {  	s22 =	sadd.s32 $0x16E3C00, s22;
	s24 =	sshrl.u32 s28, $0x3  }
0x72: {  	s22 =	sshrl.u32 s22, $0x3;
	s29 =	simm.s32 $0xCF80;
	s24 =	sadd.s32 s2, s24  }
0x73: {  	[tilespmem:s29], [sflag:$0x1] =	stream.linear.gather [hbm4b:s24+s5], $0x400, $0x38;
	[tilespmem:$0x19810] =	vst v63  }
0x74: {  	s22 =	sadd.s32 s1, s22;
	s30 =	simm.s32 $0x1380;
	s24 =	sadd.s32 $0x16E3C00, s23  }
0x75: {  	[tilespmem:s30], [sflag:$0x1] =	stream.linear.gather [hbm4b:s22+s5], $0x400, $0x38;
	[tilespmem:$0x19810] =	vst v63  }
0x76: {  	s22 =	sshrl.u32 s24, $0x3  }
0x77: {  	s25 =	simm.s32 $0xD380;
	s22 =	sadd.s32 s2, s22  }
0x78: {  	[tilespmem:s25], [sflag:$0x1] =	stream.linear.gather [hbm4b:s22+s5], $0x400, $0x38;
	[tilespmem:$0x19810] =	vst v63  }
0x79: {  	s22 =	spop (v2sf)  }
0x7a: {  	s26 =	sshrl.u32 s22, $0x3  }
0x7b: {  	s28 =	simm.s32 $0x1780;
	s23 =	sadd.s32 s1, s26  }
0x7c: {  	[tilespmem:s28], [sflag:$0x1] =	stream.linear.gather [hbm4b:s23+s5], $0x400, $0x38;
	[tilespmem:$0x19810] =	vst v63  }
0x7d: {  	s23 =	spop (v2sf)  }
0x7e: {  	s29 =	sshrl.u32 s23, $0x3  }
0x7f: {  	s30 =	simm.s32 $0xD780;
	s26 =	sadd.s32 $0x7A1400, s22;
	s24 =	sadd.s32 s2, s29  }
0x80: {  	[tilespmem:s30], [sflag:$0x1] =	stream.linear.gather [hbm4b:s24+s5], $0x400, $0x38;
	[tilespmem:$0x19810] =	vst v63  }
0x81: {  	s24 =	sshrl.u32 s26, $0x3  }
0x82: {  	s28 =	simm.s32 $0x1B80;
	s29 =	sadd.s32 $0x7A1400, s23;
	s24 =	sadd.s32 s1, s24  }
0x83: {  	(v2sf) =	vpush v9, $0x2;
	[tilespmem:s28], [sflag:$0x1] =	stream.linear.gather [hbm4b:s24+s5], $0x400, $0x38;
	[tilespmem:$0x19810] =	vst v63  }
0x84: {  	s24 =	sshrl.u32 s29, $0x3  }
0x85: {  	s25 =	sadd.s32 $0xF42800, s22;
	s30 =	simm.s32 $0xDB80;
	s24 =	sadd.s32 s2, s24  }
0x86: {  	[tilespmem:s30], [sflag:$0x1] =	stream.linear.gather [hbm4b:s24+s5], $0x400, $0x38;
	[tilespmem:$0x19810] =	vst v63  }
0x87: {  	(v2sf) =	vpush v10, $0x2;
	s24 =	sshrl.u32 s25, $0x3  }
0x88: {  	s26 =	simm.s32 $0x1F80;
	s28 =	sadd.s32 $0xF42800, s23;
	s24 =	sadd.s32 s1, s24  }
0x89: {  	[tilespmem:s26], [sflag:$0x1] =	stream.linear.gather [hbm4b:s24+s5], $0x400, $0x38;
	[tilespmem:$0x19810] =	vst v63  }
0x8a: {  	s22 =	sadd.s32 $0x16E3C00, s22;
	s24 =	sshrl.u32 s28, $0x3  }
0x8b: {  	s22 =	sshrl.u32 s22, $0x3;
	s29 =	simm.s32 $0xDF80;
	s24 =	sadd.s32 s2, s24  }
0x8c: {  	[tilespmem:s29], [sflag:$0x1] =	stream.linear.gather [hbm4b:s24+s5], $0x400, $0x38;
	[tilespmem:$0x19810] =	vst v63  }
0x8d: {  	s22 =	sadd.s32 s1, s22;
	s23 =	sadd.s32 $0x16E3C00, s23;
	s30 =	simm.s32 $0x2380  }
0x8e: {  	[tilespmem:s30], [sflag:$0x1] =	stream.linear.gather [hbm4b:s22+s5], $0x400, $0x38;
	[tilespmem:$0x19810] =	vst v63  }
0x8f: {  	s22 =	sshrl.u32 s23, $0x3  }
0x90: {  	s22 =	sadd.s32 s2, s22  }
0x91: {  	[tilespmem:s31], [sflag:$0x1] =	stream.linear.gather [hbm4b:s22+s5], $0x400, $0x38;
	[tilespmem:$0x19810] =	vst v63  }
0x92: {  	s22 =	spop (v2sf)  }
0x93: {  	s24 =	sshrl.u32 s22, $0x3  }
0x94: {  	s23 =	sadd.s32 s1, s24  }
0x95: {  	[tilespmem:s0], [sflag:$0x1] =	stream.linear.gather [hbm4b:s23+s5], $0x400, $0x38;
	[tilespmem:$0x19810] =	vst v63  }
0x96: {  	s23 =	spop (v2sf)  }
0x97: {  	s25 =	sshrl.u32 s23, $0x3  }
0x98: {  	s26 =	sadd.s32 $0x7A1400, s22;
	s24 =	sadd.s32 s2, s25  }
0x99: {  	[tilespmem:s4], [sflag:$0x1] =	stream.linear.gather [hbm4b:s24+s5], $0x400, $0x38;
	[tilespmem:$0x19810] =	vst v63  }
0x9a: {  	s24 =	sshrl.u32 s26, $0x3  }
0x9b: {  	s28 =	sadd.s32 $0x7A1400, s23;
	s24 =	sadd.s32 s1, s24  }
0x9c: {  	(v2sf) =	vpush v9, $0x3;
	[tilespmem:s14], [sflag:$0x1] =	stream.linear.gather [hbm4b:s24+s5], $0x400, $0x38;
	[tilespmem:$0x19810] =	vst v63  }
0x9d: {  	s24 =	sshrl.u32 s28, $0x3  }
0x9e: {  	s29 =	sadd.s32 $0xF42800, s22;
	s24 =	sadd.s32 s2, s24  }
0x9f: {  	[tilespmem:s6], [sflag:$0x1] =	stream.linear.gather [hbm4b:s24+s5], $0x400, $0x38;
	[tilespmem:$0x19810] =	vst v63  }
0xa0: {  	(v2sf) =	vpush v10, $0x3;
	s24 =	sshrl.u32 s29, $0x3  }
0xa1: {  	s30 =	sadd.s32 $0xF42800, s23;
	s24 =	sadd.s32 s1, s24  }
0xa2: {  	[tilespmem:s7], [sflag:$0x1] =	stream.linear.gather [hbm4b:s24+s5], $0x400, $0x38;
	[tilespmem:$0x19810] =	vst v63  }
0xa3: {  	s22 =	sadd.s32 $0x16E3C00, s22;
	s24 =	sshrl.u32 s30, $0x3  }
0xa4: {  	s22 =	sshrl.u32 s22, $0x3;
	s24 =	sadd.s32 s2, s24  }
0xa5: {  	[tilespmem:s8], [sflag:$0x1] =	stream.linear.gather [hbm4b:s24+s5], $0x400, $0x38;
	[tilespmem:$0x19810] =	vst v63  }
0xa6: {  	s22 =	sadd.s32 s1, s22;
	s23 =	sadd.s32 $0x16E3C00, s23  }
0xa7: {  	[tilespmem:s9], [sflag:$0x1] =	stream.linear.gather [hbm4b:s22+s5], $0x400, $0x38;
	[tilespmem:$0x19810] =	vst v63  }
0xa8: {  	s22 =	sshrl.u32 s23, $0x3  }
0xa9: {  	s22 =	sadd.s32 s2, s22  }
0xaa: {  	[tilespmem:s10], [sflag:$0x1] =	stream.linear.gather [hbm4b:s22+s5], $0x400, $0x38;
	[tilespmem:$0x19810] =	vst v63  }
0xab: {  	s22 =	spop (v2sf)  }
0xac: {  	s24 =	sshrl.u32 s22, $0x3  }
0xad: {  	s23 =	sadd.s32 s1, s24  }
0xae: {  	[tilespmem:s3], [sflag:$0x1] =	stream.linear.gather [hbm4b:s23+s5], $0x400, $0x38;
	[tilespmem:$0x19810] =	vst v63  }
0xaf: {  	s23 =	spop (v2sf)  }
0xb0: {  	s25 =	sshrl.u32 s23, $0x3  }
0xb1: {  	s26 =	sadd.s32 $0x7A1400, s22;
	s24 =	sadd.s32 s2, s25  }
0xb2: {  	[tilespmem:s11], [sflag:$0x1] =	stream.linear.gather [hbm4b:s24+s5], $0x400, $0x38;
	[tilespmem:$0x19810] =	vst v63  }
0xb3: {  	s24 =	sshrl.u32 s26, $0x3  }
0xb4: {  	s28 =	sadd.s32 $0x7A1400, s23;
	s24 =	sadd.s32 s1, s24  }
0xb5: {  	[tilespmem:s12], [sflag:$0x1] =	stream.linear.gather [hbm4b:s24+s5], $0x400, $0x38;
	[tilespmem:$0x19810] =	vst v63  }
0xb6: {  	s24 =	sshrl.u32 s28, $0x3  }
0xb7: {  	s29 =	sadd.s32 $0xF42800, s22;
	s24 =	sadd.s32 s2, s24  }
0xb8: {  	[tilespmem:s13], [sflag:$0x1] =	stream.linear.gather [hbm4b:s24+s5], $0x400, $0x38;
	[tilespmem:$0x19810] =	vst v63  }
0xb9: {  	s24 =	sshrl.u32 s29, $0x3  }
0xba: {  	s30 =	sadd.s32 $0xF42800, s23;
	s24 =	sadd.s32 s1, s24  }
0xbb: {  	[tilespmem:s17], [sflag:$0x1] =	stream.linear.gather [hbm4b:s24+s5], $0x400, $0x38;
	[tilespmem:$0x19810] =	vst v63  }
0xbc: {  	s22 =	sadd.s32 $0x16E3C00, s22;
	s24 =	sshrl.u32 s30, $0x3  }
0xbd: {  	s22 =	sshrl.u32 s22, $0x3;
	s24 =	sadd.s32 s2, s24  }
0xbe: {  	[tilespmem:s18], [sflag:$0x1] =	stream.linear.gather [hbm4b:s24+s5], $0x400, $0x38;
	[tilespmem:$0x19810] =	vst v63  }
0xbf: {  	s22 =	sadd.s32 s1, s22;
	s23 =	sadd.s32 $0x16E3C00, s23  }
0xc0: {  	[tilespmem:s19], [sflag:$0x1] =	stream.linear.gather [hbm4b:s22+s5], $0x400, $0x38;
	[tilespmem:$0x19810] =	vst v63  }
0xc1: {  	s22 =	sshrl.u32 s23, $0x3  }
0xc2: {  	s22 =	sadd.s32 s2, s22  }
0xc3: {  	[tilespmem:s20], [sflag:$0x1] =	stream.linear.gather [hbm4b:s22+s5], $0x400, $0x38;
	[tilespmem:$0x19810] =	vst v63  }
0xc4: {  	v9 =	vld [tilespmem:$0x4];
	_ =	sdelay $0x3  }
0xc5: {  	v10 =	vld [tilespmem:$0x284]  }
0xc6: {  	v9 =	vshrl.u32 v9, $0x7  }
0xc7: {  	v9 =	vshll.u32 v9, $0xA  }
0xc8: {  	(v2sf) =	vpush v9, $0x0;
	_ =	sdelay $0x1  }
0xc9: {  	v10 =	vshrl.u32 v10, $0x7  }
0xca: {  	v10 =	vshll.u32 v10, $0xA  }
0xcb: {  	(v2sf) =	vpush v10, $0x0;
	_ =	sdelay $0xa  }
0xcc: {  	s22 =	spop (v2sf)  }
0xcd: {  	s24 =	sshrl.u32 s22, $0x3  }
0xce: {  	s25 =	simm.s32 $0x4780;
	s23 =	sadd.s32 s1, s24  }
0xcf: {  	[tilespmem:s25], [sflag:$0x2] =	stream.linear.gather [hbm4b:s23+s5], $0x400, $0x38;
	[tilespmem:$0x19810] =	vst v63  }
0xd0: {  	s23 =	spop (v2sf)  }
0xd1: {  	s26 =	sshrl.u32 s23, $0x3  }
0xd2: {  	s28 =	simm.s32 $0x10780;
	s29 =	sadd.s32 $0x7A1400, s22;
	s24 =	sadd.s32 s2, s26  }
0xd3: {  	[tilespmem:s28], [sflag:$0x2] =	stream.linear.gather [hbm4b:s24+s5], $0x400, $0x38;
	[tilespmem:$0x19810] =	vst v63  }
0xd4: {  	s24 =	sshrl.u32 s29, $0x3  }
0xd5: {  	s30 =	simm.s32 $0x4B80;
	s26 =	sadd.s32 $0x7A1400, s23;
	s24 =	sadd.s32 s1, s24  }
0xd6: {  	(v2sf) =	vpush v9, $0x1;
	[tilespmem:s30], [sflag:$0x2] =	stream.linear.gather [hbm4b:s24+s5], $0x400, $0x38;
	[tilespmem:$0x19810] =	vst v63  }
0xd7: {  	s24 =	sshrl.u32 s26, $0x3  }
0xd8: {  	s28 =	simm.s32 $0x10B80;
	s29 =	sadd.s32 $0xF42800, s22;
	s24 =	sadd.s32 s2, s24  }
0xd9: {  	[tilespmem:s28], [sflag:$0x2] =	stream.linear.gather [hbm4b:s24+s5], $0x400, $0x38;
	[tilespmem:$0x19810] =	vst v63  }
0xda: {  	(v2sf) =	vpush v10, $0x1;
	s24 =	sshrl.u32 s29, $0x3  }
0xdb: {  	s25 =	sadd.s32 $0xF42800, s23;
	s30 =	simm.s32 $0x4F80;
	s24 =	sadd.s32 s1, s24  }
0xdc: {  	[tilespmem:s30], [sflag:$0x2] =	stream.linear.gather [hbm4b:s24+s5], $0x400, $0x38;
	[tilespmem:$0x19810] =	vst v63  }
0xdd: {  	s22 =	sadd.s32 $0x16E3C00, s22;
	s24 =	sshrl.u32 s25, $0x3  }
0xde: {  	s22 =	sshrl.u32 s22, $0x3;
	s26 =	simm.s32 $0x10F80;
	s24 =	sadd.s32 s2, s24  }
0xdf: {  	[tilespmem:s26], [sflag:$0x2] =	stream.linear.gather [hbm4b:s24+s5], $0x400, $0x38;
	[tilespmem:$0x19810] =	vst v63  }
0xe0: {  	s22 =	sadd.s32 s1, s22;
	s28 =	simm.s32 $0x5380;
	s29 =	sadd.s32 $0x16E3C00, s23  }
0xe1: {  	[tilespmem:s28], [sflag:$0x2] =	stream.linear.gather [hbm4b:s22+s5], $0x400, $0x38;
	[tilespmem:$0x19810] =	vst v63  }
0xe2: {  	s22 =	sshrl.u32 s29, $0x3  }
0xe3: {  	s30 =	simm.s32 $0x11380;
	s22 =	sadd.s32 s2, s22  }
0xe4: {  	[tilespmem:s30], [sflag:$0x2] =	stream.linear.gather [hbm4b:s22+s5], $0x400, $0x38;
	[tilespmem:$0x19810] =	vst v63  }
0xe5: {  	s22 =	spop (v2sf)  }
0xe6: {  	s24 =	sshrl.u32 s22, $0x3  }
0xe7: {  	s25 =	simm.s32 $0x5780;
	s23 =	sadd.s32 s1, s24  }
0xe8: {  	[tilespmem:s25], [sflag:$0x2] =	stream.linear.gather [hbm4b:s23+s5], $0x400, $0x38;
	[tilespmem:$0x19810] =	vst v63  }
0xe9: {  	s23 =	spop (v2sf)  }
0xea: {  	s26 =	sshrl.u32 s23, $0x3  }
0xeb: {  	s28 =	simm.s32 $0x11780;
	s29 =	sadd.s32 $0x7A1400, s22;
	s24 =	sadd.s32 s2, s26  }
0xec: {  	[tilespmem:s28], [sflag:$0x2] =	stream.linear.gather [hbm4b:s24+s5], $0x400, $0x38;
	[tilespmem:$0x19810] =	vst v63  }
0xed: {  	s24 =	sshrl.u32 s29, $0x3  }
0xee: {  	s30 =	simm.s32 $0x5B80;
	s26 =	sadd.s32 $0x7A1400, s23;
	s24 =	sadd.s32 s1, s24  }
0xef: {  	(v2sf) =	vpush v9, $0x2;
	[tilespmem:s30], [sflag:$0x2] =	stream.linear.gather [hbm4b:s24+s5], $0x400, $0x38;
	[tilespmem:$0x19810] =	vst v63  }
0xf0: {  	s24 =	sshrl.u32 s26, $0x3  }
0xf1: {  	s28 =	simm.s32 $0x11B80;
	s29 =	sadd.s32 $0xF42800, s22;
	s24 =	sadd.s32 s2, s24  }
0xf2: {  	[tilespmem:s28], [sflag:$0x2] =	stream.linear.gather [hbm4b:s24+s5], $0x400, $0x38;
	[tilespmem:$0x19810] =	vst v63  }
0xf3: {  	(v2sf) =	vpush v10, $0x2;
	s24 =	sshrl.u32 s29, $0x3  }
0xf4: {  	s25 =	sadd.s32 $0xF42800, s23;
	s30 =	simm.s32 $0x5F80;
	s24 =	sadd.s32 s1, s24  }
0xf5: {  	[tilespmem:s30], [sflag:$0x2] =	stream.linear.gather [hbm4b:s24+s5], $0x400, $0x38;
	[tilespmem:$0x19810] =	vst v63  }
0xf6: {  	s22 =	sadd.s32 $0x16E3C00, s22;
	s24 =	sshrl.u32 s25, $0x3  }
0xf7: {  	s22 =	sshrl.u32 s22, $0x3;
	s26 =	simm.s32 $0x11F80;
	s24 =	sadd.s32 s2, s24  }
0xf8: {  	[tilespmem:s26], [sflag:$0x2] =	stream.linear.gather [hbm4b:s24+s5], $0x400, $0x38;
	[tilespmem:$0x19810] =	vst v63  }
0xf9: {  	s22 =	sadd.s32 s1, s22;
	s28 =	simm.s32 $0x6380;
	s29 =	sadd.s32 $0x16E3C00, s23  }
0xfa: {  	[tilespmem:s28], [sflag:$0x2] =	stream.linear.gather [hbm4b:s22+s5], $0x400, $0x38;
	[tilespmem:$0x19810] =	vst v63  }
0xfb: {  	s22 =	sshrl.u32 s29, $0x3  }
0xfc: {  	s30 =	simm.s32 $0x12380;
	s22 =	sadd.s32 s2, s22  }
0xfd: {  	[tilespmem:s30], [sflag:$0x2] =	stream.linear.gather [hbm4b:s22+s5], $0x400, $0x38;
	[tilespmem:$0x19810] =	vst v63  }
0xfe: {  	s22 =	spop (v2sf)  }
0xff: {  	s24 =	sshrl.u32 s22, $0x3  }
0x100: {  	s25 =	simm.s32 $0x6780;
	s23 =	sadd.s32 s1, s24  }
0x101: {  	[tilespmem:s25], [sflag:$0x2] =	stream.linear.gather [hbm4b:s23+s5], $0x400, $0x38;
	[tilespmem:$0x19810] =	vst v63  }
0x102: {  	s23 =	spop (v2sf)  }
0x103: {  	s26 =	sshrl.u32 s23, $0x3  }
0x104: {  	s28 =	simm.s32 $0x12780;
	s29 =	sadd.s32 $0x7A1400, s22;
	s24 =	sadd.s32 s2, s26  }
0x105: {  	(v2sf) =	vpush v9, $0x3;
	[tilespmem:s28], [sflag:$0x2] =	stream.linear.gather [hbm4b:s24+s5], $0x400, $0x38;
	[tilespmem:$0x19810] =	vst v63  }
0x106: {  	s24 =	sshrl.u32 s29, $0x3  }
0x107: {  	s30 =	simm.s32 $0x6B80;
	s26 =	sadd.s32 $0x7A1400, s23;
	s24 =	sadd.s32 s1, s24  }
0x108: {  	[tilespmem:s30], [sflag:$0x2] =	stream.linear.gather [hbm4b:s24+s5], $0x400, $0x38;
	[tilespmem:$0x19810] =	vst v63  }
0x109: {  	s24 =	sshrl.u32 s26, $0x3  }
0x10a: {  	(v2sf) =	vpush v10, $0x3;
	s28 =	simm.s32 $0x12B80;
	s29 =	sadd.s32 $0xF42800, s22;
	s24 =	sadd.s32 s2, s24  }
0x10b: {  	[tilespmem:s28], [sflag:$0x2] =	stream.linear.gather [hbm4b:s24+s5], $0x400, $0x38;
	[tilespmem:$0x19810] =	vst v63  }
0x10c: {  	s24 =	sshrl.u32 s29, $0x3  }
0x10d: {  	s25 =	sadd.s32 $0xF42800, s23;
	s30 =	simm.s32 $0x6F80;
	s24 =	sadd.s32 s1, s24  }
0x10e: {  	[tilespmem:s30], [sflag:$0x2] =	stream.linear.gather [hbm4b:s24+s5], $0x400, $0x38;
	[tilespmem:$0x19810] =	vst v63  }
0x10f: {  	s22 =	sadd.s32 $0x16E3C00, s22;
	s24 =	sshrl.u32 s25, $0x3  }
0x110: {  	s22 =	sshrl.u32 s22, $0x3;
	s26 =	simm.s32 $0x12F80;
	s24 =	sadd.s32 s2, s24  }
0x111: {  	[tilespmem:s26], [sflag:$0x2] =	stream.linear.gather [hbm4b:s24+s5], $0x400, $0x38;
	[tilespmem:$0x19810] =	vst v63  }
0x112: {  	s22 =	sadd.s32 s1, s22;
	s28 =	simm.s32 $0x7380;
	s29 =	sadd.s32 $0x16E3C00, s23  }
0x113: {  	[tilespmem:s28], [sflag:$0x2] =	stream.linear.gather [hbm4b:s22+s5], $0x400, $0x38;
	[tilespmem:$0x19810] =	vst v63  }
0x114: {  	s23 =	spop (v2sf);
	s22 =	sshrl.u32 s29, $0x3  }
0x115: {  	s30 =	simm.s32 $0x13380;
	s24 =	sshrl.u32 s23, $0x3;
	s22 =	sadd.s32 s2, s22  }
0x116: {  	[tilespmem:s30], [sflag:$0x2] =	stream.linear.gather [hbm4b:s22+s5], $0x400, $0x38;
	[tilespmem:$0x19810] =	vst v63  }
0x117: {  	s25 =	simm.s32 $0x7780;
	s22 =	sadd.s32 s1, s24  }
0x118: {  	[tilespmem:s25], [sflag:$0x2] =	stream.linear.gather [hbm4b:s22+s5], $0x400, $0x38;
	[tilespmem:$0x19810] =	vst v63  }
0x119: {  	s22 =	spop (v2sf)  }
0x11a: {  	s26 =	sshrl.u32 s22, $0x3  }
0x11b: {  	s28 =	simm.s32 $0x13780;
	s29 =	sadd.s32 $0x7A1400, s23;
	s24 =	sadd.s32 s2, s26  }
0x11c: {  	[tilespmem:s28], [sflag:$0x2] =	stream.linear.gather [hbm4b:s24+s5], $0x400, $0x38;
	[tilespmem:$0x19810] =	vst v63  }
0x11d: {  	s24 =	sshrl.u32 s29, $0x3  }
0x11e: {  	s30 =	simm.s32 $0x7B80;
	s26 =	sadd.s32 $0x7A1400, s22;
	s24 =	sadd.s32 s1, s24  }
0x11f: {  	[tilespmem:s30], [sflag:$0x2] =	stream.linear.gather [hbm4b:s24+s5], $0x400, $0x38;
	[tilespmem:$0x19810] =	vst v63  }
0x120: {  	s28 =	simm.s32 $0x13B80;
	s24 =	sshrl.u32 s26, $0x3  }
0x121: {  	s29 =	sadd.s32 $0xF42800, s23;
	s23 =	sadd.s32 $0x16E3C00, s23;
	s24 =	sadd.s32 s2, s24  }
0x122: {  	[tilespmem:s28], [sflag:$0x2] =	stream.linear.gather [hbm4b:s24+s5], $0x400, $0x38;
	[tilespmem:$0x19810] =	vst v63  }
0x123: {  	s23 =	sshrl.u32 s23, $0x3;
	s24 =	sshrl.u32 s29, $0x3  }
0x124: {  	s30 =	simm.s32 $0x7F80;
	s26 =	sadd.s32 $0xF42800, s22;
	s24 =	sadd.s32 s1, s24  }
0x125: {  	[tilespmem:s30], [sflag:$0x2] =	stream.linear.gather [hbm4b:s24+s5], $0x400, $0x38;
	[tilespmem:$0x19810] =	vst v63  }
0x126: {  	s23 =	sadd.s32 s1, s23;
	s24 =	sshrl.u32 s26, $0x3  }
0x127: {  	s22 =	sadd.s32 $0x16E3C00, s22;
	s28 =	simm.s32 $0x13F80;
	s24 =	sadd.s32 s2, s24  }
0x128: {  	[tilespmem:s28], [sflag:$0x2] =	stream.linear.gather [hbm4b:s24+s5], $0x400, $0x38;
	[tilespmem:$0x19810] =	vst v63  }
.Ltmp2:
0x129: {  	s22 =	sshrl.u32 s22, $0x3;
	s29 =	simm.s32 $0x8380;
	(pc) =	sbr.rel .LBB2_2-.Ltmp2, $4  }
0x12a: {  	[tilespmem:s29], [sflag:$0x2] =	stream.linear.gather [hbm4b:s23+s5], $0x400, $0x38;
	[tilespmem:$0x19810] =	vst v63  }
0x12b: {  	s25 =	simm.f32 $0.0e+00;
	s22 =	sadd.s32 s2, s22;
	s30 =	simm.s32 $0x14380  }
0x12c: {  	[tilespmem:s30], [sflag:$0x2] =	stream.linear.gather [hbm4b:s22+s5], $0x400, $0x38;
	[tilespmem:$0x19810] =	vst v63  }
0x12d: {  	v9 =	vimm.f32 $0.0e+00;
	v10 =	vimm.f32 $0.0e+00;
	s24 =	simm.s32 $0x0;
	s23 =	simm.s32 $0x8;
	s22 =	simm.s32 $0x288  }
.LBB2_3:
0x12e: {  	v11 =	vld [tilespmem:s23+$0x0];
	_ =	sdelay $0x3  }
0x12f: {  	v12 =	vld [tilespmem:s22+$0x0]  }
0x130: {  	v11 =	vshrl.u32 v11, $0x7  }
0x131: {  	v11 =	vshll.u32 v11, $0xA  }
0x132: {  	(v2sf) =	vpush v11, $0x0;
	_ =	sdelay $0x1  }
0x133: {  	v12 =	vshrl.u32 v12, $0x7  }
0x134: {  	v12 =	vshll.u32 v12, $0xA  }
0x135: {  	(v2sf) =	vpush v12, $0x0;
	_ =	sdelay $0xa  }
0x136: {  	s26 =	spop (v2sf)  }
0x137: {  	s28 =	sshrl.u32 s26, $0x3  }
0x138: {  	s28 =	sadd.s32 s1, s28  }
0x139: {  	[tilespmem:s15], [sflag:$0x1] =	stream.linear.gather [hbm4b:s28+s5], $0x400, $0x38;
	[tilespmem:$0x19810] =	vst v63  }
0x13a: {  	s28 =	spop (v2sf)  }
0x13b: {  	s29 =	sshrl.u32 s28, $0x3  }
0x13c: {  	s30 =	sadd.s32 $0x7A1400, s26;
	s29 =	sadd.s32 s2, s29  }
0x13d: {  	[tilespmem:s16], [sflag:$0x1] =	stream.linear.gather [hbm4b:s29+s5], $0x400, $0x38;
	[tilespmem:$0x19810] =	vst v63  }
0x13e: {  	s29 =	sshrl.u32 s30, $0x3  }
0x13f: {  	s30 =	simm.s32 $0xB80;
	s29 =	sadd.s32 s1, s29  }
0x140: {  	[tilespmem:s30], [sflag:$0x1] =	stream.linear.gather [hbm4b:s29+s5], $0x400, $0x38;
	[tilespmem:$0x19810] =	vst v63  }
0x141: {  	s30 =	sadd.s32 $0x7A1400, s28  }
0x142: {  	s29 =	sshrl.u32 s30, $0x3  }
0x143: {  	(v2sf) =	vpush v11, $0x1;
	s30 =	simm.s32 $0xCB80;
	s29 =	sadd.s32 s2, s29  }
0x144: {  	[tilespmem:s30], [sflag:$0x1] =	stream.linear.gather [hbm4b:s29+s5], $0x400, $0x38;
	[tilespmem:$0x19810] =	vst v63  }
0x145: {  	s30 =	sadd.s32 $0xF42800, s26  }
0x146: {  	s29 =	sshrl.u32 s30, $0x3  }
0x147: {  	(v2sf) =	vpush v12, $0x1;
	s30 =	simm.s32 $0xF80;
	s29 =	sadd.s32 s1, s29  }
0x148: {  	[tilespmem:s30], [sflag:$0x1] =	stream.linear.gather [hbm4b:s29+s5], $0x400, $0x38;
	[tilespmem:$0x19810] =	vst v63  }
0x149: {  	s30 =	sadd.s32 $0xF42800, s28  }
0x14a: {  	s26 =	sadd.s32 $0x16E3C00, s26;
	s29 =	sshrl.u32 s30, $0x3  }
0x14b: {  	s26 =	sshrl.u32 s26, $0x3;
	s30 =	simm.s32 $0xCF80;
	s29 =	sadd.s32 s2, s29  }
0x14c: {  	[tilespmem:s30], [sflag:$0x1] =	stream.linear.gather [hbm4b:s29+s5], $0x400, $0x38;
	[tilespmem:$0x19810] =	vst v63  }
0x14d: {  	s26 =	sadd.s32 s1, s26;
	s30 =	simm.s32 $0x1380;
	s29 =	sadd.s32 $0x16E3C00, s28  }
0x14e: {  	[tilespmem:s30], [sflag:$0x1] =	stream.linear.gather [hbm4b:s26+s5], $0x400, $0x38;
	[tilespmem:$0x19810] =	vst v63  }
0x14f: {  	s26 =	sshrl.u32 s29, $0x3  }
0x150: {  	s30 =	simm.s32 $0xD380;
	s26 =	sadd.s32 s2, s26  }
0x151: {  	[tilespmem:s30], [sflag:$0x1] =	stream.linear.gather [hbm4b:s26+s5], $0x400, $0x38;
	[tilespmem:$0x19810] =	vst v63  }
0x152: {  	s26 =	spop (v2sf)  }
0x153: {  	s29 =	sshrl.u32 s26, $0x3  }
0x154: {  	s30 =	simm.s32 $0x1780;
	s28 =	sadd.s32 s1, s29  }
0x155: {  	[tilespmem:s30], [sflag:$0x1] =	stream.linear.gather [hbm4b:s28+s5], $0x400, $0x38;
	[tilespmem:$0x19810] =	vst v63  }
0x156: {  	s28 =	spop (v2sf)  }
0x157: {  	s30 =	sshrl.u32 s28, $0x3  }
0x158: {  	s29 =	sadd.s32 s2, s30;
	s30 =	simm.s32 $0xD780  }
0x159: {  	[tilespmem:s30], [sflag:$0x1] =	stream.linear.gather [hbm4b:s29+s5], $0x400, $0x38;
	[tilespmem:$0x19810] =	vst v63  }
0x15a: {  	s30 =	sadd.s32 $0x7A1400, s26  }
0x15b: {  	s29 =	sshrl.u32 s30, $0x3  }
0x15c: {  	s30 =	simm.s32 $0x1B80;
	s29 =	sadd.s32 s1, s29  }
0x15d: {  	[tilespmem:s30], [sflag:$0x1] =	stream.linear.gather [hbm4b:s29+s5], $0x400, $0x38;
	[tilespmem:$0x19810] =	vst v63  }
0x15e: {  	s30 =	sadd.s32 $0x7A1400, s28  }
0x15f: {  	s29 =	sshrl.u32 s30, $0x3  }
0x160: {  	(v2sf) =	vpush v11, $0x2;
	s30 =	simm.s32 $0xDB80;
	s29 =	sadd.s32 s2, s29  }
0x161: {  	[tilespmem:s30], [sflag:$0x1] =	stream.linear.gather [hbm4b:s29+s5], $0x400, $0x38;
	[tilespmem:$0x19810] =	vst v63  }
0x162: {  	s30 =	sadd.s32 $0xF42800, s26  }
0x163: {  	s29 =	sshrl.u32 s30, $0x3  }
0x164: {  	(v2sf) =	vpush v12, $0x2;
	s30 =	simm.s32 $0x1F80;
	s29 =	sadd.s32 s1, s29  }
0x165: {  	[tilespmem:s30], [sflag:$0x1] =	stream.linear.gather [hbm4b:s29+s5], $0x400, $0x38;
	[tilespmem:$0x19810] =	vst v63  }
0x166: {  	s30 =	sadd.s32 $0xF42800, s28  }
0x167: {  	s26 =	sadd.s32 $0x16E3C00, s26;
	s29 =	sshrl.u32 s30, $0x3  }
0x168: {  	s26 =	sshrl.u32 s26, $0x3;
	s30 =	simm.s32 $0xDF80;
	s29 =	sadd.s32 s2, s29  }
0x169: {  	[tilespmem:s30], [sflag:$0x1] =	stream.linear.gather [hbm4b:s29+s5], $0x400, $0x38;
	[tilespmem:$0x19810] =	vst v63  }
0x16a: {  	s26 =	sadd.s32 s1, s26;
	s28 =	sadd.s32 $0x16E3C00, s28;
	s30 =	simm.s32 $0x2380  }
0x16b: {  	[tilespmem:s30], [sflag:$0x1] =	stream.linear.gather [hbm4b:s26+s5], $0x400, $0x38;
	[tilespmem:$0x19810] =	vst v63  }
0x16c: {  	s26 =	sshrl.u32 s28, $0x3  }
0x16d: {  	s26 =	sadd.s32 s2, s26  }
0x16e: {  	[tilespmem:s31], [sflag:$0x1] =	stream.linear.gather [hbm4b:s26+s5], $0x400, $0x38;
	[tilespmem:$0x19810] =	vst v63  }
0x16f: {  	s26 =	spop (v2sf)  }
0x170: {  	s29 =	sshrl.u32 s26, $0x3  }
0x171: {  	s28 =	sadd.s32 s1, s29  }
0x172: {  	[tilespmem:s0], [sflag:$0x1] =	stream.linear.gather [hbm4b:s28+s5], $0x400, $0x38;
	[tilespmem:$0x19810] =	vst v63  }
0x173: {  	s28 =	spop (v2sf)  }
0x174: {  	s30 =	sshrl.u32 s28, $0x3  }
0x175: {  	s29 =	sadd.s32 s2, s30;
	s30 =	sadd.s32 $0x7A1400, s26  }
0x176: {  	(v2sf) =	vpush v11, $0x3;
	[tilespmem:s4], [sflag:$0x1] =	stream.linear.gather [hbm4b:s29+s5], $0x400, $0x38;
	[tilespmem:$0x19810] =	vst v63  }
0x177: {  	s29 =	sshrl.u32 s30, $0x3  }
0x178: {  	s30 =	sadd.s32 $0x7A1400, s28;
	s29 =	sadd.s32 s1, s29  }
0x179: {  	[tilespmem:s14], [sflag:$0x1] =	stream.linear.gather [hbm4b:s29+s5], $0x400, $0x38;
	[tilespmem:$0x19810] =	vst v63  }
0x17a: {  	s29 =	sshrl.u32 s30, $0x3  }
0x17b: {  	(v2sf) =	vpush v12, $0x3;
	s30 =	sadd.s32 $0xF42800, s26;
	s29 =	sadd.s32 s2, s29  }
0x17c: {  	[tilespmem:s6], [sflag:$0x1] =	stream.linear.gather [hbm4b:s29+s5], $0x400, $0x38;
	[tilespmem:$0x19810] =	vst v63  }
0x17d: {  	s29 =	sshrl.u32 s30, $0x3  }
0x17e: {  	s30 =	sadd.s32 $0xF42800, s28;
	s29 =	sadd.s32 s1, s29  }
0x17f: {  	[tilespmem:s7], [sflag:$0x1] =	stream.linear.gather [hbm4b:s29+s5], $0x400, $0x38;
	[tilespmem:$0x19810] =	vst v63  }
0x180: {  	s26 =	sadd.s32 $0x16E3C00, s26;
	s29 =	sshrl.u32 s30, $0x3  }
0x181: {  	s26 =	sshrl.u32 s26, $0x3;
	s29 =	sadd.s32 s2, s29  }
0x182: {  	[tilespmem:s8], [sflag:$0x1] =	stream.linear.gather [hbm4b:s29+s5], $0x400, $0x38;
	[tilespmem:$0x19810] =	vst v63  }
0x183: {  	s26 =	sadd.s32 s1, s26;
	s28 =	sadd.s32 $0x16E3C00, s28  }
0x184: {  	[tilespmem:s9], [sflag:$0x1] =	stream.linear.gather [hbm4b:s26+s5], $0x400, $0x38;
	[tilespmem:$0x19810] =	vst v63  }
0x185: {  	s26 =	sshrl.u32 s28, $0x3;
	s28 =	spop (v2sf)  }
0x186: {  	s26 =	sadd.s32 s2, s26;
	s29 =	sshrl.u32 s28, $0x3  }
0x187: {  	[tilespmem:s10], [sflag:$0x1] =	stream.linear.gather [hbm4b:s26+s5], $0x400, $0x38;
	[tilespmem:$0x19810] =	vst v63  }
0x188: {  	s26 =	sadd.s32 s1, s29  }
0x189: {  	[tilespmem:s3], [sflag:$0x1] =	stream.linear.gather [hbm4b:s26+s5], $0x400, $0x38;
	[tilespmem:$0x19810] =	vst v63  }
0x18a: {  	s26 =	spop (v2sf)  }
0x18b: {  	s30 =	sshrl.u32 s26, $0x3  }
0x18c: {  	s29 =	sadd.s32 s2, s30;
	s30 =	sadd.s32 $0x7A1400, s28  }
0x18d: {  	[tilespmem:s11], [sflag:$0x1] =	stream.linear.gather [hbm4b:s29+s5], $0x400, $0x38;
	[tilespmem:$0x19810] =	vst v63  }
0x18e: {  	s29 =	sshrl.u32 s30, $0x3  }
0x18f: {  	s30 =	sadd.s32 $0x7A1400, s26;
	s29 =	sadd.s32 s1, s29  }
0x190: {  	[tilespmem:s12], [sflag:$0x1] =	stream.linear.gather [hbm4b:s29+s5], $0x400, $0x38;
	[tilespmem:$0x19810] =	vst v63  }
0x191: {  	s29 =	sshrl.u32 s30, $0x3  }
0x192: {  	s30 =	sadd.s32 $0xF42800, s28;
	s29 =	sadd.s32 s2, s29  }
0x193: {  	[tilespmem:s13], [sflag:$0x1] =	stream.linear.gather [hbm4b:s29+s5], $0x400, $0x38;
	[tilespmem:$0x19810] =	vst v63  }
0x194: {  	s29 =	sshrl.u32 s30, $0x3  }
0x195: {  	s30 =	sadd.s32 $0xF42800, s26;
	s29 =	sadd.s32 s1, s29  }
0x196: {  	[tilespmem:s17], [sflag:$0x1] =	stream.linear.gather [hbm4b:s29+s5], $0x400, $0x38;
	[tilespmem:$0x19810] =	vst v63  }
0x197: {  	s28 =	sadd.s32 $0x16E3C00, s28;
	s29 =	sshrl.u32 s30, $0x3  }
0x198: {  	s28 =	sshrl.u32 s28, $0x3;
	s26 =	sadd.s32 $0x16E3C00, s26;
	s29 =	sadd.s32 s2, s29  }
0x199: {  	[tilespmem:s18], [sflag:$0x1] =	stream.linear.gather [hbm4b:s29+s5], $0x400, $0x38;
	[tilespmem:$0x19810] =	vst v63  }
0x19a: {  	s28 =	sadd.s32 s1, s28;
	s26 =	sshrl.u32 s26, $0x3  }
0x19b: {  	[tilespmem:s19], [sflag:$0x1] =	stream.linear.gather [hbm4b:s28+s5], $0x400, $0x38;
	[tilespmem:$0x19810] =	vst v63  }
0x19c: {  	s26 =	sadd.s32 s2, s26  }
0x19d: {  	[tilespmem:s20], [sflag:$0x1] =	stream.linear.gather [hbm4b:s26+s5], $0x400, $0x38;
	[tilespmem:$0x19810] =	vst v63  }
.LBB2_8:
0x19e: {  	s26 =	smul.u32 $0xAB, s24;
	_ =	sdelay $0x1  }
0x19f: {  	s26 =	sshrl.u32 s26, $0x9  }
0x1a0: {  	s26 =	sand.u32 $0x7F, s26  }
0x1a1: {  	s26 =	smul.u32 $0x3, s26;
	_ =	sdelay $0x1  }
0x1a2: {  	s26 =	ssub.s32 s24, s26  }
0x1a3: {  	s26 =	sand.u32 $0xFF, s26  }
0x1a4: {  	p1 =	seq.s32 s26, $0x0  }
0x1a5: {  	p3 =	sne.s32 @!p1 s26, $0x1  }
0x1a6: {  	p2 =	por !p3, p1  }
0x1a7: {  	s26 =	simm.s32 @!p2 $0x3  }
0x1a8: {  	s26 =	simm.s32 @p2 $0x2  }
0x1a9: {  	s26 =	simm.s32 @p1 $0x1  }
0x1aa: {  	_ =	swait.ge [sflag:s26], $0x1000  }
0x1ab: {  	[sflag:s26] =	ssyncset.done $0x0  }
0x1ac: {  	[sflag:s26] =	ssyncadd.s32 $0xFFFFF000  }
0x1ad: {  	_ =	swait.ge [sflag:s26], $0x1000  }
0x1ae: {  	[sflag:s26] =	ssyncset.done $0x0  }
0x1af: {  	[sflag:s26] =	ssyncadd.s32 $0xFFFFF000  }
0x1b0: {  	_ =	swait.ge [sflag:s26], $0x1000  }
0x1b1: {  	[sflag:s26] =	ssyncset.done $0x0  }
0x1b2: {  	[sflag:s26] =	ssyncadd.s32 $0xFFFFF000  }
0x1b3: {  	_ =	swait.ge [sflag:s26], $0x1000  }
0x1b4: {  	[sflag:s26] =	ssyncset.done $0x0  }
0x1b5: {  	[sflag:s26] =	ssyncadd.s32 $0xFFFFF000  }
0x1b6: {  	_ =	swait.ge [sflag:s26], $0x1000  }
0x1b7: {  	[sflag:s26] =	ssyncset.done $0x0  }
0x1b8: {  	[sflag:s26] =	ssyncadd.s32 $0xFFFFF000  }
0x1b9: {  	_ =	swait.ge [sflag:s26], $0x1000  }
0x1ba: {  	[sflag:s26] =	ssyncset.done $0x0  }
0x1bb: {  	[sflag:s26] =	ssyncadd.s32 $0xFFFFF000  }
0x1bc: {  	_ =	swait.ge [sflag:s26], $0x1000  }
0x1bd: {  	[sflag:s26] =	ssyncset.done $0x0  }
0x1be: {  	[sflag:s26] =	ssyncadd.s32 $0xFFFFF000  }
0x1bf: {  	_ =	swait.ge [sflag:s26], $0x1000  }
0x1c0: {  	[sflag:s26] =	ssyncset.done $0x0  }
0x1c1: {  	v11 =	vlaneseq.u32 @!p2;
	[sflag:s26] =	ssyncadd.s32 $0xFFFFF000  }
0x1c2: {  	p3 =	por p3, p1;
	v11 =	vmul.u32 @!p2 $0x80, v11;
	v12 =	vld [tilespmem:s23+$0xFFFFFFF8]  }
0x1c3: {  	v15 =	vlaneseq.u32 @!p3  }
0x1c4: {  	v15 =	vmul.u32 @!p3 $0x80, v15;
	v13 =	vor.u32 @!p2 $0xB800, v11;
	v16 =	vld [tilespmem:s22+$0xFFFFFFF8]  }
0x1c5: {  	v14 =	vor.u32 @!p2 $0xB000, v11;
	v17 =	vor.u32 @!p2 $0xA800, v11;
	v18 =	vor.u32 @!p2 $0xA000, v11  }
0x1c6: {  	v19 =	vor.u32 @!p2 $0x9800, v11;
	v20 =	vor.u32 @!p2 $0x9000, v11;
	v21 =	vor.u32 @!p2 $0x8800, v11  }
0x1c7: {  	v11 =	vor.u32 @!p2 $0x8000, v11;
	v22 =	vor.u32 @!p3 $0x4000, v15;
	v12 =	vand.u32 $0x7F, v12  }
0x1c8: {  	v23 =	vor.u32 @!p3 $0x4800, v15;
	v11 =	vpsel p2, v22, v11;
	v61 =	vbroadcast v12, $0x0  }
0x1c9: {  	v21 =	vpsel p2, v23, v21;
	v11 =	vpsel p1, v0, v11;
	v16 =	vand.u32 $0x7F, v16  }
0x1ca: {  	v21 =	vpsel p1, v7, v21;
	v62 =	vbroadcast v16, $0x0;
	v24 =	vor.u32 v11, v61  }
0x1cb: {  	v25 =	vor.u32 @!p3 $0x5800, v15;
	v26 =	vor.u32 @!p3 $0x5000, v15;
	v22 =	vor.u32 v21, v61  }
0x1cc: {  	v20 =	vpsel p2, v26, v20;
	v63 =	vbroadcast v12, $0x1;
	v11 =	vor.u32 v11, v62  }
0x1cd: {  	v19 =	vpsel p2, v25, v19;
	v20 =	vpsel p1, v6, v20;
	v21 =	vor.u32 v21, v62  }
0x1ce: {  	v19 =	vpsel p1, v5, v19;
	v32 =	vbroadcast v16, $0x1;
	v33 =	vor.u32 v20, v63  }
0x1cf: {  	v27 =	vor.u32 @!p3 $0x6800, v15;
	v28 =	vor.u32 @!p3 $0x6000, v15;
	v26 =	vor.u32 v19, v63;
	v24 =	vld.idx.msk [tilespmem:v24+s15+$0x0], $0xffff  }
0x1d0: {  	v18 =	vpsel p2, v28, v18;
	v34 =	vbroadcast v12, $0x2;
	v20 =	vor.u32 v20, v32;
	v22 =	vld.idx.msk [tilespmem:v22+s15+$0x0], $0xffff  }
0x1d1: {  	v17 =	vpsel p2, v27, v17;
	v18 =	vpsel p1, v4, v18;
	v19 =	vor.u32 v19, v32;
	v11 =	vld.idx.msk [tilespmem:v11+s16+$0x0], $0xffff  }
0x1d2: {  	v17 =	vpsel p1, v3, v17;
	v35 =	vbroadcast v16, $0x2;
	v36 =	vor.u32 v18, v34;
	v21 =	vld.idx.msk [tilespmem:v21+s16+$0x0], $0xffff  }
0x1d3: {  	v29 =	vor.u32 @!p3 $0x7800, v15;
	v15 =	vor.u32 @!p3 $0x7000, v15;
	v28 =	vor.u32 v17, v34;
	v25 =	vld.idx.msk [tilespmem:v33+s15+$0x0], $0xffff  }
0x1d4: {  	v14 =	vpsel p2, v15, v14;
	v12 =	vbroadcast v12, $0x3;
	v18 =	vor.u32 v18, v35;
	v37 =	vld.idx.msk [tilespmem:v26+s15+$0x0], $0xffff  }
0x1d5: {  	v13 =	vpsel p2, v29, v13;
	v14 =	vpsel p1, v2, v14;
	v17 =	vor.u32 v17, v35;
	v20 =	vld.idx.msk [tilespmem:v20+s16+$0x0], $0xffff  }
0x1d6: {  	v13 =	vpsel p1, v1, v13;
	v16 =	vbroadcast v16, $0x3;
	v38 =	vor.u32 v14, v12;
	v19 =	vld.idx.msk [tilespmem:v19+s16+$0x0], $0xffff  }
0x1d7: {  	v12 =	vor.u32 v13, v12;
	v39 =	vld.idx.msk [tilespmem:v36+s15+$0x0], $0xffff  }
0x1d8: {  	v14 =	vor.u32 v14, v16;
	v40 =	vld.idx.msk [tilespmem:v28+s15+$0x0], $0xffff  }
0x1d9: {  	v13 =	vor.u32 v13, v16;
	v18 =	vld.idx.msk [tilespmem:v18+s16+$0x0], $0xffff  }
0x1da: {  	v41 =	vld.idx.msk [tilespmem:v17+s16+$0x0], $0xffff  }
0x1db: {  	v23 =	vld.idx.msk [tilespmem:v38+s15+$0x0], $0xffff;
	v42 =	vmul.f32 v11, v24;
	v43 =	vmul.f32 v21, v22  }
0x1dc: {  	v12 =	vld.idx.msk [tilespmem:v12+s15+$0x0], $0xffff  }
0x1dd: {  	v14 =	vld.idx.msk [tilespmem:v14+s16+$0x0], $0xffff;
	v17 =	vadd.f32 v43, v42  }
0x1de: {  	v13 =	vld.idx.msk [tilespmem:v13+s16+$0x0], $0xffff;
	v44 =	vmul.f32 v20, v25;
	v45 =	vmul.f32 v19, v37  }
0x1df: {  	(xrf2) =	vadd.scan.msk.f32 $0xffff, v17  }
0x1e0: {  	v47 =	vmul.f32 v18, v39;
	v48 =	vmul.f32 v41, v40;
	v46 =	vadd.f32 v45, v44;
	_ =	sdelay $0x1  }
0x1e1: {  	v49 =	vadd.f32 v48, v47;
	(xrf2) =	vadd.scan.msk.f32 $0xffff, v46  }
0x1e2: {  	v50 =	vmul.f32 v14, v23;
	v51 =	vmul.f32 v13, v12  }
0x1e3: {  	(xrf2) =	vadd.scan.msk.f32 $0xffff, v49  }
0x1e4: {  	v52 =	vadd.f32 v51, v50  }
0x1e5: {  	v53 =	vld [tilespmem:s21+$0x0]  }
0x1e6: {  	(xrf2) =	vadd.scan.msk.f32 $0xffff, v52;
	_ =	sdelay $0x1  }
0x1e7: {  	v54, _, _ =	vpop (xrf2)  }
0x1e8: {  	(v2sf) =	vpush v54, $0xF  }
0x1e9: {  	(v2sf) =	vpush v53, $0x0  }
0x1ea: {  	v55, _, _ =	vpop (xrf2)  }
0x1eb: {  	(v2sf) =	vpush v55, $0xF  }
0x1ec: {  	v56, _, _ =	vpop (xrf2);
	(v2sf) =	vpush v53, $0x1  }
0x1ed: {  	(v2sf) =	vpush v56, $0xF  }
0x1ee: {  	(v2sf) =	vpush v53, $0x2  }
0x1ef: {  	v57, _, _ =	vpop (xrf2)  }
0x1f0: {  	(v2sf) =	vpush v57, $0xF  }
0x1f1: {  	(v2sf) =	vpush v53, $0x3;
	_ =	sdelay $0x3  }
0x1f2: {  	v58 =	vmul.f32 v24, v24  }
0x1f3: {  	v11 =	vmul.f32 v11, v11  }
0x1f4: {  	v59 =	vmul.f32 v22, v22;
	v10 =	vadd.f32 v58, v10;
	s29 =	spop (v2sf)  }
0x1f5: {  	v9 =	vadd.f32 v11, v9;
	v11 =	vmul.f32 v21, v21;
	s28 =	spop (v2sf)  }
0x1f6: {  	v60 =	vmul.f32 v25, v25;
	v10 =	vadd.f32 v59, v10;
	s26 =	ssub.f32 s28, s29  }
0x1f7: {  	v9 =	vadd.f32 v11, v9;
	v11 =	vmul.f32 v20, v20;
	s30 =	spop (v2sf)  }
0x1f8: {  	v15 =	vmul.f32 v37, v37;
	v10 =	vadd.f32 v60, v10;
	s29 =	spop (v2sf);
	s26 =	smul.f32 s26, s26  }
0x1f9: {  	v9 =	vadd.f32 v11, v9;
	v11 =	vmul.f32 v19, v19;
	s28 =	ssub.f32 s29, s30;
	s29 =	spop (v2sf)  }
0x1fa: {  	v61 =	vmul.f32 v39, v39;
	v10 =	vadd.f32 v15, v10;
	s30 =	spop (v2sf)  }
0x1fb: {  	v9 =	vadd.f32 v11, v9;
	v11 =	vmul.f32 v18, v18;
	s25 =	sadd.f32 s26, s25;
	s28 =	smul.f32 s28, s28  }
0x1fc: {  	v62 =	vmul.f32 v40, v40;
	v10 =	vadd.f32 v61, v10;
	s26 =	ssub.f32 s30, s29;
	s29 =	spop (v2sf)  }
0x1fd: {  	s24 =	sadd.s32 $0x1, s24;
	v9 =	vadd.f32 v11, v9;
	v11 =	vmul.f32 v41, v41;
	s30 =	spop (v2sf)  }
0x1fe: {  	p1 =	sne.s32 s24, $0x80;
	v63 =	vmul.f32 v23, v23;
	v10 =	vadd.f32 v62, v10;
	s25 =	sadd.f32 s28, s25;
	s26 =	smul.f32 s26, s26  }
.Ltmp3:
0x1ff: {  	v9 =	vadd.f32 v11, v9;
	v11 =	vmul.f32 v14, v14;
	s28 =	ssub.f32 s30, s29;
	(pc) =	sbr.rel @!p1 .LBB2_9-.Ltmp3, $4  }
0x200: {  	v12 =	vmul.f32 v12, v12;
	v10 =	vadd.f32 v63, v10  }
0x201: {  	v9 =	vadd.f32 v11, v9;
	v11 =	vmul.f32 v13, v13;
	s25 =	sadd.f32 s26, s25;
	s30 =	smul.f32 s28, s28  }
0x202: {  	s21 =	sadd.s32 $0x4, s21;
	v10 =	vadd.f32 v12, v10  }
0x203: {  	s22 =	sadd.s32 $0x4, s22;
	s23 =	sadd.s32 $0x4, s23;
	v9 =	vadd.f32 v11, v9;
	s25 =	sadd.f32 s30, s25  }
.LBB2_2:
0x204: {  	s26 =	sadd.s32 $0x2, s24  }
0x205: {  	s28 =	smul.u32 $0xAB, s26;
	_ =	sdelay $0x1  }
0x206: {  	s28 =	sshrl.u32 s28, $0x9  }
0x207: {  	s28 =	sand.u32 $0x7F, s28  }
0x208: {  	s28 =	smul.u32 $0x3, s28;
	_ =	sdelay $0x1  }
0x209: {  	p1 =	sgt.u32 s24, $0x7D;
	s26 =	ssub.s32 s26, s28  }
0x20a: {  	s26 =	sand.u32 @!p1 $0xFF, s26  }
0x20b: {  	p2 =	sne.s32 @!p1 s26, $0x0  }
0x20c: {  	p2 =	por p1, p2  }
.Ltmp4:
0x20d: {  	_ = 	snop;
	(pc) =	sbr.rel @!p2 .LBB2_3-.Ltmp4, $1  }
0x20e: {  	_ =	sdelay $0x3  }
0x20f: {  	p2 =	sne.s32 @!p1 s26, $0x1  }
0x210: {  	p2 =	por p1, p2  }
.Ltmp5:
0x211: {  	_ = 	snop;
	(pc) =	sbr.rel @p2 .LBB2_6-.Ltmp5, $1  }
0x212: {  	_ =	sdelay $0x3  }
0x213: {  	v11 =	vld [tilespmem:s23+$0x0];
	_ =	sdelay $0x3  }
0x214: {  	v12 =	vld [tilespmem:s22+$0x0]  }
0x215: {  	v11 =	vshrl.u32 v11, $0x7  }
0x216: {  	v11 =	vshll.u32 v11, $0xA  }
0x217: {  	(v2sf) =	vpush v11, $0x0;
	_ =	sdelay $0x1  }
0x218: {  	v12 =	vshrl.u32 v12, $0x7  }
0x219: {  	v12 =	vshll.u32 v12, $0xA  }
0x21a: {  	(v2sf) =	vpush v12, $0x0;
	_ =	sdelay $0xa  }
0x21b: {  	s26 =	spop (v2sf)  }
0x21c: {  	s28 =	sshrl.u32 s26, $0x3  }
0x21d: {  	s29 =	simm.s32 $0x4780;
	s28 =	sadd.s32 s1, s28  }
0x21e: {  	[tilespmem:s29], [sflag:$0x2] =	stream.linear.gather [hbm4b:s28+s5], $0x400, $0x38;
	[tilespmem:$0x19810] =	vst v63  }
0x21f: {  	s28 =	spop (v2sf)  }
0x220: {  	s30 =	sshrl.u32 s28, $0x3  }
0x221: {  	s29 =	sadd.s32 s2, s30;
	s30 =	simm.s32 $0x10780  }
0x222: {  	[tilespmem:s30], [sflag:$0x2] =	stream.linear.gather [hbm4b:s29+s5], $0x400, $0x38;
	[tilespmem:$0x19810] =	vst v63  }
0x223: {  	s30 =	sadd.s32 $0x7A1400, s26  }
0x224: {  	s29 =	sshrl.u32 s30, $0x3  }
0x225: {  	s30 =	simm.s32 $0x4B80;
	s29 =	sadd.s32 s1, s29  }
0x226: {  	[tilespmem:s30], [sflag:$0x2] =	stream.linear.gather [hbm4b:s29+s5], $0x400, $0x38;
	[tilespmem:$0x19810] =	vst v63  }
0x227: {  	s30 =	sadd.s32 $0x7A1400, s28  }
0x228: {  	s29 =	sshrl.u32 s30, $0x3  }
0x229: {  	(v2sf) =	vpush v11, $0x1;
	s30 =	simm.s32 $0x10B80;
	s29 =	sadd.s32 s2, s29  }
0x22a: {  	[tilespmem:s30], [sflag:$0x2] =	stream.linear.gather [hbm4b:s29+s5], $0x400, $0x38;
	[tilespmem:$0x19810] =	vst v63  }
0x22b: {  	s30 =	sadd.s32 $0xF42800, s26  }
0x22c: {  	s29 =	sshrl.u32 s30, $0x3  }
0x22d: {  	(v2sf) =	vpush v12, $0x1;
	s30 =	simm.s32 $0x4F80;
	s29 =	sadd.s32 s1, s29  }
0x22e: {  	[tilespmem:s30], [sflag:$0x2] =	stream.linear.gather [hbm4b:s29+s5], $0x400, $0x38;
	[tilespmem:$0x19810] =	vst v63  }
0x22f: {  	s30 =	sadd.s32 $0xF42800, s28  }
0x230: {  	s26 =	sadd.s32 $0x16E3C00, s26;
	s29 =	sshrl.u32 s30, $0x3  }
0x231: {  	s26 =	sshrl.u32 s26, $0x3;
	s30 =	simm.s32 $0x10F80;
	s29 =	sadd.s32 s2, s29  }
0x232: {  	[tilespmem:s30], [sflag:$0x2] =	stream.linear.gather [hbm4b:s29+s5], $0x400, $0x38;
	[tilespmem:$0x19810] =	vst v63  }
0x233: {  	s26 =	sadd.s32 s1, s26;
	s30 =	simm.s32 $0x5380;
	s29 =	sadd.s32 $0x16E3C00, s28  }
0x234: {  	[tilespmem:s30], [sflag:$0x2] =	stream.linear.gather [hbm4b:s26+s5], $0x400, $0x38;
	[tilespmem:$0x19810] =	vst v63  }
0x235: {  	s26 =	sshrl.u32 s29, $0x3  }
0x236: {  	s30 =	simm.s32 $0x11380;
	s26 =	sadd.s32 s2, s26  }
0x237: {  	[tilespmem:s30], [sflag:$0x2] =	stream.linear.gather [hbm4b:s26+s5], $0x400, $0x38;
	[tilespmem:$0x19810] =	vst v63  }
0x238: {  	s26 =	spop (v2sf)  }
0x239: {  	s29 =	sshrl.u32 s26, $0x3  }
0x23a: {  	s30 =	simm.s32 $0x5780;
	s28 =	sadd.s32 s1, s29  }
0x23b: {  	[tilespmem:s30], [sflag:$0x2] =	stream.linear.gather [hbm4b:s28+s5], $0x400, $0x38;
	[tilespmem:$0x19810] =	vst v63  }
0x23c: {  	s28 =	spop (v2sf)  }
0x23d: {  	s30 =	sshrl.u32 s28, $0x3  }
0x23e: {  	s29 =	sadd.s32 s2, s30;
	s30 =	simm.s32 $0x11780  }
0x23f: {  	[tilespmem:s30], [sflag:$0x2] =	stream.linear.gather [hbm4b:s29+s5], $0x400, $0x38;
	[tilespmem:$0x19810] =	vst v63  }
0x240: {  	s30 =	sadd.s32 $0x7A1400, s26  }
0x241: {  	s29 =	sshrl.u32 s30, $0x3  }
0x242: {  	s30 =	simm.s32 $0x5B80;
	s29 =	sadd.s32 s1, s29  }
0x243: {  	[tilespmem:s30], [sflag:$0x2] =	stream.linear.gather [hbm4b:s29+s5], $0x400, $0x38;
	[tilespmem:$0x19810] =	vst v63  }
0x244: {  	s30 =	sadd.s32 $0x7A1400, s28  }
0x245: {  	s29 =	sshrl.u32 s30, $0x3  }
0x246: {  	(v2sf) =	vpush v11, $0x2;
	s30 =	simm.s32 $0x11B80;
	s29 =	sadd.s32 s2, s29  }
0x247: {  	[tilespmem:s30], [sflag:$0x2] =	stream.linear.gather [hbm4b:s29+s5], $0x400, $0x38;
	[tilespmem:$0x19810] =	vst v63  }
0x248: {  	s30 =	sadd.s32 $0xF42800, s26  }
0x249: {  	s29 =	sshrl.u32 s30, $0x3  }
0x24a: {  	(v2sf) =	vpush v12, $0x2;
	s30 =	simm.s32 $0x5F80;
	s29 =	sadd.s32 s1, s29  }
0x24b: {  	[tilespmem:s30], [sflag:$0x2] =	stream.linear.gather [hbm4b:s29+s5], $0x400, $0x38;
	[tilespmem:$0x19810] =	vst v63  }
0x24c: {  	s30 =	sadd.s32 $0xF42800, s28  }
0x24d: {  	s26 =	sadd.s32 $0x16E3C00, s26;
	s29 =	sshrl.u32 s30, $0x3  }
0x24e: {  	s26 =	sshrl.u32 s26, $0x3;
	s30 =	simm.s32 $0x11F80;
	s29 =	sadd.s32 s2, s29  }
0x24f: {  	[tilespmem:s30], [sflag:$0x2] =	stream.linear.gather [hbm4b:s29+s5], $0x400, $0x38;
	[tilespmem:$0x19810] =	vst v63  }
0x250: {  	s26 =	sadd.s32 s1, s26;
	s30 =	simm.s32 $0x6380;
	s29 =	sadd.s32 $0x16E3C00, s28  }
0x251: {  	[tilespmem:s30], [sflag:$0x2] =	stream.linear.gather [hbm4b:s26+s5], $0x400, $0x38;
	[tilespmem:$0x19810] =	vst v63  }
0x252: {  	s26 =	sshrl.u32 s29, $0x3  }
0x253: {  	s30 =	simm.s32 $0x12380;
	s26 =	sadd.s32 s2, s26  }
0x254: {  	[tilespmem:s30], [sflag:$0x2] =	stream.linear.gather [hbm4b:s26+s5], $0x400, $0x38;
	[tilespmem:$0x19810] =	vst v63  }
0x255: {  	s26 =	spop (v2sf)  }
0x256: {  	s29 =	sshrl.u32 s26, $0x3  }
0x257: {  	s30 =	simm.s32 $0x6780;
	s28 =	sadd.s32 s1, s29  }
0x258: {  	[tilespmem:s30], [sflag:$0x2] =	stream.linear.gather [hbm4b:s28+s5], $0x400, $0x38;
	[tilespmem:$0x19810] =	vst v63  }
0x259: {  	s28 =	spop (v2sf)  }
0x25a: {  	s30 =	sshrl.u32 s28, $0x3  }
0x25b: {  	s29 =	sadd.s32 s2, s30;
	s30 =	simm.s32 $0x12780  }
0x25c: {  	[tilespmem:s30], [sflag:$0x2] =	stream.linear.gather [hbm4b:s29+s5], $0x400, $0x38;
	[tilespmem:$0x19810] =	vst v63  }
0x25d: {  	s30 =	sadd.s32 $0x7A1400, s26  }
0x25e: {  	s29 =	sshrl.u32 s30, $0x3  }
0x25f: {  	s30 =	simm.s32 $0x6B80;
	s29 =	sadd.s32 s1, s29  }
0x260: {  	(v2sf) =	vpush v11, $0x3;
	[tilespmem:s30], [sflag:$0x2] =	stream.linear.gather [hbm4b:s29+s5], $0x400, $0x38;
	[tilespmem:$0x19810] =	vst v63  }
0x261: {  	s30 =	sadd.s32 $0x7A1400, s28  }
0x262: {  	s29 =	sshrl.u32 s30, $0x3  }
0x263: {  	s30 =	simm.s32 $0x12B80;
	s29 =	sadd.s32 s2, s29  }
0x264: {  	[tilespmem:s30], [sflag:$0x2] =	stream.linear.gather [hbm4b:s29+s5], $0x400, $0x38;
	[tilespmem:$0x19810] =	vst v63  }
0x265: {  	(v2sf) =	vpush v12, $0x3;
	s30 =	sadd.s32 $0xF42800, s26  }
0x266: {  	s29 =	sshrl.u32 s30, $0x3  }
0x267: {  	s30 =	simm.s32 $0x6F80;
	s29 =	sadd.s32 s1, s29  }
0x268: {  	[tilespmem:s30], [sflag:$0x2] =	stream.linear.gather [hbm4b:s29+s5], $0x400, $0x38;
	[tilespmem:$0x19810] =	vst v63  }
0x269: {  	s30 =	sadd.s32 $0xF42800, s28  }
0x26a: {  	s26 =	sadd.s32 $0x16E3C00, s26;
	s29 =	sshrl.u32 s30, $0x3  }
0x26b: {  	s26 =	sshrl.u32 s26, $0x3;
	s30 =	simm.s32 $0x12F80;
	s29 =	sadd.s32 s2, s29  }
0x26c: {  	[tilespmem:s30], [sflag:$0x2] =	stream.linear.gather [hbm4b:s29+s5], $0x400, $0x38;
	[tilespmem:$0x19810] =	vst v63  }
0x26d: {  	s26 =	sadd.s32 s1, s26;
	s30 =	simm.s32 $0x7380;
	s29 =	sadd.s32 $0x16E3C00, s28  }
0x26e: {  	[tilespmem:s30], [sflag:$0x2] =	stream.linear.gather [hbm4b:s26+s5], $0x400, $0x38;
	[tilespmem:$0x19810] =	vst v63  }
0x26f: {  	s28 =	spop (v2sf);
	s26 =	sshrl.u32 s29, $0x3  }
0x270: {  	s30 =	simm.s32 $0x13380;
	s29 =	sshrl.u32 s28, $0x3;
	s26 =	sadd.s32 s2, s26  }
0x271: {  	[tilespmem:s30], [sflag:$0x2] =	stream.linear.gather [hbm4b:s26+s5], $0x400, $0x38;
	[tilespmem:$0x19810] =	vst v63  }
0x272: {  	s26 =	sadd.s32 s1, s29;
	s30 =	simm.s32 $0x7780  }
0x273: {  	[tilespmem:s30], [sflag:$0x2] =	stream.linear.gather [hbm4b:s26+s5], $0x400, $0x38;
	[tilespmem:$0x19810] =	vst v63  }
0x274: {  	s26 =	spop (v2sf)  }
0x275: {  	s30 =	sshrl.u32 s26, $0x3  }
0x276: {  	s29 =	sadd.s32 s2, s30;
	s30 =	simm.s32 $0x13780  }
0x277: {  	[tilespmem:s30], [sflag:$0x2] =	stream.linear.gather [hbm4b:s29+s5], $0x400, $0x38;
	[tilespmem:$0x19810] =	vst v63  }
0x278: {  	s30 =	sadd.s32 $0x7A1400, s28  }
0x279: {  	s29 =	sshrl.u32 s30, $0x3  }
0x27a: {  	s30 =	simm.s32 $0x7B80;
	s29 =	sadd.s32 s1, s29  }
0x27b: {  	[tilespmem:s30], [sflag:$0x2] =	stream.linear.gather [hbm4b:s29+s5], $0x400, $0x38;
	[tilespmem:$0x19810] =	vst v63  }
0x27c: {  	s30 =	sadd.s32 $0x7A1400, s26  }
0x27d: {  	s29 =	sshrl.u32 s30, $0x3  }
0x27e: {  	s30 =	simm.s32 $0x13B80;
	s29 =	sadd.s32 s2, s29  }
0x27f: {  	[tilespmem:s30], [sflag:$0x2] =	stream.linear.gather [hbm4b:s29+s5], $0x400, $0x38;
	[tilespmem:$0x19810] =	vst v63  }
0x280: {  	s30 =	sadd.s32 $0xF42800, s28  }
0x281: {  	s29 =	sshrl.u32 s30, $0x3  }
0x282: {  	s30 =	simm.s32 $0x7F80;
	s29 =	sadd.s32 s1, s29  }
0x283: {  	[tilespmem:s30], [sflag:$0x2] =	stream.linear.gather [hbm4b:s29+s5], $0x400, $0x38;
	[tilespmem:$0x19810] =	vst v63  }
0x284: {  	s30 =	sadd.s32 $0xF42800, s26  }
0x285: {  	s29 =	sshrl.u32 s30, $0x3  }
0x286: {  	s28 =	sadd.s32 $0x16E3C00, s28;
	s30 =	simm.s32 $0x13F80;
	s29 =	sadd.s32 s2, s29  }
0x287: {  	[tilespmem:s30], [sflag:$0x2] =	stream.linear.gather [hbm4b:s29+s5], $0x400, $0x38;
	[tilespmem:$0x19810] =	vst v63  }
.Ltmp6:
0x288: {  	s28 =	sshrl.u32 s28, $0x3;
	s26 =	sadd.s32 $0x16E3C00, s26;
	(pc) =	sbr.rel .LBB2_8-.Ltmp6, $4  }
0x289: {  	s28 =	sadd.s32 s1, s28;
	s26 =	sshrl.u32 s26, $0x3;
	s30 =	simm.s32 $0x8380  }
0x28a: {  	[tilespmem:s30], [sflag:$0x2] =	stream.linear.gather [hbm4b:s28+s5], $0x400, $0x38;
	[tilespmem:$0x19810] =	vst v63  }
0x28b: {  	s26 =	sadd.s32 s2, s26;
	s30 =	simm.s32 $0x14380  }
0x28c: {  	[tilespmem:s30], [sflag:$0x2] =	stream.linear.gather [hbm4b:s26+s5], $0x400, $0x38;
	[tilespmem:$0x19810] =	vst v63  }
.LBB2_6:
0x28d: {  	p2 =	sne.s32 @!p1 s26, $0x2  }
0x28e: {  	p1 =	por p1, p2  }
.Ltmp7:
0x28f: {  	_ = 	snop;
	(pc) =	sbr.rel @p1 .LBB2_8-.Ltmp7, $1  }
0x290: {  	_ =	sdelay $0x3  }
0x291: {  	v11 =	vld [tilespmem:s23+$0x0];
	_ =	sdelay $0x3  }
0x292: {  	v12 =	vld [tilespmem:s22+$0x0]  }
0x293: {  	v11 =	vshrl.u32 v11, $0x7  }
0x294: {  	v11 =	vshll.u32 v11, $0xA  }
0x295: {  	(v2sf) =	vpush v11, $0x0;
	_ =	sdelay $0x1  }
0x296: {  	v12 =	vshrl.u32 v12, $0x7  }
0x297: {  	v12 =	vshll.u32 v12, $0xA  }
0x298: {  	(v2sf) =	vpush v12, $0x0;
	_ =	sdelay $0xa  }
0x299: {  	s26 =	spop (v2sf)  }
0x29a: {  	s28 =	sshrl.u32 s26, $0x3  }
0x29b: {  	s29 =	simm.s32 $0x8780;
	s28 =	sadd.s32 s1, s28  }
0x29c: {  	[tilespmem:s29], [sflag:$0x3] =	stream.linear.gather [hbm4b:s28+s5], $0x400, $0x38;
	[tilespmem:$0x19810] =	vst v63  }
0x29d: {  	s28 =	spop (v2sf)  }
0x29e: {  	s30 =	sshrl.u32 s28, $0x3  }
0x29f: {  	s29 =	sadd.s32 s2, s30;
	s30 =	simm.s32 $0x14780  }
0x2a0: {  	[tilespmem:s30], [sflag:$0x3] =	stream.linear.gather [hbm4b:s29+s5], $0x400, $0x38;
	[tilespmem:$0x19810] =	vst v63  }
0x2a1: {  	s30 =	sadd.s32 $0x7A1400, s26  }
0x2a2: {  	s29 =	sshrl.u32 s30, $0x3  }
0x2a3: {  	s30 =	simm.s32 $0x8B80;
	s29 =	sadd.s32 s1, s29  }
0x2a4: {  	[tilespmem:s30], [sflag:$0x3] =	stream.linear.gather [hbm4b:s29+s5], $0x400, $0x38;
	[tilespmem:$0x19810] =	vst v63  }
0x2a5: {  	s30 =	sadd.s32 $0x7A1400, s28  }
0x2a6: {  	s29 =	sshrl.u32 s30, $0x3  }
0x2a7: {  	(v2sf) =	vpush v11, $0x1;
	s30 =	simm.s32 $0x14B80;
	s29 =	sadd.s32 s2, s29  }
0x2a8: {  	[tilespmem:s30], [sflag:$0x3] =	stream.linear.gather [hbm4b:s29+s5], $0x400, $0x38;
	[tilespmem:$0x19810] =	vst v63  }
0x2a9: {  	s30 =	sadd.s32 $0xF42800, s26  }
0x2aa: {  	s29 =	sshrl.u32 s30, $0x3  }
0x2ab: {  	(v2sf) =	vpush v12, $0x1;
	s30 =	simm.s32 $0x8F80;
	s29 =	sadd.s32 s1, s29  }
0x2ac: {  	[tilespmem:s30], [sflag:$0x3] =	stream.linear.gather [hbm4b:s29+s5], $0x400, $0x38;
	[tilespmem:$0x19810] =	vst v63  }
0x2ad: {  	s30 =	sadd.s32 $0xF42800, s28  }
0x2ae: {  	s26 =	sadd.s32 $0x16E3C00, s26;
	s29 =	sshrl.u32 s30, $0x3  }
0x2af: {  	s26 =	sshrl.u32 s26, $0x3;
	s30 =	simm.s32 $0x14F80;
	s29 =	sadd.s32 s2, s29  }
0x2b0: {  	[tilespmem:s30], [sflag:$0x3] =	stream.linear.gather [hbm4b:s29+s5], $0x400, $0x38;
	[tilespmem:$0x19810] =	vst v63  }
0x2b1: {  	s26 =	sadd.s32 s1, s26;
	s30 =	simm.s32 $0x9380;
	s29 =	sadd.s32 $0x16E3C00, s28  }
0x2b2: {  	[tilespmem:s30], [sflag:$0x3] =	stream.linear.gather [hbm4b:s26+s5], $0x400, $0x38;
	[tilespmem:$0x19810] =	vst v63  }
0x2b3: {  	s26 =	sshrl.u32 s29, $0x3  }
0x2b4: {  	s30 =	simm.s32 $0x15380;
	s26 =	sadd.s32 s2, s26  }
0x2b5: {  	[tilespmem:s30], [sflag:$0x3] =	stream.linear.gather [hbm4b:s26+s5], $0x400, $0x38;
	[tilespmem:$0x19810] =	vst v63  }
0x2b6: {  	s26 =	spop (v2sf)  }
0x2b7: {  	s29 =	sshrl.u32 s26, $0x3  }
0x2b8: {  	s30 =	simm.s32 $0x9780;
	s28 =	sadd.s32 s1, s29  }
0x2b9: {  	[tilespmem:s30], [sflag:$0x3] =	stream.linear.gather [hbm4b:s28+s5], $0x400, $0x38;
	[tilespmem:$0x19810] =	vst v63  }
0x2ba: {  	s28 =	spop (v2sf)  }
0x2bb: {  	s30 =	sshrl.u32 s28, $0x3  }
0x2bc: {  	s29 =	sadd.s32 s2, s30;
	s30 =	simm.s32 $0x15780  }
0x2bd: {  	[tilespmem:s30], [sflag:$0x3] =	stream.linear.gather [hbm4b:s29+s5], $0x400, $0x38;
	[tilespmem:$0x19810] =	vst v63  }
0x2be: {  	s30 =	sadd.s32 $0x7A1400, s26  }
0x2bf: {  	s29 =	sshrl.u32 s30, $0x3  }
0x2c0: {  	s30 =	simm.s32 $0x9B80;
	s29 =	sadd.s32 s1, s29  }
0x2c1: {  	[tilespmem:s30], [sflag:$0x3] =	stream.linear.gather [hbm4b:s29+s5], $0x400, $0x38;
	[tilespmem:$0x19810] =	vst v63  }
0x2c2: {  	s30 =	sadd.s32 $0x7A1400, s28  }
0x2c3: {  	s29 =	sshrl.u32 s30, $0x3  }
0x2c4: {  	(v2sf) =	vpush v11, $0x2;
	s30 =	simm.s32 $0x15B80;
	s29 =	sadd.s32 s2, s29  }
0x2c5: {  	[tilespmem:s30], [sflag:$0x3] =	stream.linear.gather [hbm4b:s29+s5], $0x400, $0x38;
	[tilespmem:$0x19810] =	vst v63  }
0x2c6: {  	s30 =	sadd.s32 $0xF42800, s26  }
0x2c7: {  	s29 =	sshrl.u32 s30, $0x3  }
0x2c8: {  	(v2sf) =	vpush v12, $0x2;
	s30 =	simm.s32 $0x9F80;
	s29 =	sadd.s32 s1, s29  }
0x2c9: {  	[tilespmem:s30], [sflag:$0x3] =	stream.linear.gather [hbm4b:s29+s5], $0x400, $0x38;
	[tilespmem:$0x19810] =	vst v63  }
0x2ca: {  	s30 =	sadd.s32 $0xF42800, s28  }
0x2cb: {  	s26 =	sadd.s32 $0x16E3C00, s26;
	s29 =	sshrl.u32 s30, $0x3  }
0x2cc: {  	s26 =	sshrl.u32 s26, $0x3;
	s30 =	simm.s32 $0x15F80;
	s29 =	sadd.s32 s2, s29  }
0x2cd: {  	[tilespmem:s30], [sflag:$0x3] =	stream.linear.gather [hbm4b:s29+s5], $0x400, $0x38;
	[tilespmem:$0x19810] =	vst v63  }
0x2ce: {  	s26 =	sadd.s32 s1, s26;
	s30 =	simm.s32 $0xA380;
	s29 =	sadd.s32 $0x16E3C00, s28  }
0x2cf: {  	[tilespmem:s30], [sflag:$0x3] =	stream.linear.gather [hbm4b:s26+s5], $0x400, $0x38;
	[tilespmem:$0x19810] =	vst v63  }
0x2d0: {  	s26 =	sshrl.u32 s29, $0x3  }
0x2d1: {  	s30 =	simm.s32 $0x16380;
	s26 =	sadd.s32 s2, s26  }
0x2d2: {  	[tilespmem:s30], [sflag:$0x3] =	stream.linear.gather [hbm4b:s26+s5], $0x400, $0x38;
	[tilespmem:$0x19810] =	vst v63  }
0x2d3: {  	s26 =	spop (v2sf)  }
0x2d4: {  	s29 =	sshrl.u32 s26, $0x3  }
0x2d5: {  	s30 =	simm.s32 $0xA780;
	s28 =	sadd.s32 s1, s29  }
0x2d6: {  	[tilespmem:s30], [sflag:$0x3] =	stream.linear.gather [hbm4b:s28+s5], $0x400, $0x38;
	[tilespmem:$0x19810] =	vst v63  }
0x2d7: {  	s28 =	spop (v2sf)  }
0x2d8: {  	s30 =	sshrl.u32 s28, $0x3  }
0x2d9: {  	s29 =	sadd.s32 s2, s30;
	s30 =	simm.s32 $0x16780  }
0x2da: {  	[tilespmem:s30], [sflag:$0x3] =	stream.linear.gather [hbm4b:s29+s5], $0x400, $0x38;
	[tilespmem:$0x19810] =	vst v63  }
0x2db: {  	s30 =	sadd.s32 $0x7A1400, s26  }
0x2dc: {  	s29 =	sshrl.u32 s30, $0x3  }
0x2dd: {  	s30 =	simm.s32 $0xAB80;
	s29 =	sadd.s32 s1, s29  }
0x2de: {  	(v2sf) =	vpush v11, $0x3;
	[tilespmem:s30], [sflag:$0x3] =	stream.linear.gather [hbm4b:s29+s5], $0x400, $0x38;
	[tilespmem:$0x19810] =	vst v63  }
0x2df: {  	s30 =	sadd.s32 $0x7A1400, s28  }
0x2e0: {  	s29 =	sshrl.u32 s30, $0x3  }
0x2e1: {  	s30 =	simm.s32 $0x16B80;
	s29 =	sadd.s32 s2, s29  }
0x2e2: {  	[tilespmem:s30], [sflag:$0x3] =	stream.linear.gather [hbm4b:s29+s5], $0x400, $0x38;
	[tilespmem:$0x19810] =	vst v63  }
0x2e3: {  	(v2sf) =	vpush v12, $0x3;
	s30 =	sadd.s32 $0xF42800, s26  }
0x2e4: {  	s29 =	sshrl.u32 s30, $0x3  }
0x2e5: {  	s30 =	simm.s32 $0xAF80;
	s29 =	sadd.s32 s1, s29  }
0x2e6: {  	[tilespmem:s30], [sflag:$0x3] =	stream.linear.gather [hbm4b:s29+s5], $0x400, $0x38;
	[tilespmem:$0x19810] =	vst v63  }
0x2e7: {  	s30 =	sadd.s32 $0xF42800, s28  }
0x2e8: {  	s26 =	sadd.s32 $0x16E3C00, s26;
	s29 =	sshrl.u32 s30, $0x3  }
0x2e9: {  	s26 =	sshrl.u32 s26, $0x3;
	s30 =	simm.s32 $0x16F80;
	s29 =	sadd.s32 s2, s29  }
0x2ea: {  	[tilespmem:s30], [sflag:$0x3] =	stream.linear.gather [hbm4b:s29+s5], $0x400, $0x38;
	[tilespmem:$0x19810] =	vst v63  }
0x2eb: {  	s26 =	sadd.s32 s1, s26;
	s30 =	simm.s32 $0xB380;
	s29 =	sadd.s32 $0x16E3C00, s28  }
0x2ec: {  	[tilespmem:s30], [sflag:$0x3] =	stream.linear.gather [hbm4b:s26+s5], $0x400, $0x38;
	[tilespmem:$0x19810] =	vst v63  }
0x2ed: {  	s28 =	spop (v2sf);
	s26 =	sshrl.u32 s29, $0x3  }
0x2ee: {  	s30 =	simm.s32 $0x17380;
	s29 =	sshrl.u32 s28, $0x3;
	s26 =	sadd.s32 s2, s26  }
0x2ef: {  	[tilespmem:s30], [sflag:$0x3] =	stream.linear.gather [hbm4b:s26+s5], $0x400, $0x38;
	[tilespmem:$0x19810] =	vst v63  }
0x2f0: {  	s26 =	sadd.s32 s1, s29;
	s30 =	simm.s32 $0xB780  }
0x2f1: {  	[tilespmem:s30], [sflag:$0x3] =	stream.linear.gather [hbm4b:s26+s5], $0x400, $0x38;
	[tilespmem:$0x19810] =	vst v63  }
0x2f2: {  	s26 =	spop (v2sf)  }
0x2f3: {  	s30 =	sshrl.u32 s26, $0x3  }
0x2f4: {  	s29 =	sadd.s32 s2, s30;
	s30 =	simm.s32 $0x17780  }
0x2f5: {  	[tilespmem:s30], [sflag:$0x3] =	stream.linear.gather [hbm4b:s29+s5], $0x400, $0x38;
	[tilespmem:$0x19810] =	vst v63  }
0x2f6: {  	s30 =	sadd.s32 $0x7A1400, s28  }
0x2f7: {  	s29 =	sshrl.u32 s30, $0x3  }
0x2f8: {  	s30 =	simm.s32 $0xBB80;
	s29 =	sadd.s32 s1, s29  }
0x2f9: {  	[tilespmem:s30], [sflag:$0x3] =	stream.linear.gather [hbm4b:s29+s5], $0x400, $0x38;
	[tilespmem:$0x19810] =	vst v63  }
0x2fa: {  	s30 =	sadd.s32 $0x7A1400, s26  }
0x2fb: {  	s29 =	sshrl.u32 s30, $0x3  }
0x2fc: {  	s30 =	simm.s32 $0x17B80;
	s29 =	sadd.s32 s2, s29  }
0x2fd: {  	[tilespmem:s30], [sflag:$0x3] =	stream.linear.gather [hbm4b:s29+s5], $0x400, $0x38;
	[tilespmem:$0x19810] =	vst v63  }
0x2fe: {  	s30 =	sadd.s32 $0xF42800, s28  }
0x2ff: {  	s29 =	sshrl.u32 s30, $0x3  }
0x300: {  	s30 =	simm.s32 $0xBF80;
	s29 =	sadd.s32 s1, s29  }
0x301: {  	[tilespmem:s30], [sflag:$0x3] =	stream.linear.gather [hbm4b:s29+s5], $0x400, $0x38;
	[tilespmem:$0x19810] =	vst v63  }
0x302: {  	s30 =	sadd.s32 $0xF42800, s26  }
0x303: {  	s29 =	sshrl.u32 s30, $0x3  }
0x304: {  	s28 =	sadd.s32 $0x16E3C00, s28;
	s30 =	simm.s32 $0x17F80;
	s29 =	sadd.s32 s2, s29  }
0x305: {  	[tilespmem:s30], [sflag:$0x3] =	stream.linear.gather [hbm4b:s29+s5], $0x400, $0x38;
	[tilespmem:$0x19810] =	vst v63  }
.Ltmp8:
0x306: {  	s28 =	sshrl.u32 s28, $0x3;
	s26 =	sadd.s32 $0x16E3C00, s26;
	(pc) =	sbr.rel .LBB2_8-.Ltmp8, $4  }
0x307: {  	s28 =	sadd.s32 s1, s28;
	s26 =	sshrl.u32 s26, $0x3;
	s30 =	simm.s32 $0xC380  }
0x308: {  	[tilespmem:s30], [sflag:$0x3] =	stream.linear.gather [hbm4b:s28+s5], $0x400, $0x38;
	[tilespmem:$0x19810] =	vst v63  }
0x309: {  	s26 =	sadd.s32 s2, s26;
	s30 =	simm.s32 $0x18380  }
0x30a: {  	[tilespmem:s30], [sflag:$0x3] =	stream.linear.gather [hbm4b:s26+s5], $0x400, $0x38;
	[tilespmem:$0x19810] =	vst v63  }
.LBB2_10:
0x30b: {  	_ =	sfence.sel $0x180000  }
0x30c: {  	[bflag:$0x0] =	sbarrier.arrive $0xFFFF  }
0x30d: {  	_ =	strace $0x90000047  }
0x30e: {  	s0 =	stileid.u32;
	[bflag:$0x2] =	sbarrier.arrive $0xFFFF  }
0x30f: {  	p0 =	sne.s32 s0, $0x0;
	s0 =	rddreg [dreg:$0x4]  }
0x310: {  	s0 =	sadd.s32 @!p0 $0x100000, s0  }
0x311: {  	[sflag:s0] =	ssyncadd.tile.s32 @!p0 $0x1;
	_ =	shalt  }
.Lfunc_end2:
_tile_overlayer_lowered:
.L_overlay_start_2:
0x312: {  	(tag) =	ssettag $0x2  }
0x313: {  	s0 =	rddreg [dreg:$0x0];
	s2 =	stileid.u32  }
0x314: {  	s1 =	rddreg [dreg:$0x1];
	p0 =	sne.s32 s2, $0x0  }
0x315: {  	s3 =	rddreg [dreg:$0x2];
	[bflag:$0x3] =	sbarrier.arrive $0xFFFF;
	s2 =	simm.s32 @!p0 $0x1C04  }
0x316: {  	[timem:s3], [sflag:s2] =	dma.local @!p0 [hbm:s0], s1  }
0x317: {  	s0 =	simm.s32 @!p0 $0x4  }
0x318: {  	_ =	swait.ge @!p0 [sflag:s0], s1  }
0x319: {  	s1 =	ssub.s32 @!p0 $0x0, s1;
	[sflag:s0] =	ssyncset.done @!p0 $0x0  }
0x31a: {  	[sflag:s0] =	ssyncadd.s32 @!p0 s1  }
0x31b: {  	[bflag:$0x3] =	sbarrier.arrive $0xFFFF  }
0x31c: {  	_ =	shalt  }

</sc_bundles>
